<compile_context>
chip_gen: v7x
topology: tpu7x:2x2x1
jax: 0.10.2.dev20260603
libtpu: 0.0.44.dev20260713+nightly
codegen_flags: <defaults>
</compile_context>

<pallas_src>
import jax
import jax.numpy as jnp
from jax import lax
from jax.experimental import pallas as pl
from jax.experimental.pallas import tpu as pltpu
from jax.experimental.pallas import tpu_sc as plsc

NC = 2
NS = 16
L = 16
ICH = 128
MAXR = 24
KCONF = 3


def _lane_shift_or(x):
  dn = lax.GatherDimensionNumbers(
      offset_dims=(), collapsed_slice_dims=(0,), start_index_map=(0,))
  iota = lax.iota(jnp.int32, L)
  for sh in (8, 4, 2, 1):
    src = (iota + sh) & (L - 1)
    x = x | lax.gather(x, src[:, None], dn, (1,),
                       mode=lax.GatherScatterMode.PROMISE_IN_BOUNDS)
  return x


def kernel(mem, val, idx, sample_idx):
  M, D = mem.shape
  B = idx.shape[0]
  NW = NC * NS
  SPW = B // NW
  TPW = B // NS
  MROW = M + B
  QS = TPW // ICH
  QJ = SPW // ICH
  CPQ = ICH // L
  assert SPW % ICH == 0 and TPW % ICH == 0 and D % L == 0

  mesh = plsc.VectorSubcoreMesh(
      core_axis_name="c", subcore_axis_name="s",
      num_cores=NC, num_subcores=NS)

  def body(mem_h, val_h, idx_h, sidx_h, out_h, marker_h, flags_h,
           idxl, gidx, scidx, ivals, wbuf, sjv, szidx, mvec, mvec2, zv,
           flv, flw, flbuf, mrows, sem0, sem1):
    cid = lax.axis_index("c")
    sid = lax.axis_index("s")
    wid = cid * NS + sid
    moff = cid * MROW
    dumbase = moff + M + sid * TPW
    iota = lax.iota(jnp.int32, L)

    stage = [pltpu.async_copy(idx_h.at[pl.ds(sid * TPW, TPW)], idxl, sem0),
             pltpu.async_copy(sidx_h.at[pl.ds(wid * SPW, SPW)], sjv, sem0)]
    for c in range(CPQ):
      zv[pl.ds(c * L, L)] = jnp.zeros((L,), jnp.int32)
    for d in stage:
      d.wait()

    for q in range(QJ):
      def _szfill(c, carry, q=q):
        szidx[q, pl.ds(c * L, L)] = sjv[pl.ds(q * ICH + c * L, L)] + moff
        return carry
      lax.fori_loop(0, CPQ, _szfill, 0)
    for q in range(QS):
      def _scfill(c, carry, q=q):
        a = idxl[pl.ds(q * ICH + c * L, L)] + moff
        gidx[q, pl.ds(c * L, L)] = a
        scidx[q, pl.ds(c * L, L)] = a
        ivals[q, pl.ds(c * L, L)] = sid * TPW + q * ICH + c * L + 1 + iota
        return carry
      lax.fori_loop(0, CPQ, _scfill, 0)

    zs = [pltpu.async_copy(zv, marker_h.at[szidx.at[q]], sem1)
          for q in range(QJ)]
    for d in zs:
      d.wait()
    plsc.subcore_barrier()

    flv[pl.ds(0, L)] = jnp.zeros((L,), jnp.int32)

    def round_body(rr, carry):
      conf = flv[pl.ds(0, L)]

      @pl.when(conf[0] < KCONF)
      def _():
        sc = [pltpu.async_copy(ivals.at[q], marker_h.at[scidx.at[q]], sem1)
              for q in range(QS)]
        for d in sc:
          d.wait()
        plsc.subcore_barrier()

        ga = [pltpu.async_copy(marker_h.at[gidx.at[q]], wbuf.at[q], sem0)
              for q in range(QS)]
        for d in ga:
          d.wait()

        flw[pl.ds(0, L)] = jnp.zeros((L,), jnp.int32)
        for q in range(QS):
          def _upd(c, carry, q=q):
            w = wbuf[q, pl.ds(c * L, L)]
            iv = ivals[q, pl.ds(c * L, L)]
            g = gidx[q, pl.ds(c * L, L)]
            dum = dumbase + (q * ICH + c * L + iota)
            act = w < iv
            scidx[q, pl.ds(c * L, L)] = jnp.where(act, g, dum)
            anyv = flw[pl.ds(0, L)]
            flw[pl.ds(0, L)] = anyv | jnp.where(act, 1, 0)
            return carry
          lax.fori_loop(0, CPQ, _upd, 0)

        pltpu.sync_copy(flw, flags_h.at[pl.ds(wid * L, L)])
        plsc.subcore_barrier()
        pltpu.sync_copy(flags_h.at[pl.ds(cid * NS * L, NS * L)], flbuf)

        def _orl(t, acc):
          return acc | flbuf[pl.ds(t * L, L)]
        orv = lax.fori_loop(0, NS, _orl, jnp.zeros((L,), jnp.int32))
        quiet = _lane_shift_or(orv) == 0
        flv[pl.ds(0, L)] = jnp.where(quiet, conf + 1, 0)

      return carry

    lax.fori_loop(0, MAXR, round_body, 0)

    mg = [pltpu.async_copy(marker_h.at[szidx.at[q]],
                           mvec.at[pl.ds(q * ICH, ICH)], sem0)
          for q in range(QJ)]
    for d in mg:
      d.wait()

    def _rowloop(cc, carry):
      sv = sjv[pl.ds(cc * L, L)]
      rows = []
      for h in range(L):
        rows.append(pltpu.async_copy(
            mem_h.at[pl.ds(sv[h], 1)],
            mrows.at[pl.ds(cc * L + h, 1)], sem1))
      for d in rows:
        d.wait()
      return carry
    lax.fori_loop(0, SPW // L, _rowloop, 0)

    flw[pl.ds(0, L)] = jnp.zeros((L,), jnp.int32)

    def _stab(t, carry):
      st = flw[pl.ds(0, L)]

      @pl.when(st[0] == 0)
      def _():
        mg2 = [pltpu.async_copy(marker_h.at[szidx.at[q]],
                                mvec2.at[pl.ds(q * ICH, ICH)], sem0)
               for q in range(QJ)]
        for d in mg2:
          d.wait()

        def _cmp(cc, acc):
          a = mvec[pl.ds(cc * L, L)]
          b = mvec2[pl.ds(cc * L, L)]
          return acc | jnp.where(a != b, 1, 0)
        dv = lax.fori_loop(0, SPW // L, _cmp, jnp.zeros((L,), jnp.int32))
        flw[pl.ds(0, L)] = jnp.where(_lane_shift_or(dv) == 0, 1, 0)

        def _cpy(cc, c):
          mvec[pl.ds(cc * L, L)] = mvec2[pl.ds(cc * L, L)]
          return c
        lax.fori_loop(0, SPW // L, _cpy, 0)
      return carry
    lax.fori_loop(0, 8, _stab, 0)

    def _hitloop(cc, carry):
      mv = mvec[pl.ds(cc * L, L)]
      hit = _lane_shift_or(jnp.where(mv > 0, 1, 0))

      @pl.when(hit[0] != 0)
      def _():
        for h in range(L):
          s = mv[h]

          @pl.when(s > 0)
          def _(s=s, h=h):
            pltpu.async_copy(
                val_h.at[pl.ds(s - 1, 1)],
                mrows.at[pl.ds(cc * L + h, 1)], sem1).wait()
      return carry
    lax.fori_loop(0, SPW // L, _hitloop, 0)

    pltpu.sync_copy(mrows, out_h.at[pl.ds(wid * SPW, SPW)])

  f = pl.kernel(
      body,
      out_type=jax.ShapeDtypeStruct((B, D), jnp.float32),
      mesh=mesh,
      scratch_types=[
          pltpu.HBM((NC * MROW,), jnp.int32),
          pltpu.HBM((NW * L,), jnp.int32),
          pltpu.VMEM((TPW,), jnp.int32),
          pltpu.VMEM((QS, ICH), jnp.int32),
          pltpu.VMEM((QS, ICH), jnp.int32),
          pltpu.VMEM((QS, ICH), jnp.int32),
          pltpu.VMEM((QS, ICH), jnp.int32),
          pltpu.VMEM((SPW,), jnp.int32),
          pltpu.VMEM((QJ, ICH), jnp.int32),
          pltpu.VMEM((SPW,), jnp.int32),
          pltpu.VMEM((SPW,), jnp.int32),
          pltpu.VMEM((ICH,), jnp.int32),
          pltpu.VMEM((L,), jnp.int32),
          pltpu.VMEM((L,), jnp.int32),
          pltpu.VMEM((NS * L,), jnp.int32),
          pltpu.VMEM((SPW, D), jnp.float32),
          pltpu.SemaphoreType.DMA,
          pltpu.SemaphoreType.DMA,
      ],
  )
  return f(mem, val, idx, sample_idx)

# --- scband reference (transcript-rebuilt; emitter-appended) ---
"""Pipeline reference for scband-tree-memory-20048907338285 (READ-ONLY COPY).

The authoritative reference and input builder live on the scoring server;
editing this copy changes nothing except your own understanding.
"""

import jax, jax.numpy as jnp
import numpy as np

M = 1000000
D = 64
B = 16384

def setup_inputs(seed: int = 0) -> dict:
    key = jax.random.key(seed)
    k1, k2, k3, k4 = jax.random.split(key, 4)
    mem = jax.random.normal(k1, (M, D), dtype=jnp.float32)
    val = jax.random.normal(k2, (B, D), dtype=jnp.float32)
    idx = jax.random.randint(k3, (B,), 0, M, dtype=jnp.int64 if jax.config.jax_enable_x64 else jnp.int32).astype(jnp.int32)
    sample_idx = jax.random.randint(k4, (B,), 0, M, dtype=jnp.int64 if jax.config.jax_enable_x64 else jnp.int32).astype(jnp.int32)
    return {"mem": mem, "val": val, "idx": idx, "sample_idx": sample_idx}

def reference(mem, val, idx, sample_idx):
    # TreeMemory.store_multiple: scatter-overwrite rows of the memory buffer
    # (single-leaf tree; circular-buffer pointer arithmetic reduces to a row
    # scatter at the given slot indices).
    new_mem = mem.at[idx].set(val)
    # TreeMemory.sample_batch: gather a random batch of stored rows.
    batch = jnp.take(new_mem, sample_idx, axis=0)
    return batch

if __name__ == "__main__":
    import jax
    _d = setup_inputs()
    print(jax.jit(kernel)(*tuple(_d.values())))

</pallas_src>

<mosaic_0001>
#map = affine_map<(d0, d1) -> (0, 0)>
#map1 = affine_map<(d0, d1) -> (0)>
module attributes {stable_mosaic.version = 14 : i64} {
  func.func @body(%arg0: i32, %arg1: i32, %arg2: memref<1000000x64xf32, #tpu.memory_space<hbm>>, %arg3: memref<16384x64xf32, #tpu.memory_space<hbm>>, %arg4: memref<16384xi32, #tpu.memory_space<hbm>>, %arg5: memref<16384xi32, #tpu.memory_space<hbm>>, %arg6: memref<16384x64xf32, #tpu.memory_space<hbm>>, %arg7: memref<2032768xi32, #tpu.memory_space<hbm>>, %arg8: memref<512xi32, #tpu.memory_space<hbm>>, %arg9: memref<1024xi32, #tpu.memory_space<vmem>>, %arg10: memref<8x128xi32, #tpu.memory_space<vmem>>, %arg11: memref<8x128xi32, #tpu.memory_space<vmem>>, %arg12: memref<8x128xi32, #tpu.memory_space<vmem>>, %arg13: memref<8x128xi32, #tpu.memory_space<vmem>>, %arg14: memref<512xi32, #tpu.memory_space<vmem>>, %arg15: memref<4x128xi32, #tpu.memory_space<vmem>>, %arg16: memref<512xi32, #tpu.memory_space<vmem>>, %arg17: memref<512xi32, #tpu.memory_space<vmem>>, %arg18: memref<128xi32, #tpu.memory_space<vmem>>, %arg19: memref<16xi32, #tpu.memory_space<vmem>>, %arg20: memref<16xi32, #tpu.memory_space<vmem>>, %arg21: memref<256xi32, #tpu.memory_space<vmem>>, %arg22: memref<512x64xf32, #tpu.memory_space<vmem>>, %arg23: memref<!tpu.dma_semaphore, #tpu.memory_space<semaphore_mem>>, %arg24: memref<!tpu.dma_semaphore, #tpu.memory_space<semaphore_mem>>) attributes {dimension_semantics = [#tpu.dimension_semantics<core_parallel>, #tpu.dimension_semantics<subcore_parallel>], iteration_bounds = array<i64: 2, 16>, scalar_prefetch = 0 : i64, scratch_operands = 18 : i64, tpu.core_type = #tpu.core_type<sc_vector_subcore>, window_params = [{transform_indices = #map}, {transform_indices = #map}, {transform_indices = #map1}, {transform_indices = #map1}, {transform_indices = #map}]} {
    %mul3A = arith.constant 16 : i32
    %mul3A_0 = arith.muli %arg0, %mul3A : i32
    %add3A = arith.addi %mul3A_0, %arg1 : i32
    %mul3A_1 = arith.constant 1016384 : i32
    %mul3A_2 = arith.muli %arg0, %mul3A_1 : i32
    %add3A_3 = arith.constant 1000000 : i32
    %add3A_4 = arith.addi %mul3A_2, %add3A_3 : i32
    %mul3A_5 = arith.constant 1024 : i32
    %mul3A_6 = arith.muli %arg1, %mul3A_5 : i32
    %add3A_7 = arith.addi %add3A_4, %mul3A_6 : i32
    %iota3A = tpu.iota {dimensions = array<i32: 0>} : vector<16xi32>
    %mul3A_8 = arith.constant 1024 : i32
    %mul3A_9 = arith.muli %arg1, %mul3A_8 : i32
    %dma_start3A = tpu.memref_slice %arg4[%mul3A_9] : memref<16384xi32, #tpu.memory_space<hbm>> -> memref<1024xi32, #tpu.memory_space<hbm>>
    %dma_start3A_10 = tpu.memref_slice %arg4[%mul3A_9] : memref<16384xi32, #tpu.memory_space<hbm>> -> memref<1024xi32, #tpu.memory_space<hbm>>
    tpu.enqueue_dma source(%dma_start3A_10 : memref<1024xi32, #tpu.memory_space<hbm>>) target(%arg9 : memref<1024xi32, #tpu.memory_space<vmem>>) target_semaphore(%arg23 : memref<!tpu.dma_semaphore, #tpu.memory_space<semaphore_mem>>)
    %mul3A_11 = arith.constant 512 : i32
    %mul3A_12 = arith.muli %add3A, %mul3A_11 : i32
    %dma_start3A_13 = tpu.memref_slice %arg5[%mul3A_12] : memref<16384xi32, #tpu.memory_space<hbm>> -> memref<512xi32, #tpu.memory_space<hbm>>
    %dma_start3A_14 = tpu.memref_slice %arg5[%mul3A_12] : memref<16384xi32, #tpu.memory_space<hbm>> -> memref<512xi32, #tpu.memory_space<hbm>>
    tpu.enqueue_dma source(%dma_start3A_14 : memref<512xi32, #tpu.memory_space<hbm>>) target(%arg14 : memref<512xi32, #tpu.memory_space<vmem>>) target_semaphore(%arg23 : memref<!tpu.dma_semaphore, #tpu.memory_space<semaphore_mem>>)
    %broadcast_in_dim3A = arith.constant 0 : i32
    %broadcast_in_dim3A_15 = vector.broadcast %broadcast_in_dim3A : i32 to vector<16xi32>
    %swap3A = arith.constant 0 : index
    %swap3A_16 = tpu.vector_load %arg18[%swap3A] {strides = array<i32>} : memref<128xi32, #tpu.memory_space<vmem>>, vector<16xi32>,
    %swap3A_17 = vector.shape_cast %swap3A_16 : vector<16xi32> to vector<16xi32>
    %swap3A_18 = vector.shape_cast %broadcast_in_dim3A_15 : vector<16xi32> to vector<16xi32>
    tpu.vector_store %arg18[%swap3A], %swap3A_18 {strides = array<i32>} : memref<128xi32, #tpu.memory_space<vmem>>, vector<16xi32>,
    %broadcast_in_dim3A_19 = arith.constant 0 : i32
    %broadcast_in_dim3A_20 = vector.broadcast %broadcast_in_dim3A_19 : i32 to vector<16xi32>
    %swap3A_21 = arith.constant 16 : index
    %swap3A_22 = tpu.vector_load %arg18[%swap3A_21] {strides = array<i32>} : memref<128xi32, #tpu.memory_space<vmem>>, vector<16xi32>,
    %swap3A_23 = vector.shape_cast %swap3A_22 : vector<16xi32> to vector<16xi32>
    %swap3A_24 = vector.shape_cast %broadcast_in_dim3A_20 : vector<16xi32> to vector<16xi32>
    tpu.vector_store %arg18[%swap3A_21], %swap3A_24 {strides = array<i32>} : memref<128xi32, #tpu.memory_space<vmem>>, vector<16xi32>,
    %broadcast_in_dim3A_25 = arith.constant 0 : i32
    %broadcast_in_dim3A_26 = vector.broadcast %broadcast_in_dim3A_25 : i32 to vector<16xi32>
    %swap3A_27 = arith.constant 32 : index
    %swap3A_28 = tpu.vector_load %arg18[%swap3A_27] {strides = array<i32>} : memref<128xi32, #tpu.memory_space<vmem>>, vector<16xi32>,
    %swap3A_29 = vector.shape_cast %swap3A_28 : vector<16xi32> to vector<16xi32>
    %swap3A_30 = vector.shape_cast %broadcast_in_dim3A_26 : vector<16xi32> to vector<16xi32>
    tpu.vector_store %arg18[%swap3A_27], %swap3A_30 {strides = array<i32>} : memref<128xi32, #tpu.memory_space<vmem>>, vector<16xi32>,
    %broadcast_in_dim3A_31 = arith.constant 0 : i32
    %broadcast_in_dim3A_32 = vector.broadcast %broadcast_in_dim3A_31 : i32 to vector<16xi32>
    %swap3A_33 = arith.constant 48 : index
    %swap3A_34 = tpu.vector_load %arg18[%swap3A_33] {strides = array<i32>} : memref<128xi32, #tpu.memory_space<vmem>>, vector<16xi32>,
    %swap3A_35 = vector.shape_cast %swap3A_34 : vector<16xi32> to vector<16xi32>
    %swap3A_36 = vector.shape_cast %broadcast_in_dim3A_32 : vector<16xi32> to vector<16xi32>
    tpu.vector_store %arg18[%swap3A_33], %swap3A_36 {strides = array<i32>} : memref<128xi32, #tpu.memory_space<vmem>>, vector<16xi32>,
    %broadcast_in_dim3A_37 = arith.constant 0 : i32
    %broadcast_in_dim3A_38 = vector.broadcast %broadcast_in_dim3A_37 : i32 to vector<16xi32>
    %swap3A_39 = arith.constant 64 : index
    %swap3A_40 = tpu.vector_load %arg18[%swap3A_39] {strides = array<i32>} : memref<128xi32, #tpu.memory_space<vmem>>, vector<16xi32>,
    %swap3A_41 = vector.shape_cast %swap3A_40 : vector<16xi32> to vector<16xi32>
    %swap3A_42 = vector.shape_cast %broadcast_in_dim3A_38 : vector<16xi32> to vector<16xi32>
    tpu.vector_store %arg18[%swap3A_39], %swap3A_42 {strides = array<i32>} : memref<128xi32, #tpu.memory_space<vmem>>, vector<16xi32>,
    %broadcast_in_dim3A_43 = arith.constant 0 : i32
    %broadcast_in_dim3A_44 = vector.broadcast %broadcast_in_dim3A_43 : i32 to vector<16xi32>
    %swap3A_45 = arith.constant 80 : index
    %swap3A_46 = tpu.vector_load %arg18[%swap3A_45] {strides = array<i32>} : memref<128xi32, #tpu.memory_space<vmem>>, vector<16xi32>,
    %swap3A_47 = vector.shape_cast %swap3A_46 : vector<16xi32> to vector<16xi32>
    %swap3A_48 = vector.shape_cast %broadcast_in_dim3A_44 : vector<16xi32> to vector<16xi32>
    tpu.vector_store %arg18[%swap3A_45], %swap3A_48 {strides = array<i32>} : memref<128xi32, #tpu.memory_space<vmem>>, vector<16xi32>,
    %broadcast_in_dim3A_49 = arith.constant 0 : i32
    %broadcast_in_dim3A_50 = vector.broadcast %broadcast_in_dim3A_49 : i32 to vector<16xi32>
    %swap3A_51 = arith.constant 96 : index
    %swap3A_52 = tpu.vector_load %arg18[%swap3A_51] {strides = array<i32>} : memref<128xi32, #tpu.memory_space<vmem>>, vector<16xi32>,
    %swap3A_53 = vector.shape_cast %swap3A_52 : vector<16xi32> to vector<16xi32>
    %swap3A_54 = vector.shape_cast %broadcast_in_dim3A_50 : vector<16xi32> to vector<16xi32>
    tpu.vector_store %arg18[%swap3A_51], %swap3A_54 {strides = array<i32>} : memref<128xi32, #tpu.memory_space<vmem>>, vector<16xi32>,
    %broadcast_in_dim3A_55 = arith.constant 0 : i32
    %broadcast_in_dim3A_56 = vector.broadcast %broadcast_in_dim3A_55 : i32 to vector<16xi32>
    %swap3A_57 = arith.constant 112 : index
    %swap3A_58 = tpu.vector_load %arg18[%swap3A_57] {strides = array<i32>} : memref<128xi32, #tpu.memory_space<vmem>>, vector<16xi32>,
    %swap3A_59 = vector.shape_cast %swap3A_58 : vector<16xi32> to vector<16xi32>
    %swap3A_60 = vector.shape_cast %broadcast_in_dim3A_56 : vector<16xi32> to vector<16xi32>
    tpu.vector_store %arg18[%swap3A_57], %swap3A_60 {strides = array<i32>} : memref<128xi32, #tpu.memory_space<vmem>>, vector<16xi32>,
    %dma_wait3A = tpu.memref_slice %arg4[%mul3A_9] : memref<16384xi32, #tpu.memory_space<hbm>> -> memref<1024xi32, #tpu.memory_space<hbm>>
    %dma_wait3A_61 = tpu.memref_slice %arg4[%mul3A_9] : memref<16384xi32, #tpu.memory_space<hbm>> -> memref<1024xi32, #tpu.memory_space<hbm>>
    tpu.wait_dma2 semaphore(%arg23 : memref<!tpu.dma_semaphore, #tpu.memory_space<semaphore_mem>>) src(%dma_wait3A_61 : memref<1024xi32, #tpu.memory_space<hbm>>) dst(%arg9 : memref<1024xi32, #tpu.memory_space<vmem>>)
    %dma_wait3A_62 = tpu.memref_slice %arg5[%mul3A_12] : memref<16384xi32, #tpu.memory_space<hbm>> -> memref<512xi32, #tpu.memory_space<hbm>>
    %dma_wait3A_63 = tpu.memref_slice %arg5[%mul3A_12] : memref<16384xi32, #tpu.memory_space<hbm>> -> memref<512xi32, #tpu.memory_space<hbm>>
    tpu.wait_dma2 semaphore(%arg23 : memref<!tpu.dma_semaphore, #tpu.memory_space<semaphore_mem>>) src(%dma_wait3A_63 : memref<512xi32, #tpu.memory_space<hbm>>) dst(%arg14 : memref<512xi32, #tpu.memory_space<vmem>>)
    %scan3A = arith.constant 0 : i32
    %scan3A_64 = arith.constant 0 : i32
    %scan3A_65 = arith.constant 8 : i32
    %scan3A_66 = arith.addi %scan3A_64, %scan3A_65 : i32
    %scan3A_67 = arith.constant 1 : i32
    scf.for %scan3A_285 = %scan3A_64 to %scan3A_66 step %scan3A_67  : i32 {
      %mul3A_286 = arith.constant 16 : i32
      %mul3A_287 = arith.muli %scan3A_285, %mul3A_286 : i32
      %add3A_288 = arith.constant 0 : i32
      %add3A_289 = arith.addi %add3A_288, %mul3A_287 : i32
      %get3A = arith.index_cast %add3A_289 : i32 to index
      %get3A_290 = tpu.vector_load %arg14[%get3A] {strides = array<i32>} : memref<512xi32, #tpu.memory_space<vmem>>, vector<16xi32>,
      %get3A_291 = vector.shape_cast %get3A_290 : vector<16xi32> to vector<16xi32>
      %add3A_292 = vector.broadcast %mul3A_2 : i32 to vector<16xi32>
      %add3A_293 = arith.addi %get3A_291, %add3A_292 : vector<16xi32>
      %mul3A_294 = arith.constant 16 : i32
      %mul3A_295 = arith.muli %scan3A_285, %mul3A_294 : i32
      %swap3A_296 = arith.constant 0 : i32
      %swap3A_297 = arith.index_cast %swap3A_296 : i32 to index
      %swap3A_298 = arith.index_cast %mul3A_295 : i32 to index
      %swap3A_299 = tpu.vector_load %arg15[%swap3A_297, %swap3A_298] {strides = array<i32>} : memref<4x128xi32, #tpu.memory_space<vmem>>, vector<1x16xi32>,
      %swap3A_300 = vector.shape_cast %swap3A_299 : vector<1x16xi32> to vector<16xi32>
      %swap3A_301 = vector.shape_cast %add3A_293 : vector<16xi32> to vector<1x16xi32>
      tpu.vector_store %arg15[%swap3A_297, %swap3A_298], %swap3A_301 {strides = array<i32>} : memref<4x128xi32, #tpu.memory_space<vmem>>, vector<1x16xi32>,
    }
    %scan3A_68 = arith.constant 8 : i32
    %scan3A_69 = arith.constant 0 : i32
    %scan3A_70 = arith.constant 0 : i32
    %scan3A_71 = arith.constant 8 : i32
    %scan3A_72 = arith.addi %scan3A_70, %scan3A_71 : i32
    %scan3A_73 = arith.constant 1 : i32
    scf.for %scan3A_285 = %scan3A_70 to %scan3A_72 step %scan3A_73  : i32 {
      %mul3A_286 = arith.constant 16 : i32
      %mul3A_287 = arith.muli %scan3A_285, %mul3A_286 : i32
      %add3A_288 = arith.constant 128 : i32
      %add3A_289 = arith.addi %add3A_288, %mul3A_287 : i32
      %get3A = arith.index_cast %add3A_289 : i32 to index
      %get3A_290 = tpu.vector_load %arg14[%get3A] {strides = array<i32>} : memref<512xi32, #tpu.memory_space<vmem>>, vector<16xi32>,
      %get3A_291 = vector.shape_cast %get3A_290 : vector<16xi32> to vector<16xi32>
      %add3A_292 = vector.broadcast %mul3A_2 : i32 to vector<16xi32>
      %add3A_293 = arith.addi %get3A_291, %add3A_292 : vector<16xi32>
      %mul3A_294 = arith.constant 16 : i32
      %mul3A_295 = arith.muli %scan3A_285, %mul3A_294 : i32
      %swap3A_296 = arith.constant 1 : i32
      %swap3A_297 = arith.index_cast %swap3A_296 : i32 to index
      %swap3A_298 = arith.index_cast %mul3A_295 : i32 to index
      %swap3A_299 = tpu.vector_load %arg15[%swap3A_297, %swap3A_298] {strides = array<i32>} : memref<4x128xi32, #tpu.memory_space<vmem>>, vector<1x16xi32>,
      %swap3A_300 = vector.shape_cast %swap3A_299 : vector<1x16xi32> to vector<16xi32>
      %swap3A_301 = vector.shape_cast %add3A_293 : vector<16xi32> to vector<1x16xi32>
      tpu.vector_store %arg15[%swap3A_297, %swap3A_298], %swap3A_301 {strides = array<i32>} : memref<4x128xi32, #tpu.memory_space<vmem>>, vector<1x16xi32>,
    }
    %scan3A_74 = arith.constant 8 : i32
    %scan3A_75 = arith.constant 0 : i32
    %scan3A_76 = arith.constant 0 : i32
    %scan3A_77 = arith.constant 8 : i32
    %scan3A_78 = arith.addi %scan3A_76, %scan3A_77 : i32
    %scan3A_79 = arith.constant 1 : i32
    scf.for %scan3A_285 = %scan3A_76 to %scan3A_78 step %scan3A_79  : i32 {
      %mul3A_286 = arith.constant 16 : i32
      %mul3A_287 = arith.muli %scan3A_285, %mul3A_286 : i32
      %add3A_288 = arith.constant 256 : i32
      %add3A_289 = arith.addi %add3A_288, %mul3A_287 : i32
      %get3A = arith.index_cast %add3A_289 : i32 to index
      %get3A_290 = tpu.vector_load %arg14[%get3A] {strides = array<i32>} : memref<512xi32, #tpu.memory_space<vmem>>, vector<16xi32>,
      %get3A_291 = vector.shape_cast %get3A_290 : vector<16xi32> to vector<16xi32>
      %add3A_292 = vector.broadcast %mul3A_2 : i32 to vector<16xi32>
      %add3A_293 = arith.addi %get3A_291, %add3A_292 : vector<16xi32>
      %mul3A_294 = arith.constant 16 : i32
      %mul3A_295 = arith.muli %scan3A_285, %mul3A_294 : i32
      %swap3A_296 = arith.constant 2 : i32
      %swap3A_297 = arith.index_cast %swap3A_296 : i32 to index
      %swap3A_298 = arith.index_cast %mul3A_295 : i32 to index
      %swap3A_299 = tpu.vector_load %arg15[%swap3A_297, %swap3A_298] {strides = array<i32>} : memref<4x128xi32, #tpu.memory_space<vmem>>, vector<1x16xi32>,
      %swap3A_300 = vector.shape_cast %swap3A_299 : vector<1x16xi32> to vector<16xi32>
      %swap3A_301 = vector.shape_cast %add3A_293 : vector<16xi32> to vector<1x16xi32>
      tpu.vector_store %arg15[%swap3A_297, %swap3A_298], %swap3A_301 {strides = array<i32>} : memref<4x128xi32, #tpu.memory_space<vmem>>, vector<1x16xi32>,
    }
    %scan3A_80 = arith.constant 8 : i32
    %scan3A_81 = arith.constant 0 : i32
    %scan3A_82 = arith.constant 0 : i32
    %scan3A_83 = arith.constant 8 : i32
    %scan3A_84 = arith.addi %scan3A_82, %scan3A_83 : i32
    %scan3A_85 = arith.constant 1 : i32
    scf.for %scan3A_285 = %scan3A_82 to %scan3A_84 step %scan3A_85  : i32 {
      %mul3A_286 = arith.constant 16 : i32
      %mul3A_287 = arith.muli %scan3A_285, %mul3A_286 : i32
      %add3A_288 = arith.constant 384 : i32
      %add3A_289 = arith.addi %add3A_288, %mul3A_287 : i32
      %get3A = arith.index_cast %add3A_289 : i32 to index
      %get3A_290 = tpu.vector_load %arg14[%get3A] {strides = array<i32>} : memref<512xi32, #tpu.memory_space<vmem>>, vector<16xi32>,
      %get3A_291 = vector.shape_cast %get3A_290 : vector<16xi32> to vector<16xi32>
      %add3A_292 = vector.broadcast %mul3A_2 : i32 to vector<16xi32>
      %add3A_293 = arith.addi %get3A_291, %add3A_292 : vector<16xi32>
      %mul3A_294 = arith.constant 16 : i32
      %mul3A_295 = arith.muli %scan3A_285, %mul3A_294 : i32
      %swap3A_296 = arith.constant 3 : i32
      %swap3A_297 = arith.index_cast %swap3A_296 : i32 to index
      %swap3A_298 = arith.index_cast %mul3A_295 : i32 to index
      %swap3A_299 = tpu.vector_load %arg15[%swap3A_297, %swap3A_298] {strides = array<i32>} : memref<4x128xi32, #tpu.memory_space<vmem>>, vector<1x16xi32>,
      %swap3A_300 = vector.shape_cast %swap3A_299 : vector<1x16xi32> to vector<16xi32>
      %swap3A_301 = vector.shape_cast %add3A_293 : vector<16xi32> to vector<1x16xi32>
      tpu.vector_store %arg15[%swap3A_297, %swap3A_298], %swap3A_301 {strides = array<i32>} : memref<4x128xi32, #tpu.memory_space<vmem>>, vector<1x16xi32>,
    }
    %scan3A_86 = arith.constant 8 : i32
    %scan3A_87 = arith.constant 0 : i32
    %scan3A_88 = arith.constant 0 : i32
    %scan3A_89 = arith.constant 8 : i32
    %scan3A_90 = arith.addi %scan3A_88, %scan3A_89 : i32
    %scan3A_91 = arith.constant 1 : i32
    scf.for %scan3A_285 = %scan3A_88 to %scan3A_90 step %scan3A_91  : i32 {
      %mul3A_286 = arith.constant 16 : i32
      %mul3A_287 = arith.muli %scan3A_285, %mul3A_286 : i32
      %add3A_288 = arith.constant 0 : i32
      %add3A_289 = arith.addi %add3A_288, %mul3A_287 : i32
      %get3A = arith.index_cast %add3A_289 : i32 to index
      %get3A_290 = tpu.vector_load %arg9[%get3A] {strides = array<i32>} : memref<1024xi32, #tpu.memory_space<vmem>>, vector<16xi32>,
      %get3A_291 = vector.shape_cast %get3A_290 : vector<16xi32> to vector<16xi32>
      %add3A_292 = vector.broadcast %mul3A_2 : i32 to vector<16xi32>
      %add3A_293 = arith.addi %get3A_291, %add3A_292 : vector<16xi32>
      %mul3A_294 = arith.constant 16 : i32
      %mul3A_295 = arith.muli %scan3A_285, %mul3A_294 : i32
      %swap3A_296 = arith.constant 0 : i32
      %swap3A_297 = arith.index_cast %swap3A_296 : i32 to index
      %swap3A_298 = arith.index_cast %mul3A_295 : i32 to index
      %swap3A_299 = tpu.vector_load %arg10[%swap3A_297, %swap3A_298] {strides = array<i32>} : memref<8x128xi32, #tpu.memory_space<vmem>>, vector<1x16xi32>,
      %swap3A_300 = vector.shape_cast %swap3A_299 : vector<1x16xi32> to vector<16xi32>
      %swap3A_301 = vector.shape_cast %add3A_293 : vector<16xi32> to vector<1x16xi32>
      tpu.vector_store %arg10[%swap3A_297, %swap3A_298], %swap3A_301 {strides = array<i32>} : memref<8x128xi32, #tpu.memory_space<vmem>>, vector<1x16xi32>,
      %mul3A_302 = arith.constant 16 : i32
      %mul3A_303 = arith.muli %scan3A_285, %mul3A_302 : i32
      %swap3A_304 = arith.constant 0 : i32
      %swap3A_305 = arith.index_cast %swap3A_304 : i32 to index
      %swap3A_306 = arith.index_cast %mul3A_303 : i32 to index
      %swap3A_307 = tpu.vector_load %arg11[%swap3A_305, %swap3A_306] {strides = array<i32>} : memref<8x128xi32, #tpu.memory_space<vmem>>, vector<1x16xi32>,
      %swap3A_308 = vector.shape_cast %swap3A_307 : vector<1x16xi32> to vector<16xi32>
      %swap3A_309 = vector.shape_cast %add3A_293 : vector<16xi32> to vector<1x16xi32>
      tpu.vector_store %arg11[%swap3A_305, %swap3A_306], %swap3A_309 {strides = array<i32>} : memref<8x128xi32, #tpu.memory_space<vmem>>, vector<1x16xi32>,
      %mul3A_310 = arith.constant 1024 : i32
      %mul3A_311 = arith.muli %arg1, %mul3A_310 : i32
      %add3A_312 = arith.constant 0 : i32
      %add3A_313 = arith.addi %mul3A_311, %add3A_312 : i32
      %mul3A_314 = arith.constant 16 : i32
      %mul3A_315 = arith.muli %scan3A_285, %mul3A_314 : i32
      %add3A_316 = arith.addi %add3A_313, %mul3A_315 : i32
      %add3A_317 = arith.constant 1 : i32
      %add3A_318 = arith.addi %add3A_316, %add3A_317 : i32
      %add3A_319 = vector.broadcast %add3A_318 : i32 to vector<16xi32>
      %add3A_320 = arith.addi %add3A_319, %iota3A : vector<16xi32>
      %mul3A_321 = arith.constant 16 : i32
      %mul3A_322 = arith.muli %scan3A_285, %mul3A_321 : i32
      %swap3A_323 = arith.constant 0 : i32
      %swap3A_324 = arith.index_cast %swap3A_323 : i32 to index
      %swap3A_325 = arith.index_cast %mul3A_322 : i32 to index
      %swap3A_326 = tpu.vector_load %arg12[%swap3A_324, %swap3A_325] {strides = array<i32>} : memref<8x128xi32, #tpu.memory_space<vmem>>, vector<1x16xi32>,
      %swap3A_327 = vector.shape_cast %swap3A_326 : vector<1x16xi32> to vector<16xi32>
      %swap3A_328 = vector.shape_cast %add3A_320 : vector<16xi32> to vector<1x16xi32>
      tpu.vector_store %arg12[%swap3A_324, %swap3A_325], %swap3A_328 {strides = array<i32>} : memref<8x128xi32, #tpu.memory_space<vmem>>, vector<1x16xi32>,
    }
    %scan3A_92 = arith.constant 8 : i32
    %scan3A_93 = arith.constant 0 : i32
    %scan3A_94 = arith.constant 0 : i32
    %scan3A_95 = arith.constant 8 : i32
    %scan3A_96 = arith.addi %scan3A_94, %scan3A_95 : i32
    %scan3A_97 = arith.constant 1 : i32
    scf.for %scan3A_285 = %scan3A_94 to %scan3A_96 step %scan3A_97  : i32 {
      %mul3A_286 = arith.constant 16 : i32
      %mul3A_287 = arith.muli %scan3A_285, %mul3A_286 : i32
      %add3A_288 = arith.constant 128 : i32
      %add3A_289 = arith.addi %add3A_288, %mul3A_287 : i32
      %get3A = arith.index_cast %add3A_289 : i32 to index
      %get3A_290 = tpu.vector_load %arg9[%get3A] {strides = array<i32>} : memref<1024xi32, #tpu.memory_space<vmem>>, vector<16xi32>,
      %get3A_291 = vector.shape_cast %get3A_290 : vector<16xi32> to vector<16xi32>
      %add3A_292 = vector.broadcast %mul3A_2 : i32 to vector<16xi32>
      %add3A_293 = arith.addi %get3A_291, %add3A_292 : vector<16xi32>
      %mul3A_294 = arith.constant 16 : i32
      %mul3A_295 = arith.muli %scan3A_285, %mul3A_294 : i32
      %swap3A_296 = arith.constant 1 : i32
      %swap3A_297 = arith.index_cast %swap3A_296 : i32 to index
      %swap3A_298 = arith.index_cast %mul3A_295 : i32 to index
      %swap3A_299 = tpu.vector_load %arg10[%swap3A_297, %swap3A_298] {strides = array<i32>} : memref<8x128xi32, #tpu.memory_space<vmem>>, vector<1x16xi32>,
      %swap3A_300 = vector.shape_cast %swap3A_299 : vector<1x16xi32> to vector<16xi32>
      %swap3A_301 = vector.shape_cast %add3A_293 : vector<16xi32> to vector<1x16xi32>
      tpu.vector_store %arg10[%swap3A_297, %swap3A_298], %swap3A_301 {strides = array<i32>} : memref<8x128xi32, #tpu.memory_space<vmem>>, vector<1x16xi32>,
      %mul3A_302 = arith.constant 16 : i32
      %mul3A_303 = arith.muli %scan3A_285, %mul3A_302 : i32
      %swap3A_304 = arith.constant 1 : i32
      %swap3A_305 = arith.index_cast %swap3A_304 : i32 to index
      %swap3A_306 = arith.index_cast %mul3A_303 : i32 to index
      %swap3A_307 = tpu.vector_load %arg11[%swap3A_305, %swap3A_306] {strides = array<i32>} : memref<8x128xi32, #tpu.memory_space<vmem>>, vector<1x16xi32>,
      %swap3A_308 = vector.shape_cast %swap3A_307 : vector<1x16xi32> to vector<16xi32>
      %swap3A_309 = vector.shape_cast %add3A_293 : vector<16xi32> to vector<1x16xi32>
      tpu.vector_store %arg11[%swap3A_305, %swap3A_306], %swap3A_309 {strides = array<i32>} : memref<8x128xi32, #tpu.memory_space<vmem>>, vector<1x16xi32>,
      %mul3A_310 = arith.constant 1024 : i32
      %mul3A_311 = arith.muli %arg1, %mul3A_310 : i32
      %add3A_312 = arith.constant 128 : i32
      %add3A_313 = arith.addi %mul3A_311, %add3A_312 : i32
      %mul3A_314 = arith.constant 16 : i32
      %mul3A_315 = arith.muli %scan3A_285, %mul3A_314 : i32
      %add3A_316 = arith.addi %add3A_313, %mul3A_315 : i32
      %add3A_317 = arith.constant 1 : i32
      %add3A_318 = arith.addi %add3A_316, %add3A_317 : i32
      %add3A_319 = vector.broadcast %add3A_318 : i32 to vector<16xi32>
      %add3A_320 = arith.addi %add3A_319, %iota3A : vector<16xi32>
      %mul3A_321 = arith.constant 16 : i32
      %mul3A_322 = arith.muli %scan3A_285, %mul3A_321 : i32
      %swap3A_323 = arith.constant 1 : i32
      %swap3A_324 = arith.index_cast %swap3A_323 : i32 to index
      %swap3A_325 = arith.index_cast %mul3A_322 : i32 to index
      %swap3A_326 = tpu.vector_load %arg12[%swap3A_324, %swap3A_325] {strides = array<i32>} : memref<8x128xi32, #tpu.memory_space<vmem>>, vector<1x16xi32>,
      %swap3A_327 = vector.shape_cast %swap3A_326 : vector<1x16xi32> to vector<16xi32>
      %swap3A_328 = vector.shape_cast %add3A_320 : vector<16xi32> to vector<1x16xi32>
      tpu.vector_store %arg12[%swap3A_324, %swap3A_325], %swap3A_328 {strides = array<i32>} : memref<8x128xi32, #tpu.memory_space<vmem>>, vector<1x16xi32>,
    }
    %scan3A_98 = arith.constant 8 : i32
    %scan3A_99 = arith.constant 0 : i32
    %scan3A_100 = arith.constant 0 : i32
    %scan3A_101 = arith.constant 8 : i32
    %scan3A_102 = arith.addi %scan3A_100, %scan3A_101 : i32
    %scan3A_103 = arith.constant 1 : i32
    scf.for %scan3A_285 = %scan3A_100 to %scan3A_102 step %scan3A_103  : i32 {
      %mul3A_286 = arith.constant 16 : i32
      %mul3A_287 = arith.muli %scan3A_285, %mul3A_286 : i32
      %add3A_288 = arith.constant 256 : i32
      %add3A_289 = arith.addi %add3A_288, %mul3A_287 : i32
      %get3A = arith.index_cast %add3A_289 : i32 to index
      %get3A_290 = tpu.vector_load %arg9[%get3A] {strides = array<i32>} : memref<1024xi32, #tpu.memory_space<vmem>>, vector<16xi32>,
      %get3A_291 = vector.shape_cast %get3A_290 : vector<16xi32> to vector<16xi32>
      %add3A_292 = vector.broadcast %mul3A_2 : i32 to vector<16xi32>
      %add3A_293 = arith.addi %get3A_291, %add3A_292 : vector<16xi32>
      %mul3A_294 = arith.constant 16 : i32
      %mul3A_295 = arith.muli %scan3A_285, %mul3A_294 : i32
      %swap3A_296 = arith.constant 2 : i32
      %swap3A_297 = arith.index_cast %swap3A_296 : i32 to index
      %swap3A_298 = arith.index_cast %mul3A_295 : i32 to index
      %swap3A_299 = tpu.vector_load %arg10[%swap3A_297, %swap3A_298] {strides = array<i32>} : memref<8x128xi32, #tpu.memory_space<vmem>>, vector<1x16xi32>,
      %swap3A_300 = vector.shape_cast %swap3A_299 : vector<1x16xi32> to vector<16xi32>
      %swap3A_301 = vector.shape_cast %add3A_293 : vector<16xi32> to vector<1x16xi32>
      tpu.vector_store %arg10[%swap3A_297, %swap3A_298], %swap3A_301 {strides = array<i32>} : memref<8x128xi32, #tpu.memory_space<vmem>>, vector<1x16xi32>,
      %mul3A_302 = arith.constant 16 : i32
      %mul3A_303 = arith.muli %scan3A_285, %mul3A_302 : i32
      %swap3A_304 = arith.constant 2 : i32
      %swap3A_305 = arith.index_cast %swap3A_304 : i32 to index
      %swap3A_306 = arith.index_cast %mul3A_303 : i32 to index
      %swap3A_307 = tpu.vector_load %arg11[%swap3A_305, %swap3A_306] {strides = array<i32>} : memref<8x128xi32, #tpu.memory_space<vmem>>, vector<1x16xi32>,
      %swap3A_308 = vector.shape_cast %swap3A_307 : vector<1x16xi32> to vector<16xi32>
      %swap3A_309 = vector.shape_cast %add3A_293 : vector<16xi32> to vector<1x16xi32>
      tpu.vector_store %arg11[%swap3A_305, %swap3A_306], %swap3A_309 {strides = array<i32>} : memref<8x128xi32, #tpu.memory_space<vmem>>, vector<1x16xi32>,
      %mul3A_310 = arith.constant 1024 : i32
      %mul3A_311 = arith.muli %arg1, %mul3A_310 : i32
      %add3A_312 = arith.constant 256 : i32
      %add3A_313 = arith.addi %mul3A_311, %add3A_312 : i32
      %mul3A_314 = arith.constant 16 : i32
      %mul3A_315 = arith.muli %scan3A_285, %mul3A_314 : i32
      %add3A_316 = arith.addi %add3A_313, %mul3A_315 : i32
      %add3A_317 = arith.constant 1 : i32
      %add3A_318 = arith.addi %add3A_316, %add3A_317 : i32
      %add3A_319 = vector.broadcast %add3A_318 : i32 to vector<16xi32>
      %add3A_320 = arith.addi %add3A_319, %iota3A : vector<16xi32>
      %mul3A_321 = arith.constant 16 : i32
      %mul3A_322 = arith.muli %scan3A_285, %mul3A_321 : i32
      %swap3A_323 = arith.constant 2 : i32
      %swap3A_324 = arith.index_cast %swap3A_323 : i32 to index
      %swap3A_325 = arith.index_cast %mul3A_322 : i32 to index
      %swap3A_326 = tpu.vector_load %arg12[%swap3A_324, %swap3A_325] {strides = array<i32>} : memref<8x128xi32, #tpu.memory_space<vmem>>, vector<1x16xi32>,
      %swap3A_327 = vector.shape_cast %swap3A_326 : vector<1x16xi32> to vector<16xi32>
      %swap3A_328 = vector.shape_cast %add3A_320 : vector<16xi32> to vector<1x16xi32>
      tpu.vector_store %arg12[%swap3A_324, %swap3A_325], %swap3A_328 {strides = array<i32>} : memref<8x128xi32, #tpu.memory_space<vmem>>, vector<1x16xi32>,
    }
    %scan3A_104 = arith.constant 8 : i32
    %scan3A_105 = arith.constant 0 : i32
    %scan3A_106 = arith.constant 0 : i32
    %scan3A_107 = arith.constant 8 : i32
    %scan3A_108 = arith.addi %scan3A_106, %scan3A_107 : i32
    %scan3A_109 = arith.constant 1 : i32
    scf.for %scan3A_285 = %scan3A_106 to %scan3A_108 step %scan3A_109  : i32 {
      %mul3A_286 = arith.constant 16 : i32
      %mul3A_287 = arith.muli %scan3A_285, %mul3A_286 : i32
      %add3A_288 = arith.constant 384 : i32
      %add3A_289 = arith.addi %add3A_288, %mul3A_287 : i32
      %get3A = arith.index_cast %add3A_289 : i32 to index
      %get3A_290 = tpu.vector_load %arg9[%get3A] {strides = array<i32>} : memref<1024xi32, #tpu.memory_space<vmem>>, vector<16xi32>,
      %get3A_291 = vector.shape_cast %get3A_290 : vector<16xi32> to vector<16xi32>
      %add3A_292 = vector.broadcast %mul3A_2 : i32 to vector<16xi32>
      %add3A_293 = arith.addi %get3A_291, %add3A_292 : vector<16xi32>
      %mul3A_294 = arith.constant 16 : i32
      %mul3A_295 = arith.muli %scan3A_285, %mul3A_294 : i32
      %swap3A_296 = arith.constant 3 : i32
      %swap3A_297 = arith.index_cast %swap3A_296 : i32 to index
      %swap3A_298 = arith.index_cast %mul3A_295 : i32 to index
      %swap3A_299 = tpu.vector_load %arg10[%swap3A_297, %swap3A_298] {strides = array<i32>} : memref<8x128xi32, #tpu.memory_space<vmem>>, vector<1x16xi32>,
      %swap3A_300 = vector.shape_cast %swap3A_299 : vector<1x16xi32> to vector<16xi32>
      %swap3A_301 = vector.shape_cast %add3A_293 : vector<16xi32> to vector<1x16xi32>
      tpu.vector_store %arg10[%swap3A_297, %swap3A_298], %swap3A_301 {strides = array<i32>} : memref<8x128xi32, #tpu.memory_space<vmem>>, vector<1x16xi32>,
      %mul3A_302 = arith.constant 16 : i32
      %mul3A_303 = arith.muli %scan3A_285, %mul3A_302 : i32
      %swap3A_304 = arith.constant 3 : i32
      %swap3A_305 = arith.index_cast %swap3A_304 : i32 to index
      %swap3A_306 = arith.index_cast %mul3A_303 : i32 to index
      %swap3A_307 = tpu.vector_load %arg11[%swap3A_305, %swap3A_306] {strides = array<i32>} : memref<8x128xi32, #tpu.memory_space<vmem>>, vector<1x16xi32>,
      %swap3A_308 = vector.shape_cast %swap3A_307 : vector<1x16xi32> to vector<16xi32>
      %swap3A_309 = vector.shape_cast %add3A_293 : vector<16xi32> to vector<1x16xi32>
      tpu.vector_store %arg11[%swap3A_305, %swap3A_306], %swap3A_309 {strides = array<i32>} : memref<8x128xi32, #tpu.memory_space<vmem>>, vector<1x16xi32>,
      %mul3A_310 = arith.constant 1024 : i32
      %mul3A_311 = arith.muli %arg1, %mul3A_310 : i32
      %add3A_312 = arith.constant 384 : i32
      %add3A_313 = arith.addi %mul3A_311, %add3A_312 : i32
      %mul3A_314 = arith.constant 16 : i32
      %mul3A_315 = arith.muli %scan3A_285, %mul3A_314 : i32
      %add3A_316 = arith.addi %add3A_313, %mul3A_315 : i32
      %add3A_317 = arith.constant 1 : i32
      %add3A_318 = arith.addi %add3A_316, %add3A_317 : i32
      %add3A_319 = vector.broadcast %add3A_318 : i32 to vector<16xi32>
      %add3A_320 = arith.addi %add3A_319, %iota3A : vector<16xi32>
      %mul3A_321 = arith.constant 16 : i32
      %mul3A_322 = arith.muli %scan3A_285, %mul3A_321 : i32
      %swap3A_323 = arith.constant 3 : i32
      %swap3A_324 = arith.index_cast %swap3A_323 : i32 to index
      %swap3A_325 = arith.index_cast %mul3A_322 : i32 to index
      %swap3A_326 = tpu.vector_load %arg12[%swap3A_324, %swap3A_325] {strides = array<i32>} : memref<8x128xi32, #tpu.memory_space<vmem>>, vector<1x16xi32>,
      %swap3A_327 = vector.shape_cast %swap3A_326 : vector<1x16xi32> to vector<16xi32>
      %swap3A_328 = vector.shape_cast %add3A_320 : vector<16xi32> to vector<1x16xi32>
      tpu.vector_store %arg12[%swap3A_324, %swap3A_325], %swap3A_328 {strides = array<i32>} : memref<8x128xi32, #tpu.memory_space<vmem>>, vector<1x16xi32>,
    }
    %scan3A_110 = arith.constant 8 : i32
    %scan3A_111 = arith.constant 0 : i32
    %scan3A_112 = arith.constant 0 : i32
    %scan3A_113 = arith.constant 8 : i32
    %scan3A_114 = arith.addi %scan3A_112, %scan3A_113 : i32
    %scan3A_115 = arith.constant 1 : i32
    scf.for %scan3A_285 = %scan3A_112 to %scan3A_114 step %scan3A_115  : i32 {
      %mul3A_286 = arith.constant 16 : i32
      %mul3A_287 = arith.muli %scan3A_285, %mul3A_286 : i32
      %add3A_288 = arith.constant 512 : i32
      %add3A_289 = arith.addi %add3A_288, %mul3A_287 : i32
      %get3A = arith.index_cast %add3A_289 : i32 to index
      %get3A_290 = tpu.vector_load %arg9[%get3A] {strides = array<i32>} : memref<1024xi32, #tpu.memory_space<vmem>>, vector<16xi32>,
      %get3A_291 = vector.shape_cast %get3A_290 : vector<16xi32> to vector<16xi32>
      %add3A_292 = vector.broadcast %mul3A_2 : i32 to vector<16xi32>
      %add3A_293 = arith.addi %get3A_291, %add3A_292 : vector<16xi32>
      %mul3A_294 = arith.constant 16 : i32
      %mul3A_295 = arith.muli %scan3A_285, %mul3A_294 : i32
      %swap3A_296 = arith.constant 4 : i32
      %swap3A_297 = arith.index_cast %swap3A_296 : i32 to index
      %swap3A_298 = arith.index_cast %mul3A_295 : i32 to index
      %swap3A_299 = tpu.vector_load %arg10[%swap3A_297, %swap3A_298] {strides = array<i32>} : memref<8x128xi32, #tpu.memory_space<vmem>>, vector<1x16xi32>,
      %swap3A_300 = vector.shape_cast %swap3A_299 : vector<1x16xi32> to vector<16xi32>
      %swap3A_301 = vector.shape_cast %add3A_293 : vector<16xi32> to vector<1x16xi32>
      tpu.vector_store %arg10[%swap3A_297, %swap3A_298], %swap3A_301 {strides = array<i32>} : memref<8x128xi32, #tpu.memory_space<vmem>>, vector<1x16xi32>,
      %mul3A_302 = arith.constant 16 : i32
      %mul3A_303 = arith.muli %scan3A_285, %mul3A_302 : i32
      %swap3A_304 = arith.constant 4 : i32
      %swap3A_305 = arith.index_cast %swap3A_304 : i32 to index
      %swap3A_306 = arith.index_cast %mul3A_303 : i32 to index
      %swap3A_307 = tpu.vector_load %arg11[%swap3A_305, %swap3A_306] {strides = array<i32>} : memref<8x128xi32, #tpu.memory_space<vmem>>, vector<1x16xi32>,
      %swap3A_308 = vector.shape_cast %swap3A_307 : vector<1x16xi32> to vector<16xi32>
      %swap3A_309 = vector.shape_cast %add3A_293 : vector<16xi32> to vector<1x16xi32>
      tpu.vector_store %arg11[%swap3A_305, %swap3A_306], %swap3A_309 {strides = array<i32>} : memref<8x128xi32, #tpu.memory_space<vmem>>, vector<1x16xi32>,
      %mul3A_310 = arith.constant 1024 : i32
      %mul3A_311 = arith.muli %arg1, %mul3A_310 : i32
      %add3A_312 = arith.constant 512 : i32
      %add3A_313 = arith.addi %mul3A_311, %add3A_312 : i32
      %mul3A_314 = arith.constant 16 : i32
      %mul3A_315 = arith.muli %scan3A_285, %mul3A_314 : i32
      %add3A_316 = arith.addi %add3A_313, %mul3A_315 : i32
      %add3A_317 = arith.constant 1 : i32
      %add3A_318 = arith.addi %add3A_316, %add3A_317 : i32
      %add3A_319 = vector.broadcast %add3A_318 : i32 to vector<16xi32>
      %add3A_320 = arith.addi %add3A_319, %iota3A : vector<16xi32>
      %mul3A_321 = arith.constant 16 : i32
      %mul3A_322 = arith.muli %scan3A_285, %mul3A_321 : i32
      %swap3A_323 = arith.constant 4 : i32
      %swap3A_324 = arith.index_cast %swap3A_323 : i32 to index
      %swap3A_325 = arith.index_cast %mul3A_322 : i32 to index
      %swap3A_326 = tpu.vector_load %arg12[%swap3A_324, %swap3A_325] {strides = array<i32>} : memref<8x128xi32, #tpu.memory_space<vmem>>, vector<1x16xi32>,
      %swap3A_327 = vector.shape_cast %swap3A_326 : vector<1x16xi32> to vector<16xi32>
      %swap3A_328 = vector.shape_cast %add3A_320 : vector<16xi32> to vector<1x16xi32>
      tpu.vector_store %arg12[%swap3A_324, %swap3A_325], %swap3A_328 {strides = array<i32>} : memref<8x128xi32, #tpu.memory_space<vmem>>, vector<1x16xi32>,
    }
    %scan3A_116 = arith.constant 8 : i32
    %scan3A_117 = arith.constant 0 : i32
    %scan3A_118 = arith.constant 0 : i32
    %scan3A_119 = arith.constant 8 : i32
    %scan3A_120 = arith.addi %scan3A_118, %scan3A_119 : i32
    %scan3A_121 = arith.constant 1 : i32
    scf.for %scan3A_285 = %scan3A_118 to %scan3A_120 step %scan3A_121  : i32 {
      %mul3A_286 = arith.constant 16 : i32
      %mul3A_287 = arith.muli %scan3A_285, %mul3A_286 : i32
      %add3A_288 = arith.constant 640 : i32
      %add3A_289 = arith.addi %add3A_288, %mul3A_287 : i32
      %get3A = arith.index_cast %add3A_289 : i32 to index
      %get3A_290 = tpu.vector_load %arg9[%get3A] {strides = array<i32>} : memref<1024xi32, #tpu.memory_space<vmem>>, vector<16xi32>,
      %get3A_291 = vector.shape_cast %get3A_290 : vector<16xi32> to vector<16xi32>
      %add3A_292 = vector.broadcast %mul3A_2 : i32 to vector<16xi32>
      %add3A_293 = arith.addi %get3A_291, %add3A_292 : vector<16xi32>
      %mul3A_294 = arith.constant 16 : i32
      %mul3A_295 = arith.muli %scan3A_285, %mul3A_294 : i32
      %swap3A_296 = arith.constant 5 : i32
      %swap3A_297 = arith.index_cast %swap3A_296 : i32 to index
      %swap3A_298 = arith.index_cast %mul3A_295 : i32 to index
      %swap3A_299 = tpu.vector_load %arg10[%swap3A_297, %swap3A_298] {strides = array<i32>} : memref<8x128xi32, #tpu.memory_space<vmem>>, vector<1x16xi32>,
      %swap3A_300 = vector.shape_cast %swap3A_299 : vector<1x16xi32> to vector<16xi32>
      %swap3A_301 = vector.shape_cast %add3A_293 : vector<16xi32> to vector<1x16xi32>
      tpu.vector_store %arg10[%swap3A_297, %swap3A_298], %swap3A_301 {strides = array<i32>} : memref<8x128xi32, #tpu.memory_space<vmem>>, vector<1x16xi32>,
      %mul3A_302 = arith.constant 16 : i32
      %mul3A_303 = arith.muli %scan3A_285, %mul3A_302 : i32
      %swap3A_304 = arith.constant 5 : i32
      %swap3A_305 = arith.index_cast %swap3A_304 : i32 to index
      %swap3A_306 = arith.index_cast %mul3A_303 : i32 to index
      %swap3A_307 = tpu.vector_load %arg11[%swap3A_305, %swap3A_306] {strides = array<i32>} : memref<8x128xi32, #tpu.memory_space<vmem>>, vector<1x16xi32>,
      %swap3A_308 = vector.shape_cast %swap3A_307 : vector<1x16xi32> to vector<16xi32>
      %swap3A_309 = vector.shape_cast %add3A_293 : vector<16xi32> to vector<1x16xi32>
      tpu.vector_store %arg11[%swap3A_305, %swap3A_306], %swap3A_309 {strides = array<i32>} : memref<8x128xi32, #tpu.memory_space<vmem>>, vector<1x16xi32>,
      %mul3A_310 = arith.constant 1024 : i32
      %mul3A_311 = arith.muli %arg1, %mul3A_310 : i32
      %add3A_312 = arith.constant 640 : i32
      %add3A_313 = arith.addi %mul3A_311, %add3A_312 : i32
      %mul3A_314 = arith.constant 16 : i32
      %mul3A_315 = arith.muli %scan3A_285, %mul3A_314 : i32
      %add3A_316 = arith.addi %add3A_313, %mul3A_315 : i32
      %add3A_317 = arith.constant 1 : i32
      %add3A_318 = arith.addi %add3A_316, %add3A_317 : i32
      %add3A_319 = vector.broadcast %add3A_318 : i32 to vector<16xi32>
      %add3A_320 = arith.addi %add3A_319, %iota3A : vector<16xi32>
      %mul3A_321 = arith.constant 16 : i32
      %mul3A_322 = arith.muli %scan3A_285, %mul3A_321 : i32
      %swap3A_323 = arith.constant 5 : i32
      %swap3A_324 = arith.index_cast %swap3A_323 : i32 to index
      %swap3A_325 = arith.index_cast %mul3A_322 : i32 to index
      %swap3A_326 = tpu.vector_load %arg12[%swap3A_324, %swap3A_325] {strides = array<i32>} : memref<8x128xi32, #tpu.memory_space<vmem>>, vector<1x16xi32>,
      %swap3A_327 = vector.shape_cast %swap3A_326 : vector<1x16xi32> to vector<16xi32>
      %swap3A_328 = vector.shape_cast %add3A_320 : vector<16xi32> to vector<1x16xi32>
      tpu.vector_store %arg12[%swap3A_324, %swap3A_325], %swap3A_328 {strides = array<i32>} : memref<8x128xi32, #tpu.memory_space<vmem>>, vector<1x16xi32>,
    }
    %scan3A_122 = arith.constant 8 : i32
    %scan3A_123 = arith.constant 0 : i32
    %scan3A_124 = arith.constant 0 : i32
    %scan3A_125 = arith.constant 8 : i32
    %scan3A_126 = arith.addi %scan3A_124, %scan3A_125 : i32
    %scan3A_127 = arith.constant 1 : i32
    scf.for %scan3A_285 = %scan3A_124 to %scan3A_126 step %scan3A_127  : i32 {
      %mul3A_286 = arith.constant 16 : i32
      %mul3A_287 = arith.muli %scan3A_285, %mul3A_286 : i32
      %add3A_288 = arith.constant 768 : i32
      %add3A_289 = arith.addi %add3A_288, %mul3A_287 : i32
      %get3A = arith.index_cast %add3A_289 : i32 to index
      %get3A_290 = tpu.vector_load %arg9[%get3A] {strides = array<i32>} : memref<1024xi32, #tpu.memory_space<vmem>>, vector<16xi32>,
      %get3A_291 = vector.shape_cast %get3A_290 : vector<16xi32> to vector<16xi32>
      %add3A_292 = vector.broadcast %mul3A_2 : i32 to vector<16xi32>
      %add3A_293 = arith.addi %get3A_291, %add3A_292 : vector<16xi32>
      %mul3A_294 = arith.constant 16 : i32
      %mul3A_295 = arith.muli %scan3A_285, %mul3A_294 : i32
      %swap3A_296 = arith.constant 6 : i32
      %swap3A_297 = arith.index_cast %swap3A_296 : i32 to index
      %swap3A_298 = arith.index_cast %mul3A_295 : i32 to index
      %swap3A_299 = tpu.vector_load %arg10[%swap3A_297, %swap3A_298] {strides = array<i32>} : memref<8x128xi32, #tpu.memory_space<vmem>>, vector<1x16xi32>,
      %swap3A_300 = vector.shape_cast %swap3A_299 : vector<1x16xi32> to vector<16xi32>
      %swap3A_301 = vector.shape_cast %add3A_293 : vector<16xi32> to vector<1x16xi32>
      tpu.vector_store %arg10[%swap3A_297, %swap3A_298], %swap3A_301 {strides = array<i32>} : memref<8x128xi32, #tpu.memory_space<vmem>>, vector<1x16xi32>,
      %mul3A_302 = arith.constant 16 : i32
      %mul3A_303 = arith.muli %scan3A_285, %mul3A_302 : i32
      %swap3A_304 = arith.constant 6 : i32
      %swap3A_305 = arith.index_cast %swap3A_304 : i32 to index
      %swap3A_306 = arith.index_cast %mul3A_303 : i32 to index
      %swap3A_307 = tpu.vector_load %arg11[%swap3A_305, %swap3A_306] {strides = array<i32>} : memref<8x128xi32, #tpu.memory_space<vmem>>, vector<1x16xi32>,
      %swap3A_308 = vector.shape_cast %swap3A_307 : vector<1x16xi32> to vector<16xi32>
      %swap3A_309 = vector.shape_cast %add3A_293 : vector<16xi32> to vector<1x16xi32>
      tpu.vector_store %arg11[%swap3A_305, %swap3A_306], %swap3A_309 {strides = array<i32>} : memref<8x128xi32, #tpu.memory_space<vmem>>, vector<1x16xi32>,
      %mul3A_310 = arith.constant 1024 : i32
      %mul3A_311 = arith.muli %arg1, %mul3A_310 : i32
      %add3A_312 = arith.constant 768 : i32
      %add3A_313 = arith.addi %mul3A_311, %add3A_312 : i32
      %mul3A_314 = arith.constant 16 : i32
      %mul3A_315 = arith.muli %scan3A_285, %mul3A_314 : i32
      %add3A_316 = arith.addi %add3A_313, %mul3A_315 : i32
      %add3A_317 = arith.constant 1 : i32
      %add3A_318 = arith.addi %add3A_316, %add3A_317 : i32
      %add3A_319 = vector.broadcast %add3A_318 : i32 to vector<16xi32>
      %add3A_320 = arith.addi %add3A_319, %iota3A : vector<16xi32>
      %mul3A_321 = arith.constant 16 : i32
      %mul3A_322 = arith.muli %scan3A_285, %mul3A_321 : i32
      %swap3A_323 = arith.constant 6 : i32
      %swap3A_324 = arith.index_cast %swap3A_323 : i32 to index
      %swap3A_325 = arith.index_cast %mul3A_322 : i32 to index
      %swap3A_326 = tpu.vector_load %arg12[%swap3A_324, %swap3A_325] {strides = array<i32>} : memref<8x128xi32, #tpu.memory_space<vmem>>, vector<1x16xi32>,
      %swap3A_327 = vector.shape_cast %swap3A_326 : vector<1x16xi32> to vector<16xi32>
      %swap3A_328 = vector.shape_cast %add3A_320 : vector<16xi32> to vector<1x16xi32>
      tpu.vector_store %arg12[%swap3A_324, %swap3A_325], %swap3A_328 {strides = array<i32>} : memref<8x128xi32, #tpu.memory_space<vmem>>, vector<1x16xi32>,
    }
    %scan3A_128 = arith.constant 8 : i32
    %scan3A_129 = arith.constant 0 : i32
    %scan3A_130 = arith.constant 0 : i32
    %scan3A_131 = arith.constant 8 : i32
    %scan3A_132 = arith.addi %scan3A_130, %scan3A_131 : i32
    %scan3A_133 = arith.constant 1 : i32
    scf.for %scan3A_285 = %scan3A_130 to %scan3A_132 step %scan3A_133  : i32 {
      %mul3A_286 = arith.constant 16 : i32
      %mul3A_287 = arith.muli %scan3A_285, %mul3A_286 : i32
      %add3A_288 = arith.constant 896 : i32
      %add3A_289 = arith.addi %add3A_288, %mul3A_287 : i32
      %get3A = arith.index_cast %add3A_289 : i32 to index
      %get3A_290 = tpu.vector_load %arg9[%get3A] {strides = array<i32>} : memref<1024xi32, #tpu.memory_space<vmem>>, vector<16xi32>,
      %get3A_291 = vector.shape_cast %get3A_290 : vector<16xi32> to vector<16xi32>
      %add3A_292 = vector.broadcast %mul3A_2 : i32 to vector<16xi32>
      %add3A_293 = arith.addi %get3A_291, %add3A_292 : vector<16xi32>
      %mul3A_294 = arith.constant 16 : i32
      %mul3A_295 = arith.muli %scan3A_285, %mul3A_294 : i32
      %swap3A_296 = arith.constant 7 : i32
      %swap3A_297 = arith.index_cast %swap3A_296 : i32 to index
      %swap3A_298 = arith.index_cast %mul3A_295 : i32 to index
      %swap3A_299 = tpu.vector_load %arg10[%swap3A_297, %swap3A_298] {strides = array<i32>} : memref<8x128xi32, #tpu.memory_space<vmem>>, vector<1x16xi32>,
      %swap3A_300 = vector.shape_cast %swap3A_299 : vector<1x16xi32> to vector<16xi32>
      %swap3A_301 = vector.shape_cast %add3A_293 : vector<16xi32> to vector<1x16xi32>
      tpu.vector_store %arg10[%swap3A_297, %swap3A_298], %swap3A_301 {strides = array<i32>} : memref<8x128xi32, #tpu.memory_space<vmem>>, vector<1x16xi32>,
      %mul3A_302 = arith.constant 16 : i32
      %mul3A_303 = arith.muli %scan3A_285, %mul3A_302 : i32
      %swap3A_304 = arith.constant 7 : i32
      %swap3A_305 = arith.index_cast %swap3A_304 : i32 to index
      %swap3A_306 = arith.index_cast %mul3A_303 : i32 to index
      %swap3A_307 = tpu.vector_load %arg11[%swap3A_305, %swap3A_306] {strides = array<i32>} : memref<8x128xi32, #tpu.memory_space<vmem>>, vector<1x16xi32>,
      %swap3A_308 = vector.shape_cast %swap3A_307 : vector<1x16xi32> to vector<16xi32>
      %swap3A_309 = vector.shape_cast %add3A_293 : vector<16xi32> to vector<1x16xi32>
      tpu.vector_store %arg11[%swap3A_305, %swap3A_306], %swap3A_309 {strides = array<i32>} : memref<8x128xi32, #tpu.memory_space<vmem>>, vector<1x16xi32>,
      %mul3A_310 = arith.constant 1024 : i32
      %mul3A_311 = arith.muli %arg1, %mul3A_310 : i32
      %add3A_312 = arith.constant 896 : i32
      %add3A_313 = arith.addi %mul3A_311, %add3A_312 : i32
      %mul3A_314 = arith.constant 16 : i32
      %mul3A_315 = arith.muli %scan3A_285, %mul3A_314 : i32
      %add3A_316 = arith.addi %add3A_313, %mul3A_315 : i32
      %add3A_317 = arith.constant 1 : i32
      %add3A_318 = arith.addi %add3A_316, %add3A_317 : i32
      %add3A_319 = vector.broadcast %add3A_318 : i32 to vector<16xi32>
      %add3A_320 = arith.addi %add3A_319, %iota3A : vector<16xi32>
      %mul3A_321 = arith.constant 16 : i32
      %mul3A_322 = arith.muli %scan3A_285, %mul3A_321 : i32
      %swap3A_323 = arith.constant 7 : i32
      %swap3A_324 = arith.index_cast %swap3A_323 : i32 to index
      %swap3A_325 = arith.index_cast %mul3A_322 : i32 to index
      %swap3A_326 = tpu.vector_load %arg12[%swap3A_324, %swap3A_325] {strides = array<i32>} : memref<8x128xi32, #tpu.memory_space<vmem>>, vector<1x16xi32>,
      %swap3A_327 = vector.shape_cast %swap3A_326 : vector<1x16xi32> to vector<16xi32>
      %swap3A_328 = vector.shape_cast %add3A_320 : vector<16xi32> to vector<1x16xi32>
      tpu.vector_store %arg12[%swap3A_324, %swap3A_325], %swap3A_328 {strides = array<i32>} : memref<8x128xi32, #tpu.memory_space<vmem>>, vector<1x16xi32>,
    }
    %scan3A_134 = arith.constant 8 : i32
    %dma_start3A_135 = arith.constant 0 : i32
    %dma_start3A_136 = arith.constant 0 : i32
    %dma_start3A_137 = tpu.memref_slice %arg15[%dma_start3A_135, %dma_start3A_136] : memref<4x128xi32, #tpu.memory_space<vmem>> -> memref<1x128xi32, #tpu.memory_space<vmem>>
    %dma_start3A_138 = tpu.memref_squeeze %dma_start3A_137 : memref<1x128xi32, #tpu.memory_space<vmem>> -> memref<128xi32, #tpu.memory_space<vmem>>
    %dma_start3A_139 = arith.constant 0 : i32
    %dma_start3A_140 = tpu.memref_slice %arg7[%dma_start3A_139] : memref<2032768xi32, #tpu.memory_space<hbm>> -> memref<2032768xi32, #tpu.memory_space<hbm>>
    tpu.enqueue_indirect_dma source(%arg18 : memref<128xi32, #tpu.memory_space<vmem>>) target(%dma_start3A_140 : memref<2032768xi32, #tpu.memory_space<hbm>>) offsets(%dma_start3A_138 : memref<128xi32, #tpu.memory_space<vmem>>) semaphore(%arg24 : memref<!tpu.dma_semaphore, #tpu.memory_space<semaphore_mem>>)
    %dma_start3A_141 = arith.constant 1 : i32
    %dma_start3A_142 = arith.constant 0 : i32
    %dma_start3A_143 = tpu.memref_slice %arg15[%dma_start3A_141, %dma_start3A_142] : memref<4x128xi32, #tpu.memory_space<vmem>> -> memref<1x128xi32, #tpu.memory_space<vmem>>
    %dma_start3A_144 = tpu.memref_squeeze %dma_start3A_143 : memref<1x128xi32, #tpu.memory_space<vmem>> -> memref<128xi32, #tpu.memory_space<vmem>>
    %dma_start3A_145 = arith.constant 0 : i32
    %dma_start3A_146 = tpu.memref_slice %arg7[%dma_start3A_145] : memref<2032768xi32, #tpu.memory_space<hbm>> -> memref<2032768xi32, #tpu.memory_space<hbm>>
    tpu.enqueue_indirect_dma source(%arg18 : memref<128xi32, #tpu.memory_space<vmem>>) target(%dma_start3A_146 : memref<2032768xi32, #tpu.memory_space<hbm>>) offsets(%dma_start3A_144 : memref<128xi32, #tpu.memory_space<vmem>>) semaphore(%arg24 : memref<!tpu.dma_semaphore, #tpu.memory_space<semaphore_mem>>)
    %dma_start3A_147 = arith.constant 2 : i32
    %dma_start3A_148 = arith.constant 0 : i32
    %dma_start3A_149 = tpu.memref_slice %arg15[%dma_start3A_147, %dma_start3A_148] : memref<4x128xi32, #tpu.memory_space<vmem>> -> memref<1x128xi32, #tpu.memory_space<vmem>>
    %dma_start3A_150 = tpu.memref_squeeze %dma_start3A_149 : memref<1x128xi32, #tpu.memory_space<vmem>> -> memref<128xi32, #tpu.memory_space<vmem>>
    %dma_start3A_151 = arith.constant 0 : i32
    %dma_start3A_152 = tpu.memref_slice %arg7[%dma_start3A_151] : memref<2032768xi32, #tpu.memory_space<hbm>> -> memref<2032768xi32, #tpu.memory_space<hbm>>
    tpu.enqueue_indirect_dma source(%arg18 : memref<128xi32, #tpu.memory_space<vmem>>) target(%dma_start3A_152 : memref<2032768xi32, #tpu.memory_space<hbm>>) offsets(%dma_start3A_150 : memref<128xi32, #tpu.memory_space<vmem>>) semaphore(%arg24 : memref<!tpu.dma_semaphore, #tpu.memory_space<semaphore_mem>>)
    %dma_start3A_153 = arith.constant 3 : i32
    %dma_start3A_154 = arith.constant 0 : i32
    %dma_start3A_155 = tpu.memref_slice %arg15[%dma_start3A_153, %dma_start3A_154] : memref<4x128xi32, #tpu.memory_space<vmem>> -> memref<1x128xi32, #tpu.memory_space<vmem>>
    %dma_start3A_156 = tpu.memref_squeeze %dma_start3A_155 : memref<1x128xi32, #tpu.memory_space<vmem>> -> memref<128xi32, #tpu.memory_space<vmem>>
    %dma_start3A_157 = arith.constant 0 : i32
    %dma_start3A_158 = tpu.memref_slice %arg7[%dma_start3A_157] : memref<2032768xi32, #tpu.memory_space<hbm>> -> memref<2032768xi32, #tpu.memory_space<hbm>>
    tpu.enqueue_indirect_dma source(%arg18 : memref<128xi32, #tpu.memory_space<vmem>>) target(%dma_start3A_158 : memref<2032768xi32, #tpu.memory_space<hbm>>) offsets(%dma_start3A_156 : memref<128xi32, #tpu.memory_space<vmem>>) semaphore(%arg24 : memref<!tpu.dma_semaphore, #tpu.memory_space<semaphore_mem>>)
    %dma_wait3A_159 = arith.constant 0 : i32
    %dma_wait3A_160 = arith.constant 0 : i32
    %dma_wait3A_161 = tpu.memref_slice %arg15[%dma_wait3A_159, %dma_wait3A_160] : memref<4x128xi32, #tpu.memory_space<vmem>> -> memref<1x128xi32, #tpu.memory_space<vmem>>
    %dma_wait3A_162 = tpu.memref_squeeze %dma_wait3A_161 : memref<1x128xi32, #tpu.memory_space<vmem>> -> memref<128xi32, #tpu.memory_space<vmem>>
    %dma_wait3A_163 = arith.constant 0 : i32
    %dma_wait3A_164 = tpu.memref_slice %arg7[%dma_wait3A_163] : memref<2032768xi32, #tpu.memory_space<hbm>> -> memref<2032768xi32, #tpu.memory_space<hbm>>
    tpu.wait_indirect_dma semaphore(%arg24 : memref<!tpu.dma_semaphore, #tpu.memory_space<semaphore_mem>>) src(%arg18 : memref<128xi32, #tpu.memory_space<vmem>>) dst(%dma_wait3A_164 : memref<2032768xi32, #tpu.memory_space<hbm>>)
    %dma_wait3A_165 = arith.constant 1 : i32
    %dma_wait3A_166 = arith.constant 0 : i32
    %dma_wait3A_167 = tpu.memref_slice %arg15[%dma_wait3A_165, %dma_wait3A_166] : memref<4x128xi32, #tpu.memory_space<vmem>> -> memref<1x128xi32, #tpu.memory_space<vmem>>
    %dma_wait3A_168 = tpu.memref_squeeze %dma_wait3A_167 : memref<1x128xi32, #tpu.memory_space<vmem>> -> memref<128xi32, #tpu.memory_space<vmem>>
    %dma_wait3A_169 = arith.constant 0 : i32
    %dma_wait3A_170 = tpu.memref_slice %arg7[%dma_wait3A_169] : memref<2032768xi32, #tpu.memory_space<hbm>> -> memref<2032768xi32, #tpu.memory_space<hbm>>
    tpu.wait_indirect_dma semaphore(%arg24 : memref<!tpu.dma_semaphore, #tpu.memory_space<semaphore_mem>>) src(%arg18 : memref<128xi32, #tpu.memory_space<vmem>>) dst(%dma_wait3A_170 : memref<2032768xi32, #tpu.memory_space<hbm>>)
    %dma_wait3A_171 = arith.constant 2 : i32
    %dma_wait3A_172 = arith.constant 0 : i32
    %dma_wait3A_173 = tpu.memref_slice %arg15[%dma_wait3A_171, %dma_wait3A_172] : memref<4x128xi32, #tpu.memory_space<vmem>> -> memref<1x128xi32, #tpu.memory_space<vmem>>
    %dma_wait3A_174 = tpu.memref_squeeze %dma_wait3A_173 : memref<1x128xi32, #tpu.memory_space<vmem>> -> memref<128xi32, #tpu.memory_space<vmem>>
    %dma_wait3A_175 = arith.constant 0 : i32
    %dma_wait3A_176 = tpu.memref_slice %arg7[%dma_wait3A_175] : memref<2032768xi32, #tpu.memory_space<hbm>> -> memref<2032768xi32, #tpu.memory_space<hbm>>
    tpu.wait_indirect_dma semaphore(%arg24 : memref<!tpu.dma_semaphore, #tpu.memory_space<semaphore_mem>>) src(%arg18 : memref<128xi32, #tpu.memory_space<vmem>>) dst(%dma_wait3A_176 : memref<2032768xi32, #tpu.memory_space<hbm>>)
    %dma_wait3A_177 = arith.constant 3 : i32
    %dma_wait3A_178 = arith.constant 0 : i32
    %dma_wait3A_179 = tpu.memref_slice %arg15[%dma_wait3A_177, %dma_wait3A_178] : memref<4x128xi32, #tpu.memory_space<vmem>> -> memref<1x128xi32, #tpu.memory_space<vmem>>
    %dma_wait3A_180 = tpu.memref_squeeze %dma_wait3A_179 : memref<1x128xi32, #tpu.memory_space<vmem>> -> memref<128xi32, #tpu.memory_space<vmem>>
    %dma_wait3A_181 = arith.constant 0 : i32
    %dma_wait3A_182 = tpu.memref_slice %arg7[%dma_wait3A_181] : memref<2032768xi32, #tpu.memory_space<hbm>> -> memref<2032768xi32, #tpu.memory_space<hbm>>
    tpu.wait_indirect_dma semaphore(%arg24 : memref<!tpu.dma_semaphore, #tpu.memory_space<semaphore_mem>>) src(%arg18 : memref<128xi32, #tpu.memory_space<vmem>>) dst(%dma_wait3A_182 : memref<2032768xi32, #tpu.memory_space<hbm>>)
    %barrier3A = arith.constant 0 : index
    tpu.barrier barrier_id(%barrier3A)
    %broadcast_in_dim3A_183 = arith.constant 0 : i32
    %broadcast_in_dim3A_184 = vector.broadcast %broadcast_in_dim3A_183 : i32 to vector<16xi32>
    %swap3A_185 = arith.constant 0 : index
    %swap3A_186 = tpu.vector_load %arg19[%swap3A_185] {strides = array<i32>} : memref<16xi32, #tpu.memory_space<vmem>>, vector<16xi32>,
    %swap3A_187 = vector.shape_cast %swap3A_186 : vector<16xi32> to vector<16xi32>
    %swap3A_188 = vector.shape_cast %broadcast_in_dim3A_184 : vector<16xi32> to vector<16xi32>
    tpu.vector_store %arg19[%swap3A_185], %swap3A_188 {strides = array<i32>} : memref<16xi32, #tpu.memory_space<vmem>>, vector<16xi32>,
    %scan3A_189 = arith.constant 0 : i32
    %scan3A_190 = arith.constant 0 : i32
    %scan3A_191 = arith.constant 24 : i32
    %scan3A_192 = arith.addi %scan3A_190, %scan3A_191 : i32
    %scan3A_193 = arith.constant 1 : i32
    scf.for %scan3A_285 = %scan3A_190 to %scan3A_192 step %scan3A_193  : i32 {
      %get3A = arith.constant 0 : index
      %get3A_286 = tpu.vector_load %arg19[%get3A] {strides = array<i32>} : memref<16xi32, #tpu.memory_space<vmem>>, vector<16xi32>,
      %get3A_287 = vector.shape_cast %get3A_286 : vector<16xi32> to vector<16xi32>
      %slice3A = vector.extract_strided_slice %get3A_287 {offsets = [0], sizes = [1], strides = [1]} : vector<16xi32> to vector<1xi32>
      %squeeze3A = vector.extract %slice3A[0] : i32 from vector<1xi32>
      %lt3A = arith.constant 3 : i32
      %lt3A_288 = arith.cmpi slt, %squeeze3A, %lt3A : i32
      %convert_element_type3A = arith.extui %lt3A_288 : i1 to i32
      %cond3A = arith.constant 0 : i32
      %cond3A_289 = arith.cmpi ne, %convert_element_type3A, %cond3A : i32
      scf.if %cond3A_289 {
        %dma_start3A_290 = arith.constant 0 : i32
        %dma_start3A_291 = arith.constant 0 : i32
        %dma_start3A_292 = arith.constant 0 : i32
        %dma_start3A_293 = tpu.memref_slice %arg12[%dma_start3A_290, %dma_start3A_292] : memref<8x128xi32, #tpu.memory_space<vmem>> -> memref<1x128xi32, #tpu.memory_space<vmem>>
        %dma_start3A_294 = tpu.memref_squeeze %dma_start3A_293 : memref<1x128xi32, #tpu.memory_space<vmem>> -> memref<128xi32, #tpu.memory_space<vmem>>
        %dma_start3A_295 = arith.constant 0 : i32
        %dma_start3A_296 = tpu.memref_slice %arg11[%dma_start3A_291, %dma_start3A_295] : memref<8x128xi32, #tpu.memory_space<vmem>> -> memref<1x128xi32, #tpu.memory_space<vmem>>
        %dma_start3A_297 = tpu.memref_squeeze %dma_start3A_296 : memref<1x128xi32, #tpu.memory_space<vmem>> -> memref<128xi32, #tpu.memory_space<vmem>>
        %dma_start3A_298 = arith.constant 0 : i32
        %dma_start3A_299 = tpu.memref_slice %arg7[%dma_start3A_298] : memref<2032768xi32, #tpu.memory_space<hbm>> -> memref<2032768xi32, #tpu.memory_space<hbm>>
        tpu.enqueue_indirect_dma source(%dma_start3A_294 : memref<128xi32, #tpu.memory_space<vmem>>) target(%dma_start3A_299 : memref<2032768xi32, #tpu.memory_space<hbm>>) offsets(%dma_start3A_297 : memref<128xi32, #tpu.memory_space<vmem>>) semaphore(%arg24 : memref<!tpu.dma_semaphore, #tpu.memory_space<semaphore_mem>>)
        %dma_start3A_300 = arith.constant 1 : i32
        %dma_start3A_301 = arith.constant 1 : i32
        %dma_start3A_302 = arith.constant 0 : i32
        %dma_start3A_303 = tpu.memref_slice %arg12[%dma_start3A_300, %dma_start3A_302] : memref<8x128xi32, #tpu.memory_space<vmem>> -> memref<1x128xi32, #tpu.memory_space<vmem>>
        %dma_start3A_304 = tpu.memref_squeeze %dma_start3A_303 : memref<1x128xi32, #tpu.memory_space<vmem>> -> memref<128xi32, #tpu.memory_space<vmem>>
        %dma_start3A_305 = arith.constant 0 : i32
        %dma_start3A_306 = tpu.memref_slice %arg11[%dma_start3A_301, %dma_start3A_305] : memref<8x128xi32, #tpu.memory_space<vmem>> -> memref<1x128xi32, #tpu.memory_space<vmem>>
        %dma_start3A_307 = tpu.memref_squeeze %dma_start3A_306 : memref<1x128xi32, #tpu.memory_space<vmem>> -> memref<128xi32, #tpu.memory_space<vmem>>
        %dma_start3A_308 = arith.constant 0 : i32
        %dma_start3A_309 = tpu.memref_slice %arg7[%dma_start3A_308] : memref<2032768xi32, #tpu.memory_space<hbm>> -> memref<2032768xi32, #tpu.memory_space<hbm>>
        tpu.enqueue_indirect_dma source(%dma_start3A_304 : memref<128xi32, #tpu.memory_space<vmem>>) target(%dma_start3A_309 : memref<2032768xi32, #tpu.memory_space<hbm>>) offsets(%dma_start3A_307 : memref<128xi32, #tpu.memory_space<vmem>>) semaphore(%arg24 : memref<!tpu.dma_semaphore, #tpu.memory_space<semaphore_mem>>)
        %dma_start3A_310 = arith.constant 2 : i32
        %dma_start3A_311 = arith.constant 2 : i32
        %dma_start3A_312 = arith.constant 0 : i32
        %dma_start3A_313 = tpu.memref_slice %arg12[%dma_start3A_310, %dma_start3A_312] : memref<8x128xi32, #tpu.memory_space<vmem>> -> memref<1x128xi32, #tpu.memory_space<vmem>>
        %dma_start3A_314 = tpu.memref_squeeze %dma_start3A_313 : memref<1x128xi32, #tpu.memory_space<vmem>> -> memref<128xi32, #tpu.memory_space<vmem>>
        %dma_start3A_315 = arith.constant 0 : i32
        %dma_start3A_316 = tpu.memref_slice %arg11[%dma_start3A_311, %dma_start3A_315] : memref<8x128xi32, #tpu.memory_space<vmem>> -> memref<1x128xi32, #tpu.memory_space<vmem>>
        %dma_start3A_317 = tpu.memref_squeeze %dma_start3A_316 : memref<1x128xi32, #tpu.memory_space<vmem>> -> memref<128xi32, #tpu.memory_space<vmem>>
        %dma_start3A_318 = arith.constant 0 : i32
        %dma_start3A_319 = tpu.memref_slice %arg7[%dma_start3A_318] : memref<2032768xi32, #tpu.memory_space<hbm>> -> memref<2032768xi32, #tpu.memory_space<hbm>>
        tpu.enqueue_indirect_dma source(%dma_start3A_314 : memref<128xi32, #tpu.memory_space<vmem>>) target(%dma_start3A_319 : memref<2032768xi32, #tpu.memory_space<hbm>>) offsets(%dma_start3A_317 : memref<128xi32, #tpu.memory_space<vmem>>) semaphore(%arg24 : memref<!tpu.dma_semaphore, #tpu.memory_space<semaphore_mem>>)
        %dma_start3A_320 = arith.constant 3 : i32
        %dma_start3A_321 = arith.constant 3 : i32
        %dma_start3A_322 = arith.constant 0 : i32
        %dma_start3A_323 = tpu.memref_slice %arg12[%dma_start3A_320, %dma_start3A_322] : memref<8x128xi32, #tpu.memory_space<vmem>> -> memref<1x128xi32, #tpu.memory_space<vmem>>
        %dma_start3A_324 = tpu.memref_squeeze %dma_start3A_323 : memref<1x128xi32, #tpu.memory_space<vmem>> -> memref<128xi32, #tpu.memory_space<vmem>>
        %dma_start3A_325 = arith.constant 0 : i32
        %dma_start3A_326 = tpu.memref_slice %arg11[%dma_start3A_321, %dma_start3A_325] : memref<8x128xi32, #tpu.memory_space<vmem>> -> memref<1x128xi32, #tpu.memory_space<vmem>>
        %dma_start3A_327 = tpu.memref_squeeze %dma_start3A_326 : memref<1x128xi32, #tpu.memory_space<vmem>> -> memref<128xi32, #tpu.memory_space<vmem>>
        %dma_start3A_328 = arith.constant 0 : i32
        %dma_start3A_329 = tpu.memref_slice %arg7[%dma_start3A_328] : memref<2032768xi32, #tpu.memory_space<hbm>> -> memref<2032768xi32, #tpu.memory_space<hbm>>
        tpu.enqueue_indirect_dma source(%dma_start3A_324 : memref<128xi32, #tpu.memory_space<vmem>>) target(%dma_start3A_329 : memref<2032768xi32, #tpu.memory_space<hbm>>) offsets(%dma_start3A_327 : memref<128xi32, #tpu.memory_space<vmem>>) semaphore(%arg24 : memref<!tpu.dma_semaphore, #tpu.memory_space<semaphore_mem>>)
        %dma_start3A_330 = arith.constant 4 : i32
        %dma_start3A_331 = arith.constant 4 : i32
        %dma_start3A_332 = arith.constant 0 : i32
        %dma_start3A_333 = tpu.memref_slice %arg12[%dma_start3A_330, %dma_start3A_332] : memref<8x128xi32, #tpu.memory_space<vmem>> -> memref<1x128xi32, #tpu.memory_space<vmem>>
        %dma_start3A_334 = tpu.memref_squeeze %dma_start3A_333 : memref<1x128xi32, #tpu.memory_space<vmem>> -> memref<128xi32, #tpu.memory_space<vmem>>
        %dma_start3A_335 = arith.constant 0 : i32
        %dma_start3A_336 = tpu.memref_slice %arg11[%dma_start3A_331, %dma_start3A_335] : memref<8x128xi32, #tpu.memory_space<vmem>> -> memref<1x128xi32, #tpu.memory_space<vmem>>
        %dma_start3A_337 = tpu.memref_squeeze %dma_start3A_336 : memref<1x128xi32, #tpu.memory_space<vmem>> -> memref<128xi32, #tpu.memory_space<vmem>>
        %dma_start3A_338 = arith.constant 0 : i32
        %dma_start3A_339 = tpu.memref_slice %arg7[%dma_start3A_338] : memref<2032768xi32, #tpu.memory_space<hbm>> -> memref<2032768xi32, #tpu.memory_space<hbm>>
        tpu.enqueue_indirect_dma source(%dma_start3A_334 : memref<128xi32, #tpu.memory_space<vmem>>) target(%dma_start3A_339 : memref<2032768xi32, #tpu.memory_space<hbm>>) offsets(%dma_start3A_337 : memref<128xi32, #tpu.memory_space<vmem>>) semaphore(%arg24 : memref<!tpu.dma_semaphore, #tpu.memory_space<semaphore_mem>>)
        %dma_start3A_340 = arith.constant 5 : i32
        %dma_start3A_341 = arith.constant 5 : i32
        %dma_start3A_342 = arith.constant 0 : i32
        %dma_start3A_343 = tpu.memref_slice %arg12[%dma_start3A_340, %dma_start3A_342] : memref<8x128xi32, #tpu.memory_space<vmem>> -> memref<1x128xi32, #tpu.memory_space<vmem>>
        %dma_start3A_344 = tpu.memref_squeeze %dma_start3A_343 : memref<1x128xi32, #tpu.memory_space<vmem>> -> memref<128xi32, #tpu.memory_space<vmem>>
        %dma_start3A_345 = arith.constant 0 : i32
        %dma_start3A_346 = tpu.memref_slice %arg11[%dma_start3A_341, %dma_start3A_345] : memref<8x128xi32, #tpu.memory_space<vmem>> -> memref<1x128xi32, #tpu.memory_space<vmem>>
        %dma_start3A_347 = tpu.memref_squeeze %dma_start3A_346 : memref<1x128xi32, #tpu.memory_space<vmem>> -> memref<128xi32, #tpu.memory_space<vmem>>
        %dma_start3A_348 = arith.constant 0 : i32
        %dma_start3A_349 = tpu.memref_slice %arg7[%dma_start3A_348] : memref<2032768xi32, #tpu.memory_space<hbm>> -> memref<2032768xi32, #tpu.memory_space<hbm>>
        tpu.enqueue_indirect_dma source(%dma_start3A_344 : memref<128xi32, #tpu.memory_space<vmem>>) target(%dma_start3A_349 : memref<2032768xi32, #tpu.memory_space<hbm>>) offsets(%dma_start3A_347 : memref<128xi32, #tpu.memory_space<vmem>>) semaphore(%arg24 : memref<!tpu.dma_semaphore, #tpu.memory_space<semaphore_mem>>)
        %dma_start3A_350 = arith.constant 6 : i32
        %dma_start3A_351 = arith.constant 6 : i32
        %dma_start3A_352 = arith.constant 0 : i32
        %dma_start3A_353 = tpu.memref_slice %arg12[%dma_start3A_350, %dma_start3A_352] : memref<8x128xi32, #tpu.memory_space<vmem>> -> memref<1x128xi32, #tpu.memory_space<vmem>>
        %dma_start3A_354 = tpu.memref_squeeze %dma_start3A_353 : memref<1x128xi32, #tpu.memory_space<vmem>> -> memref<128xi32, #tpu.memory_space<vmem>>
        %dma_start3A_355 = arith.constant 0 : i32
        %dma_start3A_356 = tpu.memref_slice %arg11[%dma_start3A_351, %dma_start3A_355] : memref<8x128xi32, #tpu.memory_space<vmem>> -> memref<1x128xi32, #tpu.memory_space<vmem>>
        %dma_start3A_357 = tpu.memref_squeeze %dma_start3A_356 : memref<1x128xi32, #tpu.memory_space<vmem>> -> memref<128xi32, #tpu.memory_space<vmem>>
        %dma_start3A_358 = arith.constant 0 : i32
        %dma_start3A_359 = tpu.memref_slice %arg7[%dma_start3A_358] : memref<2032768xi32, #tpu.memory_space<hbm>> -> memref<2032768xi32, #tpu.memory_space<hbm>>
        tpu.enqueue_indirect_dma source(%dma_start3A_354 : memref<128xi32, #tpu.memory_space<vmem>>) target(%dma_start3A_359 : memref<2032768xi32, #tpu.memory_space<hbm>>) offsets(%dma_start3A_357 : memref<128xi32, #tpu.memory_space<vmem>>) semaphore(%arg24 : memref<!tpu.dma_semaphore, #tpu.memory_space<semaphore_mem>>)
        %dma_start3A_360 = arith.constant 7 : i32
        %dma_start3A_361 = arith.constant 7 : i32
        %dma_start3A_362 = arith.constant 0 : i32
        %dma_start3A_363 = tpu.memref_slice %arg12[%dma_start3A_360, %dma_start3A_362] : memref<8x128xi32, #tpu.memory_space<vmem>> -> memref<1x128xi32, #tpu.memory_space<vmem>>
        %dma_start3A_364 = tpu.memref_squeeze %dma_start3A_363 : memref<1x128xi32, #tpu.memory_space<vmem>> -> memref<128xi32, #tpu.memory_space<vmem>>
        %dma_start3A_365 = arith.constant 0 : i32
        %dma_start3A_366 = tpu.memref_slice %arg11[%dma_start3A_361, %dma_start3A_365] : memref<8x128xi32, #tpu.memory_space<vmem>> -> memref<1x128xi32, #tpu.memory_space<vmem>>
        %dma_start3A_367 = tpu.memref_squeeze %dma_start3A_366 : memref<1x128xi32, #tpu.memory_space<vmem>> -> memref<128xi32, #tpu.memory_space<vmem>>
        %dma_start3A_368 = arith.constant 0 : i32
        %dma_start3A_369 = tpu.memref_slice %arg7[%dma_start3A_368] : memref<2032768xi32, #tpu.memory_space<hbm>> -> memref<2032768xi32, #tpu.memory_space<hbm>>
        tpu.enqueue_indirect_dma source(%dma_start3A_364 : memref<128xi32, #tpu.memory_space<vmem>>) target(%dma_start3A_369 : memref<2032768xi32, #tpu.memory_space<hbm>>) offsets(%dma_start3A_367 : memref<128xi32, #tpu.memory_space<vmem>>) semaphore(%arg24 : memref<!tpu.dma_semaphore, #tpu.memory_space<semaphore_mem>>)
        %dma_wait3A_370 = arith.constant 0 : i32
        %dma_wait3A_371 = arith.constant 0 : i32
        %dma_wait3A_372 = arith.constant 0 : i32
        %dma_wait3A_373 = tpu.memref_slice %arg12[%dma_wait3A_370, %dma_wait3A_372] : memref<8x128xi32, #tpu.memory_space<vmem>> -> memref<1x128xi32, #tpu.memory_space<vmem>>
        %dma_wait3A_374 = tpu.memref_squeeze %dma_wait3A_373 : memref<1x128xi32, #tpu.memory_space<vmem>> -> memref<128xi32, #tpu.memory_space<vmem>>
        %dma_wait3A_375 = arith.constant 0 : i32
        %dma_wait3A_376 = tpu.memref_slice %arg11[%dma_wait3A_371, %dma_wait3A_375] : memref<8x128xi32, #tpu.memory_space<vmem>> -> memref<1x128xi32, #tpu.memory_space<vmem>>
        %dma_wait3A_377 = tpu.memref_squeeze %dma_wait3A_376 : memref<1x128xi32, #tpu.memory_space<vmem>> -> memref<128xi32, #tpu.memory_space<vmem>>
        %dma_wait3A_378 = arith.constant 0 : i32
        %dma_wait3A_379 = tpu.memref_slice %arg7[%dma_wait3A_378] : memref<2032768xi32, #tpu.memory_space<hbm>> -> memref<2032768xi32, #tpu.memory_space<hbm>>
        tpu.wait_indirect_dma semaphore(%arg24 : memref<!tpu.dma_semaphore, #tpu.memory_space<semaphore_mem>>) src(%dma_wait3A_374 : memref<128xi32, #tpu.memory_space<vmem>>) dst(%dma_wait3A_379 : memref<2032768xi32, #tpu.memory_space<hbm>>)
        %dma_wait3A_380 = arith.constant 1 : i32
        %dma_wait3A_381 = arith.constant 1 : i32
        %dma_wait3A_382 = arith.constant 0 : i32
        %dma_wait3A_383 = tpu.memref_slice %arg12[%dma_wait3A_380, %dma_wait3A_382] : memref<8x128xi32, #tpu.memory_space<vmem>> -> memref<1x128xi32, #tpu.memory_space<vmem>>
        %dma_wait3A_384 = tpu.memref_squeeze %dma_wait3A_383 : memref<1x128xi32, #tpu.memory_space<vmem>> -> memref<128xi32, #tpu.memory_space<vmem>>
        %dma_wait3A_385 = arith.constant 0 : i32
        %dma_wait3A_386 = tpu.memref_slice %arg11[%dma_wait3A_381, %dma_wait3A_385] : memref<8x128xi32, #tpu.memory_space<vmem>> -> memref<1x128xi32, #tpu.memory_space<vmem>>
        %dma_wait3A_387 = tpu.memref_squeeze %dma_wait3A_386 : memref<1x128xi32, #tpu.memory_space<vmem>> -> memref<128xi32, #tpu.memory_space<vmem>>
        %dma_wait3A_388 = arith.constant 0 : i32
        %dma_wait3A_389 = tpu.memref_slice %arg7[%dma_wait3A_388] : memref<2032768xi32, #tpu.memory_space<hbm>> -> memref<2032768xi32, #tpu.memory_space<hbm>>
        tpu.wait_indirect_dma semaphore(%arg24 : memref<!tpu.dma_semaphore, #tpu.memory_space<semaphore_mem>>) src(%dma_wait3A_384 : memref<128xi32, #tpu.memory_space<vmem>>) dst(%dma_wait3A_389 : memref<2032768xi32, #tpu.memory_space<hbm>>)
        %dma_wait3A_390 = arith.constant 2 : i32
        %dma_wait3A_391 = arith.constant 2 : i32
        %dma_wait3A_392 = arith.constant 0 : i32
        %dma_wait3A_393 = tpu.memref_slice %arg12[%dma_wait3A_390, %dma_wait3A_392] : memref<8x128xi32, #tpu.memory_space<vmem>> -> memref<1x128xi32, #tpu.memory_space<vmem>>
        %dma_wait3A_394 = tpu.memref_squeeze %dma_wait3A_393 : memref<1x128xi32, #tpu.memory_space<vmem>> -> memref<128xi32, #tpu.memory_space<vmem>>
        %dma_wait3A_395 = arith.constant 0 : i32
        %dma_wait3A_396 = tpu.memref_slice %arg11[%dma_wait3A_391, %dma_wait3A_395] : memref<8x128xi32, #tpu.memory_space<vmem>> -> memref<1x128xi32, #tpu.memory_space<vmem>>
        %dma_wait3A_397 = tpu.memref_squeeze %dma_wait3A_396 : memref<1x128xi32, #tpu.memory_space<vmem>> -> memref<128xi32, #tpu.memory_space<vmem>>
        %dma_wait3A_398 = arith.constant 0 : i32
        %dma_wait3A_399 = tpu.memref_slice %arg7[%dma_wait3A_398] : memref<2032768xi32, #tpu.memory_space<hbm>> -> memref<2032768xi32, #tpu.memory_space<hbm>>
        tpu.wait_indirect_dma semaphore(%arg24 : memref<!tpu.dma_semaphore, #tpu.memory_space<semaphore_mem>>) src(%dma_wait3A_394 : memref<128xi32, #tpu.memory_space<vmem>>) dst(%dma_wait3A_399 : memref<2032768xi32, #tpu.memory_space<hbm>>)
        %dma_wait3A_400 = arith.constant 3 : i32
        %dma_wait3A_401 = arith.constant 3 : i32
        %dma_wait3A_402 = arith.constant 0 : i32
        %dma_wait3A_403 = tpu.memref_slice %arg12[%dma_wait3A_400, %dma_wait3A_402] : memref<8x128xi32, #tpu.memory_space<vmem>> -> memref<1x128xi32, #tpu.memory_space<vmem>>
        %dma_wait3A_404 = tpu.memref_squeeze %dma_wait3A_403 : memref<1x128xi32, #tpu.memory_space<vmem>> -> memref<128xi32, #tpu.memory_space<vmem>>
        %dma_wait3A_405 = arith.constant 0 : i32
        %dma_wait3A_406 = tpu.memref_slice %arg11[%dma_wait3A_401, %dma_wait3A_405] : memref<8x128xi32, #tpu.memory_space<vmem>> -> memref<1x128xi32, #tpu.memory_space<vmem>>
        %dma_wait3A_407 = tpu.memref_squeeze %dma_wait3A_406 : memref<1x128xi32, #tpu.memory_space<vmem>> -> memref<128xi32, #tpu.memory_space<vmem>>
        %dma_wait3A_408 = arith.constant 0 : i32
        %dma_wait3A_409 = tpu.memref_slice %arg7[%dma_wait3A_408] : memref<2032768xi32, #tpu.memory_space<hbm>> -> memref<2032768xi32, #tpu.memory_space<hbm>>
        tpu.wait_indirect_dma semaphore(%arg24 : memref<!tpu.dma_semaphore, #tpu.memory_space<semaphore_mem>>) src(%dma_wait3A_404 : memref<128xi32, #tpu.memory_space<vmem>>) dst(%dma_wait3A_409 : memref<2032768xi32, #tpu.memory_space<hbm>>)
        %dma_wait3A_410 = arith.constant 4 : i32
        %dma_wait3A_411 = arith.constant 4 : i32
        %dma_wait3A_412 = arith.constant 0 : i32
        %dma_wait3A_413 = tpu.memref_slice %arg12[%dma_wait3A_410, %dma_wait3A_412] : memref<8x128xi32, #tpu.memory_space<vmem>> -> memref<1x128xi32, #tpu.memory_space<vmem>>
        %dma_wait3A_414 = tpu.memref_squeeze %dma_wait3A_413 : memref<1x128xi32, #tpu.memory_space<vmem>> -> memref<128xi32, #tpu.memory_space<vmem>>
        %dma_wait3A_415 = arith.constant 0 : i32
        %dma_wait3A_416 = tpu.memref_slice %arg11[%dma_wait3A_411, %dma_wait3A_415] : memref<8x128xi32, #tpu.memory_space<vmem>> -> memref<1x128xi32, #tpu.memory_space<vmem>>
        %dma_wait3A_417 = tpu.memref_squeeze %dma_wait3A_416 : memref<1x128xi32, #tpu.memory_space<vmem>> -> memref<128xi32, #tpu.memory_space<vmem>>
        %dma_wait3A_418 = arith.constant 0 : i32
        %dma_wait3A_419 = tpu.memref_slice %arg7[%dma_wait3A_418] : memref<2032768xi32, #tpu.memory_space<hbm>> -> memref<2032768xi32, #tpu.memory_space<hbm>>
        tpu.wait_indirect_dma semaphore(%arg24 : memref<!tpu.dma_semaphore, #tpu.memory_space<semaphore_mem>>) src(%dma_wait3A_414 : memref<128xi32, #tpu.memory_space<vmem>>) dst(%dma_wait3A_419 : memref<2032768xi32, #tpu.memory_space<hbm>>)
        %dma_wait3A_420 = arith.constant 5 : i32
        %dma_wait3A_421 = arith.constant 5 : i32
        %dma_wait3A_422 = arith.constant 0 : i32
        %dma_wait3A_423 = tpu.memref_slice %arg12[%dma_wait3A_420, %dma_wait3A_422] : memref<8x128xi32, #tpu.memory_space<vmem>> -> memref<1x128xi32, #tpu.memory_space<vmem>>
        %dma_wait3A_424 = tpu.memref_squeeze %dma_wait3A_423 : memref<1x128xi32, #tpu.memory_space<vmem>> -> memref<128xi32, #tpu.memory_space<vmem>>
        %dma_wait3A_425 = arith.constant 0 : i32
        %dma_wait3A_426 = tpu.memref_slice %arg11[%dma_wait3A_421, %dma_wait3A_425] : memref<8x128xi32, #tpu.memory_space<vmem>> -> memref<1x128xi32, #tpu.memory_space<vmem>>
        %dma_wait3A_427 = tpu.memref_squeeze %dma_wait3A_426 : memref<1x128xi32, #tpu.memory_space<vmem>> -> memref<128xi32, #tpu.memory_space<vmem>>
        %dma_wait3A_428 = arith.constant 0 : i32
        %dma_wait3A_429 = tpu.memref_slice %arg7[%dma_wait3A_428] : memref<2032768xi32, #tpu.memory_space<hbm>> -> memref<2032768xi32, #tpu.memory_space<hbm>>
        tpu.wait_indirect_dma semaphore(%arg24 : memref<!tpu.dma_semaphore, #tpu.memory_space<semaphore_mem>>) src(%dma_wait3A_424 : memref<128xi32, #tpu.memory_space<vmem>>) dst(%dma_wait3A_429 : memref<2032768xi32, #tpu.memory_space<hbm>>)
        %dma_wait3A_430 = arith.constant 6 : i32
        %dma_wait3A_431 = arith.constant 6 : i32
        %dma_wait3A_432 = arith.constant 0 : i32
        %dma_wait3A_433 = tpu.memref_slice %arg12[%dma_wait3A_430, %dma_wait3A_432] : memref<8x128xi32, #tpu.memory_space<vmem>> -> memref<1x128xi32, #tpu.memory_space<vmem>>
        %dma_wait3A_434 = tpu.memref_squeeze %dma_wait3A_433 : memref<1x128xi32, #tpu.memory_space<vmem>> -> memref<128xi32, #tpu.memory_space<vmem>>
        %dma_wait3A_435 = arith.constant 0 : i32
        %dma_wait3A_436 = tpu.memref_slice %arg11[%dma_wait3A_431, %dma_wait3A_435] : memref<8x128xi32, #tpu.memory_space<vmem>> -> memref<1x128xi32, #tpu.memory_space<vmem>>
        %dma_wait3A_437 = tpu.memref_squeeze %dma_wait3A_436 : memref<1x128xi32, #tpu.memory_space<vmem>> -> memref<128xi32, #tpu.memory_space<vmem>>
        %dma_wait3A_438 = arith.constant 0 : i32
        %dma_wait3A_439 = tpu.memref_slice %arg7[%dma_wait3A_438] : memref<2032768xi32, #tpu.memory_space<hbm>> -> memref<2032768xi32, #tpu.memory_space<hbm>>
        tpu.wait_indirect_dma semaphore(%arg24 : memref<!tpu.dma_semaphore, #tpu.memory_space<semaphore_mem>>) src(%dma_wait3A_434 : memref<128xi32, #tpu.memory_space<vmem>>) dst(%dma_wait3A_439 : memref<2032768xi32, #tpu.memory_space<hbm>>)
        %dma_wait3A_440 = arith.constant 7 : i32
        %dma_wait3A_441 = arith.constant 7 : i32
        %dma_wait3A_442 = arith.constant 0 : i32
        %dma_wait3A_443 = tpu.memref_slice %arg12[%dma_wait3A_440, %dma_wait3A_442] : memref<8x128xi32, #tpu.memory_space<vmem>> -> memref<1x128xi32, #tpu.memory_space<vmem>>
        %dma_wait3A_444 = tpu.memref_squeeze %dma_wait3A_443 : memref<1x128xi32, #tpu.memory_space<vmem>> -> memref<128xi32, #tpu.memory_space<vmem>>
        %dma_wait3A_445 = arith.constant 0 : i32
        %dma_wait3A_446 = tpu.memref_slice %arg11[%dma_wait3A_441, %dma_wait3A_445] : memref<8x128xi32, #tpu.memory_space<vmem>> -> memref<1x128xi32, #tpu.memory_space<vmem>>
        %dma_wait3A_447 = tpu.memref_squeeze %dma_wait3A_446 : memref<1x128xi32, #tpu.memory_space<vmem>> -> memref<128xi32, #tpu.memory_space<vmem>>
        %dma_wait3A_448 = arith.constant 0 : i32
        %dma_wait3A_449 = tpu.memref_slice %arg7[%dma_wait3A_448] : memref<2032768xi32, #tpu.memory_space<hbm>> -> memref<2032768xi32, #tpu.memory_space<hbm>>
        tpu.wait_indirect_dma semaphore(%arg24 : memref<!tpu.dma_semaphore, #tpu.memory_space<semaphore_mem>>) src(%dma_wait3A_444 : memref<128xi32, #tpu.memory_space<vmem>>) dst(%dma_wait3A_449 : memref<2032768xi32, #tpu.memory_space<hbm>>)
        %barrier3A_450 = arith.constant 0 : index
        tpu.barrier barrier_id(%barrier3A_450)
        %dma_start3A_451 = arith.constant 0 : i32
        %dma_start3A_452 = arith.constant 0 : i32
        %dma_start3A_453 = arith.constant 0 : i32
        %dma_start3A_454 = tpu.memref_slice %arg13[%dma_start3A_452, %dma_start3A_453] : memref<8x128xi32, #tpu.memory_space<vmem>> -> memref<1x128xi32, #tpu.memory_space<vmem>>
        %dma_start3A_455 = tpu.memref_squeeze %dma_start3A_454 : memref<1x128xi32, #tpu.memory_space<vmem>> -> memref<128xi32, #tpu.memory_space<vmem>>
        %dma_start3A_456 = arith.constant 0 : i32
        %dma_start3A_457 = tpu.memref_slice %arg10[%dma_start3A_451, %dma_start3A_456] : memref<8x128xi32, #tpu.memory_space<vmem>> -> memref<1x128xi32, #tpu.memory_space<vmem>>
        %dma_start3A_458 = tpu.memref_squeeze %dma_start3A_457 : memref<1x128xi32, #tpu.memory_space<vmem>> -> memref<128xi32, #tpu.memory_space<vmem>>
        %dma_start3A_459 = arith.constant 0 : i32
        %dma_start3A_460 = tpu.memref_slice %arg7[%dma_start3A_459] : memref<2032768xi32, #tpu.memory_space<hbm>> -> memref<2032768xi32, #tpu.memory_space<hbm>>
        tpu.enqueue_indirect_dma source(%dma_start3A_460 : memref<2032768xi32, #tpu.memory_space<hbm>>) target(%dma_start3A_455 : memref<128xi32, #tpu.memory_space<vmem>>) offsets(%dma_start3A_458 : memref<128xi32, #tpu.memory_space<vmem>>) semaphore(%arg23 : memref<!tpu.dma_semaphore, #tpu.memory_space<semaphore_mem>>)
        %dma_start3A_461 = arith.constant 1 : i32
        %dma_start3A_462 = arith.constant 1 : i32
        %dma_start3A_463 = arith.constant 0 : i32
        %dma_start3A_464 = tpu.memref_slice %arg13[%dma_start3A_462, %dma_start3A_463] : memref<8x128xi32, #tpu.memory_space<vmem>> -> memref<1x128xi32, #tpu.memory_space<vmem>>
        %dma_start3A_465 = tpu.memref_squeeze %dma_start3A_464 : memref<1x128xi32, #tpu.memory_space<vmem>> -> memref<128xi32, #tpu.memory_space<vmem>>
        %dma_start3A_466 = arith.constant 0 : i32
        %dma_start3A_467 = tpu.memref_slice %arg10[%dma_start3A_461, %dma_start3A_466] : memref<8x128xi32, #tpu.memory_space<vmem>> -> memref<1x128xi32, #tpu.memory_space<vmem>>
        %dma_start3A_468 = tpu.memref_squeeze %dma_start3A_467 : memref<1x128xi32, #tpu.memory_space<vmem>> -> memref<128xi32, #tpu.memory_space<vmem>>
        %dma_start3A_469 = arith.constant 0 : i32
        %dma_start3A_470 = tpu.memref_slice %arg7[%dma_start3A_469] : memref<2032768xi32, #tpu.memory_space<hbm>> -> memref<2032768xi32, #tpu.memory_space<hbm>>
        tpu.enqueue_indirect_dma source(%dma_start3A_470 : memref<2032768xi32, #tpu.memory_space<hbm>>) target(%dma_start3A_465 : memref<128xi32, #tpu.memory_space<vmem>>) offsets(%dma_start3A_468 : memref<128xi32, #tpu.memory_space<vmem>>) semaphore(%arg23 : memref<!tpu.dma_semaphore, #tpu.memory_space<semaphore_mem>>)
        %dma_start3A_471 = arith.constant 2 : i32
        %dma_start3A_472 = arith.constant 2 : i32
        %dma_start3A_473 = arith.constant 0 : i32
        %dma_start3A_474 = tpu.memref_slice %arg13[%dma_start3A_472, %dma_start3A_473] : memref<8x128xi32, #tpu.memory_space<vmem>> -> memref<1x128xi32, #tpu.memory_space<vmem>>
        %dma_start3A_475 = tpu.memref_squeeze %dma_start3A_474 : memref<1x128xi32, #tpu.memory_space<vmem>> -> memref<128xi32, #tpu.memory_space<vmem>>
        %dma_start3A_476 = arith.constant 0 : i32
        %dma_start3A_477 = tpu.memref_slice %arg10[%dma_start3A_471, %dma_start3A_476] : memref<8x128xi32, #tpu.memory_space<vmem>> -> memref<1x128xi32, #tpu.memory_space<vmem>>
        %dma_start3A_478 = tpu.memref_squeeze %dma_start3A_477 : memref<1x128xi32, #tpu.memory_space<vmem>> -> memref<128xi32, #tpu.memory_space<vmem>>
        %dma_start3A_479 = arith.constant 0 : i32
        %dma_start3A_480 = tpu.memref_slice %arg7[%dma_start3A_479] : memref<2032768xi32, #tpu.memory_space<hbm>> -> memref<2032768xi32, #tpu.memory_space<hbm>>
        tpu.enqueue_indirect_dma source(%dma_start3A_480 : memref<2032768xi32, #tpu.memory_space<hbm>>) target(%dma_start3A_475 : memref<128xi32, #tpu.memory_space<vmem>>) offsets(%dma_start3A_478 : memref<128xi32, #tpu.memory_space<vmem>>) semaphore(%arg23 : memref<!tpu.dma_semaphore, #tpu.memory_space<semaphore_mem>>)
        %dma_start3A_481 = arith.constant 3 : i32
        %dma_start3A_482 = arith.constant 3 : i32
        %dma_start3A_483 = arith.constant 0 : i32
        %dma_start3A_484 = tpu.memref_slice %arg13[%dma_start3A_482, %dma_start3A_483] : memref<8x128xi32, #tpu.memory_space<vmem>> -> memref<1x128xi32, #tpu.memory_space<vmem>>
        %dma_start3A_485 = tpu.memref_squeeze %dma_start3A_484 : memref<1x128xi32, #tpu.memory_space<vmem>> -> memref<128xi32, #tpu.memory_space<vmem>>
        %dma_start3A_486 = arith.constant 0 : i32
        %dma_start3A_487 = tpu.memref_slice %arg10[%dma_start3A_481, %dma_start3A_486] : memref<8x128xi32, #tpu.memory_space<vmem>> -> memref<1x128xi32, #tpu.memory_space<vmem>>
        %dma_start3A_488 = tpu.memref_squeeze %dma_start3A_487 : memref<1x128xi32, #tpu.memory_space<vmem>> -> memref<128xi32, #tpu.memory_space<vmem>>
        %dma_start3A_489 = arith.constant 0 : i32
        %dma_start3A_490 = tpu.memref_slice %arg7[%dma_start3A_489] : memref<2032768xi32, #tpu.memory_space<hbm>> -> memref<2032768xi32, #tpu.memory_space<hbm>>
        tpu.enqueue_indirect_dma source(%dma_start3A_490 : memref<2032768xi32, #tpu.memory_space<hbm>>) target(%dma_start3A_485 : memref<128xi32, #tpu.memory_space<vmem>>) offsets(%dma_start3A_488 : memref<128xi32, #tpu.memory_space<vmem>>) semaphore(%arg23 : memref<!tpu.dma_semaphore, #tpu.memory_space<semaphore_mem>>)
        %dma_start3A_491 = arith.constant 4 : i32
        %dma_start3A_492 = arith.constant 4 : i32
        %dma_start3A_493 = arith.constant 0 : i32
        %dma_start3A_494 = tpu.memref_slice %arg13[%dma_start3A_492, %dma_start3A_493] : memref<8x128xi32, #tpu.memory_space<vmem>> -> memref<1x128xi32, #tpu.memory_space<vmem>>
        %dma_start3A_495 = tpu.memref_squeeze %dma_start3A_494 : memref<1x128xi32, #tpu.memory_space<vmem>> -> memref<128xi32, #tpu.memory_space<vmem>>
        %dma_start3A_496 = arith.constant 0 : i32
        %dma_start3A_497 = tpu.memref_slice %arg10[%dma_start3A_491, %dma_start3A_496] : memref<8x128xi32, #tpu.memory_space<vmem>> -> memref<1x128xi32, #tpu.memory_space<vmem>>
        %dma_start3A_498 = tpu.memref_squeeze %dma_start3A_497 : memref<1x128xi32, #tpu.memory_space<vmem>> -> memref<128xi32, #tpu.memory_space<vmem>>
        %dma_start3A_499 = arith.constant 0 : i32
        %dma_start3A_500 = tpu.memref_slice %arg7[%dma_start3A_499] : memref<2032768xi32, #tpu.memory_space<hbm>> -> memref<2032768xi32, #tpu.memory_space<hbm>>
        tpu.enqueue_indirect_dma source(%dma_start3A_500 : memref<2032768xi32, #tpu.memory_space<hbm>>) target(%dma_start3A_495 : memref<128xi32, #tpu.memory_space<vmem>>) offsets(%dma_start3A_498 : memref<128xi32, #tpu.memory_space<vmem>>) semaphore(%arg23 : memref<!tpu.dma_semaphore, #tpu.memory_space<semaphore_mem>>)
        %dma_start3A_501 = arith.constant 5 : i32
        %dma_start3A_502 = arith.constant 5 : i32
        %dma_start3A_503 = arith.constant 0 : i32
        %dma_start3A_504 = tpu.memref_slice %arg13[%dma_start3A_502, %dma_start3A_503] : memref<8x128xi32, #tpu.memory_space<vmem>> -> memref<1x128xi32, #tpu.memory_space<vmem>>
        %dma_start3A_505 = tpu.memref_squeeze %dma_start3A_504 : memref<1x128xi32, #tpu.memory_space<vmem>> -> memref<128xi32, #tpu.memory_space<vmem>>
        %dma_start3A_506 = arith.constant 0 : i32
        %dma_start3A_507 = tpu.memref_slice %arg10[%dma_start3A_501, %dma_start3A_506] : memref<8x128xi32, #tpu.memory_space<vmem>> -> memref<1x128xi32, #tpu.memory_space<vmem>>
        %dma_start3A_508 = tpu.memref_squeeze %dma_start3A_507 : memref<1x128xi32, #tpu.memory_space<vmem>> -> memref<128xi32, #tpu.memory_space<vmem>>
        %dma_start3A_509 = arith.constant 0 : i32
        %dma_start3A_510 = tpu.memref_slice %arg7[%dma_start3A_509] : memref<2032768xi32, #tpu.memory_space<hbm>> -> memref<2032768xi32, #tpu.memory_space<hbm>>
        tpu.enqueue_indirect_dma source(%dma_start3A_510 : memref<2032768xi32, #tpu.memory_space<hbm>>) target(%dma_start3A_505 : memref<128xi32, #tpu.memory_space<vmem>>) offsets(%dma_start3A_508 : memref<128xi32, #tpu.memory_space<vmem>>) semaphore(%arg23 : memref<!tpu.dma_semaphore, #tpu.memory_space<semaphore_mem>>)
        %dma_start3A_511 = arith.constant 6 : i32
        %dma_start3A_512 = arith.constant 6 : i32
        %dma_start3A_513 = arith.constant 0 : i32
        %dma_start3A_514 = tpu.memref_slice %arg13[%dma_start3A_512, %dma_start3A_513] : memref<8x128xi32, #tpu.memory_space<vmem>> -> memref<1x128xi32, #tpu.memory_space<vmem>>
        %dma_start3A_515 = tpu.memref_squeeze %dma_start3A_514 : memref<1x128xi32, #tpu.memory_space<vmem>> -> memref<128xi32, #tpu.memory_space<vmem>>
        %dma_start3A_516 = arith.constant 0 : i32
        %dma_start3A_517 = tpu.memref_slice %arg10[%dma_start3A_511, %dma_start3A_516] : memref<8x128xi32, #tpu.memory_space<vmem>> -> memref<1x128xi32, #tpu.memory_space<vmem>>
        %dma_start3A_518 = tpu.memref_squeeze %dma_start3A_517 : memref<1x128xi32, #tpu.memory_space<vmem>> -> memref<128xi32, #tpu.memory_space<vmem>>
        %dma_start3A_519 = arith.constant 0 : i32
        %dma_start3A_520 = tpu.memref_slice %arg7[%dma_start3A_519] : memref<2032768xi32, #tpu.memory_space<hbm>> -> memref<2032768xi32, #tpu.memory_space<hbm>>
        tpu.enqueue_indirect_dma source(%dma_start3A_520 : memref<2032768xi32, #tpu.memory_space<hbm>>) target(%dma_start3A_515 : memref<128xi32, #tpu.memory_space<vmem>>) offsets(%dma_start3A_518 : memref<128xi32, #tpu.memory_space<vmem>>) semaphore(%arg23 : memref<!tpu.dma_semaphore, #tpu.memory_space<semaphore_mem>>)
        %dma_start3A_521 = arith.constant 7 : i32
        %dma_start3A_522 = arith.constant 7 : i32
        %dma_start3A_523 = arith.constant 0 : i32
        %dma_start3A_524 = tpu.memref_slice %arg13[%dma_start3A_522, %dma_start3A_523] : memref<8x128xi32, #tpu.memory_space<vmem>> -> memref<1x128xi32, #tpu.memory_space<vmem>>
        %dma_start3A_525 = tpu.memref_squeeze %dma_start3A_524 : memref<1x128xi32, #tpu.memory_space<vmem>> -> memref<128xi32, #tpu.memory_space<vmem>>
        %dma_start3A_526 = arith.constant 0 : i32
        %dma_start3A_527 = tpu.memref_slice %arg10[%dma_start3A_521, %dma_start3A_526] : memref<8x128xi32, #tpu.memory_space<vmem>> -> memref<1x128xi32, #tpu.memory_space<vmem>>
        %dma_start3A_528 = tpu.memref_squeeze %dma_start3A_527 : memref<1x128xi32, #tpu.memory_space<vmem>> -> memref<128xi32, #tpu.memory_space<vmem>>
        %dma_start3A_529 = arith.constant 0 : i32
        %dma_start3A_530 = tpu.memref_slice %arg7[%dma_start3A_529] : memref<2032768xi32, #tpu.memory_space<hbm>> -> memref<2032768xi32, #tpu.memory_space<hbm>>
        tpu.enqueue_indirect_dma source(%dma_start3A_530 : memref<2032768xi32, #tpu.memory_space<hbm>>) target(%dma_start3A_525 : memref<128xi32, #tpu.memory_space<vmem>>) offsets(%dma_start3A_528 : memref<128xi32, #tpu.memory_space<vmem>>) semaphore(%arg23 : memref<!tpu.dma_semaphore, #tpu.memory_space<semaphore_mem>>)
        %dma_wait3A_531 = arith.constant 0 : i32
        %dma_wait3A_532 = arith.constant 0 : i32
        %dma_wait3A_533 = arith.constant 0 : i32
        %dma_wait3A_534 = tpu.memref_slice %arg13[%dma_wait3A_532, %dma_wait3A_533] : memref<8x128xi32, #tpu.memory_space<vmem>> -> memref<1x128xi32, #tpu.memory_space<vmem>>
        %dma_wait3A_535 = tpu.memref_squeeze %dma_wait3A_534 : memref<1x128xi32, #tpu.memory_space<vmem>> -> memref<128xi32, #tpu.memory_space<vmem>>
        %dma_wait3A_536 = arith.constant 0 : i32
        %dma_wait3A_537 = tpu.memref_slice %arg10[%dma_wait3A_531, %dma_wait3A_536] : memref<8x128xi32, #tpu.memory_space<vmem>> -> memref<1x128xi32, #tpu.memory_space<vmem>>
        %dma_wait3A_538 = tpu.memref_squeeze %dma_wait3A_537 : memref<1x128xi32, #tpu.memory_space<vmem>> -> memref<128xi32, #tpu.memory_space<vmem>>
        %dma_wait3A_539 = arith.constant 0 : i32
        %dma_wait3A_540 = tpu.memref_slice %arg7[%dma_wait3A_539] : memref<2032768xi32, #tpu.memory_space<hbm>> -> memref<2032768xi32, #tpu.memory_space<hbm>>
        tpu.wait_indirect_dma semaphore(%arg23 : memref<!tpu.dma_semaphore, #tpu.memory_space<semaphore_mem>>) src(%dma_wait3A_540 : memref<2032768xi32, #tpu.memory_space<hbm>>) dst(%dma_wait3A_535 : memref<128xi32, #tpu.memory_space<vmem>>)
        %dma_wait3A_541 = arith.constant 1 : i32
        %dma_wait3A_542 = arith.constant 1 : i32
        %dma_wait3A_543 = arith.constant 0 : i32
        %dma_wait3A_544 = tpu.memref_slice %arg13[%dma_wait3A_542, %dma_wait3A_543] : memref<8x128xi32, #tpu.memory_space<vmem>> -> memref<1x128xi32, #tpu.memory_space<vmem>>
        %dma_wait3A_545 = tpu.memref_squeeze %dma_wait3A_544 : memref<1x128xi32, #tpu.memory_space<vmem>> -> memref<128xi32, #tpu.memory_space<vmem>>
        %dma_wait3A_546 = arith.constant 0 : i32
        %dma_wait3A_547 = tpu.memref_slice %arg10[%dma_wait3A_541, %dma_wait3A_546] : memref<8x128xi32, #tpu.memory_space<vmem>> -> memref<1x128xi32, #tpu.memory_space<vmem>>
        %dma_wait3A_548 = tpu.memref_squeeze %dma_wait3A_547 : memref<1x128xi32, #tpu.memory_space<vmem>> -> memref<128xi32, #tpu.memory_space<vmem>>
        %dma_wait3A_549 = arith.constant 0 : i32
        %dma_wait3A_550 = tpu.memref_slice %arg7[%dma_wait3A_549] : memref<2032768xi32, #tpu.memory_space<hbm>> -> memref<2032768xi32, #tpu.memory_space<hbm>>
        tpu.wait_indirect_dma semaphore(%arg23 : memref<!tpu.dma_semaphore, #tpu.memory_space<semaphore_mem>>) src(%dma_wait3A_550 : memref<2032768xi32, #tpu.memory_space<hbm>>) dst(%dma_wait3A_545 : memref<128xi32, #tpu.memory_space<vmem>>)
        %dma_wait3A_551 = arith.constant 2 : i32
        %dma_wait3A_552 = arith.constant 2 : i32
        %dma_wait3A_553 = arith.constant 0 : i32
        %dma_wait3A_554 = tpu.memref_slice %arg13[%dma_wait3A_552, %dma_wait3A_553] : memref<8x128xi32, #tpu.memory_space<vmem>> -> memref<1x128xi32, #tpu.memory_space<vmem>>
        %dma_wait3A_555 = tpu.memref_squeeze %dma_wait3A_554 : memref<1x128xi32, #tpu.memory_space<vmem>> -> memref<128xi32, #tpu.memory_space<vmem>>
        %dma_wait3A_556 = arith.constant 0 : i32
        %dma_wait3A_557 = tpu.memref_slice %arg10[%dma_wait3A_551, %dma_wait3A_556] : memref<8x128xi32, #tpu.memory_space<vmem>> -> memref<1x128xi32, #tpu.memory_space<vmem>>
        %dma_wait3A_558 = tpu.memref_squeeze %dma_wait3A_557 : memref<1x128xi32, #tpu.memory_space<vmem>> -> memref<128xi32, #tpu.memory_space<vmem>>
        %dma_wait3A_559 = arith.constant 0 : i32
        %dma_wait3A_560 = tpu.memref_slice %arg7[%dma_wait3A_559] : memref<2032768xi32, #tpu.memory_space<hbm>> -> memref<2032768xi32, #tpu.memory_space<hbm>>
        tpu.wait_indirect_dma semaphore(%arg23 : memref<!tpu.dma_semaphore, #tpu.memory_space<semaphore_mem>>) src(%dma_wait3A_560 : memref<2032768xi32, #tpu.memory_space<hbm>>) dst(%dma_wait3A_555 : memref<128xi32, #tpu.memory_space<vmem>>)
        %dma_wait3A_561 = arith.constant 3 : i32
        %dma_wait3A_562 = arith.constant 3 : i32
        %dma_wait3A_563 = arith.constant 0 : i32
        %dma_wait3A_564 = tpu.memref_slice %arg13[%dma_wait3A_562, %dma_wait3A_563] : memref<8x128xi32, #tpu.memory_space<vmem>> -> memref<1x128xi32, #tpu.memory_space<vmem>>
        %dma_wait3A_565 = tpu.memref_squeeze %dma_wait3A_564 : memref<1x128xi32, #tpu.memory_space<vmem>> -> memref<128xi32, #tpu.memory_space<vmem>>
        %dma_wait3A_566 = arith.constant 0 : i32
        %dma_wait3A_567 = tpu.memref_slice %arg10[%dma_wait3A_561, %dma_wait3A_566] : memref<8x128xi32, #tpu.memory_space<vmem>> -> memref<1x128xi32, #tpu.memory_space<vmem>>
        %dma_wait3A_568 = tpu.memref_squeeze %dma_wait3A_567 : memref<1x128xi32, #tpu.memory_space<vmem>> -> memref<128xi32, #tpu.memory_space<vmem>>
        %dma_wait3A_569 = arith.constant 0 : i32
        %dma_wait3A_570 = tpu.memref_slice %arg7[%dma_wait3A_569] : memref<2032768xi32, #tpu.memory_space<hbm>> -> memref<2032768xi32, #tpu.memory_space<hbm>>
        tpu.wait_indirect_dma semaphore(%arg23 : memref<!tpu.dma_semaphore, #tpu.memory_space<semaphore_mem>>) src(%dma_wait3A_570 : memref<2032768xi32, #tpu.memory_space<hbm>>) dst(%dma_wait3A_565 : memref<128xi32, #tpu.memory_space<vmem>>)
        %dma_wait3A_571 = arith.constant 4 : i32
        %dma_wait3A_572 = arith.constant 4 : i32
        %dma_wait3A_573 = arith.constant 0 : i32
        %dma_wait3A_574 = tpu.memref_slice %arg13[%dma_wait3A_572, %dma_wait3A_573] : memref<8x128xi32, #tpu.memory_space<vmem>> -> memref<1x128xi32, #tpu.memory_space<vmem>>
        %dma_wait3A_575 = tpu.memref_squeeze %dma_wait3A_574 : memref<1x128xi32, #tpu.memory_space<vmem>> -> memref<128xi32, #tpu.memory_space<vmem>>
        %dma_wait3A_576 = arith.constant 0 : i32
        %dma_wait3A_577 = tpu.memref_slice %arg10[%dma_wait3A_571, %dma_wait3A_576] : memref<8x128xi32, #tpu.memory_space<vmem>> -> memref<1x128xi32, #tpu.memory_space<vmem>>
        %dma_wait3A_578 = tpu.memref_squeeze %dma_wait3A_577 : memref<1x128xi32, #tpu.memory_space<vmem>> -> memref<128xi32, #tpu.memory_space<vmem>>
        %dma_wait3A_579 = arith.constant 0 : i32
        %dma_wait3A_580 = tpu.memref_slice %arg7[%dma_wait3A_579] : memref<2032768xi32, #tpu.memory_space<hbm>> -> memref<2032768xi32, #tpu.memory_space<hbm>>
        tpu.wait_indirect_dma semaphore(%arg23 : memref<!tpu.dma_semaphore, #tpu.memory_space<semaphore_mem>>) src(%dma_wait3A_580 : memref<2032768xi32, #tpu.memory_space<hbm>>) dst(%dma_wait3A_575 : memref<128xi32, #tpu.memory_space<vmem>>)
        %dma_wait3A_581 = arith.constant 5 : i32
        %dma_wait3A_582 = arith.constant 5 : i32
        %dma_wait3A_583 = arith.constant 0 : i32
        %dma_wait3A_584 = tpu.memref_slice %arg13[%dma_wait3A_582, %dma_wait3A_583] : memref<8x128xi32, #tpu.memory_space<vmem>> -> memref<1x128xi32, #tpu.memory_space<vmem>>
        %dma_wait3A_585 = tpu.memref_squeeze %dma_wait3A_584 : memref<1x128xi32, #tpu.memory_space<vmem>> -> memref<128xi32, #tpu.memory_space<vmem>>
        %dma_wait3A_586 = arith.constant 0 : i32
        %dma_wait3A_587 = tpu.memref_slice %arg10[%dma_wait3A_581, %dma_wait3A_586] : memref<8x128xi32, #tpu.memory_space<vmem>> -> memref<1x128xi32, #tpu.memory_space<vmem>>
        %dma_wait3A_588 = tpu.memref_squeeze %dma_wait3A_587 : memref<1x128xi32, #tpu.memory_space<vmem>> -> memref<128xi32, #tpu.memory_space<vmem>>
        %dma_wait3A_589 = arith.constant 0 : i32
        %dma_wait3A_590 = tpu.memref_slice %arg7[%dma_wait3A_589] : memref<2032768xi32, #tpu.memory_space<hbm>> -> memref<2032768xi32, #tpu.memory_space<hbm>>
        tpu.wait_indirect_dma semaphore(%arg23 : memref<!tpu.dma_semaphore, #tpu.memory_space<semaphore_mem>>) src(%dma_wait3A_590 : memref<2032768xi32, #tpu.memory_space<hbm>>) dst(%dma_wait3A_585 : memref<128xi32, #tpu.memory_space<vmem>>)
        %dma_wait3A_591 = arith.constant 6 : i32
        %dma_wait3A_592 = arith.constant 6 : i32
        %dma_wait3A_593 = arith.constant 0 : i32
        %dma_wait3A_594 = tpu.memref_slice %arg13[%dma_wait3A_592, %dma_wait3A_593] : memref<8x128xi32, #tpu.memory_space<vmem>> -> memref<1x128xi32, #tpu.memory_space<vmem>>
        %dma_wait3A_595 = tpu.memref_squeeze %dma_wait3A_594 : memref<1x128xi32, #tpu.memory_space<vmem>> -> memref<128xi32, #tpu.memory_space<vmem>>
        %dma_wait3A_596 = arith.constant 0 : i32
        %dma_wait3A_597 = tpu.memref_slice %arg10[%dma_wait3A_591, %dma_wait3A_596] : memref<8x128xi32, #tpu.memory_space<vmem>> -> memref<1x128xi32, #tpu.memory_space<vmem>>
        %dma_wait3A_598 = tpu.memref_squeeze %dma_wait3A_597 : memref<1x128xi32, #tpu.memory_space<vmem>> -> memref<128xi32, #tpu.memory_space<vmem>>
        %dma_wait3A_599 = arith.constant 0 : i32
        %dma_wait3A_600 = tpu.memref_slice %arg7[%dma_wait3A_599] : memref<2032768xi32, #tpu.memory_space<hbm>> -> memref<2032768xi32, #tpu.memory_space<hbm>>
        tpu.wait_indirect_dma semaphore(%arg23 : memref<!tpu.dma_semaphore, #tpu.memory_space<semaphore_mem>>) src(%dma_wait3A_600 : memref<2032768xi32, #tpu.memory_space<hbm>>) dst(%dma_wait3A_595 : memref<128xi32, #tpu.memory_space<vmem>>)
        %dma_wait3A_601 = arith.constant 7 : i32
        %dma_wait3A_602 = arith.constant 7 : i32
        %dma_wait3A_603 = arith.constant 0 : i32
        %dma_wait3A_604 = tpu.memref_slice %arg13[%dma_wait3A_602, %dma_wait3A_603] : memref<8x128xi32, #tpu.memory_space<vmem>> -> memref<1x128xi32, #tpu.memory_space<vmem>>
        %dma_wait3A_605 = tpu.memref_squeeze %dma_wait3A_604 : memref<1x128xi32, #tpu.memory_space<vmem>> -> memref<128xi32, #tpu.memory_space<vmem>>
        %dma_wait3A_606 = arith.constant 0 : i32
        %dma_wait3A_607 = tpu.memref_slice %arg10[%dma_wait3A_601, %dma_wait3A_606] : memref<8x128xi32, #tpu.memory_space<vmem>> -> memref<1x128xi32, #tpu.memory_space<vmem>>
        %dma_wait3A_608 = tpu.memref_squeeze %dma_wait3A_607 : memref<1x128xi32, #tpu.memory_space<vmem>> -> memref<128xi32, #tpu.memory_space<vmem>>
        %dma_wait3A_609 = arith.constant 0 : i32
        %dma_wait3A_610 = tpu.memref_slice %arg7[%dma_wait3A_609] : memref<2032768xi32, #tpu.memory_space<hbm>> -> memref<2032768xi32, #tpu.memory_space<hbm>>
        tpu.wait_indirect_dma semaphore(%arg23 : memref<!tpu.dma_semaphore, #tpu.memory_space<semaphore_mem>>) src(%dma_wait3A_610 : memref<2032768xi32, #tpu.memory_space<hbm>>) dst(%dma_wait3A_605 : memref<128xi32, #tpu.memory_space<vmem>>)
        %broadcast_in_dim3A_611 = arith.constant 0 : i32
        %broadcast_in_dim3A_612 = vector.broadcast %broadcast_in_dim3A_611 : i32 to vector<16xi32>
        %swap3A_613 = arith.constant 0 : index
        %swap3A_614 = tpu.vector_load %arg20[%swap3A_613] {strides = array<i32>} : memref<16xi32, #tpu.memory_space<vmem>>, vector<16xi32>,
        %swap3A_615 = vector.shape_cast %swap3A_614 : vector<16xi32> to vector<16xi32>
        %swap3A_616 = vector.shape_cast %broadcast_in_dim3A_612 : vector<16xi32> to vector<16xi32>
        tpu.vector_store %arg20[%swap3A_613], %swap3A_616 {strides = array<i32>} : memref<16xi32, #tpu.memory_space<vmem>>, vector<16xi32>,
        %scan3A_617 = arith.constant 0 : i32
        %scan3A_618 = arith.constant 0 : i32
        %scan3A_619 = arith.constant 8 : i32
        %scan3A_620 = arith.addi %scan3A_618, %scan3A_619 : i32
        %scan3A_621 = arith.constant 1 : i32
        scf.for %scan3A_728 = %scan3A_618 to %scan3A_620 step %scan3A_621  : i32 {
          %mul3A_729 = arith.constant 16 : i32
          %mul3A_730 = arith.muli %scan3A_728, %mul3A_729 : i32
          %get3A_731 = arith.constant 0 : i32
          %get3A_732 = arith.index_cast %get3A_731 : i32 to index
          %get3A_733 = arith.index_cast %mul3A_730 : i32 to index
          %get3A_734 = tpu.vector_load %arg13[%get3A_732, %get3A_733] {strides = array<i32>} : memref<8x128xi32, #tpu.memory_space<vmem>>, vector<1x16xi32>,
          %get3A_735 = vector.shape_cast %get3A_734 : vector<1x16xi32> to vector<16xi32>
          %mul3A_736 = arith.constant 16 : i32
          %mul3A_737 = arith.muli %scan3A_728, %mul3A_736 : i32
          %get3A_738 = arith.constant 0 : i32
          %get3A_739 = arith.index_cast %get3A_738 : i32 to index
          %get3A_740 = arith.index_cast %mul3A_737 : i32 to index
          %get3A_741 = tpu.vector_load %arg12[%get3A_739, %get3A_740] {strides = array<i32>} : memref<8x128xi32, #tpu.memory_space<vmem>>, vector<1x16xi32>,
          %get3A_742 = vector.shape_cast %get3A_741 : vector<1x16xi32> to vector<16xi32>
          %mul3A_743 = arith.constant 16 : i32
          %mul3A_744 = arith.muli %scan3A_728, %mul3A_743 : i32
          %get3A_745 = arith.constant 0 : i32
          %get3A_746 = arith.index_cast %get3A_745 : i32 to index
          %get3A_747 = arith.index_cast %mul3A_744 : i32 to index
          %get3A_748 = tpu.vector_load %arg10[%get3A_746, %get3A_747] {strides = array<i32>} : memref<8x128xi32, #tpu.memory_space<vmem>>, vector<1x16xi32>,
          %get3A_749 = vector.shape_cast %get3A_748 : vector<1x16xi32> to vector<16xi32>
          %mul3A_750 = arith.constant 16 : i32
          %mul3A_751 = arith.muli %scan3A_728, %mul3A_750 : i32
          %add3A_752 = arith.constant 0 : i32
          %add3A_753 = arith.addi %add3A_752, %mul3A_751 : i32
          %add3A_754 = vector.broadcast %add3A_753 : i32 to vector<16xi32>
          %add3A_755 = arith.addi %add3A_754, %iota3A : vector<16xi32>
          %add3A_756 = vector.broadcast %add3A_7 : i32 to vector<16xi32>
          %add3A_757 = arith.addi %add3A_756, %add3A_755 : vector<16xi32>
          %lt3A_758 = arith.cmpi slt, %get3A_735, %get3A_742 : vector<16xi32>
          %select_n3A_759 = arith.select %lt3A_758, %get3A_749, %add3A_757 : vector<16xi1>, vector<16xi32>
          %mul3A_760 = arith.constant 16 : i32
          %mul3A_761 = arith.muli %scan3A_728, %mul3A_760 : i32
          %swap3A_762 = arith.constant 0 : i32
          %swap3A_763 = arith.index_cast %swap3A_762 : i32 to index
          %swap3A_764 = arith.index_cast %mul3A_761 : i32 to index
          %swap3A_765 = tpu.vector_load %arg11[%swap3A_763, %swap3A_764] {strides = array<i32>} : memref<8x128xi32, #tpu.memory_space<vmem>>, vector<1x16xi32>,
          %swap3A_766 = vector.shape_cast %swap3A_765 : vector<1x16xi32> to vector<16xi32>
          %swap3A_767 = vector.shape_cast %select_n3A_759 : vector<16xi32> to vector<1x16xi32>
          tpu.vector_store %arg11[%swap3A_763, %swap3A_764], %swap3A_767 {strides = array<i32>} : memref<8x128xi32, #tpu.memory_space<vmem>>, vector<1x16xi32>,
          %get3A_768 = arith.constant 0 : index
          %get3A_769 = tpu.vector_load %arg20[%get3A_768] {strides = array<i32>} : memref<16xi32, #tpu.memory_space<vmem>>, vector<16xi32>,
          %get3A_770 = vector.shape_cast %get3A_769 : vector<16xi32> to vector<16xi32>
          %jit3A_771 = arith.constant 1 : i32
          %jit3A_772 = arith.constant 0 : i32
          %broadcast_in_dim3A_773 = vector.broadcast %jit3A_771 : i32 to vector<16xi32>
          %broadcast_in_dim3A_774 = vector.broadcast %jit3A_772 : i32 to vector<16xi32>
          %select_n3A_775 = arith.select %lt3A_758, %broadcast_in_dim3A_773, %broadcast_in_dim3A_774 : vector<16xi1>, vector<16xi32>
          %or3A_776 = arith.ori %get3A_770, %select_n3A_775 : vector<16xi32>
          %swap3A_777 = arith.constant 0 : index
          %swap3A_778 = tpu.vector_load %arg20[%swap3A_777] {strides = array<i32>} : memref<16xi32, #tpu.memory_space<vmem>>, vector<16xi32>,
          %swap3A_779 = vector.shape_cast %swap3A_778 : vector<16xi32> to vector<16xi32>
          %swap3A_780 = vector.shape_cast %or3A_776 : vector<16xi32> to vector<16xi32>
          tpu.vector_store %arg20[%swap3A_777], %swap3A_780 {strides = array<i32>} : memref<16xi32, #tpu.memory_space<vmem>>, vector<16xi32>,
        }
        %scan3A_622 = arith.constant 8 : i32
        %scan3A_623 = arith.constant 0 : i32
        %scan3A_624 = arith.constant 0 : i32
        %scan3A_625 = arith.constant 8 : i32
        %scan3A_626 = arith.addi %scan3A_624, %scan3A_625 : i32
        %scan3A_627 = arith.constant 1 : i32
        scf.for %scan3A_728 = %scan3A_624 to %scan3A_626 step %scan3A_627  : i32 {
          %mul3A_729 = arith.constant 16 : i32
          %mul3A_730 = arith.muli %scan3A_728, %mul3A_729 : i32
          %get3A_731 = arith.constant 1 : i32
          %get3A_732 = arith.index_cast %get3A_731 : i32 to index
          %get3A_733 = arith.index_cast %mul3A_730 : i32 to index
          %get3A_734 = tpu.vector_load %arg13[%get3A_732, %get3A_733] {strides = array<i32>} : memref<8x128xi32, #tpu.memory_space<vmem>>, vector<1x16xi32>,
          %get3A_735 = vector.shape_cast %get3A_734 : vector<1x16xi32> to vector<16xi32>
          %mul3A_736 = arith.constant 16 : i32
          %mul3A_737 = arith.muli %scan3A_728, %mul3A_736 : i32
          %get3A_738 = arith.constant 1 : i32
          %get3A_739 = arith.index_cast %get3A_738 : i32 to index
          %get3A_740 = arith.index_cast %mul3A_737 : i32 to index
          %get3A_741 = tpu.vector_load %arg12[%get3A_739, %get3A_740] {strides = array<i32>} : memref<8x128xi32, #tpu.memory_space<vmem>>, vector<1x16xi32>,
          %get3A_742 = vector.shape_cast %get3A_741 : vector<1x16xi32> to vector<16xi32>
          %mul3A_743 = arith.constant 16 : i32
          %mul3A_744 = arith.muli %scan3A_728, %mul3A_743 : i32
          %get3A_745 = arith.constant 1 : i32
          %get3A_746 = arith.index_cast %get3A_745 : i32 to index
          %get3A_747 = arith.index_cast %mul3A_744 : i32 to index
          %get3A_748 = tpu.vector_load %arg10[%get3A_746, %get3A_747] {strides = array<i32>} : memref<8x128xi32, #tpu.memory_space<vmem>>, vector<1x16xi32>,
          %get3A_749 = vector.shape_cast %get3A_748 : vector<1x16xi32> to vector<16xi32>
          %mul3A_750 = arith.constant 16 : i32
          %mul3A_751 = arith.muli %scan3A_728, %mul3A_750 : i32
          %add3A_752 = arith.constant 128 : i32
          %add3A_753 = arith.addi %add3A_752, %mul3A_751 : i32
          %add3A_754 = vector.broadcast %add3A_753 : i32 to vector<16xi32>
          %add3A_755 = arith.addi %add3A_754, %iota3A : vector<16xi32>
          %add3A_756 = vector.broadcast %add3A_7 : i32 to vector<16xi32>
          %add3A_757 = arith.addi %add3A_756, %add3A_755 : vector<16xi32>
          %lt3A_758 = arith.cmpi slt, %get3A_735, %get3A_742 : vector<16xi32>
          %select_n3A_759 = arith.select %lt3A_758, %get3A_749, %add3A_757 : vector<16xi1>, vector<16xi32>
          %mul3A_760 = arith.constant 16 : i32
          %mul3A_761 = arith.muli %scan3A_728, %mul3A_760 : i32
          %swap3A_762 = arith.constant 1 : i32
          %swap3A_763 = arith.index_cast %swap3A_762 : i32 to index
          %swap3A_764 = arith.index_cast %mul3A_761 : i32 to index
          %swap3A_765 = tpu.vector_load %arg11[%swap3A_763, %swap3A_764] {strides = array<i32>} : memref<8x128xi32, #tpu.memory_space<vmem>>, vector<1x16xi32>,
          %swap3A_766 = vector.shape_cast %swap3A_765 : vector<1x16xi32> to vector<16xi32>
          %swap3A_767 = vector.shape_cast %select_n3A_759 : vector<16xi32> to vector<1x16xi32>
          tpu.vector_store %arg11[%swap3A_763, %swap3A_764], %swap3A_767 {strides = array<i32>} : memref<8x128xi32, #tpu.memory_space<vmem>>, vector<1x16xi32>,
          %get3A_768 = arith.constant 0 : index
          %get3A_769 = tpu.vector_load %arg20[%get3A_768] {strides = array<i32>} : memref<16xi32, #tpu.memory_space<vmem>>, vector<16xi32>,
          %get3A_770 = vector.shape_cast %get3A_769 : vector<16xi32> to vector<16xi32>
          %jit3A_771 = arith.constant 1 : i32
          %jit3A_772 = arith.constant 0 : i32
          %broadcast_in_dim3A_773 = vector.broadcast %jit3A_771 : i32 to vector<16xi32>
          %broadcast_in_dim3A_774 = vector.broadcast %jit3A_772 : i32 to vector<16xi32>
          %select_n3A_775 = arith.select %lt3A_758, %broadcast_in_dim3A_773, %broadcast_in_dim3A_774 : vector<16xi1>, vector<16xi32>
          %or3A_776 = arith.ori %get3A_770, %select_n3A_775 : vector<16xi32>
          %swap3A_777 = arith.constant 0 : index
          %swap3A_778 = tpu.vector_load %arg20[%swap3A_777] {strides = array<i32>} : memref<16xi32, #tpu.memory_space<vmem>>, vector<16xi32>,
          %swap3A_779 = vector.shape_cast %swap3A_778 : vector<16xi32> to vector<16xi32>
          %swap3A_780 = vector.shape_cast %or3A_776 : vector<16xi32> to vector<16xi32>
          tpu.vector_store %arg20[%swap3A_777], %swap3A_780 {strides = array<i32>} : memref<16xi32, #tpu.memory_space<vmem>>, vector<16xi32>,
        }
        %scan3A_628 = arith.constant 8 : i32
        %scan3A_629 = arith.constant 0 : i32
        %scan3A_630 = arith.constant 0 : i32
        %scan3A_631 = arith.constant 8 : i32
        %scan3A_632 = arith.addi %scan3A_630, %scan3A_631 : i32
        %scan3A_633 = arith.constant 1 : i32
        scf.for %scan3A_728 = %scan3A_630 to %scan3A_632 step %scan3A_633  : i32 {
          %mul3A_729 = arith.constant 16 : i32
          %mul3A_730 = arith.muli %scan3A_728, %mul3A_729 : i32
          %get3A_731 = arith.constant 2 : i32
          %get3A_732 = arith.index_cast %get3A_731 : i32 to index
          %get3A_733 = arith.index_cast %mul3A_730 : i32 to index
          %get3A_734 = tpu.vector_load %arg13[%get3A_732, %get3A_733] {strides = array<i32>} : memref<8x128xi32, #tpu.memory_space<vmem>>, vector<1x16xi32>,
          %get3A_735 = vector.shape_cast %get3A_734 : vector<1x16xi32> to vector<16xi32>
          %mul3A_736 = arith.constant 16 : i32
          %mul3A_737 = arith.muli %scan3A_728, %mul3A_736 : i32
          %get3A_738 = arith.constant 2 : i32
          %get3A_739 = arith.index_cast %get3A_738 : i32 to index
          %get3A_740 = arith.index_cast %mul3A_737 : i32 to index
          %get3A_741 = tpu.vector_load %arg12[%get3A_739, %get3A_740] {strides = array<i32>} : memref<8x128xi32, #tpu.memory_space<vmem>>, vector<1x16xi32>,
          %get3A_742 = vector.shape_cast %get3A_741 : vector<1x16xi32> to vector<16xi32>
          %mul3A_743 = arith.constant 16 : i32
          %mul3A_744 = arith.muli %scan3A_728, %mul3A_743 : i32
          %get3A_745 = arith.constant 2 : i32
          %get3A_746 = arith.index_cast %get3A_745 : i32 to index
          %get3A_747 = arith.index_cast %mul3A_744 : i32 to index
          %get3A_748 = tpu.vector_load %arg10[%get3A_746, %get3A_747] {strides = array<i32>} : memref<8x128xi32, #tpu.memory_space<vmem>>, vector<1x16xi32>,
          %get3A_749 = vector.shape_cast %get3A_748 : vector<1x16xi32> to vector<16xi32>
          %mul3A_750 = arith.constant 16 : i32
          %mul3A_751 = arith.muli %scan3A_728, %mul3A_750 : i32
          %add3A_752 = arith.constant 256 : i32
          %add3A_753 = arith.addi %add3A_752, %mul3A_751 : i32
          %add3A_754 = vector.broadcast %add3A_753 : i32 to vector<16xi32>
          %add3A_755 = arith.addi %add3A_754, %iota3A : vector<16xi32>
          %add3A_756 = vector.broadcast %add3A_7 : i32 to vector<16xi32>
          %add3A_757 = arith.addi %add3A_756, %add3A_755 : vector<16xi32>
          %lt3A_758 = arith.cmpi slt, %get3A_735, %get3A_742 : vector<16xi32>
          %select_n3A_759 = arith.select %lt3A_758, %get3A_749, %add3A_757 : vector<16xi1>, vector<16xi32>
          %mul3A_760 = arith.constant 16 : i32
          %mul3A_761 = arith.muli %scan3A_728, %mul3A_760 : i32
          %swap3A_762 = arith.constant 2 : i32
          %swap3A_763 = arith.index_cast %swap3A_762 : i32 to index
          %swap3A_764 = arith.index_cast %mul3A_761 : i32 to index
          %swap3A_765 = tpu.vector_load %arg11[%swap3A_763, %swap3A_764] {strides = array<i32>} : memref<8x128xi32, #tpu.memory_space<vmem>>, vector<1x16xi32>,
          %swap3A_766 = vector.shape_cast %swap3A_765 : vector<1x16xi32> to vector<16xi32>
          %swap3A_767 = vector.shape_cast %select_n3A_759 : vector<16xi32> to vector<1x16xi32>
          tpu.vector_store %arg11[%swap3A_763, %swap3A_764], %swap3A_767 {strides = array<i32>} : memref<8x128xi32, #tpu.memory_space<vmem>>, vector<1x16xi32>,
          %get3A_768 = arith.constant 0 : index
          %get3A_769 = tpu.vector_load %arg20[%get3A_768] {strides = array<i32>} : memref<16xi32, #tpu.memory_space<vmem>>, vector<16xi32>,
          %get3A_770 = vector.shape_cast %get3A_769 : vector<16xi32> to vector<16xi32>
          %jit3A_771 = arith.constant 1 : i32
          %jit3A_772 = arith.constant 0 : i32
          %broadcast_in_dim3A_773 = vector.broadcast %jit3A_771 : i32 to vector<16xi32>
          %broadcast_in_dim3A_774 = vector.broadcast %jit3A_772 : i32 to vector<16xi32>
          %select_n3A_775 = arith.select %lt3A_758, %broadcast_in_dim3A_773, %broadcast_in_dim3A_774 : vector<16xi1>, vector<16xi32>
          %or3A_776 = arith.ori %get3A_770, %select_n3A_775 : vector<16xi32>
          %swap3A_777 = arith.constant 0 : index
          %swap3A_778 = tpu.vector_load %arg20[%swap3A_777] {strides = array<i32>} : memref<16xi32, #tpu.memory_space<vmem>>, vector<16xi32>,
          %swap3A_779 = vector.shape_cast %swap3A_778 : vector<16xi32> to vector<16xi32>
          %swap3A_780 = vector.shape_cast %or3A_776 : vector<16xi32> to vector<16xi32>
          tpu.vector_store %arg20[%swap3A_777], %swap3A_780 {strides = array<i32>} : memref<16xi32, #tpu.memory_space<vmem>>, vector<16xi32>,
        }
        %scan3A_634 = arith.constant 8 : i32
        %scan3A_635 = arith.constant 0 : i32
        %scan3A_636 = arith.constant 0 : i32
        %scan3A_637 = arith.constant 8 : i32
        %scan3A_638 = arith.addi %scan3A_636, %scan3A_637 : i32
        %scan3A_639 = arith.constant 1 : i32
        scf.for %scan3A_728 = %scan3A_636 to %scan3A_638 step %scan3A_639  : i32 {
          %mul3A_729 = arith.constant 16 : i32
          %mul3A_730 = arith.muli %scan3A_728, %mul3A_729 : i32
          %get3A_731 = arith.constant 3 : i32
          %get3A_732 = arith.index_cast %get3A_731 : i32 to index
          %get3A_733 = arith.index_cast %mul3A_730 : i32 to index
          %get3A_734 = tpu.vector_load %arg13[%get3A_732, %get3A_733] {strides = array<i32>} : memref<8x128xi32, #tpu.memory_space<vmem>>, vector<1x16xi32>,
          %get3A_735 = vector.shape_cast %get3A_734 : vector<1x16xi32> to vector<16xi32>
          %mul3A_736 = arith.constant 16 : i32
          %mul3A_737 = arith.muli %scan3A_728, %mul3A_736 : i32
          %get3A_738 = arith.constant 3 : i32
          %get3A_739 = arith.index_cast %get3A_738 : i32 to index
          %get3A_740 = arith.index_cast %mul3A_737 : i32 to index
          %get3A_741 = tpu.vector_load %arg12[%get3A_739, %get3A_740] {strides = array<i32>} : memref<8x128xi32, #tpu.memory_space<vmem>>, vector<1x16xi32>,
          %get3A_742 = vector.shape_cast %get3A_741 : vector<1x16xi32> to vector<16xi32>
          %mul3A_743 = arith.constant 16 : i32
          %mul3A_744 = arith.muli %scan3A_728, %mul3A_743 : i32
          %get3A_745 = arith.constant 3 : i32
          %get3A_746 = arith.index_cast %get3A_745 : i32 to index
          %get3A_747 = arith.index_cast %mul3A_744 : i32 to index
          %get3A_748 = tpu.vector_load %arg10[%get3A_746, %get3A_747] {strides = array<i32>} : memref<8x128xi32, #tpu.memory_space<vmem>>, vector<1x16xi32>,
          %get3A_749 = vector.shape_cast %get3A_748 : vector<1x16xi32> to vector<16xi32>
          %mul3A_750 = arith.constant 16 : i32
          %mul3A_751 = arith.muli %scan3A_728, %mul3A_750 : i32
          %add3A_752 = arith.constant 384 : i32
          %add3A_753 = arith.addi %add3A_752, %mul3A_751 : i32
          %add3A_754 = vector.broadcast %add3A_753 : i32 to vector<16xi32>
          %add3A_755 = arith.addi %add3A_754, %iota3A : vector<16xi32>
          %add3A_756 = vector.broadcast %add3A_7 : i32 to vector<16xi32>
          %add3A_757 = arith.addi %add3A_756, %add3A_755 : vector<16xi32>
          %lt3A_758 = arith.cmpi slt, %get3A_735, %get3A_742 : vector<16xi32>
          %select_n3A_759 = arith.select %lt3A_758, %get3A_749, %add3A_757 : vector<16xi1>, vector<16xi32>
          %mul3A_760 = arith.constant 16 : i32
          %mul3A_761 = arith.muli %scan3A_728, %mul3A_760 : i32
          %swap3A_762 = arith.constant 3 : i32
          %swap3A_763 = arith.index_cast %swap3A_762 : i32 to index
          %swap3A_764 = arith.index_cast %mul3A_761 : i32 to index
          %swap3A_765 = tpu.vector_load %arg11[%swap3A_763, %swap3A_764] {strides = array<i32>} : memref<8x128xi32, #tpu.memory_space<vmem>>, vector<1x16xi32>,
          %swap3A_766 = vector.shape_cast %swap3A_765 : vector<1x16xi32> to vector<16xi32>
          %swap3A_767 = vector.shape_cast %select_n3A_759 : vector<16xi32> to vector<1x16xi32>
          tpu.vector_store %arg11[%swap3A_763, %swap3A_764], %swap3A_767 {strides = array<i32>} : memref<8x128xi32, #tpu.memory_space<vmem>>, vector<1x16xi32>,
          %get3A_768 = arith.constant 0 : index
          %get3A_769 = tpu.vector_load %arg20[%get3A_768] {strides = array<i32>} : memref<16xi32, #tpu.memory_space<vmem>>, vector<16xi32>,
          %get3A_770 = vector.shape_cast %get3A_769 : vector<16xi32> to vector<16xi32>
          %jit3A_771 = arith.constant 1 : i32
          %jit3A_772 = arith.constant 0 : i32
          %broadcast_in_dim3A_773 = vector.broadcast %jit3A_771 : i32 to vector<16xi32>
          %broadcast_in_dim3A_774 = vector.broadcast %jit3A_772 : i32 to vector<16xi32>
          %select_n3A_775 = arith.select %lt3A_758, %broadcast_in_dim3A_773, %broadcast_in_dim3A_774 : vector<16xi1>, vector<16xi32>
          %or3A_776 = arith.ori %get3A_770, %select_n3A_775 : vector<16xi32>
          %swap3A_777 = arith.constant 0 : index
          %swap3A_778 = tpu.vector_load %arg20[%swap3A_777] {strides = array<i32>} : memref<16xi32, #tpu.memory_space<vmem>>, vector<16xi32>,
          %swap3A_779 = vector.shape_cast %swap3A_778 : vector<16xi32> to vector<16xi32>
          %swap3A_780 = vector.shape_cast %or3A_776 : vector<16xi32> to vector<16xi32>
          tpu.vector_store %arg20[%swap3A_777], %swap3A_780 {strides = array<i32>} : memref<16xi32, #tpu.memory_space<vmem>>, vector<16xi32>,
        }
        %scan3A_640 = arith.constant 8 : i32
        %scan3A_641 = arith.constant 0 : i32
        %scan3A_642 = arith.constant 0 : i32
        %scan3A_643 = arith.constant 8 : i32
        %scan3A_644 = arith.addi %scan3A_642, %scan3A_643 : i32
        %scan3A_645 = arith.constant 1 : i32
        scf.for %scan3A_728 = %scan3A_642 to %scan3A_644 step %scan3A_645  : i32 {
          %mul3A_729 = arith.constant 16 : i32
          %mul3A_730 = arith.muli %scan3A_728, %mul3A_729 : i32
          %get3A_731 = arith.constant 4 : i32
          %get3A_732 = arith.index_cast %get3A_731 : i32 to index
          %get3A_733 = arith.index_cast %mul3A_730 : i32 to index
          %get3A_734 = tpu.vector_load %arg13[%get3A_732, %get3A_733] {strides = array<i32>} : memref<8x128xi32, #tpu.memory_space<vmem>>, vector<1x16xi32>,
          %get3A_735 = vector.shape_cast %get3A_734 : vector<1x16xi32> to vector<16xi32>
          %mul3A_736 = arith.constant 16 : i32
          %mul3A_737 = arith.muli %scan3A_728, %mul3A_736 : i32
          %get3A_738 = arith.constant 4 : i32
          %get3A_739 = arith.index_cast %get3A_738 : i32 to index
          %get3A_740 = arith.index_cast %mul3A_737 : i32 to index
          %get3A_741 = tpu.vector_load %arg12[%get3A_739, %get3A_740] {strides = array<i32>} : memref<8x128xi32, #tpu.memory_space<vmem>>, vector<1x16xi32>,
          %get3A_742 = vector.shape_cast %get3A_741 : vector<1x16xi32> to vector<16xi32>
          %mul3A_743 = arith.constant 16 : i32
          %mul3A_744 = arith.muli %scan3A_728, %mul3A_743 : i32
          %get3A_745 = arith.constant 4 : i32
          %get3A_746 = arith.index_cast %get3A_745 : i32 to index
          %get3A_747 = arith.index_cast %mul3A_744 : i32 to index
          %get3A_748 = tpu.vector_load %arg10[%get3A_746, %get3A_747] {strides = array<i32>} : memref<8x128xi32, #tpu.memory_space<vmem>>, vector<1x16xi32>,
          %get3A_749 = vector.shape_cast %get3A_748 : vector<1x16xi32> to vector<16xi32>
          %mul3A_750 = arith.constant 16 : i32
          %mul3A_751 = arith.muli %scan3A_728, %mul3A_750 : i32
          %add3A_752 = arith.constant 512 : i32
          %add3A_753 = arith.addi %add3A_752, %mul3A_751 : i32
          %add3A_754 = vector.broadcast %add3A_753 : i32 to vector<16xi32>
          %add3A_755 = arith.addi %add3A_754, %iota3A : vector<16xi32>
          %add3A_756 = vector.broadcast %add3A_7 : i32 to vector<16xi32>
          %add3A_757 = arith.addi %add3A_756, %add3A_755 : vector<16xi32>
          %lt3A_758 = arith.cmpi slt, %get3A_735, %get3A_742 : vector<16xi32>
          %select_n3A_759 = arith.select %lt3A_758, %get3A_749, %add3A_757 : vector<16xi1>, vector<16xi32>
          %mul3A_760 = arith.constant 16 : i32
          %mul3A_761 = arith.muli %scan3A_728, %mul3A_760 : i32
          %swap3A_762 = arith.constant 4 : i32
          %swap3A_763 = arith.index_cast %swap3A_762 : i32 to index
          %swap3A_764 = arith.index_cast %mul3A_761 : i32 to index
          %swap3A_765 = tpu.vector_load %arg11[%swap3A_763, %swap3A_764] {strides = array<i32>} : memref<8x128xi32, #tpu.memory_space<vmem>>, vector<1x16xi32>,
          %swap3A_766 = vector.shape_cast %swap3A_765 : vector<1x16xi32> to vector<16xi32>
          %swap3A_767 = vector.shape_cast %select_n3A_759 : vector<16xi32> to vector<1x16xi32>
          tpu.vector_store %arg11[%swap3A_763, %swap3A_764], %swap3A_767 {strides = array<i32>} : memref<8x128xi32, #tpu.memory_space<vmem>>, vector<1x16xi32>,
          %get3A_768 = arith.constant 0 : index
          %get3A_769 = tpu.vector_load %arg20[%get3A_768] {strides = array<i32>} : memref<16xi32, #tpu.memory_space<vmem>>, vector<16xi32>,
          %get3A_770 = vector.shape_cast %get3A_769 : vector<16xi32> to vector<16xi32>
          %jit3A_771 = arith.constant 1 : i32
          %jit3A_772 = arith.constant 0 : i32
          %broadcast_in_dim3A_773 = vector.broadcast %jit3A_771 : i32 to vector<16xi32>
          %broadcast_in_dim3A_774 = vector.broadcast %jit3A_772 : i32 to vector<16xi32>
          %select_n3A_775 = arith.select %lt3A_758, %broadcast_in_dim3A_773, %broadcast_in_dim3A_774 : vector<16xi1>, vector<16xi32>
          %or3A_776 = arith.ori %get3A_770, %select_n3A_775 : vector<16xi32>
          %swap3A_777 = arith.constant 0 : index
          %swap3A_778 = tpu.vector_load %arg20[%swap3A_777] {strides = array<i32>} : memref<16xi32, #tpu.memory_space<vmem>>, vector<16xi32>,
          %swap3A_779 = vector.shape_cast %swap3A_778 : vector<16xi32> to vector<16xi32>
          %swap3A_780 = vector.shape_cast %or3A_776 : vector<16xi32> to vector<16xi32>
          tpu.vector_store %arg20[%swap3A_777], %swap3A_780 {strides = array<i32>} : memref<16xi32, #tpu.memory_space<vmem>>, vector<16xi32>,
        }
        %scan3A_646 = arith.constant 8 : i32
        %scan3A_647 = arith.constant 0 : i32
        %scan3A_648 = arith.constant 0 : i32
        %scan3A_649 = arith.constant 8 : i32
        %scan3A_650 = arith.addi %scan3A_648, %scan3A_649 : i32
        %scan3A_651 = arith.constant 1 : i32
        scf.for %scan3A_728 = %scan3A_648 to %scan3A_650 step %scan3A_651  : i32 {
          %mul3A_729 = arith.constant 16 : i32
          %mul3A_730 = arith.muli %scan3A_728, %mul3A_729 : i32
          %get3A_731 = arith.constant 5 : i32
          %get3A_732 = arith.index_cast %get3A_731 : i32 to index
          %get3A_733 = arith.index_cast %mul3A_730 : i32 to index
          %get3A_734 = tpu.vector_load %arg13[%get3A_732, %get3A_733] {strides = array<i32>} : memref<8x128xi32, #tpu.memory_space<vmem>>, vector<1x16xi32>,
          %get3A_735 = vector.shape_cast %get3A_734 : vector<1x16xi32> to vector<16xi32>
          %mul3A_736 = arith.constant 16 : i32
          %mul3A_737 = arith.muli %scan3A_728, %mul3A_736 : i32
          %get3A_738 = arith.constant 5 : i32
          %get3A_739 = arith.index_cast %get3A_738 : i32 to index
          %get3A_740 = arith.index_cast %mul3A_737 : i32 to index
          %get3A_741 = tpu.vector_load %arg12[%get3A_739, %get3A_740] {strides = array<i32>} : memref<8x128xi32, #tpu.memory_space<vmem>>, vector<1x16xi32>,
          %get3A_742 = vector.shape_cast %get3A_741 : vector<1x16xi32> to vector<16xi32>
          %mul3A_743 = arith.constant 16 : i32
          %mul3A_744 = arith.muli %scan3A_728, %mul3A_743 : i32
          %get3A_745 = arith.constant 5 : i32
          %get3A_746 = arith.index_cast %get3A_745 : i32 to index
          %get3A_747 = arith.index_cast %mul3A_744 : i32 to index
          %get3A_748 = tpu.vector_load %arg10[%get3A_746, %get3A_747] {strides = array<i32>} : memref<8x128xi32, #tpu.memory_space<vmem>>, vector<1x16xi32>,
          %get3A_749 = vector.shape_cast %get3A_748 : vector<1x16xi32> to vector<16xi32>
          %mul3A_750 = arith.constant 16 : i32
          %mul3A_751 = arith.muli %scan3A_728, %mul3A_750 : i32
          %add3A_752 = arith.constant 640 : i32
          %add3A_753 = arith.addi %add3A_752, %mul3A_751 : i32
          %add3A_754 = vector.broadcast %add3A_753 : i32 to vector<16xi32>
          %add3A_755 = arith.addi %add3A_754, %iota3A : vector<16xi32>
          %add3A_756 = vector.broadcast %add3A_7 : i32 to vector<16xi32>
          %add3A_757 = arith.addi %add3A_756, %add3A_755 : vector<16xi32>
          %lt3A_758 = arith.cmpi slt, %get3A_735, %get3A_742 : vector<16xi32>
          %select_n3A_759 = arith.select %lt3A_758, %get3A_749, %add3A_757 : vector<16xi1>, vector<16xi32>
          %mul3A_760 = arith.constant 16 : i32
          %mul3A_761 = arith.muli %scan3A_728, %mul3A_760 : i32
          %swap3A_762 = arith.constant 5 : i32
          %swap3A_763 = arith.index_cast %swap3A_762 : i32 to index
          %swap3A_764 = arith.index_cast %mul3A_761 : i32 to index
          %swap3A_765 = tpu.vector_load %arg11[%swap3A_763, %swap3A_764] {strides = array<i32>} : memref<8x128xi32, #tpu.memory_space<vmem>>, vector<1x16xi32>,
          %swap3A_766 = vector.shape_cast %swap3A_765 : vector<1x16xi32> to vector<16xi32>
          %swap3A_767 = vector.shape_cast %select_n3A_759 : vector<16xi32> to vector<1x16xi32>
          tpu.vector_store %arg11[%swap3A_763, %swap3A_764], %swap3A_767 {strides = array<i32>} : memref<8x128xi32, #tpu.memory_space<vmem>>, vector<1x16xi32>,
          %get3A_768 = arith.constant 0 : index
          %get3A_769 = tpu.vector_load %arg20[%get3A_768] {strides = array<i32>} : memref<16xi32, #tpu.memory_space<vmem>>, vector<16xi32>,
          %get3A_770 = vector.shape_cast %get3A_769 : vector<16xi32> to vector<16xi32>
          %jit3A_771 = arith.constant 1 : i32
          %jit3A_772 = arith.constant 0 : i32
          %broadcast_in_dim3A_773 = vector.broadcast %jit3A_771 : i32 to vector<16xi32>
          %broadcast_in_dim3A_774 = vector.broadcast %jit3A_772 : i32 to vector<16xi32>
          %select_n3A_775 = arith.select %lt3A_758, %broadcast_in_dim3A_773, %broadcast_in_dim3A_774 : vector<16xi1>, vector<16xi32>
          %or3A_776 = arith.ori %get3A_770, %select_n3A_775 : vector<16xi32>
          %swap3A_777 = arith.constant 0 : index
          %swap3A_778 = tpu.vector_load %arg20[%swap3A_777] {strides = array<i32>} : memref<16xi32, #tpu.memory_space<vmem>>, vector<16xi32>,
          %swap3A_779 = vector.shape_cast %swap3A_778 : vector<16xi32> to vector<16xi32>
          %swap3A_780 = vector.shape_cast %or3A_776 : vector<16xi32> to vector<16xi32>
          tpu.vector_store %arg20[%swap3A_777], %swap3A_780 {strides = array<i32>} : memref<16xi32, #tpu.memory_space<vmem>>, vector<16xi32>,
        }
        %scan3A_652 = arith.constant 8 : i32
        %scan3A_653 = arith.constant 0 : i32
        %scan3A_654 = arith.constant 0 : i32
        %scan3A_655 = arith.constant 8 : i32
        %scan3A_656 = arith.addi %scan3A_654, %scan3A_655 : i32
        %scan3A_657 = arith.constant 1 : i32
        scf.for %scan3A_728 = %scan3A_654 to %scan3A_656 step %scan3A_657  : i32 {
          %mul3A_729 = arith.constant 16 : i32
          %mul3A_730 = arith.muli %scan3A_728, %mul3A_729 : i32
          %get3A_731 = arith.constant 6 : i32
          %get3A_732 = arith.index_cast %get3A_731 : i32 to index
          %get3A_733 = arith.index_cast %mul3A_730 : i32 to index
          %get3A_734 = tpu.vector_load %arg13[%get3A_732, %get3A_733] {strides = array<i32>} : memref<8x128xi32, #tpu.memory_space<vmem>>, vector<1x16xi32>,
          %get3A_735 = vector.shape_cast %get3A_734 : vector<1x16xi32> to vector<16xi32>
          %mul3A_736 = arith.constant 16 : i32
          %mul3A_737 = arith.muli %scan3A_728, %mul3A_736 : i32
          %get3A_738 = arith.constant 6 : i32
          %get3A_739 = arith.index_cast %get3A_738 : i32 to index
          %get3A_740 = arith.index_cast %mul3A_737 : i32 to index
          %get3A_741 = tpu.vector_load %arg12[%get3A_739, %get3A_740] {strides = array<i32>} : memref<8x128xi32, #tpu.memory_space<vmem>>, vector<1x16xi32>,
          %get3A_742 = vector.shape_cast %get3A_741 : vector<1x16xi32> to vector<16xi32>
          %mul3A_743 = arith.constant 16 : i32
          %mul3A_744 = arith.muli %scan3A_728, %mul3A_743 : i32
          %get3A_745 = arith.constant 6 : i32
          %get3A_746 = arith.index_cast %get3A_745 : i32 to index
          %get3A_747 = arith.index_cast %mul3A_744 : i32 to index
          %get3A_748 = tpu.vector_load %arg10[%get3A_746, %get3A_747] {strides = array<i32>} : memref<8x128xi32, #tpu.memory_space<vmem>>, vector<1x16xi32>,
          %get3A_749 = vector.shape_cast %get3A_748 : vector<1x16xi32> to vector<16xi32>
          %mul3A_750 = arith.constant 16 : i32
          %mul3A_751 = arith.muli %scan3A_728, %mul3A_750 : i32
          %add3A_752 = arith.constant 768 : i32
          %add3A_753 = arith.addi %add3A_752, %mul3A_751 : i32
          %add3A_754 = vector.broadcast %add3A_753 : i32 to vector<16xi32>
          %add3A_755 = arith.addi %add3A_754, %iota3A : vector<16xi32>
          %add3A_756 = vector.broadcast %add3A_7 : i32 to vector<16xi32>
          %add3A_757 = arith.addi %add3A_756, %add3A_755 : vector<16xi32>
          %lt3A_758 = arith.cmpi slt, %get3A_735, %get3A_742 : vector<16xi32>
          %select_n3A_759 = arith.select %lt3A_758, %get3A_749, %add3A_757 : vector<16xi1>, vector<16xi32>
          %mul3A_760 = arith.constant 16 : i32
          %mul3A_761 = arith.muli %scan3A_728, %mul3A_760 : i32
          %swap3A_762 = arith.constant 6 : i32
          %swap3A_763 = arith.index_cast %swap3A_762 : i32 to index
          %swap3A_764 = arith.index_cast %mul3A_761 : i32 to index
          %swap3A_765 = tpu.vector_load %arg11[%swap3A_763, %swap3A_764] {strides = array<i32>} : memref<8x128xi32, #tpu.memory_space<vmem>>, vector<1x16xi32>,
          %swap3A_766 = vector.shape_cast %swap3A_765 : vector<1x16xi32> to vector<16xi32>
          %swap3A_767 = vector.shape_cast %select_n3A_759 : vector<16xi32> to vector<1x16xi32>
          tpu.vector_store %arg11[%swap3A_763, %swap3A_764], %swap3A_767 {strides = array<i32>} : memref<8x128xi32, #tpu.memory_space<vmem>>, vector<1x16xi32>,
          %get3A_768 = arith.constant 0 : index
          %get3A_769 = tpu.vector_load %arg20[%get3A_768] {strides = array<i32>} : memref<16xi32, #tpu.memory_space<vmem>>, vector<16xi32>,
          %get3A_770 = vector.shape_cast %get3A_769 : vector<16xi32> to vector<16xi32>
          %jit3A_771 = arith.constant 1 : i32
          %jit3A_772 = arith.constant 0 : i32
          %broadcast_in_dim3A_773 = vector.broadcast %jit3A_771 : i32 to vector<16xi32>
          %broadcast_in_dim3A_774 = vector.broadcast %jit3A_772 : i32 to vector<16xi32>
          %select_n3A_775 = arith.select %lt3A_758, %broadcast_in_dim3A_773, %broadcast_in_dim3A_774 : vector<16xi1>, vector<16xi32>
          %or3A_776 = arith.ori %get3A_770, %select_n3A_775 : vector<16xi32>
          %swap3A_777 = arith.constant 0 : index
          %swap3A_778 = tpu.vector_load %arg20[%swap3A_777] {strides = array<i32>} : memref<16xi32, #tpu.memory_space<vmem>>, vector<16xi32>,
          %swap3A_779 = vector.shape_cast %swap3A_778 : vector<16xi32> to vector<16xi32>
          %swap3A_780 = vector.shape_cast %or3A_776 : vector<16xi32> to vector<16xi32>
          tpu.vector_store %arg20[%swap3A_777], %swap3A_780 {strides = array<i32>} : memref<16xi32, #tpu.memory_space<vmem>>, vector<16xi32>,
        }
        %scan3A_658 = arith.constant 8 : i32
        %scan3A_659 = arith.constant 0 : i32
        %scan3A_660 = arith.constant 0 : i32
        %scan3A_661 = arith.constant 8 : i32
        %scan3A_662 = arith.addi %scan3A_660, %scan3A_661 : i32
        %scan3A_663 = arith.constant 1 : i32
        scf.for %scan3A_728 = %scan3A_660 to %scan3A_662 step %scan3A_663  : i32 {
          %mul3A_729 = arith.constant 16 : i32
          %mul3A_730 = arith.muli %scan3A_728, %mul3A_729 : i32
          %get3A_731 = arith.constant 7 : i32
          %get3A_732 = arith.index_cast %get3A_731 : i32 to index
          %get3A_733 = arith.index_cast %mul3A_730 : i32 to index
          %get3A_734 = tpu.vector_load %arg13[%get3A_732, %get3A_733] {strides = array<i32>} : memref<8x128xi32, #tpu.memory_space<vmem>>, vector<1x16xi32>,
          %get3A_735 = vector.shape_cast %get3A_734 : vector<1x16xi32> to vector<16xi32>
          %mul3A_736 = arith.constant 16 : i32
          %mul3A_737 = arith.muli %scan3A_728, %mul3A_736 : i32
          %get3A_738 = arith.constant 7 : i32
          %get3A_739 = arith.index_cast %get3A_738 : i32 to index
          %get3A_740 = arith.index_cast %mul3A_737 : i32 to index
          %get3A_741 = tpu.vector_load %arg12[%get3A_739, %get3A_740] {strides = array<i32>} : memref<8x128xi32, #tpu.memory_space<vmem>>, vector<1x16xi32>,
          %get3A_742 = vector.shape_cast %get3A_741 : vector<1x16xi32> to vector<16xi32>
          %mul3A_743 = arith.constant 16 : i32
          %mul3A_744 = arith.muli %scan3A_728, %mul3A_743 : i32
          %get3A_745 = arith.constant 7 : i32
          %get3A_746 = arith.index_cast %get3A_745 : i32 to index
          %get3A_747 = arith.index_cast %mul3A_744 : i32 to index
          %get3A_748 = tpu.vector_load %arg10[%get3A_746, %get3A_747] {strides = array<i32>} : memref<8x128xi32, #tpu.memory_space<vmem>>, vector<1x16xi32>,
          %get3A_749 = vector.shape_cast %get3A_748 : vector<1x16xi32> to vector<16xi32>
          %mul3A_750 = arith.constant 16 : i32
          %mul3A_751 = arith.muli %scan3A_728, %mul3A_750 : i32
          %add3A_752 = arith.constant 896 : i32
          %add3A_753 = arith.addi %add3A_752, %mul3A_751 : i32
          %add3A_754 = vector.broadcast %add3A_753 : i32 to vector<16xi32>
          %add3A_755 = arith.addi %add3A_754, %iota3A : vector<16xi32>
          %add3A_756 = vector.broadcast %add3A_7 : i32 to vector<16xi32>
          %add3A_757 = arith.addi %add3A_756, %add3A_755 : vector<16xi32>
          %lt3A_758 = arith.cmpi slt, %get3A_735, %get3A_742 : vector<16xi32>
          %select_n3A_759 = arith.select %lt3A_758, %get3A_749, %add3A_757 : vector<16xi1>, vector<16xi32>
          %mul3A_760 = arith.constant 16 : i32
          %mul3A_761 = arith.muli %scan3A_728, %mul3A_760 : i32
          %swap3A_762 = arith.constant 7 : i32
          %swap3A_763 = arith.index_cast %swap3A_762 : i32 to index
          %swap3A_764 = arith.index_cast %mul3A_761 : i32 to index
          %swap3A_765 = tpu.vector_load %arg11[%swap3A_763, %swap3A_764] {strides = array<i32>} : memref<8x128xi32, #tpu.memory_space<vmem>>, vector<1x16xi32>,
          %swap3A_766 = vector.shape_cast %swap3A_765 : vector<1x16xi32> to vector<16xi32>
          %swap3A_767 = vector.shape_cast %select_n3A_759 : vector<16xi32> to vector<1x16xi32>
          tpu.vector_store %arg11[%swap3A_763, %swap3A_764], %swap3A_767 {strides = array<i32>} : memref<8x128xi32, #tpu.memory_space<vmem>>, vector<1x16xi32>,
          %get3A_768 = arith.constant 0 : index
          %get3A_769 = tpu.vector_load %arg20[%get3A_768] {strides = array<i32>} : memref<16xi32, #tpu.memory_space<vmem>>, vector<16xi32>,
          %get3A_770 = vector.shape_cast %get3A_769 : vector<16xi32> to vector<16xi32>
          %jit3A_771 = arith.constant 1 : i32
          %jit3A_772 = arith.constant 0 : i32
          %broadcast_in_dim3A_773 = vector.broadcast %jit3A_771 : i32 to vector<16xi32>
          %broadcast_in_dim3A_774 = vector.broadcast %jit3A_772 : i32 to vector<16xi32>
          %select_n3A_775 = arith.select %lt3A_758, %broadcast_in_dim3A_773, %broadcast_in_dim3A_774 : vector<16xi1>, vector<16xi32>
          %or3A_776 = arith.ori %get3A_770, %select_n3A_775 : vector<16xi32>
          %swap3A_777 = arith.constant 0 : index
          %swap3A_778 = tpu.vector_load %arg20[%swap3A_777] {strides = array<i32>} : memref<16xi32, #tpu.memory_space<vmem>>, vector<16xi32>,
          %swap3A_779 = vector.shape_cast %swap3A_778 : vector<16xi32> to vector<16xi32>
          %swap3A_780 = vector.shape_cast %or3A_776 : vector<16xi32> to vector<16xi32>
          tpu.vector_store %arg20[%swap3A_777], %swap3A_780 {strides = array<i32>} : memref<16xi32, #tpu.memory_space<vmem>>, vector<16xi32>,
        }
        %scan3A_664 = arith.constant 8 : i32
        %mul3A_665 = arith.constant 16 : i32
        %mul3A_666 = arith.muli %add3A, %mul3A_665 : i32
        "tpu.region"() ({
          %run_scoped3A = tpu.sem_alloc : memref<!tpu.dma_semaphore, #tpu.memory_space<semaphore_mem>>
          %dma_start3A_728 = tpu.memref_slice %arg8[%mul3A_666] : memref<512xi32, #tpu.memory_space<hbm>> -> memref<16xi32, #tpu.memory_space<hbm>>
          %dma_start3A_729 = tpu.memref_slice %arg8[%mul3A_666] : memref<512xi32, #tpu.memory_space<hbm>> -> memref<16xi32, #tpu.memory_space<hbm>>
          tpu.enqueue_dma source(%arg20 : memref<16xi32, #tpu.memory_space<vmem>>) target(%dma_start3A_729 : memref<16xi32, #tpu.memory_space<hbm>>) target_semaphore(%run_scoped3A : memref<!tpu.dma_semaphore, #tpu.memory_space<semaphore_mem>>)
          %dma_wait3A_730 = tpu.memref_slice %arg8[%mul3A_666] : memref<512xi32, #tpu.memory_space<hbm>> -> memref<16xi32, #tpu.memory_space<hbm>>
          %dma_wait3A_731 = tpu.memref_slice %arg8[%mul3A_666] : memref<512xi32, #tpu.memory_space<hbm>> -> memref<16xi32, #tpu.memory_space<hbm>>
          tpu.wait_dma2 semaphore(%run_scoped3A : memref<!tpu.dma_semaphore, #tpu.memory_space<semaphore_mem>>) src(%arg20 : memref<16xi32, #tpu.memory_space<vmem>>) dst(%dma_wait3A_731 : memref<16xi32, #tpu.memory_space<hbm>>)
          tpu.yield
        }) : () -> ()
        %barrier3A_667 = arith.constant 0 : index
        tpu.barrier barrier_id(%barrier3A_667)
        %mul3A_668 = arith.constant 16 : i32
        %mul3A_669 = arith.muli %arg0, %mul3A_668 : i32
        %mul3A_670 = arith.constant 16 : i32
        %mul3A_671 = arith.muli %mul3A_669, %mul3A_670 : i32
        "tpu.region"() ({
          %run_scoped3A = tpu.sem_alloc : memref<!tpu.dma_semaphore, #tpu.memory_space<semaphore_mem>>
          %dma_start3A_728 = tpu.memref_slice %arg8[%mul3A_671] : memref<512xi32, #tpu.memory_space<hbm>> -> memref<256xi32, #tpu.memory_space<hbm>>
          %dma_start3A_729 = tpu.memref_slice %arg8[%mul3A_671] : memref<512xi32, #tpu.memory_space<hbm>> -> memref<256xi32, #tpu.memory_space<hbm>>
          tpu.enqueue_dma source(%dma_start3A_729 : memref<256xi32, #tpu.memory_space<hbm>>) target(%arg21 : memref<256xi32, #tpu.memory_space<vmem>>) target_semaphore(%run_scoped3A : memref<!tpu.dma_semaphore, #tpu.memory_space<semaphore_mem>>)
          %dma_wait3A_730 = tpu.memref_slice %arg8[%mul3A_671] : memref<512xi32, #tpu.memory_space<hbm>> -> memref<256xi32, #tpu.memory_space<hbm>>
          %dma_wait3A_731 = tpu.memref_slice %arg8[%mul3A_671] : memref<512xi32, #tpu.memory_space<hbm>> -> memref<256xi32, #tpu.memory_space<hbm>>
          tpu.wait_dma2 semaphore(%run_scoped3A : memref<!tpu.dma_semaphore, #tpu.memory_space<semaphore_mem>>) src(%dma_wait3A_731 : memref<256xi32, #tpu.memory_space<hbm>>) dst(%arg21 : memref<256xi32, #tpu.memory_space<vmem>>)
          tpu.yield
        }) : () -> ()
        %broadcast_in_dim3A_672 = arith.constant 0 : i32
        %broadcast_in_dim3A_673 = vector.broadcast %broadcast_in_dim3A_672 : i32 to vector<16xi32>
        %scan3A_674 = arith.constant 0 : i32
        %scan3A_675 = arith.constant 16 : i32
        %scan3A_676 = arith.addi %scan3A_674, %scan3A_675 : i32
        %scan3A_677 = arith.constant 1 : i32
        %scan3A_678 = scf.for %scan3A_728 = %scan3A_674 to %scan3A_676 step %scan3A_677 iter_args(%scan3A_729 = %broadcast_in_dim3A_673) -> (vector<16xi32>)  : i32 {
          %mul3A_730 = arith.constant 16 : i32
          %mul3A_731 = arith.muli %scan3A_728, %mul3A_730 : i32
          %get3A_732 = arith.index_cast %mul3A_731 : i32 to index
          %get3A_733 = tpu.vector_load %arg21[%get3A_732] {strides = array<i32>} : memref<256xi32, #tpu.memory_space<vmem>>, vector<16xi32>,
          %get3A_734 = vector.shape_cast %get3A_733 : vector<16xi32> to vector<16xi32>
          %or3A_735 = arith.ori %scan3A_729, %get3A_734 : vector<16xi32>
          scf.yield %or3A_735 : vector<16xi32>
        }
        %scan3A_679 = arith.constant 16 : i32
        %iota3A_680 = tpu.iota {dimensions = array<i32: 0>} : vector<16xi32>
        %add3A_681 = arith.constant 8 : i32
        %add3A_682 = vector.broadcast %add3A_681 : i32 to vector<16xi32>
        %add3A_683 = arith.addi %iota3A_680, %add3A_682 : vector<16xi32>
        %and3A = arith.constant 15 : i32
        %and3A_684 = vector.broadcast %and3A : i32 to vector<16xi32>
        %and3A_685 = arith.andi %add3A_683, %and3A_684 : vector<16xi32>
        %broadcast_in_dim3A_686 = vector.shape_cast %and3A_685 : vector<16xi32> to vector<16x1xi32>
        %gather3A = vector.shape_cast %broadcast_in_dim3A_686 : vector<16x1xi32> to vector<16xi32>
        %gather3A_687 = tpu.dynamic_gather %scan3A_678[%gather3A] in [0] : vector<16xi32>, vector<16xi32> -> vector<16xi32>
        %or3A = arith.ori %scan3A_678, %gather3A_687 : vector<16xi32>
        %add3A_688 = arith.constant 4 : i32
        %add3A_689 = vector.broadcast %add3A_688 : i32 to vector<16xi32>
        %add3A_690 = arith.addi %iota3A_680, %add3A_689 : vector<16xi32>
        %and3A_691 = arith.constant 15 : i32
        %and3A_692 = vector.broadcast %and3A_691 : i32 to vector<16xi32>
        %and3A_693 = arith.andi %add3A_690, %and3A_692 : vector<16xi32>
        %broadcast_in_dim3A_694 = vector.shape_cast %and3A_693 : vector<16xi32> to vector<16x1xi32>
        %gather3A_695 = vector.shape_cast %broadcast_in_dim3A_694 : vector<16x1xi32> to vector<16xi32>
        %gather3A_696 = tpu.dynamic_gather %or3A[%gather3A_695] in [0] : vector<16xi32>, vector<16xi32> -> vector<16xi32>
        %or3A_697 = arith.ori %or3A, %gather3A_696 : vector<16xi32>
        %add3A_698 = arith.constant 2 : i32
        %add3A_699 = vector.broadcast %add3A_698 : i32 to vector<16xi32>
        %add3A_700 = arith.addi %iota3A_680, %add3A_699 : vector<16xi32>
        %and3A_701 = arith.constant 15 : i32
        %and3A_702 = vector.broadcast %and3A_701 : i32 to vector<16xi32>
        %and3A_703 = arith.andi %add3A_700, %and3A_702 : vector<16xi32>
        %broadcast_in_dim3A_704 = vector.shape_cast %and3A_703 : vector<16xi32> to vector<16x1xi32>
        %gather3A_705 = vector.shape_cast %broadcast_in_dim3A_704 : vector<16x1xi32> to vector<16xi32>
        %gather3A_706 = tpu.dynamic_gather %or3A_697[%gather3A_705] in [0] : vector<16xi32>, vector<16xi32> -> vector<16xi32>
        %or3A_707 = arith.ori %or3A_697, %gather3A_706 : vector<16xi32>
        %add3A_708 = arith.constant 1 : i32
        %add3A_709 = vector.broadcast %add3A_708 : i32 to vector<16xi32>
        %add3A_710 = arith.addi %iota3A_680, %add3A_709 : vector<16xi32>
        %and3A_711 = arith.constant 15 : i32
        %and3A_712 = vector.broadcast %and3A_711 : i32 to vector<16xi32>
        %and3A_713 = arith.andi %add3A_710, %and3A_712 : vector<16xi32>
        %broadcast_in_dim3A_714 = vector.shape_cast %and3A_713 : vector<16xi32> to vector<16x1xi32>
        %gather3A_715 = vector.shape_cast %broadcast_in_dim3A_714 : vector<16x1xi32> to vector<16xi32>
        %gather3A_716 = tpu.dynamic_gather %or3A_707[%gather3A_715] in [0] : vector<16xi32>, vector<16xi32> -> vector<16xi32>
        %or3A_717 = arith.ori %or3A_707, %gather3A_716 : vector<16xi32>
        %eq3A = arith.constant 0 : i32
        %eq3A_718 = vector.broadcast %eq3A : i32 to vector<16xi32>
        %eq3A_719 = arith.cmpi eq, %or3A_717, %eq3A_718 : vector<16xi32>
        %add3A_720 = arith.constant 1 : i32
        %add3A_721 = vector.broadcast %add3A_720 : i32 to vector<16xi32>
        %add3A_722 = arith.addi %get3A_287, %add3A_721 : vector<16xi32>
        %jit3A = arith.constant 0 : i32
        %broadcast_in_dim3A_723 = vector.broadcast %jit3A : i32 to vector<16xi32>
        %select_n3A = arith.select %eq3A_719, %add3A_722, %broadcast_in_dim3A_723 : vector<16xi1>, vector<16xi32>
        %swap3A_724 = arith.constant 0 : index
        %swap3A_725 = tpu.vector_load %arg19[%swap3A_724] {strides = array<i32>} : memref<16xi32, #tpu.memory_space<vmem>>, vector<16xi32>,
        %swap3A_726 = vector.shape_cast %swap3A_725 : vector<16xi32> to vector<16xi32>
        %swap3A_727 = vector.shape_cast %select_n3A : vector<16xi32> to vector<16xi32>
        tpu.vector_store %arg19[%swap3A_724], %swap3A_727 {strides = array<i32>} : memref<16xi32, #tpu.memory_space<vmem>>, vector<16xi32>,
      } else {
      }
    }
    %scan3A_194 = arith.constant 24 : i32
    %dma_start3A_195 = arith.constant 0 : i32
    %dma_start3A_196 = arith.constant 0 : i32
    %dma_start3A_197 = tpu.memref_slice %arg16[%dma_start3A_196] : memref<512xi32, #tpu.memory_space<vmem>> -> memref<128xi32, #tpu.memory_space<vmem>>
    %dma_start3A_198 = arith.constant 0 : i32
    %dma_start3A_199 = tpu.memref_slice %arg15[%dma_start3A_195, %dma_start3A_198] : memref<4x128xi32, #tpu.memory_space<vmem>> -> memref<1x128xi32, #tpu.memory_space<vmem>>
    %dma_start3A_200 = tpu.memref_squeeze %dma_start3A_199 : memref<1x128xi32, #tpu.memory_space<vmem>> -> memref<128xi32, #tpu.memory_space<vmem>>
    %dma_start3A_201 = arith.constant 0 : i32
    %dma_start3A_202 = tpu.memref_slice %arg7[%dma_start3A_201] : memref<2032768xi32, #tpu.memory_space<hbm>> -> memref<2032768xi32, #tpu.memory_space<hbm>>
    tpu.enqueue_indirect_dma source(%dma_start3A_202 : memref<2032768xi32, #tpu.memory_space<hbm>>) target(%dma_start3A_197 : memref<128xi32, #tpu.memory_space<vmem>>) offsets(%dma_start3A_200 : memref<128xi32, #tpu.memory_space<vmem>>) semaphore(%arg23 : memref<!tpu.dma_semaphore, #tpu.memory_space<semaphore_mem>>)
    %dma_start3A_203 = arith.constant 1 : i32
    %dma_start3A_204 = arith.constant 128 : i32
    %dma_start3A_205 = tpu.memref_slice %arg16[%dma_start3A_204] : memref<512xi32, #tpu.memory_space<vmem>> -> memref<128xi32, #tpu.memory_space<vmem>>
    %dma_start3A_206 = arith.constant 0 : i32
    %dma_start3A_207 = tpu.memref_slice %arg15[%dma_start3A_203, %dma_start3A_206] : memref<4x128xi32, #tpu.memory_space<vmem>> -> memref<1x128xi32, #tpu.memory_space<vmem>>
    %dma_start3A_208 = tpu.memref_squeeze %dma_start3A_207 : memref<1x128xi32, #tpu.memory_space<vmem>> -> memref<128xi32, #tpu.memory_space<vmem>>
    %dma_start3A_209 = arith.constant 0 : i32
    %dma_start3A_210 = tpu.memref_slice %arg7[%dma_start3A_209] : memref<2032768xi32, #tpu.memory_space<hbm>> -> memref<2032768xi32, #tpu.memory_space<hbm>>
    tpu.enqueue_indirect_dma source(%dma_start3A_210 : memref<2032768xi32, #tpu.memory_space<hbm>>) target(%dma_start3A_205 : memref<128xi32, #tpu.memory_space<vmem>>) offsets(%dma_start3A_208 : memref<128xi32, #tpu.memory_space<vmem>>) semaphore(%arg23 : memref<!tpu.dma_semaphore, #tpu.memory_space<semaphore_mem>>)
    %dma_start3A_211 = arith.constant 2 : i32
    %dma_start3A_212 = arith.constant 256 : i32
    %dma_start3A_213 = tpu.memref_slice %arg16[%dma_start3A_212] : memref<512xi32, #tpu.memory_space<vmem>> -> memref<128xi32, #tpu.memory_space<vmem>>
    %dma_start3A_214 = arith.constant 0 : i32
    %dma_start3A_215 = tpu.memref_slice %arg15[%dma_start3A_211, %dma_start3A_214] : memref<4x128xi32, #tpu.memory_space<vmem>> -> memref<1x128xi32, #tpu.memory_space<vmem>>
    %dma_start3A_216 = tpu.memref_squeeze %dma_start3A_215 : memref<1x128xi32, #tpu.memory_space<vmem>> -> memref<128xi32, #tpu.memory_space<vmem>>
    %dma_start3A_217 = arith.constant 0 : i32
    %dma_start3A_218 = tpu.memref_slice %arg7[%dma_start3A_217] : memref<2032768xi32, #tpu.memory_space<hbm>> -> memref<2032768xi32, #tpu.memory_space<hbm>>
    tpu.enqueue_indirect_dma source(%dma_start3A_218 : memref<2032768xi32, #tpu.memory_space<hbm>>) target(%dma_start3A_213 : memref<128xi32, #tpu.memory_space<vmem>>) offsets(%dma_start3A_216 : memref<128xi32, #tpu.memory_space<vmem>>) semaphore(%arg23 : memref<!tpu.dma_semaphore, #tpu.memory_space<semaphore_mem>>)
    %dma_start3A_219 = arith.constant 3 : i32
    %dma_start3A_220 = arith.constant 384 : i32
    %dma_start3A_221 = tpu.memref_slice %arg16[%dma_start3A_220] : memref<512xi32, #tpu.memory_space<vmem>> -> memref<128xi32, #tpu.memory_space<vmem>>
    %dma_start3A_222 = arith.constant 0 : i32
    %dma_start3A_223 = tpu.memref_slice %arg15[%dma_start3A_219, %dma_start3A_222] : memref<4x128xi32, #tpu.memory_space<vmem>> -> memref<1x128xi32, #tpu.memory_space<vmem>>
    %dma_start3A_224 = tpu.memref_squeeze %dma_start3A_223 : memref<1x128xi32, #tpu.memory_space<vmem>> -> memref<128xi32, #tpu.memory_space<vmem>>
    %dma_start3A_225 = arith.constant 0 : i32
    %dma_start3A_226 = tpu.memref_slice %arg7[%dma_start3A_225] : memref<2032768xi32, #tpu.memory_space<hbm>> -> memref<2032768xi32, #tpu.memory_space<hbm>>
    tpu.enqueue_indirect_dma source(%dma_start3A_226 : memref<2032768xi32, #tpu.memory_space<hbm>>) target(%dma_start3A_221 : memref<128xi32, #tpu.memory_space<vmem>>) offsets(%dma_start3A_224 : memref<128xi32, #tpu.memory_space<vmem>>) semaphore(%arg23 : memref<!tpu.dma_semaphore, #tpu.memory_space<semaphore_mem>>)
    %dma_wait3A_227 = arith.constant 0 : i32
    %dma_wait3A_228 = arith.constant 0 : i32
    %dma_wait3A_229 = tpu.memref_slice %arg16[%dma_wait3A_228] : memref<512xi32, #tpu.memory_space<vmem>> -> memref<128xi32, #tpu.memory_space<vmem>>
    %dma_wait3A_230 = arith.constant 0 : i32
    %dma_wait3A_231 = tpu.memref_slice %arg15[%dma_wait3A_227, %dma_wait3A_230] : memref<4x128xi32, #tpu.memory_space<vmem>> -> memref<1x128xi32, #tpu.memory_space<vmem>>
    %dma_wait3A_232 = tpu.memref_squeeze %dma_wait3A_231 : memref<1x128xi32, #tpu.memory_space<vmem>> -> memref<128xi32, #tpu.memory_space<vmem>>
    %dma_wait3A_233 = arith.constant 0 : i32
    %dma_wait3A_234 = tpu.memref_slice %arg7[%dma_wait3A_233] : memref<2032768xi32, #tpu.memory_space<hbm>> -> memref<2032768xi32, #tpu.memory_space<hbm>>
    tpu.wait_indirect_dma semaphore(%arg23 : memref<!tpu.dma_semaphore, #tpu.memory_space<semaphore_mem>>) src(%dma_wait3A_234 : memref<2032768xi32, #tpu.memory_space<hbm>>) dst(%dma_wait3A_229 : memref<128xi32, #tpu.memory_space<vmem>>)
    %dma_wait3A_235 = arith.constant 1 : i32
    %dma_wait3A_236 = arith.constant 128 : i32
    %dma_wait3A_237 = tpu.memref_slice %arg16[%dma_wait3A_236] : memref<512xi32, #tpu.memory_space<vmem>> -> memref<128xi32, #tpu.memory_space<vmem>>
    %dma_wait3A_238 = arith.constant 0 : i32
    %dma_wait3A_239 = tpu.memref_slice %arg15[%dma_wait3A_235, %dma_wait3A_238] : memref<4x128xi32, #tpu.memory_space<vmem>> -> memref<1x128xi32, #tpu.memory_space<vmem>>
    %dma_wait3A_240 = tpu.memref_squeeze %dma_wait3A_239 : memref<1x128xi32, #tpu.memory_space<vmem>> -> memref<128xi32, #tpu.memory_space<vmem>>
    %dma_wait3A_241 = arith.constant 0 : i32
    %dma_wait3A_242 = tpu.memref_slice %arg7[%dma_wait3A_241] : memref<2032768xi32, #tpu.memory_space<hbm>> -> memref<2032768xi32, #tpu.memory_space<hbm>>
    tpu.wait_indirect_dma semaphore(%arg23 : memref<!tpu.dma_semaphore, #tpu.memory_space<semaphore_mem>>) src(%dma_wait3A_242 : memref<2032768xi32, #tpu.memory_space<hbm>>) dst(%dma_wait3A_237 : memref<128xi32, #tpu.memory_space<vmem>>)
    %dma_wait3A_243 = arith.constant 2 : i32
    %dma_wait3A_244 = arith.constant 256 : i32
    %dma_wait3A_245 = tpu.memref_slice %arg16[%dma_wait3A_244] : memref<512xi32, #tpu.memory_space<vmem>> -> memref<128xi32, #tpu.memory_space<vmem>>
    %dma_wait3A_246 = arith.constant 0 : i32
    %dma_wait3A_247 = tpu.memref_slice %arg15[%dma_wait3A_243, %dma_wait3A_246] : memref<4x128xi32, #tpu.memory_space<vmem>> -> memref<1x128xi32, #tpu.memory_space<vmem>>
    %dma_wait3A_248 = tpu.memref_squeeze %dma_wait3A_247 : memref<1x128xi32, #tpu.memory_space<vmem>> -> memref<128xi32, #tpu.memory_space<vmem>>
    %dma_wait3A_249 = arith.constant 0 : i32
    %dma_wait3A_250 = tpu.memref_slice %arg7[%dma_wait3A_249] : memref<2032768xi32, #tpu.memory_space<hbm>> -> memref<2032768xi32, #tpu.memory_space<hbm>>
    tpu.wait_indirect_dma semaphore(%arg23 : memref<!tpu.dma_semaphore, #tpu.memory_space<semaphore_mem>>) src(%dma_wait3A_250 : memref<2032768xi32, #tpu.memory_space<hbm>>) dst(%dma_wait3A_245 : memref<128xi32, #tpu.memory_space<vmem>>)
    %dma_wait3A_251 = arith.constant 3 : i32
    %dma_wait3A_252 = arith.constant 384 : i32
    %dma_wait3A_253 = tpu.memref_slice %arg16[%dma_wait3A_252] : memref<512xi32, #tpu.memory_space<vmem>> -> memref<128xi32, #tpu.memory_space<vmem>>
    %dma_wait3A_254 = arith.constant 0 : i32
    %dma_wait3A_255 = tpu.memref_slice %arg15[%dma_wait3A_251, %dma_wait3A_254] : memref<4x128xi32, #tpu.memory_space<vmem>> -> memref<1x128xi32, #tpu.memory_space<vmem>>
    %dma_wait3A_256 = tpu.memref_squeeze %dma_wait3A_255 : memref<1x128xi32, #tpu.memory_space<vmem>> -> memref<128xi32, #tpu.memory_space<vmem>>
    %dma_wait3A_257 = arith.constant 0 : i32
    %dma_wait3A_258 = tpu.memref_slice %arg7[%dma_wait3A_257] : memref<2032768xi32, #tpu.memory_space<hbm>> -> memref<2032768xi32, #tpu.memory_space<hbm>>
    tpu.wait_indirect_dma semaphore(%arg23 : memref<!tpu.dma_semaphore, #tpu.memory_space<semaphore_mem>>) src(%dma_wait3A_258 : memref<2032768xi32, #tpu.memory_space<hbm>>) dst(%dma_wait3A_253 : memref<128xi32, #tpu.memory_space<vmem>>)
    %scan3A_259 = arith.constant 0 : i32
    %scan3A_260 = arith.constant 0 : i32
    %scan3A_261 = arith.constant 32 : i32
    %scan3A_262 = arith.addi %scan3A_260, %scan3A_261 : i32
    %scan3A_263 = arith.constant 1 : i32
    scf.for %scan3A_285 = %scan3A_260 to %scan3A_262 step %scan3A_263  : i32 {
      %mul3A_286 = arith.constant 16 : i32
      %mul3A_287 = arith.muli %scan3A_285, %mul3A_286 : i32
      %get3A = arith.index_cast %mul3A_287 : i32 to index
      %get3A_288 = tpu.vector_load %arg14[%get3A] {strides = array<i32>} : memref<512xi32, #tpu.memory_space<vmem>>, vector<16xi32>,
      %get3A_289 = vector.shape_cast %get3A_288 : vector<16xi32> to vector<16xi32>
      %slice3A = vector.extract_strided_slice %get3A_289 {offsets = [0], sizes = [1], strides = [1]} : vector<16xi32> to vector<1xi32>
      %squeeze3A = vector.extract %slice3A[0] : i32 from vector<1xi32>
      %mul3A_290 = arith.constant 16 : i32
      %mul3A_291 = arith.muli %scan3A_285, %mul3A_290 : i32
      %add3A_292 = arith.constant 0 : i32
      %add3A_293 = arith.addi %mul3A_291, %add3A_292 : i32
      %dma_start3A_294 = arith.constant 0 : i32
      %dma_start3A_295 = tpu.memref_slice %arg22[%add3A_293, %dma_start3A_294] : memref<512x64xf32, #tpu.memory_space<vmem>> -> memref<1x64xf32, #tpu.memory_space<vmem>>
      %dma_start3A_296 = arith.constant 0 : i32
      %dma_start3A_297 = tpu.memref_slice %arg2[%squeeze3A, %dma_start3A_296] : memref<1000000x64xf32, #tpu.memory_space<hbm>> -> memref<1x64xf32, #tpu.memory_space<hbm>>
      %dma_start3A_298 = arith.constant 0 : i32
      %dma_start3A_299 = tpu.memref_slice %arg22[%add3A_293, %dma_start3A_298] : memref<512x64xf32, #tpu.memory_space<vmem>> -> memref<1x64xf32, #tpu.memory_space<vmem>>
      %dma_start3A_300 = arith.constant 0 : i32
      %dma_start3A_301 = tpu.memref_slice %arg2[%squeeze3A, %dma_start3A_300] : memref<1000000x64xf32, #tpu.memory_space<hbm>> -> memref<1x64xf32, #tpu.memory_space<hbm>>
      tpu.enqueue_dma source(%dma_start3A_301 : memref<1x64xf32, #tpu.memory_space<hbm>>) target(%dma_start3A_299 : memref<1x64xf32, #tpu.memory_space<vmem>>) target_semaphore(%arg24 : memref<!tpu.dma_semaphore, #tpu.memory_space<semaphore_mem>>)
      %slice3A_302 = vector.extract_strided_slice %get3A_289 {offsets = [1], sizes = [1], strides = [1]} : vector<16xi32> to vector<1xi32>
      %squeeze3A_303 = vector.extract %slice3A_302[0] : i32 from vector<1xi32>
      %mul3A_304 = arith.constant 16 : i32
      %mul3A_305 = arith.muli %scan3A_285, %mul3A_304 : i32
      %add3A_306 = arith.constant 1 : i32
      %add3A_307 = arith.addi %mul3A_305, %add3A_306 : i32
      %dma_start3A_308 = arith.constant 0 : i32
      %dma_start3A_309 = tpu.memref_slice %arg22[%add3A_307, %dma_start3A_308] : memref<512x64xf32, #tpu.memory_space<vmem>> -> memref<1x64xf32, #tpu.memory_space<vmem>>
      %dma_start3A_310 = arith.constant 0 : i32
      %dma_start3A_311 = tpu.memref_slice %arg2[%squeeze3A_303, %dma_start3A_310] : memref<1000000x64xf32, #tpu.memory_space<hbm>> -> memref<1x64xf32, #tpu.memory_space<hbm>>
      %dma_start3A_312 = arith.constant 0 : i32
      %dma_start3A_313 = tpu.memref_slice %arg22[%add3A_307, %dma_start3A_312] : memref<512x64xf32, #tpu.memory_space<vmem>> -> memref<1x64xf32, #tpu.memory_space<vmem>>
      %dma_start3A_314 = arith.constant 0 : i32
      %dma_start3A_315 = tpu.memref_slice %arg2[%squeeze3A_303, %dma_start3A_314] : memref<1000000x64xf32, #tpu.memory_space<hbm>> -> memref<1x64xf32, #tpu.memory_space<hbm>>
      tpu.enqueue_dma source(%dma_start3A_315 : memref<1x64xf32, #tpu.memory_space<hbm>>) target(%dma_start3A_313 : memref<1x64xf32, #tpu.memory_space<vmem>>) target_semaphore(%arg24 : memref<!tpu.dma_semaphore, #tpu.memory_space<semaphore_mem>>)
      %slice3A_316 = vector.extract_strided_slice %get3A_289 {offsets = [2], sizes = [1], strides = [1]} : vector<16xi32> to vector<1xi32>
      %squeeze3A_317 = vector.extract %slice3A_316[0] : i32 from vector<1xi32>
      %mul3A_318 = arith.constant 16 : i32
      %mul3A_319 = arith.muli %scan3A_285, %mul3A_318 : i32
      %add3A_320 = arith.constant 2 : i32
      %add3A_321 = arith.addi %mul3A_319, %add3A_320 : i32
      %dma_start3A_322 = arith.constant 0 : i32
      %dma_start3A_323 = tpu.memref_slice %arg22[%add3A_321, %dma_start3A_322] : memref<512x64xf32, #tpu.memory_space<vmem>> -> memref<1x64xf32, #tpu.memory_space<vmem>>
      %dma_start3A_324 = arith.constant 0 : i32
      %dma_start3A_325 = tpu.memref_slice %arg2[%squeeze3A_317, %dma_start3A_324] : memref<1000000x64xf32, #tpu.memory_space<hbm>> -> memref<1x64xf32, #tpu.memory_space<hbm>>
      %dma_start3A_326 = arith.constant 0 : i32
      %dma_start3A_327 = tpu.memref_slice %arg22[%add3A_321, %dma_start3A_326] : memref<512x64xf32, #tpu.memory_space<vmem>> -> memref<1x64xf32, #tpu.memory_space<vmem>>
      %dma_start3A_328 = arith.constant 0 : i32
      %dma_start3A_329 = tpu.memref_slice %arg2[%squeeze3A_317, %dma_start3A_328] : memref<1000000x64xf32, #tpu.memory_space<hbm>> -> memref<1x64xf32, #tpu.memory_space<hbm>>
      tpu.enqueue_dma source(%dma_start3A_329 : memref<1x64xf32, #tpu.memory_space<hbm>>) target(%dma_start3A_327 : memref<1x64xf32, #tpu.memory_space<vmem>>) target_semaphore(%arg24 : memref<!tpu.dma_semaphore, #tpu.memory_space<semaphore_mem>>)
      %slice3A_330 = vector.extract_strided_slice %get3A_289 {offsets = [3], sizes = [1], strides = [1]} : vector<16xi32> to vector<1xi32>
      %squeeze3A_331 = vector.extract %slice3A_330[0] : i32 from vector<1xi32>
      %mul3A_332 = arith.constant 16 : i32
      %mul3A_333 = arith.muli %scan3A_285, %mul3A_332 : i32
      %add3A_334 = arith.constant 3 : i32
      %add3A_335 = arith.addi %mul3A_333, %add3A_334 : i32
      %dma_start3A_336 = arith.constant 0 : i32
      %dma_start3A_337 = tpu.memref_slice %arg22[%add3A_335, %dma_start3A_336] : memref<512x64xf32, #tpu.memory_space<vmem>> -> memref<1x64xf32, #tpu.memory_space<vmem>>
      %dma_start3A_338 = arith.constant 0 : i32
      %dma_start3A_339 = tpu.memref_slice %arg2[%squeeze3A_331, %dma_start3A_338] : memref<1000000x64xf32, #tpu.memory_space<hbm>> -> memref<1x64xf32, #tpu.memory_space<hbm>>
      %dma_start3A_340 = arith.constant 0 : i32
      %dma_start3A_341 = tpu.memref_slice %arg22[%add3A_335, %dma_start3A_340] : memref<512x64xf32, #tpu.memory_space<vmem>> -> memref<1x64xf32, #tpu.memory_space<vmem>>
      %dma_start3A_342 = arith.constant 0 : i32
      %dma_start3A_343 = tpu.memref_slice %arg2[%squeeze3A_331, %dma_start3A_342] : memref<1000000x64xf32, #tpu.memory_space<hbm>> -> memref<1x64xf32, #tpu.memory_space<hbm>>
      tpu.enqueue_dma source(%dma_start3A_343 : memref<1x64xf32, #tpu.memory_space<hbm>>) target(%dma_start3A_341 : memref<1x64xf32, #tpu.memory_space<vmem>>) target_semaphore(%arg24 : memref<!tpu.dma_semaphore, #tpu.memory_space<semaphore_mem>>)
      %slice3A_344 = vector.extract_strided_slice %get3A_289 {offsets = [4], sizes = [1], strides = [1]} : vector<16xi32> to vector<1xi32>
      %squeeze3A_345 = vector.extract %slice3A_344[0] : i32 from vector<1xi32>
      %mul3A_346 = arith.constant 16 : i32
      %mul3A_347 = arith.muli %scan3A_285, %mul3A_346 : i32
      %add3A_348 = arith.constant 4 : i32
      %add3A_349 = arith.addi %mul3A_347, %add3A_348 : i32
      %dma_start3A_350 = arith.constant 0 : i32
      %dma_start3A_351 = tpu.memref_slice %arg22[%add3A_349, %dma_start3A_350] : memref<512x64xf32, #tpu.memory_space<vmem>> -> memref<1x64xf32, #tpu.memory_space<vmem>>
      %dma_start3A_352 = arith.constant 0 : i32
      %dma_start3A_353 = tpu.memref_slice %arg2[%squeeze3A_345, %dma_start3A_352] : memref<1000000x64xf32, #tpu.memory_space<hbm>> -> memref<1x64xf32, #tpu.memory_space<hbm>>
      %dma_start3A_354 = arith.constant 0 : i32
      %dma_start3A_355 = tpu.memref_slice %arg22[%add3A_349, %dma_start3A_354] : memref<512x64xf32, #tpu.memory_space<vmem>> -> memref<1x64xf32, #tpu.memory_space<vmem>>
      %dma_start3A_356 = arith.constant 0 : i32
      %dma_start3A_357 = tpu.memref_slice %arg2[%squeeze3A_345, %dma_start3A_356] : memref<1000000x64xf32, #tpu.memory_space<hbm>> -> memref<1x64xf32, #tpu.memory_space<hbm>>
      tpu.enqueue_dma source(%dma_start3A_357 : memref<1x64xf32, #tpu.memory_space<hbm>>) target(%dma_start3A_355 : memref<1x64xf32, #tpu.memory_space<vmem>>) target_semaphore(%arg24 : memref<!tpu.dma_semaphore, #tpu.memory_space<semaphore_mem>>)
      %slice3A_358 = vector.extract_strided_slice %get3A_289 {offsets = [5], sizes = [1], strides = [1]} : vector<16xi32> to vector<1xi32>
      %squeeze3A_359 = vector.extract %slice3A_358[0] : i32 from vector<1xi32>
      %mul3A_360 = arith.constant 16 : i32
      %mul3A_361 = arith.muli %scan3A_285, %mul3A_360 : i32
      %add3A_362 = arith.constant 5 : i32
      %add3A_363 = arith.addi %mul3A_361, %add3A_362 : i32
      %dma_start3A_364 = arith.constant 0 : i32
      %dma_start3A_365 = tpu.memref_slice %arg22[%add3A_363, %dma_start3A_364] : memref<512x64xf32, #tpu.memory_space<vmem>> -> memref<1x64xf32, #tpu.memory_space<vmem>>
      %dma_start3A_366 = arith.constant 0 : i32
      %dma_start3A_367 = tpu.memref_slice %arg2[%squeeze3A_359, %dma_start3A_366] : memref<1000000x64xf32, #tpu.memory_space<hbm>> -> memref<1x64xf32, #tpu.memory_space<hbm>>
      %dma_start3A_368 = arith.constant 0 : i32
      %dma_start3A_369 = tpu.memref_slice %arg22[%add3A_363, %dma_start3A_368] : memref<512x64xf32, #tpu.memory_space<vmem>> -> memref<1x64xf32, #tpu.memory_space<vmem>>
      %dma_start3A_370 = arith.constant 0 : i32
      %dma_start3A_371 = tpu.memref_slice %arg2[%squeeze3A_359, %dma_start3A_370] : memref<1000000x64xf32, #tpu.memory_space<hbm>> -> memref<1x64xf32, #tpu.memory_space<hbm>>
      tpu.enqueue_dma source(%dma_start3A_371 : memref<1x64xf32, #tpu.memory_space<hbm>>) target(%dma_start3A_369 : memref<1x64xf32, #tpu.memory_space<vmem>>) target_semaphore(%arg24 : memref<!tpu.dma_semaphore, #tpu.memory_space<semaphore_mem>>)
      %slice3A_372 = vector.extract_strided_slice %get3A_289 {offsets = [6], sizes = [1], strides = [1]} : vector<16xi32> to vector<1xi32>
      %squeeze3A_373 = vector.extract %slice3A_372[0] : i32 from vector<1xi32>
      %mul3A_374 = arith.constant 16 : i32
      %mul3A_375 = arith.muli %scan3A_285, %mul3A_374 : i32
      %add3A_376 = arith.constant 6 : i32
      %add3A_377 = arith.addi %mul3A_375, %add3A_376 : i32
      %dma_start3A_378 = arith.constant 0 : i32
      %dma_start3A_379 = tpu.memref_slice %arg22[%add3A_377, %dma_start3A_378] : memref<512x64xf32, #tpu.memory_space<vmem>> -> memref<1x64xf32, #tpu.memory_space<vmem>>
      %dma_start3A_380 = arith.constant 0 : i32
      %dma_start3A_381 = tpu.memref_slice %arg2[%squeeze3A_373, %dma_start3A_380] : memref<1000000x64xf32, #tpu.memory_space<hbm>> -> memref<1x64xf32, #tpu.memory_space<hbm>>
      %dma_start3A_382 = arith.constant 0 : i32
      %dma_start3A_383 = tpu.memref_slice %arg22[%add3A_377, %dma_start3A_382] : memref<512x64xf32, #tpu.memory_space<vmem>> -> memref<1x64xf32, #tpu.memory_space<vmem>>
      %dma_start3A_384 = arith.constant 0 : i32
      %dma_start3A_385 = tpu.memref_slice %arg2[%squeeze3A_373, %dma_start3A_384] : memref<1000000x64xf32, #tpu.memory_space<hbm>> -> memref<1x64xf32, #tpu.memory_space<hbm>>
      tpu.enqueue_dma source(%dma_start3A_385 : memref<1x64xf32, #tpu.memory_space<hbm>>) target(%dma_start3A_383 : memref<1x64xf32, #tpu.memory_space<vmem>>) target_semaphore(%arg24 : memref<!tpu.dma_semaphore, #tpu.memory_space<semaphore_mem>>)
      %slice3A_386 = vector.extract_strided_slice %get3A_289 {offsets = [7], sizes = [1], strides = [1]} : vector<16xi32> to vector<1xi32>
      %squeeze3A_387 = vector.extract %slice3A_386[0] : i32 from vector<1xi32>
      %mul3A_388 = arith.constant 16 : i32
      %mul3A_389 = arith.muli %scan3A_285, %mul3A_388 : i32
      %add3A_390 = arith.constant 7 : i32
      %add3A_391 = arith.addi %mul3A_389, %add3A_390 : i32
      %dma_start3A_392 = arith.constant 0 : i32
      %dma_start3A_393 = tpu.memref_slice %arg22[%add3A_391, %dma_start3A_392] : memref<512x64xf32, #tpu.memory_space<vmem>> -> memref<1x64xf32, #tpu.memory_space<vmem>>
      %dma_start3A_394 = arith.constant 0 : i32
      %dma_start3A_395 = tpu.memref_slice %arg2[%squeeze3A_387, %dma_start3A_394] : memref<1000000x64xf32, #tpu.memory_space<hbm>> -> memref<1x64xf32, #tpu.memory_space<hbm>>
      %dma_start3A_396 = arith.constant 0 : i32
      %dma_start3A_397 = tpu.memref_slice %arg22[%add3A_391, %dma_start3A_396] : memref<512x64xf32, #tpu.memory_space<vmem>> -> memref<1x64xf32, #tpu.memory_space<vmem>>
      %dma_start3A_398 = arith.constant 0 : i32
      %dma_start3A_399 = tpu.memref_slice %arg2[%squeeze3A_387, %dma_start3A_398] : memref<1000000x64xf32, #tpu.memory_space<hbm>> -> memref<1x64xf32, #tpu.memory_space<hbm>>
      tpu.enqueue_dma source(%dma_start3A_399 : memref<1x64xf32, #tpu.memory_space<hbm>>) target(%dma_start3A_397 : memref<1x64xf32, #tpu.memory_space<vmem>>) target_semaphore(%arg24 : memref<!tpu.dma_semaphore, #tpu.memory_space<semaphore_mem>>)
      %slice3A_400 = vector.extract_strided_slice %get3A_289 {offsets = [8], sizes = [1], strides = [1]} : vector<16xi32> to vector<1xi32>
      %squeeze3A_401 = vector.extract %slice3A_400[0] : i32 from vector<1xi32>
      %mul3A_402 = arith.constant 16 : i32
      %mul3A_403 = arith.muli %scan3A_285, %mul3A_402 : i32
      %add3A_404 = arith.constant 8 : i32
      %add3A_405 = arith.addi %mul3A_403, %add3A_404 : i32
      %dma_start3A_406 = arith.constant 0 : i32
      %dma_start3A_407 = tpu.memref_slice %arg22[%add3A_405, %dma_start3A_406] : memref<512x64xf32, #tpu.memory_space<vmem>> -> memref<1x64xf32, #tpu.memory_space<vmem>>
      %dma_start3A_408 = arith.constant 0 : i32
      %dma_start3A_409 = tpu.memref_slice %arg2[%squeeze3A_401, %dma_start3A_408] : memref<1000000x64xf32, #tpu.memory_space<hbm>> -> memref<1x64xf32, #tpu.memory_space<hbm>>
      %dma_start3A_410 = arith.constant 0 : i32
      %dma_start3A_411 = tpu.memref_slice %arg22[%add3A_405, %dma_start3A_410] : memref<512x64xf32, #tpu.memory_space<vmem>> -> memref<1x64xf32, #tpu.memory_space<vmem>>
      %dma_start3A_412 = arith.constant 0 : i32
      %dma_start3A_413 = tpu.memref_slice %arg2[%squeeze3A_401, %dma_start3A_412] : memref<1000000x64xf32, #tpu.memory_space<hbm>> -> memref<1x64xf32, #tpu.memory_space<hbm>>
      tpu.enqueue_dma source(%dma_start3A_413 : memref<1x64xf32, #tpu.memory_space<hbm>>) target(%dma_start3A_411 : memref<1x64xf32, #tpu.memory_space<vmem>>) target_semaphore(%arg24 : memref<!tpu.dma_semaphore, #tpu.memory_space<semaphore_mem>>)
      %slice3A_414 = vector.extract_strided_slice %get3A_289 {offsets = [9], sizes = [1], strides = [1]} : vector<16xi32> to vector<1xi32>
      %squeeze3A_415 = vector.extract %slice3A_414[0] : i32 from vector<1xi32>
      %mul3A_416 = arith.constant 16 : i32
      %mul3A_417 = arith.muli %scan3A_285, %mul3A_416 : i32
      %add3A_418 = arith.constant 9 : i32
      %add3A_419 = arith.addi %mul3A_417, %add3A_418 : i32
      %dma_start3A_420 = arith.constant 0 : i32
      %dma_start3A_421 = tpu.memref_slice %arg22[%add3A_419, %dma_start3A_420] : memref<512x64xf32, #tpu.memory_space<vmem>> -> memref<1x64xf32, #tpu.memory_space<vmem>>
      %dma_start3A_422 = arith.constant 0 : i32
      %dma_start3A_423 = tpu.memref_slice %arg2[%squeeze3A_415, %dma_start3A_422] : memref<1000000x64xf32, #tpu.memory_space<hbm>> -> memref<1x64xf32, #tpu.memory_space<hbm>>
      %dma_start3A_424 = arith.constant 0 : i32
      %dma_start3A_425 = tpu.memref_slice %arg22[%add3A_419, %dma_start3A_424] : memref<512x64xf32, #tpu.memory_space<vmem>> -> memref<1x64xf32, #tpu.memory_space<vmem>>
      %dma_start3A_426 = arith.constant 0 : i32
      %dma_start3A_427 = tpu.memref_slice %arg2[%squeeze3A_415, %dma_start3A_426] : memref<1000000x64xf32, #tpu.memory_space<hbm>> -> memref<1x64xf32, #tpu.memory_space<hbm>>
      tpu.enqueue_dma source(%dma_start3A_427 : memref<1x64xf32, #tpu.memory_space<hbm>>) target(%dma_start3A_425 : memref<1x64xf32, #tpu.memory_space<vmem>>) target_semaphore(%arg24 : memref<!tpu.dma_semaphore, #tpu.memory_space<semaphore_mem>>)
      %slice3A_428 = vector.extract_strided_slice %get3A_289 {offsets = [10], sizes = [1], strides = [1]} : vector<16xi32> to vector<1xi32>
      %squeeze3A_429 = vector.extract %slice3A_428[0] : i32 from vector<1xi32>
      %mul3A_430 = arith.constant 16 : i32
      %mul3A_431 = arith.muli %scan3A_285, %mul3A_430 : i32
      %add3A_432 = arith.constant 10 : i32
      %add3A_433 = arith.addi %mul3A_431, %add3A_432 : i32
      %dma_start3A_434 = arith.constant 0 : i32
      %dma_start3A_435 = tpu.memref_slice %arg22[%add3A_433, %dma_start3A_434] : memref<512x64xf32, #tpu.memory_space<vmem>> -> memref<1x64xf32, #tpu.memory_space<vmem>>
      %dma_start3A_436 = arith.constant 0 : i32
      %dma_start3A_437 = tpu.memref_slice %arg2[%squeeze3A_429, %dma_start3A_436] : memref<1000000x64xf32, #tpu.memory_space<hbm>> -> memref<1x64xf32, #tpu.memory_space<hbm>>
      %dma_start3A_438 = arith.constant 0 : i32
      %dma_start3A_439 = tpu.memref_slice %arg22[%add3A_433, %dma_start3A_438] : memref<512x64xf32, #tpu.memory_space<vmem>> -> memref<1x64xf32, #tpu.memory_space<vmem>>
      %dma_start3A_440 = arith.constant 0 : i32
      %dma_start3A_441 = tpu.memref_slice %arg2[%squeeze3A_429, %dma_start3A_440] : memref<1000000x64xf32, #tpu.memory_space<hbm>> -> memref<1x64xf32, #tpu.memory_space<hbm>>
      tpu.enqueue_dma source(%dma_start3A_441 : memref<1x64xf32, #tpu.memory_space<hbm>>) target(%dma_start3A_439 : memref<1x64xf32, #tpu.memory_space<vmem>>) target_semaphore(%arg24 : memref<!tpu.dma_semaphore, #tpu.memory_space<semaphore_mem>>)
      %slice3A_442 = vector.extract_strided_slice %get3A_289 {offsets = [11], sizes = [1], strides = [1]} : vector<16xi32> to vector<1xi32>
      %squeeze3A_443 = vector.extract %slice3A_442[0] : i32 from vector<1xi32>
      %mul3A_444 = arith.constant 16 : i32
      %mul3A_445 = arith.muli %scan3A_285, %mul3A_444 : i32
      %add3A_446 = arith.constant 11 : i32
      %add3A_447 = arith.addi %mul3A_445, %add3A_446 : i32
      %dma_start3A_448 = arith.constant 0 : i32
      %dma_start3A_449 = tpu.memref_slice %arg22[%add3A_447, %dma_start3A_448] : memref<512x64xf32, #tpu.memory_space<vmem>> -> memref<1x64xf32, #tpu.memory_space<vmem>>
      %dma_start3A_450 = arith.constant 0 : i32
      %dma_start3A_451 = tpu.memref_slice %arg2[%squeeze3A_443, %dma_start3A_450] : memref<1000000x64xf32, #tpu.memory_space<hbm>> -> memref<1x64xf32, #tpu.memory_space<hbm>>
      %dma_start3A_452 = arith.constant 0 : i32
      %dma_start3A_453 = tpu.memref_slice %arg22[%add3A_447, %dma_start3A_452] : memref<512x64xf32, #tpu.memory_space<vmem>> -> memref<1x64xf32, #tpu.memory_space<vmem>>
      %dma_start3A_454 = arith.constant 0 : i32
      %dma_start3A_455 = tpu.memref_slice %arg2[%squeeze3A_443, %dma_start3A_454] : memref<1000000x64xf32, #tpu.memory_space<hbm>> -> memref<1x64xf32, #tpu.memory_space<hbm>>
      tpu.enqueue_dma source(%dma_start3A_455 : memref<1x64xf32, #tpu.memory_space<hbm>>) target(%dma_start3A_453 : memref<1x64xf32, #tpu.memory_space<vmem>>) target_semaphore(%arg24 : memref<!tpu.dma_semaphore, #tpu.memory_space<semaphore_mem>>)
      %slice3A_456 = vector.extract_strided_slice %get3A_289 {offsets = [12], sizes = [1], strides = [1]} : vector<16xi32> to vector<1xi32>
      %squeeze3A_457 = vector.extract %slice3A_456[0] : i32 from vector<1xi32>
      %mul3A_458 = arith.constant 16 : i32
      %mul3A_459 = arith.muli %scan3A_285, %mul3A_458 : i32
      %add3A_460 = arith.constant 12 : i32
      %add3A_461 = arith.addi %mul3A_459, %add3A_460 : i32
      %dma_start3A_462 = arith.constant 0 : i32
      %dma_start3A_463 = tpu.memref_slice %arg22[%add3A_461, %dma_start3A_462] : memref<512x64xf32, #tpu.memory_space<vmem>> -> memref<1x64xf32, #tpu.memory_space<vmem>>
      %dma_start3A_464 = arith.constant 0 : i32
      %dma_start3A_465 = tpu.memref_slice %arg2[%squeeze3A_457, %dma_start3A_464] : memref<1000000x64xf32, #tpu.memory_space<hbm>> -> memref<1x64xf32, #tpu.memory_space<hbm>>
      %dma_start3A_466 = arith.constant 0 : i32
      %dma_start3A_467 = tpu.memref_slice %arg22[%add3A_461, %dma_start3A_466] : memref<512x64xf32, #tpu.memory_space<vmem>> -> memref<1x64xf32, #tpu.memory_space<vmem>>
      %dma_start3A_468 = arith.constant 0 : i32
      %dma_start3A_469 = tpu.memref_slice %arg2[%squeeze3A_457, %dma_start3A_468] : memref<1000000x64xf32, #tpu.memory_space<hbm>> -> memref<1x64xf32, #tpu.memory_space<hbm>>
      tpu.enqueue_dma source(%dma_start3A_469 : memref<1x64xf32, #tpu.memory_space<hbm>>) target(%dma_start3A_467 : memref<1x64xf32, #tpu.memory_space<vmem>>) target_semaphore(%arg24 : memref<!tpu.dma_semaphore, #tpu.memory_space<semaphore_mem>>)
      %slice3A_470 = vector.extract_strided_slice %get3A_289 {offsets = [13], sizes = [1], strides = [1]} : vector<16xi32> to vector<1xi32>
      %squeeze3A_471 = vector.extract %slice3A_470[0] : i32 from vector<1xi32>
      %mul3A_472 = arith.constant 16 : i32
      %mul3A_473 = arith.muli %scan3A_285, %mul3A_472 : i32
      %add3A_474 = arith.constant 13 : i32
      %add3A_475 = arith.addi %mul3A_473, %add3A_474 : i32
      %dma_start3A_476 = arith.constant 0 : i32
      %dma_start3A_477 = tpu.memref_slice %arg22[%add3A_475, %dma_start3A_476] : memref<512x64xf32, #tpu.memory_space<vmem>> -> memref<1x64xf32, #tpu.memory_space<vmem>>
      %dma_start3A_478 = arith.constant 0 : i32
      %dma_start3A_479 = tpu.memref_slice %arg2[%squeeze3A_471, %dma_start3A_478] : memref<1000000x64xf32, #tpu.memory_space<hbm>> -> memref<1x64xf32, #tpu.memory_space<hbm>>
      %dma_start3A_480 = arith.constant 0 : i32
      %dma_start3A_481 = tpu.memref_slice %arg22[%add3A_475, %dma_start3A_480] : memref<512x64xf32, #tpu.memory_space<vmem>> -> memref<1x64xf32, #tpu.memory_space<vmem>>
      %dma_start3A_482 = arith.constant 0 : i32
      %dma_start3A_483 = tpu.memref_slice %arg2[%squeeze3A_471, %dma_start3A_482] : memref<1000000x64xf32, #tpu.memory_space<hbm>> -> memref<1x64xf32, #tpu.memory_space<hbm>>
      tpu.enqueue_dma source(%dma_start3A_483 : memref<1x64xf32, #tpu.memory_space<hbm>>) target(%dma_start3A_481 : memref<1x64xf32, #tpu.memory_space<vmem>>) target_semaphore(%arg24 : memref<!tpu.dma_semaphore, #tpu.memory_space<semaphore_mem>>)
      %slice3A_484 = vector.extract_strided_slice %get3A_289 {offsets = [14], sizes = [1], strides = [1]} : vector<16xi32> to vector<1xi32>
      %squeeze3A_485 = vector.extract %slice3A_484[0] : i32 from vector<1xi32>
      %mul3A_486 = arith.constant 16 : i32
      %mul3A_487 = arith.muli %scan3A_285, %mul3A_486 : i32
      %add3A_488 = arith.constant 14 : i32
      %add3A_489 = arith.addi %mul3A_487, %add3A_488 : i32
      %dma_start3A_490 = arith.constant 0 : i32
      %dma_start3A_491 = tpu.memref_slice %arg22[%add3A_489, %dma_start3A_490] : memref<512x64xf32, #tpu.memory_space<vmem>> -> memref<1x64xf32, #tpu.memory_space<vmem>>
      %dma_start3A_492 = arith.constant 0 : i32
      %dma_start3A_493 = tpu.memref_slice %arg2[%squeeze3A_485, %dma_start3A_492] : memref<1000000x64xf32, #tpu.memory_space<hbm>> -> memref<1x64xf32, #tpu.memory_space<hbm>>
      %dma_start3A_494 = arith.constant 0 : i32
      %dma_start3A_495 = tpu.memref_slice %arg22[%add3A_489, %dma_start3A_494] : memref<512x64xf32, #tpu.memory_space<vmem>> -> memref<1x64xf32, #tpu.memory_space<vmem>>
      %dma_start3A_496 = arith.constant 0 : i32
      %dma_start3A_497 = tpu.memref_slice %arg2[%squeeze3A_485, %dma_start3A_496] : memref<1000000x64xf32, #tpu.memory_space<hbm>> -> memref<1x64xf32, #tpu.memory_space<hbm>>
      tpu.enqueue_dma source(%dma_start3A_497 : memref<1x64xf32, #tpu.memory_space<hbm>>) target(%dma_start3A_495 : memref<1x64xf32, #tpu.memory_space<vmem>>) target_semaphore(%arg24 : memref<!tpu.dma_semaphore, #tpu.memory_space<semaphore_mem>>)
      %slice3A_498 = vector.extract_strided_slice %get3A_289 {offsets = [15], sizes = [1], strides = [1]} : vector<16xi32> to vector<1xi32>
      %squeeze3A_499 = vector.extract %slice3A_498[0] : i32 from vector<1xi32>
      %mul3A_500 = arith.constant 16 : i32
      %mul3A_501 = arith.muli %scan3A_285, %mul3A_500 : i32
      %add3A_502 = arith.constant 15 : i32
      %add3A_503 = arith.addi %mul3A_501, %add3A_502 : i32
      %dma_start3A_504 = arith.constant 0 : i32
      %dma_start3A_505 = tpu.memref_slice %arg22[%add3A_503, %dma_start3A_504] : memref<512x64xf32, #tpu.memory_space<vmem>> -> memref<1x64xf32, #tpu.memory_space<vmem>>
      %dma_start3A_506 = arith.constant 0 : i32
      %dma_start3A_507 = tpu.memref_slice %arg2[%squeeze3A_499, %dma_start3A_506] : memref<1000000x64xf32, #tpu.memory_space<hbm>> -> memref<1x64xf32, #tpu.memory_space<hbm>>
      %dma_start3A_508 = arith.constant 0 : i32
      %dma_start3A_509 = tpu.memref_slice %arg22[%add3A_503, %dma_start3A_508] : memref<512x64xf32, #tpu.memory_space<vmem>> -> memref<1x64xf32, #tpu.memory_space<vmem>>
      %dma_start3A_510 = arith.constant 0 : i32
      %dma_start3A_511 = tpu.memref_slice %arg2[%squeeze3A_499, %dma_start3A_510] : memref<1000000x64xf32, #tpu.memory_space<hbm>> -> memref<1x64xf32, #tpu.memory_space<hbm>>
      tpu.enqueue_dma source(%dma_start3A_511 : memref<1x64xf32, #tpu.memory_space<hbm>>) target(%dma_start3A_509 : memref<1x64xf32, #tpu.memory_space<vmem>>) target_semaphore(%arg24 : memref<!tpu.dma_semaphore, #tpu.memory_space<semaphore_mem>>)
      %dma_wait3A_512 = arith.constant 0 : i32
      %dma_wait3A_513 = tpu.memref_slice %arg22[%add3A_293, %dma_wait3A_512] : memref<512x64xf32, #tpu.memory_space<vmem>> -> memref<1x64xf32, #tpu.memory_space<vmem>>
      %dma_wait3A_514 = arith.constant 0 : i32
      %dma_wait3A_515 = tpu.memref_slice %arg2[%squeeze3A, %dma_wait3A_514] : memref<1000000x64xf32, #tpu.memory_space<hbm>> -> memref<1x64xf32, #tpu.memory_space<hbm>>
      %dma_wait3A_516 = arith.constant 0 : i32
      %dma_wait3A_517 = tpu.memref_slice %arg22[%add3A_293, %dma_wait3A_516] : memref<512x64xf32, #tpu.memory_space<vmem>> -> memref<1x64xf32, #tpu.memory_space<vmem>>
      %dma_wait3A_518 = arith.constant 0 : i32
      %dma_wait3A_519 = tpu.memref_slice %arg2[%squeeze3A, %dma_wait3A_518] : memref<1000000x64xf32, #tpu.memory_space<hbm>> -> memref<1x64xf32, #tpu.memory_space<hbm>>
      tpu.wait_dma2 semaphore(%arg24 : memref<!tpu.dma_semaphore, #tpu.memory_space<semaphore_mem>>) src(%dma_wait3A_519 : memref<1x64xf32, #tpu.memory_space<hbm>>) dst(%dma_wait3A_517 : memref<1x64xf32, #tpu.memory_space<vmem>>)
      %dma_wait3A_520 = arith.constant 0 : i32
      %dma_wait3A_521 = tpu.memref_slice %arg22[%add3A_307, %dma_wait3A_520] : memref<512x64xf32, #tpu.memory_space<vmem>> -> memref<1x64xf32, #tpu.memory_space<vmem>>
      %dma_wait3A_522 = arith.constant 0 : i32
      %dma_wait3A_523 = tpu.memref_slice %arg2[%squeeze3A_303, %dma_wait3A_522] : memref<1000000x64xf32, #tpu.memory_space<hbm>> -> memref<1x64xf32, #tpu.memory_space<hbm>>
      %dma_wait3A_524 = arith.constant 0 : i32
      %dma_wait3A_525 = tpu.memref_slice %arg22[%add3A_307, %dma_wait3A_524] : memref<512x64xf32, #tpu.memory_space<vmem>> -> memref<1x64xf32, #tpu.memory_space<vmem>>
      %dma_wait3A_526 = arith.constant 0 : i32
      %dma_wait3A_527 = tpu.memref_slice %arg2[%squeeze3A_303, %dma_wait3A_526] : memref<1000000x64xf32, #tpu.memory_space<hbm>> -> memref<1x64xf32, #tpu.memory_space<hbm>>
      tpu.wait_dma2 semaphore(%arg24 : memref<!tpu.dma_semaphore, #tpu.memory_space<semaphore_mem>>) src(%dma_wait3A_527 : memref<1x64xf32, #tpu.memory_space<hbm>>) dst(%dma_wait3A_525 : memref<1x64xf32, #tpu.memory_space<vmem>>)
      %dma_wait3A_528 = arith.constant 0 : i32
      %dma_wait3A_529 = tpu.memref_slice %arg22[%add3A_321, %dma_wait3A_528] : memref<512x64xf32, #tpu.memory_space<vmem>> -> memref<1x64xf32, #tpu.memory_space<vmem>>
      %dma_wait3A_530 = arith.constant 0 : i32
      %dma_wait3A_531 = tpu.memref_slice %arg2[%squeeze3A_317, %dma_wait3A_530] : memref<1000000x64xf32, #tpu.memory_space<hbm>> -> memref<1x64xf32, #tpu.memory_space<hbm>>
      %dma_wait3A_532 = arith.constant 0 : i32
      %dma_wait3A_533 = tpu.memref_slice %arg22[%add3A_321, %dma_wait3A_532] : memref<512x64xf32, #tpu.memory_space<vmem>> -> memref<1x64xf32, #tpu.memory_space<vmem>>
      %dma_wait3A_534 = arith.constant 0 : i32
      %dma_wait3A_535 = tpu.memref_slice %arg2[%squeeze3A_317, %dma_wait3A_534] : memref<1000000x64xf32, #tpu.memory_space<hbm>> -> memref<1x64xf32, #tpu.memory_space<hbm>>
      tpu.wait_dma2 semaphore(%arg24 : memref<!tpu.dma_semaphore, #tpu.memory_space<semaphore_mem>>) src(%dma_wait3A_535 : memref<1x64xf32, #tpu.memory_space<hbm>>) dst(%dma_wait3A_533 : memref<1x64xf32, #tpu.memory_space<vmem>>)
      %dma_wait3A_536 = arith.constant 0 : i32
      %dma_wait3A_537 = tpu.memref_slice %arg22[%add3A_335, %dma_wait3A_536] : memref<512x64xf32, #tpu.memory_space<vmem>> -> memref<1x64xf32, #tpu.memory_space<vmem>>
      %dma_wait3A_538 = arith.constant 0 : i32
      %dma_wait3A_539 = tpu.memref_slice %arg2[%squeeze3A_331, %dma_wait3A_538] : memref<1000000x64xf32, #tpu.memory_space<hbm>> -> memref<1x64xf32, #tpu.memory_space<hbm>>
      %dma_wait3A_540 = arith.constant 0 : i32
      %dma_wait3A_541 = tpu.memref_slice %arg22[%add3A_335, %dma_wait3A_540] : memref<512x64xf32, #tpu.memory_space<vmem>> -> memref<1x64xf32, #tpu.memory_space<vmem>>
      %dma_wait3A_542 = arith.constant 0 : i32
      %dma_wait3A_543 = tpu.memref_slice %arg2[%squeeze3A_331, %dma_wait3A_542] : memref<1000000x64xf32, #tpu.memory_space<hbm>> -> memref<1x64xf32, #tpu.memory_space<hbm>>
      tpu.wait_dma2 semaphore(%arg24 : memref<!tpu.dma_semaphore, #tpu.memory_space<semaphore_mem>>) src(%dma_wait3A_543 : memref<1x64xf32, #tpu.memory_space<hbm>>) dst(%dma_wait3A_541 : memref<1x64xf32, #tpu.memory_space<vmem>>)
      %dma_wait3A_544 = arith.constant 0 : i32
      %dma_wait3A_545 = tpu.memref_slice %arg22[%add3A_349, %dma_wait3A_544] : memref<512x64xf32, #tpu.memory_space<vmem>> -> memref<1x64xf32, #tpu.memory_space<vmem>>
      %dma_wait3A_546 = arith.constant 0 : i32
      %dma_wait3A_547 = tpu.memref_slice %arg2[%squeeze3A_345, %dma_wait3A_546] : memref<1000000x64xf32, #tpu.memory_space<hbm>> -> memref<1x64xf32, #tpu.memory_space<hbm>>
      %dma_wait3A_548 = arith.constant 0 : i32
      %dma_wait3A_549 = tpu.memref_slice %arg22[%add3A_349, %dma_wait3A_548] : memref<512x64xf32, #tpu.memory_space<vmem>> -> memref<1x64xf32, #tpu.memory_space<vmem>>
      %dma_wait3A_550 = arith.constant 0 : i32
      %dma_wait3A_551 = tpu.memref_slice %arg2[%squeeze3A_345, %dma_wait3A_550] : memref<1000000x64xf32, #tpu.memory_space<hbm>> -> memref<1x64xf32, #tpu.memory_space<hbm>>
      tpu.wait_dma2 semaphore(%arg24 : memref<!tpu.dma_semaphore, #tpu.memory_space<semaphore_mem>>) src(%dma_wait3A_551 : memref<1x64xf32, #tpu.memory_space<hbm>>) dst(%dma_wait3A_549 : memref<1x64xf32, #tpu.memory_space<vmem>>)
      %dma_wait3A_552 = arith.constant 0 : i32
      %dma_wait3A_553 = tpu.memref_slice %arg22[%add3A_363, %dma_wait3A_552] : memref<512x64xf32, #tpu.memory_space<vmem>> -> memref<1x64xf32, #tpu.memory_space<vmem>>
      %dma_wait3A_554 = arith.constant 0 : i32
      %dma_wait3A_555 = tpu.memref_slice %arg2[%squeeze3A_359, %dma_wait3A_554] : memref<1000000x64xf32, #tpu.memory_space<hbm>> -> memref<1x64xf32, #tpu.memory_space<hbm>>
      %dma_wait3A_556 = arith.constant 0 : i32
      %dma_wait3A_557 = tpu.memref_slice %arg22[%add3A_363, %dma_wait3A_556] : memref<512x64xf32, #tpu.memory_space<vmem>> -> memref<1x64xf32, #tpu.memory_space<vmem>>
      %dma_wait3A_558 = arith.constant 0 : i32
      %dma_wait3A_559 = tpu.memref_slice %arg2[%squeeze3A_359, %dma_wait3A_558] : memref<1000000x64xf32, #tpu.memory_space<hbm>> -> memref<1x64xf32, #tpu.memory_space<hbm>>
      tpu.wait_dma2 semaphore(%arg24 : memref<!tpu.dma_semaphore, #tpu.memory_space<semaphore_mem>>) src(%dma_wait3A_559 : memref<1x64xf32, #tpu.memory_space<hbm>>) dst(%dma_wait3A_557 : memref<1x64xf32, #tpu.memory_space<vmem>>)
      %dma_wait3A_560 = arith.constant 0 : i32
      %dma_wait3A_561 = tpu.memref_slice %arg22[%add3A_377, %dma_wait3A_560] : memref<512x64xf32, #tpu.memory_space<vmem>> -> memref<1x64xf32, #tpu.memory_space<vmem>>
      %dma_wait3A_562 = arith.constant 0 : i32
      %dma_wait3A_563 = tpu.memref_slice %arg2[%squeeze3A_373, %dma_wait3A_562] : memref<1000000x64xf32, #tpu.memory_space<hbm>> -> memref<1x64xf32, #tpu.memory_space<hbm>>
      %dma_wait3A_564 = arith.constant 0 : i32
      %dma_wait3A_565 = tpu.memref_slice %arg22[%add3A_377, %dma_wait3A_564] : memref<512x64xf32, #tpu.memory_space<vmem>> -> memref<1x64xf32, #tpu.memory_space<vmem>>
      %dma_wait3A_566 = arith.constant 0 : i32
      %dma_wait3A_567 = tpu.memref_slice %arg2[%squeeze3A_373, %dma_wait3A_566] : memref<1000000x64xf32, #tpu.memory_space<hbm>> -> memref<1x64xf32, #tpu.memory_space<hbm>>
      tpu.wait_dma2 semaphore(%arg24 : memref<!tpu.dma_semaphore, #tpu.memory_space<semaphore_mem>>) src(%dma_wait3A_567 : memref<1x64xf32, #tpu.memory_space<hbm>>) dst(%dma_wait3A_565 : memref<1x64xf32, #tpu.memory_space<vmem>>)
      %dma_wait3A_568 = arith.constant 0 : i32
      %dma_wait3A_569 = tpu.memref_slice %arg22[%add3A_391, %dma_wait3A_568] : memref<512x64xf32, #tpu.memory_space<vmem>> -> memref<1x64xf32, #tpu.memory_space<vmem>>
      %dma_wait3A_570 = arith.constant 0 : i32
      %dma_wait3A_571 = tpu.memref_slice %arg2[%squeeze3A_387, %dma_wait3A_570] : memref<1000000x64xf32, #tpu.memory_space<hbm>> -> memref<1x64xf32, #tpu.memory_space<hbm>>
      %dma_wait3A_572 = arith.constant 0 : i32
      %dma_wait3A_573 = tpu.memref_slice %arg22[%add3A_391, %dma_wait3A_572] : memref<512x64xf32, #tpu.memory_space<vmem>> -> memref<1x64xf32, #tpu.memory_space<vmem>>
      %dma_wait3A_574 = arith.constant 0 : i32
      %dma_wait3A_575 = tpu.memref_slice %arg2[%squeeze3A_387, %dma_wait3A_574] : memref<1000000x64xf32, #tpu.memory_space<hbm>> -> memref<1x64xf32, #tpu.memory_space<hbm>>
      tpu.wait_dma2 semaphore(%arg24 : memref<!tpu.dma_semaphore, #tpu.memory_space<semaphore_mem>>) src(%dma_wait3A_575 : memref<1x64xf32, #tpu.memory_space<hbm>>) dst(%dma_wait3A_573 : memref<1x64xf32, #tpu.memory_space<vmem>>)
      %dma_wait3A_576 = arith.constant 0 : i32
      %dma_wait3A_577 = tpu.memref_slice %arg22[%add3A_405, %dma_wait3A_576] : memref<512x64xf32, #tpu.memory_space<vmem>> -> memref<1x64xf32, #tpu.memory_space<vmem>>
      %dma_wait3A_578 = arith.constant 0 : i32
      %dma_wait3A_579 = tpu.memref_slice %arg2[%squeeze3A_401, %dma_wait3A_578] : memref<1000000x64xf32, #tpu.memory_space<hbm>> -> memref<1x64xf32, #tpu.memory_space<hbm>>
      %dma_wait3A_580 = arith.constant 0 : i32
      %dma_wait3A_581 = tpu.memref_slice %arg22[%add3A_405, %dma_wait3A_580] : memref<512x64xf32, #tpu.memory_space<vmem>> -> memref<1x64xf32, #tpu.memory_space<vmem>>
      %dma_wait3A_582 = arith.constant 0 : i32
      %dma_wait3A_583 = tpu.memref_slice %arg2[%squeeze3A_401, %dma_wait3A_582] : memref<1000000x64xf32, #tpu.memory_space<hbm>> -> memref<1x64xf32, #tpu.memory_space<hbm>>
      tpu.wait_dma2 semaphore(%arg24 : memref<!tpu.dma_semaphore, #tpu.memory_space<semaphore_mem>>) src(%dma_wait3A_583 : memref<1x64xf32, #tpu.memory_space<hbm>>) dst(%dma_wait3A_581 : memref<1x64xf32, #tpu.memory_space<vmem>>)
      %dma_wait3A_584 = arith.constant 0 : i32
      %dma_wait3A_585 = tpu.memref_slice %arg22[%add3A_419, %dma_wait3A_584] : memref<512x64xf32, #tpu.memory_space<vmem>> -> memref<1x64xf32, #tpu.memory_space<vmem>>
      %dma_wait3A_586 = arith.constant 0 : i32
      %dma_wait3A_587 = tpu.memref_slice %arg2[%squeeze3A_415, %dma_wait3A_586] : memref<1000000x64xf32, #tpu.memory_space<hbm>> -> memref<1x64xf32, #tpu.memory_space<hbm>>
      %dma_wait3A_588 = arith.constant 0 : i32
      %dma_wait3A_589 = tpu.memref_slice %arg22[%add3A_419, %dma_wait3A_588] : memref<512x64xf32, #tpu.memory_space<vmem>> -> memref<1x64xf32, #tpu.memory_space<vmem>>
      %dma_wait3A_590 = arith.constant 0 : i32
      %dma_wait3A_591 = tpu.memref_slice %arg2[%squeeze3A_415, %dma_wait3A_590] : memref<1000000x64xf32, #tpu.memory_space<hbm>> -> memref<1x64xf32, #tpu.memory_space<hbm>>
      tpu.wait_dma2 semaphore(%arg24 : memref<!tpu.dma_semaphore, #tpu.memory_space<semaphore_mem>>) src(%dma_wait3A_591 : memref<1x64xf32, #tpu.memory_space<hbm>>) dst(%dma_wait3A_589 : memref<1x64xf32, #tpu.memory_space<vmem>>)
      %dma_wait3A_592 = arith.constant 0 : i32
      %dma_wait3A_593 = tpu.memref_slice %arg22[%add3A_433, %dma_wait3A_592] : memref<512x64xf32, #tpu.memory_space<vmem>> -> memref<1x64xf32, #tpu.memory_space<vmem>>
      %dma_wait3A_594 = arith.constant 0 : i32
      %dma_wait3A_595 = tpu.memref_slice %arg2[%squeeze3A_429, %dma_wait3A_594] : memref<1000000x64xf32, #tpu.memory_space<hbm>> -> memref<1x64xf32, #tpu.memory_space<hbm>>
      %dma_wait3A_596 = arith.constant 0 : i32
      %dma_wait3A_597 = tpu.memref_slice %arg22[%add3A_433, %dma_wait3A_596] : memref<512x64xf32, #tpu.memory_space<vmem>> -> memref<1x64xf32, #tpu.memory_space<vmem>>
      %dma_wait3A_598 = arith.constant 0 : i32
      %dma_wait3A_599 = tpu.memref_slice %arg2[%squeeze3A_429, %dma_wait3A_598] : memref<1000000x64xf32, #tpu.memory_space<hbm>> -> memref<1x64xf32, #tpu.memory_space<hbm>>
      tpu.wait_dma2 semaphore(%arg24 : memref<!tpu.dma_semaphore, #tpu.memory_space<semaphore_mem>>) src(%dma_wait3A_599 : memref<1x64xf32, #tpu.memory_space<hbm>>) dst(%dma_wait3A_597 : memref<1x64xf32, #tpu.memory_space<vmem>>)
      %dma_wait3A_600 = arith.constant 0 : i32
      %dma_wait3A_601 = tpu.memref_slice %arg22[%add3A_447, %dma_wait3A_600] : memref<512x64xf32, #tpu.memory_space<vmem>> -> memref<1x64xf32, #tpu.memory_space<vmem>>
      %dma_wait3A_602 = arith.constant 0 : i32
      %dma_wait3A_603 = tpu.memref_slice %arg2[%squeeze3A_443, %dma_wait3A_602] : memref<1000000x64xf32, #tpu.memory_space<hbm>> -> memref<1x64xf32, #tpu.memory_space<hbm>>
      %dma_wait3A_604 = arith.constant 0 : i32
      %dma_wait3A_605 = tpu.memref_slice %arg22[%add3A_447, %dma_wait3A_604] : memref<512x64xf32, #tpu.memory_space<vmem>> -> memref<1x64xf32, #tpu.memory_space<vmem>>
      %dma_wait3A_606 = arith.constant 0 : i32
      %dma_wait3A_607 = tpu.memref_slice %arg2[%squeeze3A_443, %dma_wait3A_606] : memref<1000000x64xf32, #tpu.memory_space<hbm>> -> memref<1x64xf32, #tpu.memory_space<hbm>>
      tpu.wait_dma2 semaphore(%arg24 : memref<!tpu.dma_semaphore, #tpu.memory_space<semaphore_mem>>) src(%dma_wait3A_607 : memref<1x64xf32, #tpu.memory_space<hbm>>) dst(%dma_wait3A_605 : memref<1x64xf32, #tpu.memory_space<vmem>>)
      %dma_wait3A_608 = arith.constant 0 : i32
      %dma_wait3A_609 = tpu.memref_slice %arg22[%add3A_461, %dma_wait3A_608] : memref<512x64xf32, #tpu.memory_space<vmem>> -> memref<1x64xf32, #tpu.memory_space<vmem>>
      %dma_wait3A_610 = arith.constant 0 : i32
      %dma_wait3A_611 = tpu.memref_slice %arg2[%squeeze3A_457, %dma_wait3A_610] : memref<1000000x64xf32, #tpu.memory_space<hbm>> -> memref<1x64xf32, #tpu.memory_space<hbm>>
      %dma_wait3A_612 = arith.constant 0 : i32
      %dma_wait3A_613 = tpu.memref_slice %arg22[%add3A_461, %dma_wait3A_612] : memref<512x64xf32, #tpu.memory_space<vmem>> -> memref<1x64xf32, #tpu.memory_space<vmem>>
      %dma_wait3A_614 = arith.constant 0 : i32
      %dma_wait3A_615 = tpu.memref_slice %arg2[%squeeze3A_457, %dma_wait3A_614] : memref<1000000x64xf32, #tpu.memory_space<hbm>> -> memref<1x64xf32, #tpu.memory_space<hbm>>
      tpu.wait_dma2 semaphore(%arg24 : memref<!tpu.dma_semaphore, #tpu.memory_space<semaphore_mem>>) src(%dma_wait3A_615 : memref<1x64xf32, #tpu.memory_space<hbm>>) dst(%dma_wait3A_613 : memref<1x64xf32, #tpu.memory_space<vmem>>)
      %dma_wait3A_616 = arith.constant 0 : i32
      %dma_wait3A_617 = tpu.memref_slice %arg22[%add3A_475, %dma_wait3A_616] : memref<512x64xf32, #tpu.memory_space<vmem>> -> memref<1x64xf32, #tpu.memory_space<vmem>>
      %dma_wait3A_618 = arith.constant 0 : i32
      %dma_wait3A_619 = tpu.memref_slice %arg2[%squeeze3A_471, %dma_wait3A_618] : memref<1000000x64xf32, #tpu.memory_space<hbm>> -> memref<1x64xf32, #tpu.memory_space<hbm>>
      %dma_wait3A_620 = arith.constant 0 : i32
      %dma_wait3A_621 = tpu.memref_slice %arg22[%add3A_475, %dma_wait3A_620] : memref<512x64xf32, #tpu.memory_space<vmem>> -> memref<1x64xf32, #tpu.memory_space<vmem>>
      %dma_wait3A_622 = arith.constant 0 : i32
      %dma_wait3A_623 = tpu.memref_slice %arg2[%squeeze3A_471, %dma_wait3A_622] : memref<1000000x64xf32, #tpu.memory_space<hbm>> -> memref<1x64xf32, #tpu.memory_space<hbm>>
      tpu.wait_dma2 semaphore(%arg24 : memref<!tpu.dma_semaphore, #tpu.memory_space<semaphore_mem>>) src(%dma_wait3A_623 : memref<1x64xf32, #tpu.memory_space<hbm>>) dst(%dma_wait3A_621 : memref<1x64xf32, #tpu.memory_space<vmem>>)
      %dma_wait3A_624 = arith.constant 0 : i32
      %dma_wait3A_625 = tpu.memref_slice %arg22[%add3A_489, %dma_wait3A_624] : memref<512x64xf32, #tpu.memory_space<vmem>> -> memref<1x64xf32, #tpu.memory_space<vmem>>
      %dma_wait3A_626 = arith.constant 0 : i32
      %dma_wait3A_627 = tpu.memref_slice %arg2[%squeeze3A_485, %dma_wait3A_626] : memref<1000000x64xf32, #tpu.memory_space<hbm>> -> memref<1x64xf32, #tpu.memory_space<hbm>>
      %dma_wait3A_628 = arith.constant 0 : i32
      %dma_wait3A_629 = tpu.memref_slice %arg22[%add3A_489, %dma_wait3A_628] : memref<512x64xf32, #tpu.memory_space<vmem>> -> memref<1x64xf32, #tpu.memory_space<vmem>>
      %dma_wait3A_630 = arith.constant 0 : i32
      %dma_wait3A_631 = tpu.memref_slice %arg2[%squeeze3A_485, %dma_wait3A_630] : memref<1000000x64xf32, #tpu.memory_space<hbm>> -> memref<1x64xf32, #tpu.memory_space<hbm>>
      tpu.wait_dma2 semaphore(%arg24 : memref<!tpu.dma_semaphore, #tpu.memory_space<semaphore_mem>>) src(%dma_wait3A_631 : memref<1x64xf32, #tpu.memory_space<hbm>>) dst(%dma_wait3A_629 : memref<1x64xf32, #tpu.memory_space<vmem>>)
      %dma_wait3A_632 = arith.constant 0 : i32
      %dma_wait3A_633 = tpu.memref_slice %arg22[%add3A_503, %dma_wait3A_632] : memref<512x64xf32, #tpu.memory_space<vmem>> -> memref<1x64xf32, #tpu.memory_space<vmem>>
      %dma_wait3A_634 = arith.constant 0 : i32
      %dma_wait3A_635 = tpu.memref_slice %arg2[%squeeze3A_499, %dma_wait3A_634] : memref<1000000x64xf32, #tpu.memory_space<hbm>> -> memref<1x64xf32, #tpu.memory_space<hbm>>
      %dma_wait3A_636 = arith.constant 0 : i32
      %dma_wait3A_637 = tpu.memref_slice %arg22[%add3A_503, %dma_wait3A_636] : memref<512x64xf32, #tpu.memory_space<vmem>> -> memref<1x64xf32, #tpu.memory_space<vmem>>
      %dma_wait3A_638 = arith.constant 0 : i32
      %dma_wait3A_639 = tpu.memref_slice %arg2[%squeeze3A_499, %dma_wait3A_638] : memref<1000000x64xf32, #tpu.memory_space<hbm>> -> memref<1x64xf32, #tpu.memory_space<hbm>>
      tpu.wait_dma2 semaphore(%arg24 : memref<!tpu.dma_semaphore, #tpu.memory_space<semaphore_mem>>) src(%dma_wait3A_639 : memref<1x64xf32, #tpu.memory_space<hbm>>) dst(%dma_wait3A_637 : memref<1x64xf32, #tpu.memory_space<vmem>>)
    }
    %scan3A_264 = arith.constant 32 : i32
    %broadcast_in_dim3A_265 = arith.constant 0 : i32
    %broadcast_in_dim3A_266 = vector.broadcast %broadcast_in_dim3A_265 : i32 to vector<16xi32>
    %swap3A_267 = arith.constant 0 : index
    %swap3A_268 = tpu.vector_load %arg20[%swap3A_267] {strides = array<i32>} : memref<16xi32, #tpu.memory_space<vmem>>, vector<16xi32>,
    %swap3A_269 = vector.shape_cast %swap3A_268 : vector<16xi32> to vector<16xi32>
    %swap3A_270 = vector.shape_cast %broadcast_in_dim3A_266 : vector<16xi32> to vector<16xi32>
    tpu.vector_store %arg20[%swap3A_267], %swap3A_270 {strides = array<i32>} : memref<16xi32, #tpu.memory_space<vmem>>, vector<16xi32>,
    %scan3A_271 = arith.constant 0 : i32
    %scan3A_272 = arith.constant 0 : i32
    %scan3A_273 = arith.constant 8 : i32
    %scan3A_274 = arith.addi %scan3A_272, %scan3A_273 : i32
    %scan3A_275 = arith.constant 1 : i32
    scf.for %scan3A_285 = %scan3A_272 to %scan3A_274 step %scan3A_275  : i32 {
      %get3A = arith.constant 0 : index
      %get3A_286 = tpu.vector_load %arg20[%get3A] {strides = array<i32>} : memref<16xi32, #tpu.memory_space<vmem>>, vector<16xi32>,
      %get3A_287 = vector.shape_cast %get3A_286 : vector<16xi32> to vector<16xi32>
      %slice3A = vector.extract_strided_slice %get3A_287 {offsets = [0], sizes = [1], strides = [1]} : vector<16xi32> to vector<1xi32>
      %squeeze3A = vector.extract %slice3A[0] : i32 from vector<1xi32>
      %eq3A = arith.constant 0 : i32
      %eq3A_288 = arith.cmpi eq, %squeeze3A, %eq3A : i32
      %convert_element_type3A = arith.extui %eq3A_288 : i1 to i32
      %cond3A = arith.constant 0 : i32
      %cond3A_289 = arith.cmpi ne, %convert_element_type3A, %cond3A : i32
      scf.if %cond3A_289 {
        %dma_start3A_290 = arith.constant 0 : i32
        %dma_start3A_291 = arith.constant 0 : i32
        %dma_start3A_292 = tpu.memref_slice %arg17[%dma_start3A_291] : memref<512xi32, #tpu.memory_space<vmem>> -> memref<128xi32, #tpu.memory_space<vmem>>
        %dma_start3A_293 = arith.constant 0 : i32
        %dma_start3A_294 = tpu.memref_slice %arg15[%dma_start3A_290, %dma_start3A_293] : memref<4x128xi32, #tpu.memory_space<vmem>> -> memref<1x128xi32, #tpu.memory_space<vmem>>
        %dma_start3A_295 = tpu.memref_squeeze %dma_start3A_294 : memref<1x128xi32, #tpu.memory_space<vmem>> -> memref<128xi32, #tpu.memory_space<vmem>>
        %dma_start3A_296 = arith.constant 0 : i32
        %dma_start3A_297 = tpu.memref_slice %arg7[%dma_start3A_296] : memref<2032768xi32, #tpu.memory_space<hbm>> -> memref<2032768xi32, #tpu.memory_space<hbm>>
        tpu.enqueue_indirect_dma source(%dma_start3A_297 : memref<2032768xi32, #tpu.memory_space<hbm>>) target(%dma_start3A_292 : memref<128xi32, #tpu.memory_space<vmem>>) offsets(%dma_start3A_295 : memref<128xi32, #tpu.memory_space<vmem>>) semaphore(%arg23 : memref<!tpu.dma_semaphore, #tpu.memory_space<semaphore_mem>>)
        %dma_start3A_298 = arith.constant 1 : i32
        %dma_start3A_299 = arith.constant 128 : i32
        %dma_start3A_300 = tpu.memref_slice %arg17[%dma_start3A_299] : memref<512xi32, #tpu.memory_space<vmem>> -> memref<128xi32, #tpu.memory_space<vmem>>
        %dma_start3A_301 = arith.constant 0 : i32
        %dma_start3A_302 = tpu.memref_slice %arg15[%dma_start3A_298, %dma_start3A_301] : memref<4x128xi32, #tpu.memory_space<vmem>> -> memref<1x128xi32, #tpu.memory_space<vmem>>
        %dma_start3A_303 = tpu.memref_squeeze %dma_start3A_302 : memref<1x128xi32, #tpu.memory_space<vmem>> -> memref<128xi32, #tpu.memory_space<vmem>>
        %dma_start3A_304 = arith.constant 0 : i32
        %dma_start3A_305 = tpu.memref_slice %arg7[%dma_start3A_304] : memref<2032768xi32, #tpu.memory_space<hbm>> -> memref<2032768xi32, #tpu.memory_space<hbm>>
        tpu.enqueue_indirect_dma source(%dma_start3A_305 : memref<2032768xi32, #tpu.memory_space<hbm>>) target(%dma_start3A_300 : memref<128xi32, #tpu.memory_space<vmem>>) offsets(%dma_start3A_303 : memref<128xi32, #tpu.memory_space<vmem>>) semaphore(%arg23 : memref<!tpu.dma_semaphore, #tpu.memory_space<semaphore_mem>>)
        %dma_start3A_306 = arith.constant 2 : i32
        %dma_start3A_307 = arith.constant 256 : i32
        %dma_start3A_308 = tpu.memref_slice %arg17[%dma_start3A_307] : memref<512xi32, #tpu.memory_space<vmem>> -> memref<128xi32, #tpu.memory_space<vmem>>
        %dma_start3A_309 = arith.constant 0 : i32
        %dma_start3A_310 = tpu.memref_slice %arg15[%dma_start3A_306, %dma_start3A_309] : memref<4x128xi32, #tpu.memory_space<vmem>> -> memref<1x128xi32, #tpu.memory_space<vmem>>
        %dma_start3A_311 = tpu.memref_squeeze %dma_start3A_310 : memref<1x128xi32, #tpu.memory_space<vmem>> -> memref<128xi32, #tpu.memory_space<vmem>>
        %dma_start3A_312 = arith.constant 0 : i32
        %dma_start3A_313 = tpu.memref_slice %arg7[%dma_start3A_312] : memref<2032768xi32, #tpu.memory_space<hbm>> -> memref<2032768xi32, #tpu.memory_space<hbm>>
        tpu.enqueue_indirect_dma source(%dma_start3A_313 : memref<2032768xi32, #tpu.memory_space<hbm>>) target(%dma_start3A_308 : memref<128xi32, #tpu.memory_space<vmem>>) offsets(%dma_start3A_311 : memref<128xi32, #tpu.memory_space<vmem>>) semaphore(%arg23 : memref<!tpu.dma_semaphore, #tpu.memory_space<semaphore_mem>>)
        %dma_start3A_314 = arith.constant 3 : i32
        %dma_start3A_315 = arith.constant 384 : i32
        %dma_start3A_316 = tpu.memref_slice %arg17[%dma_start3A_315] : memref<512xi32, #tpu.memory_space<vmem>> -> memref<128xi32, #tpu.memory_space<vmem>>
        %dma_start3A_317 = arith.constant 0 : i32
        %dma_start3A_318 = tpu.memref_slice %arg15[%dma_start3A_314, %dma_start3A_317] : memref<4x128xi32, #tpu.memory_space<vmem>> -> memref<1x128xi32, #tpu.memory_space<vmem>>
        %dma_start3A_319 = tpu.memref_squeeze %dma_start3A_318 : memref<1x128xi32, #tpu.memory_space<vmem>> -> memref<128xi32, #tpu.memory_space<vmem>>
        %dma_start3A_320 = arith.constant 0 : i32
        %dma_start3A_321 = tpu.memref_slice %arg7[%dma_start3A_320] : memref<2032768xi32, #tpu.memory_space<hbm>> -> memref<2032768xi32, #tpu.memory_space<hbm>>
        tpu.enqueue_indirect_dma source(%dma_start3A_321 : memref<2032768xi32, #tpu.memory_space<hbm>>) target(%dma_start3A_316 : memref<128xi32, #tpu.memory_space<vmem>>) offsets(%dma_start3A_319 : memref<128xi32, #tpu.memory_space<vmem>>) semaphore(%arg23 : memref<!tpu.dma_semaphore, #tpu.memory_space<semaphore_mem>>)
        %dma_wait3A_322 = arith.constant 0 : i32
        %dma_wait3A_323 = arith.constant 0 : i32
        %dma_wait3A_324 = tpu.memref_slice %arg17[%dma_wait3A_323] : memref<512xi32, #tpu.memory_space<vmem>> -> memref<128xi32, #tpu.memory_space<vmem>>
        %dma_wait3A_325 = arith.constant 0 : i32
        %dma_wait3A_326 = tpu.memref_slice %arg15[%dma_wait3A_322, %dma_wait3A_325] : memref<4x128xi32, #tpu.memory_space<vmem>> -> memref<1x128xi32, #tpu.memory_space<vmem>>
        %dma_wait3A_327 = tpu.memref_squeeze %dma_wait3A_326 : memref<1x128xi32, #tpu.memory_space<vmem>> -> memref<128xi32, #tpu.memory_space<vmem>>
        %dma_wait3A_328 = arith.constant 0 : i32
        %dma_wait3A_329 = tpu.memref_slice %arg7[%dma_wait3A_328] : memref<2032768xi32, #tpu.memory_space<hbm>> -> memref<2032768xi32, #tpu.memory_space<hbm>>
        tpu.wait_indirect_dma semaphore(%arg23 : memref<!tpu.dma_semaphore, #tpu.memory_space<semaphore_mem>>) src(%dma_wait3A_329 : memref<2032768xi32, #tpu.memory_space<hbm>>) dst(%dma_wait3A_324 : memref<128xi32, #tpu.memory_space<vmem>>)
        %dma_wait3A_330 = arith.constant 1 : i32
        %dma_wait3A_331 = arith.constant 128 : i32
        %dma_wait3A_332 = tpu.memref_slice %arg17[%dma_wait3A_331] : memref<512xi32, #tpu.memory_space<vmem>> -> memref<128xi32, #tpu.memory_space<vmem>>
        %dma_wait3A_333 = arith.constant 0 : i32
        %dma_wait3A_334 = tpu.memref_slice %arg15[%dma_wait3A_330, %dma_wait3A_333] : memref<4x128xi32, #tpu.memory_space<vmem>> -> memref<1x128xi32, #tpu.memory_space<vmem>>
        %dma_wait3A_335 = tpu.memref_squeeze %dma_wait3A_334 : memref<1x128xi32, #tpu.memory_space<vmem>> -> memref<128xi32, #tpu.memory_space<vmem>>
        %dma_wait3A_336 = arith.constant 0 : i32
        %dma_wait3A_337 = tpu.memref_slice %arg7[%dma_wait3A_336] : memref<2032768xi32, #tpu.memory_space<hbm>> -> memref<2032768xi32, #tpu.memory_space<hbm>>
        tpu.wait_indirect_dma semaphore(%arg23 : memref<!tpu.dma_semaphore, #tpu.memory_space<semaphore_mem>>) src(%dma_wait3A_337 : memref<2032768xi32, #tpu.memory_space<hbm>>) dst(%dma_wait3A_332 : memref<128xi32, #tpu.memory_space<vmem>>)
        %dma_wait3A_338 = arith.constant 2 : i32
        %dma_wait3A_339 = arith.constant 256 : i32
        %dma_wait3A_340 = tpu.memref_slice %arg17[%dma_wait3A_339] : memref<512xi32, #tpu.memory_space<vmem>> -> memref<128xi32, #tpu.memory_space<vmem>>
        %dma_wait3A_341 = arith.constant 0 : i32
        %dma_wait3A_342 = tpu.memref_slice %arg15[%dma_wait3A_338, %dma_wait3A_341] : memref<4x128xi32, #tpu.memory_space<vmem>> -> memref<1x128xi32, #tpu.memory_space<vmem>>
        %dma_wait3A_343 = tpu.memref_squeeze %dma_wait3A_342 : memref<1x128xi32, #tpu.memory_space<vmem>> -> memref<128xi32, #tpu.memory_space<vmem>>
        %dma_wait3A_344 = arith.constant 0 : i32
        %dma_wait3A_345 = tpu.memref_slice %arg7[%dma_wait3A_344] : memref<2032768xi32, #tpu.memory_space<hbm>> -> memref<2032768xi32, #tpu.memory_space<hbm>>
        tpu.wait_indirect_dma semaphore(%arg23 : memref<!tpu.dma_semaphore, #tpu.memory_space<semaphore_mem>>) src(%dma_wait3A_345 : memref<2032768xi32, #tpu.memory_space<hbm>>) dst(%dma_wait3A_340 : memref<128xi32, #tpu.memory_space<vmem>>)
        %dma_wait3A_346 = arith.constant 3 : i32
        %dma_wait3A_347 = arith.constant 384 : i32
        %dma_wait3A_348 = tpu.memref_slice %arg17[%dma_wait3A_347] : memref<512xi32, #tpu.memory_space<vmem>> -> memref<128xi32, #tpu.memory_space<vmem>>
        %dma_wait3A_349 = arith.constant 0 : i32
        %dma_wait3A_350 = tpu.memref_slice %arg15[%dma_wait3A_346, %dma_wait3A_349] : memref<4x128xi32, #tpu.memory_space<vmem>> -> memref<1x128xi32, #tpu.memory_space<vmem>>
        %dma_wait3A_351 = tpu.memref_squeeze %dma_wait3A_350 : memref<1x128xi32, #tpu.memory_space<vmem>> -> memref<128xi32, #tpu.memory_space<vmem>>
        %dma_wait3A_352 = arith.constant 0 : i32
        %dma_wait3A_353 = tpu.memref_slice %arg7[%dma_wait3A_352] : memref<2032768xi32, #tpu.memory_space<hbm>> -> memref<2032768xi32, #tpu.memory_space<hbm>>
        tpu.wait_indirect_dma semaphore(%arg23 : memref<!tpu.dma_semaphore, #tpu.memory_space<semaphore_mem>>) src(%dma_wait3A_353 : memref<2032768xi32, #tpu.memory_space<hbm>>) dst(%dma_wait3A_348 : memref<128xi32, #tpu.memory_space<vmem>>)
        %broadcast_in_dim3A_354 = arith.constant 0 : i32
        %broadcast_in_dim3A_355 = vector.broadcast %broadcast_in_dim3A_354 : i32 to vector<16xi32>
        %scan3A_356 = arith.constant 0 : i32
        %scan3A_357 = arith.constant 32 : i32
        %scan3A_358 = arith.addi %scan3A_356, %scan3A_357 : i32
        %scan3A_359 = arith.constant 1 : i32
        %scan3A_360 = scf.for %scan3A_416 = %scan3A_356 to %scan3A_358 step %scan3A_359 iter_args(%scan3A_417 = %broadcast_in_dim3A_355) -> (vector<16xi32>)  : i32 {
          %mul3A_418 = arith.constant 16 : i32
          %mul3A_419 = arith.muli %scan3A_416, %mul3A_418 : i32
          %get3A_420 = arith.index_cast %mul3A_419 : i32 to index
          %get3A_421 = tpu.vector_load %arg16[%get3A_420] {strides = array<i32>} : memref<512xi32, #tpu.memory_space<vmem>>, vector<16xi32>,
          %get3A_422 = vector.shape_cast %get3A_421 : vector<16xi32> to vector<16xi32>
          %mul3A_423 = arith.constant 16 : i32
          %mul3A_424 = arith.muli %scan3A_416, %mul3A_423 : i32
          %get3A_425 = arith.index_cast %mul3A_424 : i32 to index
          %get3A_426 = tpu.vector_load %arg17[%get3A_425] {strides = array<i32>} : memref<512xi32, #tpu.memory_space<vmem>>, vector<16xi32>,
          %get3A_427 = vector.shape_cast %get3A_426 : vector<16xi32> to vector<16xi32>
          %ne3A = arith.cmpi ne, %get3A_422, %get3A_427 : vector<16xi32>
          %jit3A_428 = arith.constant 1 : i32
          %jit3A_429 = arith.constant 0 : i32
          %broadcast_in_dim3A_430 = vector.broadcast %jit3A_428 : i32 to vector<16xi32>
          %broadcast_in_dim3A_431 = vector.broadcast %jit3A_429 : i32 to vector<16xi32>
          %select_n3A_432 = arith.select %ne3A, %broadcast_in_dim3A_430, %broadcast_in_dim3A_431 : vector<16xi1>, vector<16xi32>
          %or3A_433 = arith.ori %scan3A_417, %select_n3A_432 : vector<16xi32>
          scf.yield %or3A_433 : vector<16xi32>
        }
        %scan3A_361 = arith.constant 32 : i32
        %iota3A_362 = tpu.iota {dimensions = array<i32: 0>} : vector<16xi32>
        %add3A_363 = arith.constant 8 : i32
        %add3A_364 = vector.broadcast %add3A_363 : i32 to vector<16xi32>
        %add3A_365 = arith.addi %iota3A_362, %add3A_364 : vector<16xi32>
        %and3A = arith.constant 15 : i32
        %and3A_366 = vector.broadcast %and3A : i32 to vector<16xi32>
        %and3A_367 = arith.andi %add3A_365, %and3A_366 : vector<16xi32>
        %broadcast_in_dim3A_368 = vector.shape_cast %and3A_367 : vector<16xi32> to vector<16x1xi32>
        %gather3A = vector.shape_cast %broadcast_in_dim3A_368 : vector<16x1xi32> to vector<16xi32>
        %gather3A_369 = tpu.dynamic_gather %scan3A_360[%gather3A] in [0] : vector<16xi32>, vector<16xi32> -> vector<16xi32>
        %or3A = arith.ori %scan3A_360, %gather3A_369 : vector<16xi32>
        %add3A_370 = arith.constant 4 : i32
        %add3A_371 = vector.broadcast %add3A_370 : i32 to vector<16xi32>
        %add3A_372 = arith.addi %iota3A_362, %add3A_371 : vector<16xi32>
        %and3A_373 = arith.constant 15 : i32
        %and3A_374 = vector.broadcast %and3A_373 : i32 to vector<16xi32>
        %and3A_375 = arith.andi %add3A_372, %and3A_374 : vector<16xi32>
        %broadcast_in_dim3A_376 = vector.shape_cast %and3A_375 : vector<16xi32> to vector<16x1xi32>
        %gather3A_377 = vector.shape_cast %broadcast_in_dim3A_376 : vector<16x1xi32> to vector<16xi32>
        %gather3A_378 = tpu.dynamic_gather %or3A[%gather3A_377] in [0] : vector<16xi32>, vector<16xi32> -> vector<16xi32>
        %or3A_379 = arith.ori %or3A, %gather3A_378 : vector<16xi32>
        %add3A_380 = arith.constant 2 : i32
        %add3A_381 = vector.broadcast %add3A_380 : i32 to vector<16xi32>
        %add3A_382 = arith.addi %iota3A_362, %add3A_381 : vector<16xi32>
        %and3A_383 = arith.constant 15 : i32
        %and3A_384 = vector.broadcast %and3A_383 : i32 to vector<16xi32>
        %and3A_385 = arith.andi %add3A_382, %and3A_384 : vector<16xi32>
        %broadcast_in_dim3A_386 = vector.shape_cast %and3A_385 : vector<16xi32> to vector<16x1xi32>
        %gather3A_387 = vector.shape_cast %broadcast_in_dim3A_386 : vector<16x1xi32> to vector<16xi32>
        %gather3A_388 = tpu.dynamic_gather %or3A_379[%gather3A_387] in [0] : vector<16xi32>, vector<16xi32> -> vector<16xi32>
        %or3A_389 = arith.ori %or3A_379, %gather3A_388 : vector<16xi32>
        %add3A_390 = arith.constant 1 : i32
        %add3A_391 = vector.broadcast %add3A_390 : i32 to vector<16xi32>
        %add3A_392 = arith.addi %iota3A_362, %add3A_391 : vector<16xi32>
        %and3A_393 = arith.constant 15 : i32
        %and3A_394 = vector.broadcast %and3A_393 : i32 to vector<16xi32>
        %and3A_395 = arith.andi %add3A_392, %and3A_394 : vector<16xi32>
        %broadcast_in_dim3A_396 = vector.shape_cast %and3A_395 : vector<16xi32> to vector<16x1xi32>
        %gather3A_397 = vector.shape_cast %broadcast_in_dim3A_396 : vector<16x1xi32> to vector<16xi32>
        %gather3A_398 = tpu.dynamic_gather %or3A_389[%gather3A_397] in [0] : vector<16xi32>, vector<16xi32> -> vector<16xi32>
        %or3A_399 = arith.ori %or3A_389, %gather3A_398 : vector<16xi32>
        %eq3A_400 = arith.constant 0 : i32
        %eq3A_401 = vector.broadcast %eq3A_400 : i32 to vector<16xi32>
        %eq3A_402 = arith.cmpi eq, %or3A_399, %eq3A_401 : vector<16xi32>
        %jit3A = arith.constant 1 : i32
        %jit3A_403 = arith.constant 0 : i32
        %broadcast_in_dim3A_404 = vector.broadcast %jit3A : i32 to vector<16xi32>
        %broadcast_in_dim3A_405 = vector.broadcast %jit3A_403 : i32 to vector<16xi32>
        %select_n3A = arith.select %eq3A_402, %broadcast_in_dim3A_404, %broadcast_in_dim3A_405 : vector<16xi1>, vector<16xi32>
        %swap3A_406 = arith.constant 0 : index
        %swap3A_407 = tpu.vector_load %arg20[%swap3A_406] {strides = array<i32>} : memref<16xi32, #tpu.memory_space<vmem>>, vector<16xi32>,
        %swap3A_408 = vector.shape_cast %swap3A_407 : vector<16xi32> to vector<16xi32>
        %swap3A_409 = vector.shape_cast %select_n3A : vector<16xi32> to vector<16xi32>
        tpu.vector_store %arg20[%swap3A_406], %swap3A_409 {strides = array<i32>} : memref<16xi32, #tpu.memory_space<vmem>>, vector<16xi32>,
        %scan3A_410 = arith.constant 0 : i32
        %scan3A_411 = arith.constant 0 : i32
        %scan3A_412 = arith.constant 32 : i32
        %scan3A_413 = arith.addi %scan3A_411, %scan3A_412 : i32
        %scan3A_414 = arith.constant 1 : i32
        scf.for %scan3A_416 = %scan3A_411 to %scan3A_413 step %scan3A_414  : i32 {
          %mul3A_417 = arith.constant 16 : i32
          %mul3A_418 = arith.muli %scan3A_416, %mul3A_417 : i32
          %get3A_419 = arith.index_cast %mul3A_418 : i32 to index
          %get3A_420 = tpu.vector_load %arg17[%get3A_419] {strides = array<i32>} : memref<512xi32, #tpu.memory_space<vmem>>, vector<16xi32>,
          %get3A_421 = vector.shape_cast %get3A_420 : vector<16xi32> to vector<16xi32>
          %mul3A_422 = arith.constant 16 : i32
          %mul3A_423 = arith.muli %scan3A_416, %mul3A_422 : i32
          %swap3A_424 = arith.index_cast %mul3A_423 : i32 to index
          %swap3A_425 = tpu.vector_load %arg16[%swap3A_424] {strides = array<i32>} : memref<512xi32, #tpu.memory_space<vmem>>, vector<16xi32>,
          %swap3A_426 = vector.shape_cast %swap3A_425 : vector<16xi32> to vector<16xi32>
          %swap3A_427 = vector.shape_cast %get3A_421 : vector<16xi32> to vector<16xi32>
          tpu.vector_store %arg16[%swap3A_424], %swap3A_427 {strides = array<i32>} : memref<512xi32, #tpu.memory_space<vmem>>, vector<16xi32>,
        }
        %scan3A_415 = arith.constant 32 : i32
      } else {
      }
    }
    %scan3A_276 = arith.constant 8 : i32
    %scan3A_277 = arith.constant 0 : i32
    %scan3A_278 = arith.constant 0 : i32
    %scan3A_279 = arith.constant 32 : i32
    %scan3A_280 = arith.addi %scan3A_278, %scan3A_279 : i32
    %scan3A_281 = arith.constant 1 : i32
    scf.for %scan3A_285 = %scan3A_278 to %scan3A_280 step %scan3A_281  : i32 {
      %mul3A_286 = arith.constant 16 : i32
      %mul3A_287 = arith.muli %scan3A_285, %mul3A_286 : i32
      %get3A = arith.index_cast %mul3A_287 : i32 to index
      %get3A_288 = tpu.vector_load %arg16[%get3A] {strides = array<i32>} : memref<512xi32, #tpu.memory_space<vmem>>, vector<16xi32>,
      %get3A_289 = vector.shape_cast %get3A_288 : vector<16xi32> to vector<16xi32>
      %gt3A = arith.constant 0 : i32
      %gt3A_290 = vector.broadcast %gt3A : i32 to vector<16xi32>
      %gt3A_291 = arith.cmpi sgt, %get3A_289, %gt3A_290 : vector<16xi32>
      %jit3A = arith.constant 1 : i32
      %jit3A_292 = arith.constant 0 : i32
      %broadcast_in_dim3A_293 = vector.broadcast %jit3A : i32 to vector<16xi32>
      %broadcast_in_dim3A_294 = vector.broadcast %jit3A_292 : i32 to vector<16xi32>
      %select_n3A = arith.select %gt3A_291, %broadcast_in_dim3A_293, %broadcast_in_dim3A_294 : vector<16xi1>, vector<16xi32>
      %iota3A_295 = tpu.iota {dimensions = array<i32: 0>} : vector<16xi32>
      %add3A_296 = arith.constant 8 : i32
      %add3A_297 = vector.broadcast %add3A_296 : i32 to vector<16xi32>
      %add3A_298 = arith.addi %iota3A_295, %add3A_297 : vector<16xi32>
      %and3A = arith.constant 15 : i32
      %and3A_299 = vector.broadcast %and3A : i32 to vector<16xi32>
      %and3A_300 = arith.andi %add3A_298, %and3A_299 : vector<16xi32>
      %broadcast_in_dim3A_301 = vector.shape_cast %and3A_300 : vector<16xi32> to vector<16x1xi32>
      %gather3A = vector.shape_cast %broadcast_in_dim3A_301 : vector<16x1xi32> to vector<16xi32>
      %gather3A_302 = tpu.dynamic_gather %select_n3A[%gather3A] in [0] : vector<16xi32>, vector<16xi32> -> vector<16xi32>
      %or3A = arith.ori %select_n3A, %gather3A_302 : vector<16xi32>
      %add3A_303 = arith.constant 4 : i32
      %add3A_304 = vector.broadcast %add3A_303 : i32 to vector<16xi32>
      %add3A_305 = arith.addi %iota3A_295, %add3A_304 : vector<16xi32>
      %and3A_306 = arith.constant 15 : i32
      %and3A_307 = vector.broadcast %and3A_306 : i32 to vector<16xi32>
      %and3A_308 = arith.andi %add3A_305, %and3A_307 : vector<16xi32>
      %broadcast_in_dim3A_309 = vector.shape_cast %and3A_308 : vector<16xi32> to vector<16x1xi32>
      %gather3A_310 = vector.shape_cast %broadcast_in_dim3A_309 : vector<16x1xi32> to vector<16xi32>
      %gather3A_311 = tpu.dynamic_gather %or3A[%gather3A_310] in [0] : vector<16xi32>, vector<16xi32> -> vector<16xi32>
      %or3A_312 = arith.ori %or3A, %gather3A_311 : vector<16xi32>
      %add3A_313 = arith.constant 2 : i32
      %add3A_314 = vector.broadcast %add3A_313 : i32 to vector<16xi32>
      %add3A_315 = arith.addi %iota3A_295, %add3A_314 : vector<16xi32>
      %and3A_316 = arith.constant 15 : i32
      %and3A_317 = vector.broadcast %and3A_316 : i32 to vector<16xi32>
      %and3A_318 = arith.andi %add3A_315, %and3A_317 : vector<16xi32>
      %broadcast_in_dim3A_319 = vector.shape_cast %and3A_318 : vector<16xi32> to vector<16x1xi32>
      %gather3A_320 = vector.shape_cast %broadcast_in_dim3A_319 : vector<16x1xi32> to vector<16xi32>
      %gather3A_321 = tpu.dynamic_gather %or3A_312[%gather3A_320] in [0] : vector<16xi32>, vector<16xi32> -> vector<16xi32>
      %or3A_322 = arith.ori %or3A_312, %gather3A_321 : vector<16xi32>
      %add3A_323 = arith.constant 1 : i32
      %add3A_324 = vector.broadcast %add3A_323 : i32 to vector<16xi32>
      %add3A_325 = arith.addi %iota3A_295, %add3A_324 : vector<16xi32>
      %and3A_326 = arith.constant 15 : i32
      %and3A_327 = vector.broadcast %and3A_326 : i32 to vector<16xi32>
      %and3A_328 = arith.andi %add3A_325, %and3A_327 : vector<16xi32>
      %broadcast_in_dim3A_329 = vector.shape_cast %and3A_328 : vector<16xi32> to vector<16x1xi32>
      %gather3A_330 = vector.shape_cast %broadcast_in_dim3A_329 : vector<16x1xi32> to vector<16xi32>
      %gather3A_331 = tpu.dynamic_gather %or3A_322[%gather3A_330] in [0] : vector<16xi32>, vector<16xi32> -> vector<16xi32>
      %or3A_332 = arith.ori %or3A_322, %gather3A_331 : vector<16xi32>
      %slice3A = vector.extract_strided_slice %or3A_332 {offsets = [0], sizes = [1], strides = [1]} : vector<16xi32> to vector<1xi32>
      %squeeze3A = vector.extract %slice3A[0] : i32 from vector<1xi32>
      %ne3A = arith.constant 0 : i32
      %ne3A_333 = arith.cmpi ne, %squeeze3A, %ne3A : i32
      %convert_element_type3A = arith.extui %ne3A_333 : i1 to i32
      %cond3A = arith.constant 0 : i32
      %cond3A_334 = arith.cmpi ne, %convert_element_type3A, %cond3A : i32
      scf.if %cond3A_334 {
        %slice3A_335 = vector.extract_strided_slice %get3A_289 {offsets = [0], sizes = [1], strides = [1]} : vector<16xi32> to vector<1xi32>
        %squeeze3A_336 = vector.extract %slice3A_335[0] : i32 from vector<1xi32>
        %gt3A_337 = arith.constant 0 : i32
        %gt3A_338 = arith.cmpi sgt, %squeeze3A_336, %gt3A_337 : i32
        %convert_element_type3A_339 = arith.extui %gt3A_338 : i1 to i32
        %cond3A_340 = arith.constant 0 : i32
        %cond3A_341 = arith.cmpi ne, %convert_element_type3A_339, %cond3A_340 : i32
        scf.if %cond3A_341 {
          %sub3A = arith.constant 1 : i32
          %sub3A_447 = arith.subi %squeeze3A_336, %sub3A : i32
          %mul3A_448 = arith.constant 16 : i32
          %mul3A_449 = arith.muli %scan3A_285, %mul3A_448 : i32
          %add3A_450 = arith.constant 0 : i32
          %add3A_451 = arith.addi %mul3A_449, %add3A_450 : i32
          %dma_start3A_452 = arith.constant 0 : i32
          %dma_start3A_453 = tpu.memref_slice %arg22[%add3A_451, %dma_start3A_452] : memref<512x64xf32, #tpu.memory_space<vmem>> -> memref<1x64xf32, #tpu.memory_space<vmem>>
          %dma_start3A_454 = arith.constant 0 : i32
          %dma_start3A_455 = tpu.memref_slice %arg3[%sub3A_447, %dma_start3A_454] : memref<16384x64xf32, #tpu.memory_space<hbm>> -> memref<1x64xf32, #tpu.memory_space<hbm>>
          %dma_start3A_456 = arith.constant 0 : i32
          %dma_start3A_457 = tpu.memref_slice %arg22[%add3A_451, %dma_start3A_456] : memref<512x64xf32, #tpu.memory_space<vmem>> -> memref<1x64xf32, #tpu.memory_space<vmem>>
          %dma_start3A_458 = arith.constant 0 : i32
          %dma_start3A_459 = tpu.memref_slice %arg3[%sub3A_447, %dma_start3A_458] : memref<16384x64xf32, #tpu.memory_space<hbm>> -> memref<1x64xf32, #tpu.memory_space<hbm>>
          tpu.enqueue_dma source(%dma_start3A_459 : memref<1x64xf32, #tpu.memory_space<hbm>>) target(%dma_start3A_457 : memref<1x64xf32, #tpu.memory_space<vmem>>) target_semaphore(%arg24 : memref<!tpu.dma_semaphore, #tpu.memory_space<semaphore_mem>>)
          %dma_wait3A_460 = arith.constant 0 : i32
          %dma_wait3A_461 = tpu.memref_slice %arg22[%add3A_451, %dma_wait3A_460] : memref<512x64xf32, #tpu.memory_space<vmem>> -> memref<1x64xf32, #tpu.memory_space<vmem>>
          %dma_wait3A_462 = arith.constant 0 : i32
          %dma_wait3A_463 = tpu.memref_slice %arg3[%sub3A_447, %dma_wait3A_462] : memref<16384x64xf32, #tpu.memory_space<hbm>> -> memref<1x64xf32, #tpu.memory_space<hbm>>
          %dma_wait3A_464 = arith.constant 0 : i32
          %dma_wait3A_465 = tpu.memref_slice %arg22[%add3A_451, %dma_wait3A_464] : memref<512x64xf32, #tpu.memory_space<vmem>> -> memref<1x64xf32, #tpu.memory_space<vmem>>
          %dma_wait3A_466 = arith.constant 0 : i32
          %dma_wait3A_467 = tpu.memref_slice %arg3[%sub3A_447, %dma_wait3A_466] : memref<16384x64xf32, #tpu.memory_space<hbm>> -> memref<1x64xf32, #tpu.memory_space<hbm>>
          tpu.wait_dma2 semaphore(%arg24 : memref<!tpu.dma_semaphore, #tpu.memory_space<semaphore_mem>>) src(%dma_wait3A_467 : memref<1x64xf32, #tpu.memory_space<hbm>>) dst(%dma_wait3A_465 : memref<1x64xf32, #tpu.memory_space<vmem>>)
        } else {
        }
        %slice3A_342 = vector.extract_strided_slice %get3A_289 {offsets = [1], sizes = [1], strides = [1]} : vector<16xi32> to vector<1xi32>
        %squeeze3A_343 = vector.extract %slice3A_342[0] : i32 from vector<1xi32>
        %gt3A_344 = arith.constant 0 : i32
        %gt3A_345 = arith.cmpi sgt, %squeeze3A_343, %gt3A_344 : i32
        %convert_element_type3A_346 = arith.extui %gt3A_345 : i1 to i32
        %cond3A_347 = arith.constant 0 : i32
        %cond3A_348 = arith.cmpi ne, %convert_element_type3A_346, %cond3A_347 : i32
        scf.if %cond3A_348 {
          %sub3A = arith.constant 1 : i32
          %sub3A_447 = arith.subi %squeeze3A_343, %sub3A : i32
          %mul3A_448 = arith.constant 16 : i32
          %mul3A_449 = arith.muli %scan3A_285, %mul3A_448 : i32
          %add3A_450 = arith.constant 1 : i32
          %add3A_451 = arith.addi %mul3A_449, %add3A_450 : i32
          %dma_start3A_452 = arith.constant 0 : i32
          %dma_start3A_453 = tpu.memref_slice %arg22[%add3A_451, %dma_start3A_452] : memref<512x64xf32, #tpu.memory_space<vmem>> -> memref<1x64xf32, #tpu.memory_space<vmem>>
          %dma_start3A_454 = arith.constant 0 : i32
          %dma_start3A_455 = tpu.memref_slice %arg3[%sub3A_447, %dma_start3A_454] : memref<16384x64xf32, #tpu.memory_space<hbm>> -> memref<1x64xf32, #tpu.memory_space<hbm>>
          %dma_start3A_456 = arith.constant 0 : i32
          %dma_start3A_457 = tpu.memref_slice %arg22[%add3A_451, %dma_start3A_456] : memref<512x64xf32, #tpu.memory_space<vmem>> -> memref<1x64xf32, #tpu.memory_space<vmem>>
          %dma_start3A_458 = arith.constant 0 : i32
          %dma_start3A_459 = tpu.memref_slice %arg3[%sub3A_447, %dma_start3A_458] : memref<16384x64xf32, #tpu.memory_space<hbm>> -> memref<1x64xf32, #tpu.memory_space<hbm>>
          tpu.enqueue_dma source(%dma_start3A_459 : memref<1x64xf32, #tpu.memory_space<hbm>>) target(%dma_start3A_457 : memref<1x64xf32, #tpu.memory_space<vmem>>) target_semaphore(%arg24 : memref<!tpu.dma_semaphore, #tpu.memory_space<semaphore_mem>>)
          %dma_wait3A_460 = arith.constant 0 : i32
          %dma_wait3A_461 = tpu.memref_slice %arg22[%add3A_451, %dma_wait3A_460] : memref<512x64xf32, #tpu.memory_space<vmem>> -> memref<1x64xf32, #tpu.memory_space<vmem>>
          %dma_wait3A_462 = arith.constant 0 : i32
          %dma_wait3A_463 = tpu.memref_slice %arg3[%sub3A_447, %dma_wait3A_462] : memref<16384x64xf32, #tpu.memory_space<hbm>> -> memref<1x64xf32, #tpu.memory_space<hbm>>
          %dma_wait3A_464 = arith.constant 0 : i32
          %dma_wait3A_465 = tpu.memref_slice %arg22[%add3A_451, %dma_wait3A_464] : memref<512x64xf32, #tpu.memory_space<vmem>> -> memref<1x64xf32, #tpu.memory_space<vmem>>
          %dma_wait3A_466 = arith.constant 0 : i32
          %dma_wait3A_467 = tpu.memref_slice %arg3[%sub3A_447, %dma_wait3A_466] : memref<16384x64xf32, #tpu.memory_space<hbm>> -> memref<1x64xf32, #tpu.memory_space<hbm>>
          tpu.wait_dma2 semaphore(%arg24 : memref<!tpu.dma_semaphore, #tpu.memory_space<semaphore_mem>>) src(%dma_wait3A_467 : memref<1x64xf32, #tpu.memory_space<hbm>>) dst(%dma_wait3A_465 : memref<1x64xf32, #tpu.memory_space<vmem>>)
        } else {
        }
        %slice3A_349 = vector.extract_strided_slice %get3A_289 {offsets = [2], sizes = [1], strides = [1]} : vector<16xi32> to vector<1xi32>
        %squeeze3A_350 = vector.extract %slice3A_349[0] : i32 from vector<1xi32>
        %gt3A_351 = arith.constant 0 : i32
        %gt3A_352 = arith.cmpi sgt, %squeeze3A_350, %gt3A_351 : i32
        %convert_element_type3A_353 = arith.extui %gt3A_352 : i1 to i32
        %cond3A_354 = arith.constant 0 : i32
        %cond3A_355 = arith.cmpi ne, %convert_element_type3A_353, %cond3A_354 : i32
        scf.if %cond3A_355 {
          %sub3A = arith.constant 1 : i32
          %sub3A_447 = arith.subi %squeeze3A_350, %sub3A : i32
          %mul3A_448 = arith.constant 16 : i32
          %mul3A_449 = arith.muli %scan3A_285, %mul3A_448 : i32
          %add3A_450 = arith.constant 2 : i32
          %add3A_451 = arith.addi %mul3A_449, %add3A_450 : i32
          %dma_start3A_452 = arith.constant 0 : i32
          %dma_start3A_453 = tpu.memref_slice %arg22[%add3A_451, %dma_start3A_452] : memref<512x64xf32, #tpu.memory_space<vmem>> -> memref<1x64xf32, #tpu.memory_space<vmem>>
          %dma_start3A_454 = arith.constant 0 : i32
          %dma_start3A_455 = tpu.memref_slice %arg3[%sub3A_447, %dma_start3A_454] : memref<16384x64xf32, #tpu.memory_space<hbm>> -> memref<1x64xf32, #tpu.memory_space<hbm>>
          %dma_start3A_456 = arith.constant 0 : i32
          %dma_start3A_457 = tpu.memref_slice %arg22[%add3A_451, %dma_start3A_456] : memref<512x64xf32, #tpu.memory_space<vmem>> -> memref<1x64xf32, #tpu.memory_space<vmem>>
          %dma_start3A_458 = arith.constant 0 : i32
          %dma_start3A_459 = tpu.memref_slice %arg3[%sub3A_447, %dma_start3A_458] : memref<16384x64xf32, #tpu.memory_space<hbm>> -> memref<1x64xf32, #tpu.memory_space<hbm>>
          tpu.enqueue_dma source(%dma_start3A_459 : memref<1x64xf32, #tpu.memory_space<hbm>>) target(%dma_start3A_457 : memref<1x64xf32, #tpu.memory_space<vmem>>) target_semaphore(%arg24 : memref<!tpu.dma_semaphore, #tpu.memory_space<semaphore_mem>>)
          %dma_wait3A_460 = arith.constant 0 : i32
          %dma_wait3A_461 = tpu.memref_slice %arg22[%add3A_451, %dma_wait3A_460] : memref<512x64xf32, #tpu.memory_space<vmem>> -> memref<1x64xf32, #tpu.memory_space<vmem>>
          %dma_wait3A_462 = arith.constant 0 : i32
          %dma_wait3A_463 = tpu.memref_slice %arg3[%sub3A_447, %dma_wait3A_462] : memref<16384x64xf32, #tpu.memory_space<hbm>> -> memref<1x64xf32, #tpu.memory_space<hbm>>
          %dma_wait3A_464 = arith.constant 0 : i32
          %dma_wait3A_465 = tpu.memref_slice %arg22[%add3A_451, %dma_wait3A_464] : memref<512x64xf32, #tpu.memory_space<vmem>> -> memref<1x64xf32, #tpu.memory_space<vmem>>
          %dma_wait3A_466 = arith.constant 0 : i32
          %dma_wait3A_467 = tpu.memref_slice %arg3[%sub3A_447, %dma_wait3A_466] : memref<16384x64xf32, #tpu.memory_space<hbm>> -> memref<1x64xf32, #tpu.memory_space<hbm>>
          tpu.wait_dma2 semaphore(%arg24 : memref<!tpu.dma_semaphore, #tpu.memory_space<semaphore_mem>>) src(%dma_wait3A_467 : memref<1x64xf32, #tpu.memory_space<hbm>>) dst(%dma_wait3A_465 : memref<1x64xf32, #tpu.memory_space<vmem>>)
        } else {
        }
        %slice3A_356 = vector.extract_strided_slice %get3A_289 {offsets = [3], sizes = [1], strides = [1]} : vector<16xi32> to vector<1xi32>
        %squeeze3A_357 = vector.extract %slice3A_356[0] : i32 from vector<1xi32>
        %gt3A_358 = arith.constant 0 : i32
        %gt3A_359 = arith.cmpi sgt, %squeeze3A_357, %gt3A_358 : i32
        %convert_element_type3A_360 = arith.extui %gt3A_359 : i1 to i32
        %cond3A_361 = arith.constant 0 : i32
        %cond3A_362 = arith.cmpi ne, %convert_element_type3A_360, %cond3A_361 : i32
        scf.if %cond3A_362 {
          %sub3A = arith.constant 1 : i32
          %sub3A_447 = arith.subi %squeeze3A_357, %sub3A : i32
          %mul3A_448 = arith.constant 16 : i32
          %mul3A_449 = arith.muli %scan3A_285, %mul3A_448 : i32
          %add3A_450 = arith.constant 3 : i32
          %add3A_451 = arith.addi %mul3A_449, %add3A_450 : i32
          %dma_start3A_452 = arith.constant 0 : i32
          %dma_start3A_453 = tpu.memref_slice %arg22[%add3A_451, %dma_start3A_452] : memref<512x64xf32, #tpu.memory_space<vmem>> -> memref<1x64xf32, #tpu.memory_space<vmem>>
          %dma_start3A_454 = arith.constant 0 : i32
          %dma_start3A_455 = tpu.memref_slice %arg3[%sub3A_447, %dma_start3A_454] : memref<16384x64xf32, #tpu.memory_space<hbm>> -> memref<1x64xf32, #tpu.memory_space<hbm>>
          %dma_start3A_456 = arith.constant 0 : i32
          %dma_start3A_457 = tpu.memref_slice %arg22[%add3A_451, %dma_start3A_456] : memref<512x64xf32, #tpu.memory_space<vmem>> -> memref<1x64xf32, #tpu.memory_space<vmem>>
          %dma_start3A_458 = arith.constant 0 : i32
          %dma_start3A_459 = tpu.memref_slice %arg3[%sub3A_447, %dma_start3A_458] : memref<16384x64xf32, #tpu.memory_space<hbm>> -> memref<1x64xf32, #tpu.memory_space<hbm>>
          tpu.enqueue_dma source(%dma_start3A_459 : memref<1x64xf32, #tpu.memory_space<hbm>>) target(%dma_start3A_457 : memref<1x64xf32, #tpu.memory_space<vmem>>) target_semaphore(%arg24 : memref<!tpu.dma_semaphore, #tpu.memory_space<semaphore_mem>>)
          %dma_wait3A_460 = arith.constant 0 : i32
          %dma_wait3A_461 = tpu.memref_slice %arg22[%add3A_451, %dma_wait3A_460] : memref<512x64xf32, #tpu.memory_space<vmem>> -> memref<1x64xf32, #tpu.memory_space<vmem>>
          %dma_wait3A_462 = arith.constant 0 : i32
          %dma_wait3A_463 = tpu.memref_slice %arg3[%sub3A_447, %dma_wait3A_462] : memref<16384x64xf32, #tpu.memory_space<hbm>> -> memref<1x64xf32, #tpu.memory_space<hbm>>
          %dma_wait3A_464 = arith.constant 0 : i32
          %dma_wait3A_465 = tpu.memref_slice %arg22[%add3A_451, %dma_wait3A_464] : memref<512x64xf32, #tpu.memory_space<vmem>> -> memref<1x64xf32, #tpu.memory_space<vmem>>
          %dma_wait3A_466 = arith.constant 0 : i32
          %dma_wait3A_467 = tpu.memref_slice %arg3[%sub3A_447, %dma_wait3A_466] : memref<16384x64xf32, #tpu.memory_space<hbm>> -> memref<1x64xf32, #tpu.memory_space<hbm>>
          tpu.wait_dma2 semaphore(%arg24 : memref<!tpu.dma_semaphore, #tpu.memory_space<semaphore_mem>>) src(%dma_wait3A_467 : memref<1x64xf32, #tpu.memory_space<hbm>>) dst(%dma_wait3A_465 : memref<1x64xf32, #tpu.memory_space<vmem>>)
        } else {
        }
        %slice3A_363 = vector.extract_strided_slice %get3A_289 {offsets = [4], sizes = [1], strides = [1]} : vector<16xi32> to vector<1xi32>
        %squeeze3A_364 = vector.extract %slice3A_363[0] : i32 from vector<1xi32>
        %gt3A_365 = arith.constant 0 : i32
        %gt3A_366 = arith.cmpi sgt, %squeeze3A_364, %gt3A_365 : i32
        %convert_element_type3A_367 = arith.extui %gt3A_366 : i1 to i32
        %cond3A_368 = arith.constant 0 : i32
        %cond3A_369 = arith.cmpi ne, %convert_element_type3A_367, %cond3A_368 : i32
        scf.if %cond3A_369 {
          %sub3A = arith.constant 1 : i32
          %sub3A_447 = arith.subi %squeeze3A_364, %sub3A : i32
          %mul3A_448 = arith.constant 16 : i32
          %mul3A_449 = arith.muli %scan3A_285, %mul3A_448 : i32
          %add3A_450 = arith.constant 4 : i32
          %add3A_451 = arith.addi %mul3A_449, %add3A_450 : i32
          %dma_start3A_452 = arith.constant 0 : i32
          %dma_start3A_453 = tpu.memref_slice %arg22[%add3A_451, %dma_start3A_452] : memref<512x64xf32, #tpu.memory_space<vmem>> -> memref<1x64xf32, #tpu.memory_space<vmem>>
          %dma_start3A_454 = arith.constant 0 : i32
          %dma_start3A_455 = tpu.memref_slice %arg3[%sub3A_447, %dma_start3A_454] : memref<16384x64xf32, #tpu.memory_space<hbm>> -> memref<1x64xf32, #tpu.memory_space<hbm>>
          %dma_start3A_456 = arith.constant 0 : i32
          %dma_start3A_457 = tpu.memref_slice %arg22[%add3A_451, %dma_start3A_456] : memref<512x64xf32, #tpu.memory_space<vmem>> -> memref<1x64xf32, #tpu.memory_space<vmem>>
          %dma_start3A_458 = arith.constant 0 : i32
          %dma_start3A_459 = tpu.memref_slice %arg3[%sub3A_447, %dma_start3A_458] : memref<16384x64xf32, #tpu.memory_space<hbm>> -> memref<1x64xf32, #tpu.memory_space<hbm>>
          tpu.enqueue_dma source(%dma_start3A_459 : memref<1x64xf32, #tpu.memory_space<hbm>>) target(%dma_start3A_457 : memref<1x64xf32, #tpu.memory_space<vmem>>) target_semaphore(%arg24 : memref<!tpu.dma_semaphore, #tpu.memory_space<semaphore_mem>>)
          %dma_wait3A_460 = arith.constant 0 : i32
          %dma_wait3A_461 = tpu.memref_slice %arg22[%add3A_451, %dma_wait3A_460] : memref<512x64xf32, #tpu.memory_space<vmem>> -> memref<1x64xf32, #tpu.memory_space<vmem>>
          %dma_wait3A_462 = arith.constant 0 : i32
          %dma_wait3A_463 = tpu.memref_slice %arg3[%sub3A_447, %dma_wait3A_462] : memref<16384x64xf32, #tpu.memory_space<hbm>> -> memref<1x64xf32, #tpu.memory_space<hbm>>
          %dma_wait3A_464 = arith.constant 0 : i32
          %dma_wait3A_465 = tpu.memref_slice %arg22[%add3A_451, %dma_wait3A_464] : memref<512x64xf32, #tpu.memory_space<vmem>> -> memref<1x64xf32, #tpu.memory_space<vmem>>
          %dma_wait3A_466 = arith.constant 0 : i32
          %dma_wait3A_467 = tpu.memref_slice %arg3[%sub3A_447, %dma_wait3A_466] : memref<16384x64xf32, #tpu.memory_space<hbm>> -> memref<1x64xf32, #tpu.memory_space<hbm>>
          tpu.wait_dma2 semaphore(%arg24 : memref<!tpu.dma_semaphore, #tpu.memory_space<semaphore_mem>>) src(%dma_wait3A_467 : memref<1x64xf32, #tpu.memory_space<hbm>>) dst(%dma_wait3A_465 : memref<1x64xf32, #tpu.memory_space<vmem>>)
        } else {
        }
        %slice3A_370 = vector.extract_strided_slice %get3A_289 {offsets = [5], sizes = [1], strides = [1]} : vector<16xi32> to vector<1xi32>
        %squeeze3A_371 = vector.extract %slice3A_370[0] : i32 from vector<1xi32>
        %gt3A_372 = arith.constant 0 : i32
        %gt3A_373 = arith.cmpi sgt, %squeeze3A_371, %gt3A_372 : i32
        %convert_element_type3A_374 = arith.extui %gt3A_373 : i1 to i32
        %cond3A_375 = arith.constant 0 : i32
        %cond3A_376 = arith.cmpi ne, %convert_element_type3A_374, %cond3A_375 : i32
        scf.if %cond3A_376 {
          %sub3A = arith.constant 1 : i32
          %sub3A_447 = arith.subi %squeeze3A_371, %sub3A : i32
          %mul3A_448 = arith.constant 16 : i32
          %mul3A_449 = arith.muli %scan3A_285, %mul3A_448 : i32
          %add3A_450 = arith.constant 5 : i32
          %add3A_451 = arith.addi %mul3A_449, %add3A_450 : i32
          %dma_start3A_452 = arith.constant 0 : i32
          %dma_start3A_453 = tpu.memref_slice %arg22[%add3A_451, %dma_start3A_452] : memref<512x64xf32, #tpu.memory_space<vmem>> -> memref<1x64xf32, #tpu.memory_space<vmem>>
          %dma_start3A_454 = arith.constant 0 : i32
          %dma_start3A_455 = tpu.memref_slice %arg3[%sub3A_447, %dma_start3A_454] : memref<16384x64xf32, #tpu.memory_space<hbm>> -> memref<1x64xf32, #tpu.memory_space<hbm>>
          %dma_start3A_456 = arith.constant 0 : i32
          %dma_start3A_457 = tpu.memref_slice %arg22[%add3A_451, %dma_start3A_456] : memref<512x64xf32, #tpu.memory_space<vmem>> -> memref<1x64xf32, #tpu.memory_space<vmem>>
          %dma_start3A_458 = arith.constant 0 : i32
          %dma_start3A_459 = tpu.memref_slice %arg3[%sub3A_447, %dma_start3A_458] : memref<16384x64xf32, #tpu.memory_space<hbm>> -> memref<1x64xf32, #tpu.memory_space<hbm>>
          tpu.enqueue_dma source(%dma_start3A_459 : memref<1x64xf32, #tpu.memory_space<hbm>>) target(%dma_start3A_457 : memref<1x64xf32, #tpu.memory_space<vmem>>) target_semaphore(%arg24 : memref<!tpu.dma_semaphore, #tpu.memory_space<semaphore_mem>>)
          %dma_wait3A_460 = arith.constant 0 : i32
          %dma_wait3A_461 = tpu.memref_slice %arg22[%add3A_451, %dma_wait3A_460] : memref<512x64xf32, #tpu.memory_space<vmem>> -> memref<1x64xf32, #tpu.memory_space<vmem>>
          %dma_wait3A_462 = arith.constant 0 : i32
          %dma_wait3A_463 = tpu.memref_slice %arg3[%sub3A_447, %dma_wait3A_462] : memref<16384x64xf32, #tpu.memory_space<hbm>> -> memref<1x64xf32, #tpu.memory_space<hbm>>
          %dma_wait3A_464 = arith.constant 0 : i32
          %dma_wait3A_465 = tpu.memref_slice %arg22[%add3A_451, %dma_wait3A_464] : memref<512x64xf32, #tpu.memory_space<vmem>> -> memref<1x64xf32, #tpu.memory_space<vmem>>
          %dma_wait3A_466 = arith.constant 0 : i32
          %dma_wait3A_467 = tpu.memref_slice %arg3[%sub3A_447, %dma_wait3A_466] : memref<16384x64xf32, #tpu.memory_space<hbm>> -> memref<1x64xf32, #tpu.memory_space<hbm>>
          tpu.wait_dma2 semaphore(%arg24 : memref<!tpu.dma_semaphore, #tpu.memory_space<semaphore_mem>>) src(%dma_wait3A_467 : memref<1x64xf32, #tpu.memory_space<hbm>>) dst(%dma_wait3A_465 : memref<1x64xf32, #tpu.memory_space<vmem>>)
        } else {
        }
        %slice3A_377 = vector.extract_strided_slice %get3A_289 {offsets = [6], sizes = [1], strides = [1]} : vector<16xi32> to vector<1xi32>
        %squeeze3A_378 = vector.extract %slice3A_377[0] : i32 from vector<1xi32>
        %gt3A_379 = arith.constant 0 : i32
        %gt3A_380 = arith.cmpi sgt, %squeeze3A_378, %gt3A_379 : i32
        %convert_element_type3A_381 = arith.extui %gt3A_380 : i1 to i32
        %cond3A_382 = arith.constant 0 : i32
        %cond3A_383 = arith.cmpi ne, %convert_element_type3A_381, %cond3A_382 : i32
        scf.if %cond3A_383 {
          %sub3A = arith.constant 1 : i32
          %sub3A_447 = arith.subi %squeeze3A_378, %sub3A : i32
          %mul3A_448 = arith.constant 16 : i32
          %mul3A_449 = arith.muli %scan3A_285, %mul3A_448 : i32
          %add3A_450 = arith.constant 6 : i32
          %add3A_451 = arith.addi %mul3A_449, %add3A_450 : i32
          %dma_start3A_452 = arith.constant 0 : i32
          %dma_start3A_453 = tpu.memref_slice %arg22[%add3A_451, %dma_start3A_452] : memref<512x64xf32, #tpu.memory_space<vmem>> -> memref<1x64xf32, #tpu.memory_space<vmem>>
          %dma_start3A_454 = arith.constant 0 : i32
          %dma_start3A_455 = tpu.memref_slice %arg3[%sub3A_447, %dma_start3A_454] : memref<16384x64xf32, #tpu.memory_space<hbm>> -> memref<1x64xf32, #tpu.memory_space<hbm>>
          %dma_start3A_456 = arith.constant 0 : i32
          %dma_start3A_457 = tpu.memref_slice %arg22[%add3A_451, %dma_start3A_456] : memref<512x64xf32, #tpu.memory_space<vmem>> -> memref<1x64xf32, #tpu.memory_space<vmem>>
          %dma_start3A_458 = arith.constant 0 : i32
          %dma_start3A_459 = tpu.memref_slice %arg3[%sub3A_447, %dma_start3A_458] : memref<16384x64xf32, #tpu.memory_space<hbm>> -> memref<1x64xf32, #tpu.memory_space<hbm>>
          tpu.enqueue_dma source(%dma_start3A_459 : memref<1x64xf32, #tpu.memory_space<hbm>>) target(%dma_start3A_457 : memref<1x64xf32, #tpu.memory_space<vmem>>) target_semaphore(%arg24 : memref<!tpu.dma_semaphore, #tpu.memory_space<semaphore_mem>>)
          %dma_wait3A_460 = arith.constant 0 : i32
          %dma_wait3A_461 = tpu.memref_slice %arg22[%add3A_451, %dma_wait3A_460] : memref<512x64xf32, #tpu.memory_space<vmem>> -> memref<1x64xf32, #tpu.memory_space<vmem>>
          %dma_wait3A_462 = arith.constant 0 : i32
          %dma_wait3A_463 = tpu.memref_slice %arg3[%sub3A_447, %dma_wait3A_462] : memref<16384x64xf32, #tpu.memory_space<hbm>> -> memref<1x64xf32, #tpu.memory_space<hbm>>
          %dma_wait3A_464 = arith.constant 0 : i32
          %dma_wait3A_465 = tpu.memref_slice %arg22[%add3A_451, %dma_wait3A_464] : memref<512x64xf32, #tpu.memory_space<vmem>> -> memref<1x64xf32, #tpu.memory_space<vmem>>
          %dma_wait3A_466 = arith.constant 0 : i32
          %dma_wait3A_467 = tpu.memref_slice %arg3[%sub3A_447, %dma_wait3A_466] : memref<16384x64xf32, #tpu.memory_space<hbm>> -> memref<1x64xf32, #tpu.memory_space<hbm>>
          tpu.wait_dma2 semaphore(%arg24 : memref<!tpu.dma_semaphore, #tpu.memory_space<semaphore_mem>>) src(%dma_wait3A_467 : memref<1x64xf32, #tpu.memory_space<hbm>>) dst(%dma_wait3A_465 : memref<1x64xf32, #tpu.memory_space<vmem>>)
        } else {
        }
        %slice3A_384 = vector.extract_strided_slice %get3A_289 {offsets = [7], sizes = [1], strides = [1]} : vector<16xi32> to vector<1xi32>
        %squeeze3A_385 = vector.extract %slice3A_384[0] : i32 from vector<1xi32>
        %gt3A_386 = arith.constant 0 : i32
        %gt3A_387 = arith.cmpi sgt, %squeeze3A_385, %gt3A_386 : i32
        %convert_element_type3A_388 = arith.extui %gt3A_387 : i1 to i32
        %cond3A_389 = arith.constant 0 : i32
        %cond3A_390 = arith.cmpi ne, %convert_element_type3A_388, %cond3A_389 : i32
        scf.if %cond3A_390 {
          %sub3A = arith.constant 1 : i32
          %sub3A_447 = arith.subi %squeeze3A_385, %sub3A : i32
          %mul3A_448 = arith.constant 16 : i32
          %mul3A_449 = arith.muli %scan3A_285, %mul3A_448 : i32
          %add3A_450 = arith.constant 7 : i32
          %add3A_451 = arith.addi %mul3A_449, %add3A_450 : i32
          %dma_start3A_452 = arith.constant 0 : i32
          %dma_start3A_453 = tpu.memref_slice %arg22[%add3A_451, %dma_start3A_452] : memref<512x64xf32, #tpu.memory_space<vmem>> -> memref<1x64xf32, #tpu.memory_space<vmem>>
          %dma_start3A_454 = arith.constant 0 : i32
          %dma_start3A_455 = tpu.memref_slice %arg3[%sub3A_447, %dma_start3A_454] : memref<16384x64xf32, #tpu.memory_space<hbm>> -> memref<1x64xf32, #tpu.memory_space<hbm>>
          %dma_start3A_456 = arith.constant 0 : i32
          %dma_start3A_457 = tpu.memref_slice %arg22[%add3A_451, %dma_start3A_456] : memref<512x64xf32, #tpu.memory_space<vmem>> -> memref<1x64xf32, #tpu.memory_space<vmem>>
          %dma_start3A_458 = arith.constant 0 : i32
          %dma_start3A_459 = tpu.memref_slice %arg3[%sub3A_447, %dma_start3A_458] : memref<16384x64xf32, #tpu.memory_space<hbm>> -> memref<1x64xf32, #tpu.memory_space<hbm>>
          tpu.enqueue_dma source(%dma_start3A_459 : memref<1x64xf32, #tpu.memory_space<hbm>>) target(%dma_start3A_457 : memref<1x64xf32, #tpu.memory_space<vmem>>) target_semaphore(%arg24 : memref<!tpu.dma_semaphore, #tpu.memory_space<semaphore_mem>>)
          %dma_wait3A_460 = arith.constant 0 : i32
          %dma_wait3A_461 = tpu.memref_slice %arg22[%add3A_451, %dma_wait3A_460] : memref<512x64xf32, #tpu.memory_space<vmem>> -> memref<1x64xf32, #tpu.memory_space<vmem>>
          %dma_wait3A_462 = arith.constant 0 : i32
          %dma_wait3A_463 = tpu.memref_slice %arg3[%sub3A_447, %dma_wait3A_462] : memref<16384x64xf32, #tpu.memory_space<hbm>> -> memref<1x64xf32, #tpu.memory_space<hbm>>
          %dma_wait3A_464 = arith.constant 0 : i32
          %dma_wait3A_465 = tpu.memref_slice %arg22[%add3A_451, %dma_wait3A_464] : memref<512x64xf32, #tpu.memory_space<vmem>> -> memref<1x64xf32, #tpu.memory_space<vmem>>
          %dma_wait3A_466 = arith.constant 0 : i32
          %dma_wait3A_467 = tpu.memref_slice %arg3[%sub3A_447, %dma_wait3A_466] : memref<16384x64xf32, #tpu.memory_space<hbm>> -> memref<1x64xf32, #tpu.memory_space<hbm>>
          tpu.wait_dma2 semaphore(%arg24 : memref<!tpu.dma_semaphore, #tpu.memory_space<semaphore_mem>>) src(%dma_wait3A_467 : memref<1x64xf32, #tpu.memory_space<hbm>>) dst(%dma_wait3A_465 : memref<1x64xf32, #tpu.memory_space<vmem>>)
        } else {
        }
        %slice3A_391 = vector.extract_strided_slice %get3A_289 {offsets = [8], sizes = [1], strides = [1]} : vector<16xi32> to vector<1xi32>
        %squeeze3A_392 = vector.extract %slice3A_391[0] : i32 from vector<1xi32>
        %gt3A_393 = arith.constant 0 : i32
        %gt3A_394 = arith.cmpi sgt, %squeeze3A_392, %gt3A_393 : i32
        %convert_element_type3A_395 = arith.extui %gt3A_394 : i1 to i32
        %cond3A_396 = arith.constant 0 : i32
        %cond3A_397 = arith.cmpi ne, %convert_element_type3A_395, %cond3A_396 : i32
        scf.if %cond3A_397 {
          %sub3A = arith.constant 1 : i32
          %sub3A_447 = arith.subi %squeeze3A_392, %sub3A : i32
          %mul3A_448 = arith.constant 16 : i32
          %mul3A_449 = arith.muli %scan3A_285, %mul3A_448 : i32
          %add3A_450 = arith.constant 8 : i32
          %add3A_451 = arith.addi %mul3A_449, %add3A_450 : i32
          %dma_start3A_452 = arith.constant 0 : i32
          %dma_start3A_453 = tpu.memref_slice %arg22[%add3A_451, %dma_start3A_452] : memref<512x64xf32, #tpu.memory_space<vmem>> -> memref<1x64xf32, #tpu.memory_space<vmem>>
          %dma_start3A_454 = arith.constant 0 : i32
          %dma_start3A_455 = tpu.memref_slice %arg3[%sub3A_447, %dma_start3A_454] : memref<16384x64xf32, #tpu.memory_space<hbm>> -> memref<1x64xf32, #tpu.memory_space<hbm>>
          %dma_start3A_456 = arith.constant 0 : i32
          %dma_start3A_457 = tpu.memref_slice %arg22[%add3A_451, %dma_start3A_456] : memref<512x64xf32, #tpu.memory_space<vmem>> -> memref<1x64xf32, #tpu.memory_space<vmem>>
          %dma_start3A_458 = arith.constant 0 : i32
          %dma_start3A_459 = tpu.memref_slice %arg3[%sub3A_447, %dma_start3A_458] : memref<16384x64xf32, #tpu.memory_space<hbm>> -> memref<1x64xf32, #tpu.memory_space<hbm>>
          tpu.enqueue_dma source(%dma_start3A_459 : memref<1x64xf32, #tpu.memory_space<hbm>>) target(%dma_start3A_457 : memref<1x64xf32, #tpu.memory_space<vmem>>) target_semaphore(%arg24 : memref<!tpu.dma_semaphore, #tpu.memory_space<semaphore_mem>>)
          %dma_wait3A_460 = arith.constant 0 : i32
          %dma_wait3A_461 = tpu.memref_slice %arg22[%add3A_451, %dma_wait3A_460] : memref<512x64xf32, #tpu.memory_space<vmem>> -> memref<1x64xf32, #tpu.memory_space<vmem>>
          %dma_wait3A_462 = arith.constant 0 : i32
          %dma_wait3A_463 = tpu.memref_slice %arg3[%sub3A_447, %dma_wait3A_462] : memref<16384x64xf32, #tpu.memory_space<hbm>> -> memref<1x64xf32, #tpu.memory_space<hbm>>
          %dma_wait3A_464 = arith.constant 0 : i32
          %dma_wait3A_465 = tpu.memref_slice %arg22[%add3A_451, %dma_wait3A_464] : memref<512x64xf32, #tpu.memory_space<vmem>> -> memref<1x64xf32, #tpu.memory_space<vmem>>
          %dma_wait3A_466 = arith.constant 0 : i32
          %dma_wait3A_467 = tpu.memref_slice %arg3[%sub3A_447, %dma_wait3A_466] : memref<16384x64xf32, #tpu.memory_space<hbm>> -> memref<1x64xf32, #tpu.memory_space<hbm>>
          tpu.wait_dma2 semaphore(%arg24 : memref<!tpu.dma_semaphore, #tpu.memory_space<semaphore_mem>>) src(%dma_wait3A_467 : memref<1x64xf32, #tpu.memory_space<hbm>>) dst(%dma_wait3A_465 : memref<1x64xf32, #tpu.memory_space<vmem>>)
        } else {
        }
        %slice3A_398 = vector.extract_strided_slice %get3A_289 {offsets = [9], sizes = [1], strides = [1]} : vector<16xi32> to vector<1xi32>
        %squeeze3A_399 = vector.extract %slice3A_398[0] : i32 from vector<1xi32>
        %gt3A_400 = arith.constant 0 : i32
        %gt3A_401 = arith.cmpi sgt, %squeeze3A_399, %gt3A_400 : i32
        %convert_element_type3A_402 = arith.extui %gt3A_401 : i1 to i32
        %cond3A_403 = arith.constant 0 : i32
        %cond3A_404 = arith.cmpi ne, %convert_element_type3A_402, %cond3A_403 : i32
        scf.if %cond3A_404 {
          %sub3A = arith.constant 1 : i32
          %sub3A_447 = arith.subi %squeeze3A_399, %sub3A : i32
          %mul3A_448 = arith.constant 16 : i32
          %mul3A_449 = arith.muli %scan3A_285, %mul3A_448 : i32
          %add3A_450 = arith.constant 9 : i32
          %add3A_451 = arith.addi %mul3A_449, %add3A_450 : i32
          %dma_start3A_452 = arith.constant 0 : i32
          %dma_start3A_453 = tpu.memref_slice %arg22[%add3A_451, %dma_start3A_452] : memref<512x64xf32, #tpu.memory_space<vmem>> -> memref<1x64xf32, #tpu.memory_space<vmem>>
          %dma_start3A_454 = arith.constant 0 : i32
          %dma_start3A_455 = tpu.memref_slice %arg3[%sub3A_447, %dma_start3A_454] : memref<16384x64xf32, #tpu.memory_space<hbm>> -> memref<1x64xf32, #tpu.memory_space<hbm>>
          %dma_start3A_456 = arith.constant 0 : i32
          %dma_start3A_457 = tpu.memref_slice %arg22[%add3A_451, %dma_start3A_456] : memref<512x64xf32, #tpu.memory_space<vmem>> -> memref<1x64xf32, #tpu.memory_space<vmem>>
          %dma_start3A_458 = arith.constant 0 : i32
          %dma_start3A_459 = tpu.memref_slice %arg3[%sub3A_447, %dma_start3A_458] : memref<16384x64xf32, #tpu.memory_space<hbm>> -> memref<1x64xf32, #tpu.memory_space<hbm>>
          tpu.enqueue_dma source(%dma_start3A_459 : memref<1x64xf32, #tpu.memory_space<hbm>>) target(%dma_start3A_457 : memref<1x64xf32, #tpu.memory_space<vmem>>) target_semaphore(%arg24 : memref<!tpu.dma_semaphore, #tpu.memory_space<semaphore_mem>>)
          %dma_wait3A_460 = arith.constant 0 : i32
          %dma_wait3A_461 = tpu.memref_slice %arg22[%add3A_451, %dma_wait3A_460] : memref<512x64xf32, #tpu.memory_space<vmem>> -> memref<1x64xf32, #tpu.memory_space<vmem>>
          %dma_wait3A_462 = arith.constant 0 : i32
          %dma_wait3A_463 = tpu.memref_slice %arg3[%sub3A_447, %dma_wait3A_462] : memref<16384x64xf32, #tpu.memory_space<hbm>> -> memref<1x64xf32, #tpu.memory_space<hbm>>
          %dma_wait3A_464 = arith.constant 0 : i32
          %dma_wait3A_465 = tpu.memref_slice %arg22[%add3A_451, %dma_wait3A_464] : memref<512x64xf32, #tpu.memory_space<vmem>> -> memref<1x64xf32, #tpu.memory_space<vmem>>
          %dma_wait3A_466 = arith.constant 0 : i32
          %dma_wait3A_467 = tpu.memref_slice %arg3[%sub3A_447, %dma_wait3A_466] : memref<16384x64xf32, #tpu.memory_space<hbm>> -> memref<1x64xf32, #tpu.memory_space<hbm>>
          tpu.wait_dma2 semaphore(%arg24 : memref<!tpu.dma_semaphore, #tpu.memory_space<semaphore_mem>>) src(%dma_wait3A_467 : memref<1x64xf32, #tpu.memory_space<hbm>>) dst(%dma_wait3A_465 : memref<1x64xf32, #tpu.memory_space<vmem>>)
        } else {
        }
        %slice3A_405 = vector.extract_strided_slice %get3A_289 {offsets = [10], sizes = [1], strides = [1]} : vector<16xi32> to vector<1xi32>
        %squeeze3A_406 = vector.extract %slice3A_405[0] : i32 from vector<1xi32>
        %gt3A_407 = arith.constant 0 : i32
        %gt3A_408 = arith.cmpi sgt, %squeeze3A_406, %gt3A_407 : i32
        %convert_element_type3A_409 = arith.extui %gt3A_408 : i1 to i32
        %cond3A_410 = arith.constant 0 : i32
        %cond3A_411 = arith.cmpi ne, %convert_element_type3A_409, %cond3A_410 : i32
        scf.if %cond3A_411 {
          %sub3A = arith.constant 1 : i32
          %sub3A_447 = arith.subi %squeeze3A_406, %sub3A : i32
          %mul3A_448 = arith.constant 16 : i32
          %mul3A_449 = arith.muli %scan3A_285, %mul3A_448 : i32
          %add3A_450 = arith.constant 10 : i32
          %add3A_451 = arith.addi %mul3A_449, %add3A_450 : i32
          %dma_start3A_452 = arith.constant 0 : i32
          %dma_start3A_453 = tpu.memref_slice %arg22[%add3A_451, %dma_start3A_452] : memref<512x64xf32, #tpu.memory_space<vmem>> -> memref<1x64xf32, #tpu.memory_space<vmem>>
          %dma_start3A_454 = arith.constant 0 : i32
          %dma_start3A_455 = tpu.memref_slice %arg3[%sub3A_447, %dma_start3A_454] : memref<16384x64xf32, #tpu.memory_space<hbm>> -> memref<1x64xf32, #tpu.memory_space<hbm>>
          %dma_start3A_456 = arith.constant 0 : i32
          %dma_start3A_457 = tpu.memref_slice %arg22[%add3A_451, %dma_start3A_456] : memref<512x64xf32, #tpu.memory_space<vmem>> -> memref<1x64xf32, #tpu.memory_space<vmem>>
          %dma_start3A_458 = arith.constant 0 : i32
          %dma_start3A_459 = tpu.memref_slice %arg3[%sub3A_447, %dma_start3A_458] : memref<16384x64xf32, #tpu.memory_space<hbm>> -> memref<1x64xf32, #tpu.memory_space<hbm>>
          tpu.enqueue_dma source(%dma_start3A_459 : memref<1x64xf32, #tpu.memory_space<hbm>>) target(%dma_start3A_457 : memref<1x64xf32, #tpu.memory_space<vmem>>) target_semaphore(%arg24 : memref<!tpu.dma_semaphore, #tpu.memory_space<semaphore_mem>>)
          %dma_wait3A_460 = arith.constant 0 : i32
          %dma_wait3A_461 = tpu.memref_slice %arg22[%add3A_451, %dma_wait3A_460] : memref<512x64xf32, #tpu.memory_space<vmem>> -> memref<1x64xf32, #tpu.memory_space<vmem>>
          %dma_wait3A_462 = arith.constant 0 : i32
          %dma_wait3A_463 = tpu.memref_slice %arg3[%sub3A_447, %dma_wait3A_462] : memref<16384x64xf32, #tpu.memory_space<hbm>> -> memref<1x64xf32, #tpu.memory_space<hbm>>
          %dma_wait3A_464 = arith.constant 0 : i32
          %dma_wait3A_465 = tpu.memref_slice %arg22[%add3A_451, %dma_wait3A_464] : memref<512x64xf32, #tpu.memory_space<vmem>> -> memref<1x64xf32, #tpu.memory_space<vmem>>
          %dma_wait3A_466 = arith.constant 0 : i32
          %dma_wait3A_467 = tpu.memref_slice %arg3[%sub3A_447, %dma_wait3A_466] : memref<16384x64xf32, #tpu.memory_space<hbm>> -> memref<1x64xf32, #tpu.memory_space<hbm>>
          tpu.wait_dma2 semaphore(%arg24 : memref<!tpu.dma_semaphore, #tpu.memory_space<semaphore_mem>>) src(%dma_wait3A_467 : memref<1x64xf32, #tpu.memory_space<hbm>>) dst(%dma_wait3A_465 : memref<1x64xf32, #tpu.memory_space<vmem>>)
        } else {
        }
        %slice3A_412 = vector.extract_strided_slice %get3A_289 {offsets = [11], sizes = [1], strides = [1]} : vector<16xi32> to vector<1xi32>
        %squeeze3A_413 = vector.extract %slice3A_412[0] : i32 from vector<1xi32>
        %gt3A_414 = arith.constant 0 : i32
        %gt3A_415 = arith.cmpi sgt, %squeeze3A_413, %gt3A_414 : i32
        %convert_element_type3A_416 = arith.extui %gt3A_415 : i1 to i32
        %cond3A_417 = arith.constant 0 : i32
        %cond3A_418 = arith.cmpi ne, %convert_element_type3A_416, %cond3A_417 : i32
        scf.if %cond3A_418 {
          %sub3A = arith.constant 1 : i32
          %sub3A_447 = arith.subi %squeeze3A_413, %sub3A : i32
          %mul3A_448 = arith.constant 16 : i32
          %mul3A_449 = arith.muli %scan3A_285, %mul3A_448 : i32
          %add3A_450 = arith.constant 11 : i32
          %add3A_451 = arith.addi %mul3A_449, %add3A_450 : i32
          %dma_start3A_452 = arith.constant 0 : i32
          %dma_start3A_453 = tpu.memref_slice %arg22[%add3A_451, %dma_start3A_452] : memref<512x64xf32, #tpu.memory_space<vmem>> -> memref<1x64xf32, #tpu.memory_space<vmem>>
          %dma_start3A_454 = arith.constant 0 : i32
          %dma_start3A_455 = tpu.memref_slice %arg3[%sub3A_447, %dma_start3A_454] : memref<16384x64xf32, #tpu.memory_space<hbm>> -> memref<1x64xf32, #tpu.memory_space<hbm>>
          %dma_start3A_456 = arith.constant 0 : i32
          %dma_start3A_457 = tpu.memref_slice %arg22[%add3A_451, %dma_start3A_456] : memref<512x64xf32, #tpu.memory_space<vmem>> -> memref<1x64xf32, #tpu.memory_space<vmem>>
          %dma_start3A_458 = arith.constant 0 : i32
          %dma_start3A_459 = tpu.memref_slice %arg3[%sub3A_447, %dma_start3A_458] : memref<16384x64xf32, #tpu.memory_space<hbm>> -> memref<1x64xf32, #tpu.memory_space<hbm>>
          tpu.enqueue_dma source(%dma_start3A_459 : memref<1x64xf32, #tpu.memory_space<hbm>>) target(%dma_start3A_457 : memref<1x64xf32, #tpu.memory_space<vmem>>) target_semaphore(%arg24 : memref<!tpu.dma_semaphore, #tpu.memory_space<semaphore_mem>>)
          %dma_wait3A_460 = arith.constant 0 : i32
          %dma_wait3A_461 = tpu.memref_slice %arg22[%add3A_451, %dma_wait3A_460] : memref<512x64xf32, #tpu.memory_space<vmem>> -> memref<1x64xf32, #tpu.memory_space<vmem>>
          %dma_wait3A_462 = arith.constant 0 : i32
          %dma_wait3A_463 = tpu.memref_slice %arg3[%sub3A_447, %dma_wait3A_462] : memref<16384x64xf32, #tpu.memory_space<hbm>> -> memref<1x64xf32, #tpu.memory_space<hbm>>
          %dma_wait3A_464 = arith.constant 0 : i32
          %dma_wait3A_465 = tpu.memref_slice %arg22[%add3A_451, %dma_wait3A_464] : memref<512x64xf32, #tpu.memory_space<vmem>> -> memref<1x64xf32, #tpu.memory_space<vmem>>
          %dma_wait3A_466 = arith.constant 0 : i32
          %dma_wait3A_467 = tpu.memref_slice %arg3[%sub3A_447, %dma_wait3A_466] : memref<16384x64xf32, #tpu.memory_space<hbm>> -> memref<1x64xf32, #tpu.memory_space<hbm>>
          tpu.wait_dma2 semaphore(%arg24 : memref<!tpu.dma_semaphore, #tpu.memory_space<semaphore_mem>>) src(%dma_wait3A_467 : memref<1x64xf32, #tpu.memory_space<hbm>>) dst(%dma_wait3A_465 : memref<1x64xf32, #tpu.memory_space<vmem>>)
        } else {
        }
        %slice3A_419 = vector.extract_strided_slice %get3A_289 {offsets = [12], sizes = [1], strides = [1]} : vector<16xi32> to vector<1xi32>
        %squeeze3A_420 = vector.extract %slice3A_419[0] : i32 from vector<1xi32>
        %gt3A_421 = arith.constant 0 : i32
        %gt3A_422 = arith.cmpi sgt, %squeeze3A_420, %gt3A_421 : i32
        %convert_element_type3A_423 = arith.extui %gt3A_422 : i1 to i32
        %cond3A_424 = arith.constant 0 : i32
        %cond3A_425 = arith.cmpi ne, %convert_element_type3A_423, %cond3A_424 : i32
        scf.if %cond3A_425 {
          %sub3A = arith.constant 1 : i32
          %sub3A_447 = arith.subi %squeeze3A_420, %sub3A : i32
          %mul3A_448 = arith.constant 16 : i32
          %mul3A_449 = arith.muli %scan3A_285, %mul3A_448 : i32
          %add3A_450 = arith.constant 12 : i32
          %add3A_451 = arith.addi %mul3A_449, %add3A_450 : i32
          %dma_start3A_452 = arith.constant 0 : i32
          %dma_start3A_453 = tpu.memref_slice %arg22[%add3A_451, %dma_start3A_452] : memref<512x64xf32, #tpu.memory_space<vmem>> -> memref<1x64xf32, #tpu.memory_space<vmem>>
          %dma_start3A_454 = arith.constant 0 : i32
          %dma_start3A_455 = tpu.memref_slice %arg3[%sub3A_447, %dma_start3A_454] : memref<16384x64xf32, #tpu.memory_space<hbm>> -> memref<1x64xf32, #tpu.memory_space<hbm>>
          %dma_start3A_456 = arith.constant 0 : i32
          %dma_start3A_457 = tpu.memref_slice %arg22[%add3A_451, %dma_start3A_456] : memref<512x64xf32, #tpu.memory_space<vmem>> -> memref<1x64xf32, #tpu.memory_space<vmem>>
          %dma_start3A_458 = arith.constant 0 : i32
          %dma_start3A_459 = tpu.memref_slice %arg3[%sub3A_447, %dma_start3A_458] : memref<16384x64xf32, #tpu.memory_space<hbm>> -> memref<1x64xf32, #tpu.memory_space<hbm>>
          tpu.enqueue_dma source(%dma_start3A_459 : memref<1x64xf32, #tpu.memory_space<hbm>>) target(%dma_start3A_457 : memref<1x64xf32, #tpu.memory_space<vmem>>) target_semaphore(%arg24 : memref<!tpu.dma_semaphore, #tpu.memory_space<semaphore_mem>>)
          %dma_wait3A_460 = arith.constant 0 : i32
          %dma_wait3A_461 = tpu.memref_slice %arg22[%add3A_451, %dma_wait3A_460] : memref<512x64xf32, #tpu.memory_space<vmem>> -> memref<1x64xf32, #tpu.memory_space<vmem>>
          %dma_wait3A_462 = arith.constant 0 : i32
          %dma_wait3A_463 = tpu.memref_slice %arg3[%sub3A_447, %dma_wait3A_462] : memref<16384x64xf32, #tpu.memory_space<hbm>> -> memref<1x64xf32, #tpu.memory_space<hbm>>
          %dma_wait3A_464 = arith.constant 0 : i32
          %dma_wait3A_465 = tpu.memref_slice %arg22[%add3A_451, %dma_wait3A_464] : memref<512x64xf32, #tpu.memory_space<vmem>> -> memref<1x64xf32, #tpu.memory_space<vmem>>
          %dma_wait3A_466 = arith.constant 0 : i32
          %dma_wait3A_467 = tpu.memref_slice %arg3[%sub3A_447, %dma_wait3A_466] : memref<16384x64xf32, #tpu.memory_space<hbm>> -> memref<1x64xf32, #tpu.memory_space<hbm>>
          tpu.wait_dma2 semaphore(%arg24 : memref<!tpu.dma_semaphore, #tpu.memory_space<semaphore_mem>>) src(%dma_wait3A_467 : memref<1x64xf32, #tpu.memory_space<hbm>>) dst(%dma_wait3A_465 : memref<1x64xf32, #tpu.memory_space<vmem>>)
        } else {
        }
        %slice3A_426 = vector.extract_strided_slice %get3A_289 {offsets = [13], sizes = [1], strides = [1]} : vector<16xi32> to vector<1xi32>
        %squeeze3A_427 = vector.extract %slice3A_426[0] : i32 from vector<1xi32>
        %gt3A_428 = arith.constant 0 : i32
        %gt3A_429 = arith.cmpi sgt, %squeeze3A_427, %gt3A_428 : i32
        %convert_element_type3A_430 = arith.extui %gt3A_429 : i1 to i32
        %cond3A_431 = arith.constant 0 : i32
        %cond3A_432 = arith.cmpi ne, %convert_element_type3A_430, %cond3A_431 : i32
        scf.if %cond3A_432 {
          %sub3A = arith.constant 1 : i32
          %sub3A_447 = arith.subi %squeeze3A_427, %sub3A : i32
          %mul3A_448 = arith.constant 16 : i32
          %mul3A_449 = arith.muli %scan3A_285, %mul3A_448 : i32
          %add3A_450 = arith.constant 13 : i32
          %add3A_451 = arith.addi %mul3A_449, %add3A_450 : i32
          %dma_start3A_452 = arith.constant 0 : i32
          %dma_start3A_453 = tpu.memref_slice %arg22[%add3A_451, %dma_start3A_452] : memref<512x64xf32, #tpu.memory_space<vmem>> -> memref<1x64xf32, #tpu.memory_space<vmem>>
          %dma_start3A_454 = arith.constant 0 : i32
          %dma_start3A_455 = tpu.memref_slice %arg3[%sub3A_447, %dma_start3A_454] : memref<16384x64xf32, #tpu.memory_space<hbm>> -> memref<1x64xf32, #tpu.memory_space<hbm>>
          %dma_start3A_456 = arith.constant 0 : i32
          %dma_start3A_457 = tpu.memref_slice %arg22[%add3A_451, %dma_start3A_456] : memref<512x64xf32, #tpu.memory_space<vmem>> -> memref<1x64xf32, #tpu.memory_space<vmem>>
          %dma_start3A_458 = arith.constant 0 : i32
          %dma_start3A_459 = tpu.memref_slice %arg3[%sub3A_447, %dma_start3A_458] : memref<16384x64xf32, #tpu.memory_space<hbm>> -> memref<1x64xf32, #tpu.memory_space<hbm>>
          tpu.enqueue_dma source(%dma_start3A_459 : memref<1x64xf32, #tpu.memory_space<hbm>>) target(%dma_start3A_457 : memref<1x64xf32, #tpu.memory_space<vmem>>) target_semaphore(%arg24 : memref<!tpu.dma_semaphore, #tpu.memory_space<semaphore_mem>>)
          %dma_wait3A_460 = arith.constant 0 : i32
          %dma_wait3A_461 = tpu.memref_slice %arg22[%add3A_451, %dma_wait3A_460] : memref<512x64xf32, #tpu.memory_space<vmem>> -> memref<1x64xf32, #tpu.memory_space<vmem>>
          %dma_wait3A_462 = arith.constant 0 : i32
          %dma_wait3A_463 = tpu.memref_slice %arg3[%sub3A_447, %dma_wait3A_462] : memref<16384x64xf32, #tpu.memory_space<hbm>> -> memref<1x64xf32, #tpu.memory_space<hbm>>
          %dma_wait3A_464 = arith.constant 0 : i32
          %dma_wait3A_465 = tpu.memref_slice %arg22[%add3A_451, %dma_wait3A_464] : memref<512x64xf32, #tpu.memory_space<vmem>> -> memref<1x64xf32, #tpu.memory_space<vmem>>
          %dma_wait3A_466 = arith.constant 0 : i32
          %dma_wait3A_467 = tpu.memref_slice %arg3[%sub3A_447, %dma_wait3A_466] : memref<16384x64xf32, #tpu.memory_space<hbm>> -> memref<1x64xf32, #tpu.memory_space<hbm>>
          tpu.wait_dma2 semaphore(%arg24 : memref<!tpu.dma_semaphore, #tpu.memory_space<semaphore_mem>>) src(%dma_wait3A_467 : memref<1x64xf32, #tpu.memory_space<hbm>>) dst(%dma_wait3A_465 : memref<1x64xf32, #tpu.memory_space<vmem>>)
        } else {
        }
        %slice3A_433 = vector.extract_strided_slice %get3A_289 {offsets = [14], sizes = [1], strides = [1]} : vector<16xi32> to vector<1xi32>
        %squeeze3A_434 = vector.extract %slice3A_433[0] : i32 from vector<1xi32>
        %gt3A_435 = arith.constant 0 : i32
        %gt3A_436 = arith.cmpi sgt, %squeeze3A_434, %gt3A_435 : i32
        %convert_element_type3A_437 = arith.extui %gt3A_436 : i1 to i32
        %cond3A_438 = arith.constant 0 : i32
        %cond3A_439 = arith.cmpi ne, %convert_element_type3A_437, %cond3A_438 : i32
        scf.if %cond3A_439 {
          %sub3A = arith.constant 1 : i32
          %sub3A_447 = arith.subi %squeeze3A_434, %sub3A : i32
          %mul3A_448 = arith.constant 16 : i32
          %mul3A_449 = arith.muli %scan3A_285, %mul3A_448 : i32
          %add3A_450 = arith.constant 14 : i32
          %add3A_451 = arith.addi %mul3A_449, %add3A_450 : i32
          %dma_start3A_452 = arith.constant 0 : i32
          %dma_start3A_453 = tpu.memref_slice %arg22[%add3A_451, %dma_start3A_452] : memref<512x64xf32, #tpu.memory_space<vmem>> -> memref<1x64xf32, #tpu.memory_space<vmem>>
          %dma_start3A_454 = arith.constant 0 : i32
          %dma_start3A_455 = tpu.memref_slice %arg3[%sub3A_447, %dma_start3A_454] : memref<16384x64xf32, #tpu.memory_space<hbm>> -> memref<1x64xf32, #tpu.memory_space<hbm>>
          %dma_start3A_456 = arith.constant 0 : i32
          %dma_start3A_457 = tpu.memref_slice %arg22[%add3A_451, %dma_start3A_456] : memref<512x64xf32, #tpu.memory_space<vmem>> -> memref<1x64xf32, #tpu.memory_space<vmem>>
          %dma_start3A_458 = arith.constant 0 : i32
          %dma_start3A_459 = tpu.memref_slice %arg3[%sub3A_447, %dma_start3A_458] : memref<16384x64xf32, #tpu.memory_space<hbm>> -> memref<1x64xf32, #tpu.memory_space<hbm>>
          tpu.enqueue_dma source(%dma_start3A_459 : memref<1x64xf32, #tpu.memory_space<hbm>>) target(%dma_start3A_457 : memref<1x64xf32, #tpu.memory_space<vmem>>) target_semaphore(%arg24 : memref<!tpu.dma_semaphore, #tpu.memory_space<semaphore_mem>>)
          %dma_wait3A_460 = arith.constant 0 : i32
          %dma_wait3A_461 = tpu.memref_slice %arg22[%add3A_451, %dma_wait3A_460] : memref<512x64xf32, #tpu.memory_space<vmem>> -> memref<1x64xf32, #tpu.memory_space<vmem>>
          %dma_wait3A_462 = arith.constant 0 : i32
          %dma_wait3A_463 = tpu.memref_slice %arg3[%sub3A_447, %dma_wait3A_462] : memref<16384x64xf32, #tpu.memory_space<hbm>> -> memref<1x64xf32, #tpu.memory_space<hbm>>
          %dma_wait3A_464 = arith.constant 0 : i32
          %dma_wait3A_465 = tpu.memref_slice %arg22[%add3A_451, %dma_wait3A_464] : memref<512x64xf32, #tpu.memory_space<vmem>> -> memref<1x64xf32, #tpu.memory_space<vmem>>
          %dma_wait3A_466 = arith.constant 0 : i32
          %dma_wait3A_467 = tpu.memref_slice %arg3[%sub3A_447, %dma_wait3A_466] : memref<16384x64xf32, #tpu.memory_space<hbm>> -> memref<1x64xf32, #tpu.memory_space<hbm>>
          tpu.wait_dma2 semaphore(%arg24 : memref<!tpu.dma_semaphore, #tpu.memory_space<semaphore_mem>>) src(%dma_wait3A_467 : memref<1x64xf32, #tpu.memory_space<hbm>>) dst(%dma_wait3A_465 : memref<1x64xf32, #tpu.memory_space<vmem>>)
        } else {
        }
        %slice3A_440 = vector.extract_strided_slice %get3A_289 {offsets = [15], sizes = [1], strides = [1]} : vector<16xi32> to vector<1xi32>
        %squeeze3A_441 = vector.extract %slice3A_440[0] : i32 from vector<1xi32>
        %gt3A_442 = arith.constant 0 : i32
        %gt3A_443 = arith.cmpi sgt, %squeeze3A_441, %gt3A_442 : i32
        %convert_element_type3A_444 = arith.extui %gt3A_443 : i1 to i32
        %cond3A_445 = arith.constant 0 : i32
        %cond3A_446 = arith.cmpi ne, %convert_element_type3A_444, %cond3A_445 : i32
        scf.if %cond3A_446 {
          %sub3A = arith.constant 1 : i32
          %sub3A_447 = arith.subi %squeeze3A_441, %sub3A : i32
          %mul3A_448 = arith.constant 16 : i32
          %mul3A_449 = arith.muli %scan3A_285, %mul3A_448 : i32
          %add3A_450 = arith.constant 15 : i32
          %add3A_451 = arith.addi %mul3A_449, %add3A_450 : i32
          %dma_start3A_452 = arith.constant 0 : i32
          %dma_start3A_453 = tpu.memref_slice %arg22[%add3A_451, %dma_start3A_452] : memref<512x64xf32, #tpu.memory_space<vmem>> -> memref<1x64xf32, #tpu.memory_space<vmem>>
          %dma_start3A_454 = arith.constant 0 : i32
          %dma_start3A_455 = tpu.memref_slice %arg3[%sub3A_447, %dma_start3A_454] : memref<16384x64xf32, #tpu.memory_space<hbm>> -> memref<1x64xf32, #tpu.memory_space<hbm>>
          %dma_start3A_456 = arith.constant 0 : i32
          %dma_start3A_457 = tpu.memref_slice %arg22[%add3A_451, %dma_start3A_456] : memref<512x64xf32, #tpu.memory_space<vmem>> -> memref<1x64xf32, #tpu.memory_space<vmem>>
          %dma_start3A_458 = arith.constant 0 : i32
          %dma_start3A_459 = tpu.memref_slice %arg3[%sub3A_447, %dma_start3A_458] : memref<16384x64xf32, #tpu.memory_space<hbm>> -> memref<1x64xf32, #tpu.memory_space<hbm>>
          tpu.enqueue_dma source(%dma_start3A_459 : memref<1x64xf32, #tpu.memory_space<hbm>>) target(%dma_start3A_457 : memref<1x64xf32, #tpu.memory_space<vmem>>) target_semaphore(%arg24 : memref<!tpu.dma_semaphore, #tpu.memory_space<semaphore_mem>>)
          %dma_wait3A_460 = arith.constant 0 : i32
          %dma_wait3A_461 = tpu.memref_slice %arg22[%add3A_451, %dma_wait3A_460] : memref<512x64xf32, #tpu.memory_space<vmem>> -> memref<1x64xf32, #tpu.memory_space<vmem>>
          %dma_wait3A_462 = arith.constant 0 : i32
          %dma_wait3A_463 = tpu.memref_slice %arg3[%sub3A_447, %dma_wait3A_462] : memref<16384x64xf32, #tpu.memory_space<hbm>> -> memref<1x64xf32, #tpu.memory_space<hbm>>
          %dma_wait3A_464 = arith.constant 0 : i32
          %dma_wait3A_465 = tpu.memref_slice %arg22[%add3A_451, %dma_wait3A_464] : memref<512x64xf32, #tpu.memory_space<vmem>> -> memref<1x64xf32, #tpu.memory_space<vmem>>
          %dma_wait3A_466 = arith.constant 0 : i32
          %dma_wait3A_467 = tpu.memref_slice %arg3[%sub3A_447, %dma_wait3A_466] : memref<16384x64xf32, #tpu.memory_space<hbm>> -> memref<1x64xf32, #tpu.memory_space<hbm>>
          tpu.wait_dma2 semaphore(%arg24 : memref<!tpu.dma_semaphore, #tpu.memory_space<semaphore_mem>>) src(%dma_wait3A_467 : memref<1x64xf32, #tpu.memory_space<hbm>>) dst(%dma_wait3A_465 : memref<1x64xf32, #tpu.memory_space<vmem>>)
        } else {
        }
      } else {
      }
    }
    %scan3A_282 = arith.constant 32 : i32
    %mul3A_283 = arith.constant 512 : i32
    %mul3A_284 = arith.muli %add3A, %mul3A_283 : i32
    "tpu.region"() ({
      %run_scoped3A = tpu.sem_alloc : memref<!tpu.dma_semaphore, #tpu.memory_space<semaphore_mem>>
      %dma_start3A_285 = arith.constant 0 : i32
      %dma_start3A_286 = tpu.memref_slice %arg6[%mul3A_284, %dma_start3A_285] : memref<16384x64xf32, #tpu.memory_space<hbm>> -> memref<512x64xf32, #tpu.memory_space<hbm>>
      %dma_start3A_287 = arith.constant 0 : i32
      %dma_start3A_288 = tpu.memref_slice %arg6[%mul3A_284, %dma_start3A_287] : memref<16384x64xf32, #tpu.memory_space<hbm>> -> memref<512x64xf32, #tpu.memory_space<hbm>>
      tpu.enqueue_dma source(%arg22 : memref<512x64xf32, #tpu.memory_space<vmem>>) target(%dma_start3A_288 : memref<512x64xf32, #tpu.memory_space<hbm>>) target_semaphore(%run_scoped3A : memref<!tpu.dma_semaphore, #tpu.memory_space<semaphore_mem>>)
      %dma_wait3A_289 = arith.constant 0 : i32
      %dma_wait3A_290 = tpu.memref_slice %arg6[%mul3A_284, %dma_wait3A_289] : memref<16384x64xf32, #tpu.memory_space<hbm>> -> memref<512x64xf32, #tpu.memory_space<hbm>>
      %dma_wait3A_291 = arith.constant 0 : i32
      %dma_wait3A_292 = tpu.memref_slice %arg6[%mul3A_284, %dma_wait3A_291] : memref<16384x64xf32, #tpu.memory_space<hbm>> -> memref<512x64xf32, #tpu.memory_space<hbm>>
      tpu.wait_dma2 semaphore(%run_scoped3A : memref<!tpu.dma_semaphore, #tpu.memory_space<semaphore_mem>>) src(%arg22 : memref<512x64xf32, #tpu.memory_space<vmem>>) dst(%dma_wait3A_292 : memref<512x64xf32, #tpu.memory_space<hbm>>)
      tpu.yield
    }) : () -> ()
    return
  }
}

</mosaic_0001>

<sc_bundles>
// kernel: kernel.3.cloned.1.call-start
scs
__scs_entry_jumppad:
0x0: {  	(pc) =	sbr.rel $0x88, $3  }
0x1: {  	(tag) =	ssettag $0x0;
	lr =	simm.s32 $0x1  }
0x2: {  	[smem:$0x3F9D] =	sst lr;
	_ =	strace $0xD0000000  }
0x3: {  	_ = 	snop  }
0x4: {  	_ = 	snop  }
0x5: {  	_ = 	snop  }
0x6: {  	_ = 	snop  }
0x7: {  	_ = 	snop  }
__scs_overlays_trampoline_lowered:
0x8: {  	[smem:$0x3FAC] =	sst s0  }
0x9: {  	[smem:$0x3FAD] =	sst s1  }
0xa: {  	[smem:$0x3FAE] =	sst s2  }
0xb: {  	[smem:$0x3FAF] =	sst s3  }
0xc: {  	[smem:$0x3FB0] =	sst s4  }
0xd: {  	[smem:$0x3FB1] =	sst s5  }
0xe: {  	[smem:$0x3FB2] =	sst s6  }
0xf: {  	[smem:$0x3FB3] =	sst s7  }
0x10: {  	[smem:$0x3FB4] =	sst s8  }
0x11: {  	[smem:$0x3FB5] =	sst s9;
	s0 =	simm.s32 @!p0 $0x0  }
0x12: {  	s1 =	sld [smem:$0x3F9B];
	s0 =	simm.s32 @p0 $0x1  }
0x13: {  	[smem:$0x3FB6] =	sst s0;
	s0 =	simm.s32 @!p1 $0x0  }
0x14: {  	s2 =	sld [smem:$0x3F9A];
	s0 =	simm.s32 @p1 $0x1  }
0x15: {  	[smem:$0x3FB7] =	sst s0;
	s0 =	simm.s32 @!p2 $0x0  }
0x16: {  	s3 =	sld [smem:$0x3FDB];
	s0 =	simm.s32 @p2 $0x1  }
0x17: {  	s4 =	simm.s32 $0x1BF5;
	[smem:$0x3FB9] =	sst s0  }
0x18: {  	s0 =	sld [smem:$0x3F9C];
	_ =	swait.ge [sflag:s4], $0x0  }
0x19: {  	s7 =	sld [smem:$0x3F9D]  }
0x1a: {  	s8 =	sadd.s32 $0xFFFFE003, lr  }
0x1b: {  	s9 =	sadd.s32 $0xFFFFFEF7, lr;
	s5 =	simm.s32 $0xFFFFFFFF;
	p2 =	slt.u32 s8, $0xFFFFF086  }
0x1c: {  	p1 =	slt.u32 s9, $0xF7A;
	s5 =	simm.s32 @!p2 $0x0  }
0x1d: {  	s5 =	simm.s32 @p1 $0x1;
	p0 =	seq.s32 s7, s2  }
0x1e: {  	s7 =	smul.u32 @!p0 $0xF7A, s2;
	p2 =	seq.s32 @!p0 s5, $0x0  }
0x1f: {  	s9 =	smul.u32 $0xF7A, s1;
	s8 =	simm.s32 @!p0 $0x1BF5;
	p2 =	por !p2, p0  }
0x20: {  	[sflag:s8] =	ssyncset.s32 @!p0 $0xFFFFF086;
	s6 =	sadd.s32 @!p0 s3, s7;
	s7 =	simm.s32 @!p0 $0x108  }
0x21: {  	s3 =	sadd.s32 s3, s9;
	s6 =	sadd.s32 @!p0 $0x88, s6;
	s7 =	simm.s32 @p2 $0x1082  }
0x22: {  	[simem:s7], [sflag:s8] =	dma.local @!p0 [hbm:s6], $0xF7A  }
0x23: {  	s9 =	sor.u32 $0xD0000000, s2;
	s6 =	simm.s32 $0x108;
	_ =	swait.ge @!p0 [sflag:s8], $0x0  }
0x24: {  	s3 =	sadd.s32 $0x88, s3;
	s6 =	simm.s32 @!p1 $0x1082;
	[sflag:s4] =	ssyncset.s32 $0xFFFFF086  }
0x25: {  	[simem:s6], [sflag:s4] =	dma.local [hbm:s3], $0xF7A  }
0x26: {  	[smem:$0x3F9D] =	sst s1;
	(tag) =	ssettag s2;
	_ =	strace s9  }
0x27: {  	s1 =	sld [smem:$0x3FAD]  }
0x28: {  	s2 =	sld [smem:$0x3FAE]  }
0x29: {  	s4 =	sld [smem:$0x3FB0]  }
0x2a: {  	p0 =	seq.s32 s5, $0x0;
	s5 =	sld [smem:$0x3FB1]  }
0x2b: {  	s6 =	sld [smem:$0x3FB2]  }
0x2c: {  	s7 =	sld [smem:$0x3FB3]  }
0x2d: {  	s3 =	simm.s32 $0x108;
	s8 =	sld [smem:$0x3FB4]  }
0x2e: {  	s3 =	simm.s32 @!p0 $0x1082;
	s9 =	sld [smem:$0x3FB5]  }
0x2f: {  	lr =	sadd.s32 s0, s3;
	s0 =	sld [smem:$0x3FAC]  }
0x30: {  	s3 =	sld [smem:$0x3FAF]  }
0x31: {  	[smem:$0x3FB8] =	sst s10  }
0x32: {  	s10 =	sld [smem:$0x3FB6];
	_ =	sdelay $0x3  }
0x33: {  	p0 =	seq.s32 s10, $0x1;
	s10 =	sld [smem:$0x3FB8];
	_ =	sdelay $0x3  }
0x34: {  	[smem:$0x3FB8] =	sst s10  }
0x35: {  	s10 =	sld [smem:$0x3FB7];
	_ =	sdelay $0x3  }
0x36: {  	p1 =	seq.s32 s10, $0x1;
	s10 =	sld [smem:$0x3FB8];
	_ =	sdelay $0x3  }
0x37: {  	[smem:$0x3FB8] =	sst s10  }
0x38: {  	s10 =	sld [smem:$0x3FB9]  }
0x39: {  	_ = 	snop;
	(pc) =	sbr.ind lr, $3  }
0x3a: {  	_ = 	snop  }
0x3b: {  	_ = 	snop  }
0x3c: {  	p2 =	seq.s32 s10, $0x1;
	s10 =	sld [smem:$0x3FB8]  }
0x3d: {  	_ =	shalt  }
0x3e: {  	_ =	shalt  }
0x3f: {  	_ =	shalt  }
0x40: {  	_ =	shalt  }
0x41: {  	_ =	shalt  }
0x42: {  	_ =	shalt  }
0x43: {  	_ =	shalt  }
0x44: {  	_ =	shalt  }
0x45: {  	_ =	shalt  }
0x46: {  	_ =	shalt  }
0x47: {  	_ =	shalt  }
0x48: {  	_ =	shalt  }
0x49: {  	_ =	shalt  }
0x4a: {  	_ =	shalt  }
0x4b: {  	_ =	shalt  }
0x4c: {  	_ =	shalt  }
0x4d: {  	_ =	shalt  }
0x4e: {  	_ =	shalt  }
0x4f: {  	_ =	shalt  }
0x50: {  	_ =	shalt  }
0x51: {  	_ =	shalt  }
0x52: {  	_ =	shalt  }
0x53: {  	_ =	shalt  }
0x54: {  	_ =	shalt  }
0x55: {  	_ =	shalt  }
0x56: {  	_ =	shalt  }
0x57: {  	_ =	shalt  }
0x58: {  	_ =	shalt  }
0x59: {  	_ =	shalt  }
0x5a: {  	_ =	shalt  }
0x5b: {  	_ =	shalt  }
0x5c: {  	_ =	shalt  }
0x5d: {  	_ =	shalt  }
0x5e: {  	_ =	shalt  }
0x5f: {  	_ =	shalt  }
0x60: {  	_ =	shalt  }
0x61: {  	_ =	shalt  }
0x62: {  	_ =	shalt  }
0x63: {  	_ =	shalt  }
0x64: {  	_ =	shalt  }
0x65: {  	_ =	shalt  }
0x66: {  	_ =	shalt  }
0x67: {  	_ =	shalt  }
0x68: {  	_ =	shalt  }
0x69: {  	_ =	shalt  }
0x6a: {  	_ =	shalt  }
0x6b: {  	_ =	shalt  }
0x6c: {  	_ =	shalt  }
0x6d: {  	_ =	shalt  }
0x6e: {  	_ =	shalt  }
0x6f: {  	_ =	shalt  }
0x70: {  	_ =	shalt  }
0x71: {  	_ =	shalt  }
0x72: {  	_ =	shalt  }
0x73: {  	_ =	shalt  }
0x74: {  	_ =	shalt  }
0x75: {  	_ =	shalt  }
0x76: {  	_ =	shalt  }
0x77: {  	_ =	shalt  }
0x78: {  	_ =	shalt  }
0x79: {  	_ =	shalt  }
0x7a: {  	_ =	shalt  }
0x7b: {  	_ =	shalt  }
0x7c: {  	_ =	shalt  }
0x7d: {  	_ =	shalt  }
0x7e: {  	_ =	shalt  }
0x7f: {  	_ =	shalt  }
0x80: {  	_ =	shalt  }
0x81: {  	_ =	shalt  }
0x82: {  	_ =	shalt  }
0x83: {  	_ =	shalt  }
0x84: {  	_ =	shalt  }
0x85: {  	_ =	shalt  }
0x86: {  	_ =	shalt  }
0x87: {  	_ =	shalt  }
.Lfunc_end0:
.L_simem_size_0:
called_computation_lowered:
.L_overlay_start_0:
0x88: {  	s2 =	sld [smem:$0x3FD9]  }
0x89: {  	s3 =	sld [smem:$0x3FFE];
	_ =	sdelay $0x1  }
0x8a: {  	s1 =	srdreg.scid  }
0x8b: {  	s0 =	sand.u32 $0x1, s1  }
0x8c: {  	s17 =	sshll.u32 s0, $0xA;
	s2 =	sadd.s32 s3, s2  }
0x8d: {  	s3 =	sadd.s32 s2, s17  }
0x8e: {  	[smem:$0x3FC4] =	sst s3  }
0x8f: {  	_ = 	snop  }
0x90: {  	s3 =	sld [smem:$0x3FC7]  }
0x91: {  	s4 =	sld [smem:$0x3FC6];
	(tm) =	ssettm $0x1  }
0x92: {  	s5 =	sld [smem:$0x3FFB];
	_ =	sdelay $0x3  }
0x93: {  	_ =	strace s5  }
0x94: {  	s5 =	sld [smem:$0x3FFC];
	_ =	sdelay $0x3  }
0x95: {  	_ =	strace s5  }
0x96: {  	s5 =	sld [smem:$0x3FFD];
	_ =	sdelay $0x3  }
0x97: {  	_ =	strace s5  }
0x98: {  	_ =	strace $0x8FFFFFFF  }
0x99: {  	s18 =	sld [smem:$0x3FDB];
	_ =	sdelay $0x1  }
0x9a: {  	s6 =	simm.s32 $_scs_section_size  }
0x9b: {  	s7 =	simm.s32 $_size__tile_overlayer_lowered;
	s8 =	simm.s32 $_tile_overlayer_lowered  }
0x9c: {  	s21 =	simm.s32 $0x1BFF;
	s20 =	sshll.u32 s8, $0x1;
	s5 =	sadd.s32 s6, s18  }
0x9d: {  	s9 =	simm.s32 $0x0;
	s19 =	sshll.u32 s7, $0x1;
	s7 =	sadd.s32 s20, s5  }
0x9e: {  	[timem:s9], [sflag:s21] =	dma.local [hbm:s7], s19  }
0x9f: {  	_ =	swait.ge [sflag:s21], s19  }
0xa0: {  	s6 =	ssub.s32 $0x0, s19;
	[sflag:s21] =	ssyncset.done $0x0  }
0xa1: {  	[sflag:s21] =	ssyncadd.s32 s6;
	_ =	sdelay $0x1  }
0xa2: {  	s22 =	simm.s32 $0x1B8B  }
0xa3: {  	_ =	swait.ge [sflag:s22], $0x1  }
0xa4: {  	[sflag:s22] =	ssyncset.done $0x0  }
0xa5: {  	s24 =	simm.s32 $0x1B8E;
	s23 =	sld [smem:$0x3FFE];
	[sflag:s22] =	ssyncadd.s32 $0xFFFFFFFF  }
0xa6: {  	s25 =	simm.s32 $execute0_lowered;
	[smem:$0x3FD2] =	sst s24  }
0xa7: {  	s7 =	sshll.u32 s25, $0x1;
	_ =	strace $0x80000046;
	[dreg:$0x1] =	wrdreg $0xFFFFFFFF  }
0xa8: {  	s26 =	simm.s32 $_size_execute0_lowered;
	s5 =	sadd.s32 s5, s7;
	[dreg:$0x0] =	wrdreg $0x0  }
0xa9: {  	s7 =	sshll.u32 s26, $0x1;
	[dreg:$0x2] =	wrdreg s5  }
0xaa: {  	[dreg:$0x3] =	wrdreg s7  }
0xab: {  	[dreg:$0x4] =	wrdreg $0xC0  }
0xac: {  	_ =	task [dreg:s9], $0x5FFFF  }
0xad: {  	[dreg:$0x1] =	wrdreg $0xFFFFFFFF  }
0xae: {  	[dreg:$0x0] =	wrdreg $0x60  }
0xaf: {  	[dreg:$0x2] =	wrdreg s23  }
0xb0: {  	[dreg:$0x3] =	wrdreg s3  }
0xb1: {  	s28 =	sadd.s32 $0x800, s2;
	[dreg:$0x4] =	wrdreg s4  }
0xb2: {  	s2 =	sadd.s32 $0x3E890, s2;
	[dreg:$0x5] =	wrdreg s28  }
0xb3: {  	[dreg:$0x6] =	wrdreg s2  }
0xb4: {  	[dreg:$0x7] =	wrdreg $0x9  }
0xb5: {  	_ =	task.clear_ibuf [dreg:s9], $0x8FFFF;
	_ =	strace $0x90000046  }
0xb6: {  	s29 =	simm.s32 $0x9;
	_ =	strace $0x80000048  }
0xb7: {  	_ =	swait.ge [sflag:s29], $0x1  }
0xb8: {  	[sflag:s29] =	ssyncadd.s32 $0xFFFFFFFF  }
0xb9: {  	_ =	strace $0x90000048  }
0xba: {  	_ =	sfence  }
0xbb: {  	s30 =	sld [smem:$0x0];
	_ =	sdelay $0x2  }
0xbc: {  	s31 =	sshll.u32 s1, $0xD;
	s1 =	sshrl.u32 s1, $0x2  }
0xbd: {  	s3 =	sand.u32 $0x4000, s31;
	s1 =	sadd.s32 s1, s30  }
0xbe: {  	s0 =	sor.u32 s3, s0;
	s1 =	sshll.u32 s1, $0x11  }
0xbf: {  	s0 =	sor.u32 s1, s0  }
0xc0: {  	s0 =	sadd.s32 $0x8F2B, s0  }
0xc1: {  	[sflag:s0] =	ssyncadd.remote.s32 $0x1  }
0xc2: {  	_ =	sfence.sel $0xFFFF  }
0xc3: {  	[dreg:$0x0] =	wrdreg $0xFFFFFFFF;
	(pc) =	sbr.abs _section_cstart, $3  }
0xc4: {  	[dreg:$0x1] =	wrdreg $0xFFFFFFFF  }
0xc5: {  	_ =	task.clear_ibuf [dreg:s9], $0x2FFFF;
	_ =	strace $0x9FFFFFFF  }
0xc6: {  	(tm) =	ssettm $0x7FFFFFFF  }
0xc7: {  	_ =	shalt  }
tec
execute0_lowered:
.L_overlay_start_1:
0x0: {  	(tag) =	ssettag $0x1  }
0x1: {  	s0 =	rddreg [dreg:$0x0]  }
0x2: {  	s6 =	rddreg [dreg:$0x1]  }
0x3: {  	s7 =	rddreg [dreg:$0x2]  }
0x4: {  	s1 =	rddreg [dreg:$0x3]  }
0x5: {  	s9 =	rddreg [dreg:$0x4]  }
0x6: {  	s2 =	simm.s32 $0x0;
	s3 =	srdreg.scid;
	s14 =	stileid.u32  }
0x7: {  	s31 =	simm.s32 $0x980;
	s30 =	simm.s32 $0x3;
	[smem:$0x7FF] =	sst s2  }
0x8: {  	s8 =	sand.u32 $0x1, s3;
	s4 =	sadd.s32 $0x40400, s0;
	s5 =	sadd.s32 $0x400, s0  }
0x9: {  	_ =	strace $0x80000047;
	s3 =	sshll.u32 s8, $0x4;
	s11 =	ssub.s32 $0x2, s8  }
0xa: {  	s12 =	smul.u32 $0xF8240, s8;
	s10 =	sor.u32 s14, s3;
	s13 =	sshrl.u32 s11, $0x1  }
0xb: {  	s25 =	sshll.u32 s8, $0x5;
	s3 =	sshll.u32 s10, $0xD;
	s11 =	ssub.s32 s11, s13  }
0xc: {  	v4 =	vimm.s32 $0xFEDCBA98;
	v5 =	vimm.s32 $0x3210FEDC;
	s24 =	sshll.u32 s10, $0x6;
	s10 =	sshll.u32 s10, $0x1;
	s0 =	sadd.s32 s3, s0  }
0xd: {  	v1 =	vlaneseq.u32;
	v58 =	vimm.s32 $0xBA987654;
	v59 =	vimm.s32 $0x10FEDCBA;
	s3 =	sshll.u32 s14, $0xA;
	s14 =	sshll.u32 s14, $0x7;
	s26 =	smax.u32 s11, $0x1  }
0xe: {  	v60 =	vimm.s32 $0x98765432;
	v61 =	vimm.s32 $0xFEDCBA9;
	v62 =	vimm.s32 $0x87654321;
	s10 =	sadd.s32 s10, s9;
	s11 =	sadd.s32 s25, s9;
	s23 =	sadd.s32 s3, s12  }
0xf: {  	v4 =	vunpack.c.l.s4.s8 v4;
	v5 =	vunpack.c.l.s4.s8 v5;
	v58 =	vunpack.c.l.s4.s8 v58;
	s6 =	sadd.s32 s6, s14;
	s0 =	sadd.s32 $0xF82800, s0;
	[dreg:$0x9] =	wrdreg s26  }
0x10: {  	v59 =	vunpack.c.l.s4.s8 v59;
	v60 =	vunpack.c.l.s4.s8 v60;
	v61 =	vunpack.c.l.s4.s8 v61;
	s15 =	sor.u32 $0x81, s3;
	s16 =	sor.u32 $0x101, s3;
	s17 =	sor.u32 $0x181, s3  }
0x11: {  	v62 =	vunpack.c.l.s4.s8 v62;
	v4 =	vunpack.c.0.s8.s32 v4;
	v5 =	vunpack.c.0.s8.s32 v5;
	s8 =	sor.u32 $0x201, s3;
	s18 =	sor.u32 $0x91, s3;
	s19 =	sor.u32 $0xA1, s3  }
0x12: {  	v63 =	vunpack.c.0.s8.s32 v58;
	v6 =	vunpack.c.0.s8.s32 v59;
	v7 =	vunpack.c.0.s8.s32 v60;
	s20 =	sor.u32 $0xB1, s3;
	s9 =	sor.u32 $0xC1, s3;
	s14 =	sor.u32 $0xD1, s3  }
0x13: {  	v8 =	vunpack.c.0.s8.s32 v61;
	v62 =	vunpack.c.0.s8.s32 v62;
	v0 =	vmov s12;
	s21 =	sor.u32 $0xE1, s3;
	s22 =	sor.u32 $0xF1, s3;
	s25 =	sor.u32 $0x131, s3  }
0x14: {  	v4 =	vand.u32 $0xF, v4;
	v60 =	vcombine.low v63, v5;
	v61 =	vcombine.low v7, v6;
	s12 =	sor.u32 $0x141, s3;
	s26 =	sor.u32 $0x151, s3;
	s28 =	sor.u32 $0x161, s3  }
0x15: {  	v62 =	vcombine.low v62, v8;
	v63 =	vimm.s32 $0x0;
	s29 =	sor.u32 $0x321, s3;
	s13 =	sadd.s32 $0xF4240, s23;
	[dreg:$0x6] =	wrdreg s6;
	v3 =	vadd.s32 s15, v1  }
0x16: {  	s6 =	sadd.s32 s7, s24;
	[dreg:$0x8] =	wrdreg s0;
	s7 =	sor.u32 $0x281, s3;
	v10 =	vadd.s32 s22, v1;
	v11 =	vadd.s32 s16, v1;
	v14 =	vadd.s32 s25, v1  }
0x17: {  	s0 =	sor.u32 $0x381, s3;
	s23 =	sor.u32 $0x111, s3;
	s24 =	sor.u32 $0x121, s3;
	v15 =	vadd.s32 s12, v1;
	v16 =	vadd.s32 s26, v1;
	v17 =	vadd.s32 s28, v1  }
0x18: {  	s15 =	sor.u32 $0x191, s3;
	s22 =	sor.u32 $0x211, s3;
	s16 =	sor.u32 $0x221, s3;
	v19 =	vadd.s32 s17, v1;
	v27 =	vadd.s32 s8, v1;
	v45 =	vadd.s32 s29, v1  }
0x19: {  	s12 =	sor.u32 $0x251, s3;
	s25 =	sor.u32 $0x261, s3;
	s26 =	sor.u32 $0x271, s3;
	v2 =	vor.u32 s13, v1;
	[tilespmem:$0x1FF90] =	vst v3;
	v3 =	vadd.s32 s18, v1;
	v12 =	vadd.s32 s23, v1  }
0x1a: {  	s17 =	sor.u32 $0x2A1, s3;
	s28 =	sor.u32 $0x2B1, s3;
	s8 =	sor.u32 $0x331, s3;
	v13 =	vadd.s32 s24, v1;
	v20 =	vadd.s32 s15, v1;
	v28 =	vadd.s32 s22, v1  }
0x1b: {  	s29 =	simm.s32 $0xD00;
	[dreg:$0x7] =	wrdreg s6;
	s6 =	sor.u32 $0x301, s3;
	v29 =	vadd.s32 s16, v1;
	v32 =	vadd.s32 s12, v1;
	v33 =	vadd.s32 s25, v1  }
0x1c: {  	s13 =	sor.u32 $0x171, s3;
	s18 =	sor.u32 $0x1A1, s3;
	s23 =	sor.u32 $0x231, s3;
	v34 =	vadd.s32 s26, v1;
	v35 =	vadd.s32 s7, v1;
	v37 =	vadd.s32 s17, v1  }
0x1d: {  	s24 =	sor.u32 $0x241, s3;
	s15 =	sor.u32 $0x2D1, s3;
	s22 =	sor.u32 $0x351, s3;
	v38 =	vadd.s32 s28, v1;
	v46 =	vadd.s32 s8, v1;
	v51 =	vadd.s32 s0, v1  }
0x1e: {  	s16 =	sor.u32 $0x361, s3;
	s12 =	sor.u32 $0x3A1, s3;
	s25 =	sor.u32 $0x3B1, s3;
	[tilespmem:$0x1FFA0] =	vst v3;
	v3 =	vadd.s32 s19, v1;
	v18 =	vadd.s32 s13, v1;
	v21 =	vadd.s32 s18, v1  }
0x1f: {  	s26 =	sor.u32 $0x3C1, s3;
	s17 =	sor.u32 $0x3E1, s3;
	s7 =	sor.u32 $0x3F1, s3;
	v30 =	vadd.s32 s23, v1;
	v31 =	vadd.s32 s24, v1;
	v40 =	vadd.s32 s15, v1  }
0x20: {  	s28 =	simm.s32 $0x1780;
	s19 =	sor.u32 $0x1C1, s3;
	s13 =	sor.u32 $0x291, s3;
	v43 =	vadd.s32 s6, v1;
	v48 =	vadd.s32 s22, v1;
	[tilespmem:$0x1FFB0] =	vst v3;
	v3 =	vadd.s32 s20, v1  }
0x21: {  	s18 =	sor.u32 $0x2E1, s3;
	s23 =	sor.u32 $0x371, s3;
	s24 =	sor.u32 $0x391, s3;
	v49 =	vadd.s32 s16, v1;
	v53 =	vadd.s32 s12, v1;
	[tilespmem:$0x1FFC0] =	vst v3;
	v3 =	vadd.s32 s9, v1  }
0x22: {  	s15 =	simm.s32 $0x80;
	s16 =	simm.s32 $0x880;
	s22 =	simm.s32 $0xC80;
	v54 =	vadd.s32 s25, v1;
	v55 =	vadd.s32 s26, v1;
	[tilespmem:$0x1FFD0] =	vst v3;
	v3 =	vadd.s32 s14, v1  }
0x23: {  	s25 =	simm.s32 $0xA80;
	s20 =	sor.u32 $0x1D1, s3;
	v23 =	vadd.s32 s19, v1;
	s19 =	sor.u32 $0x2F1, s3;
	v36 =	vadd.s32 s13, v1;
	[tilespmem:$0x1FFE0] =	vst v3;
	v3 =	vadd.s32 s21, v1  }
0x24: {  	s13 =	sor.u32 $0x3D1, s3;
	v41 =	vadd.s32 s18, v1;
	s18 =	simm.s32 $0x1600;
	v50 =	vadd.s32 s23, v1;
	s23 =	simm.s32 $0x900;
	[tilespmem:$0x1FFF0] =	vst v3;
	v3 =	vimm.s32 $0x76543210  }
.Ltmp0:
0x25: {  	v57 =	vadd.s32 s17, v1;
	v52 =	vadd.s32 s24, v1;
	s24 =	simm.s32 $0xD80;
	s9 =	sor.u32 $0x1B1, s3;
	v3 =	vunpack.c.l.s4.s8 v3;
	(pc) =	sbr.rel .LBB2_1-.Ltmp0, $4  }
0x26: {  	v58 =	vadd.s32 s7, v1;
	v24 =	vadd.s32 s20, v1;
	s20 =	sor.u32 $0x311, s3;
	v42 =	vadd.s32 s19, v1;
	s19 =	simm.s32 $0x1680;
	s14 =	sor.u32 $0x1E1, s3  }
0x27: {  	v22 =	vadd.s32 s9, v1;
	s9 =	sor.u32 $0x2C1, s3;
	v44 =	vadd.s32 s20, v1;
	s20 =	simm.s32 $0x1700;
	s21 =	sor.u32 $0x1F1, s3;
	v3 =	vunpack.c.0.s8.s32 v3  }
0x28: {  	v56 =	vadd.s32 s13, v1;
	v25 =	vadd.s32 s14, v1;
	s14 =	simm.s32 $0x1;
	v26 =	vadd.s32 s21, v1;
	s21 =	sor.u32 $0x341, s3;
	s3 =	sor.u32 $0x1, s3  }
0x29: {  	v39 =	vadd.s32 s9, v1;
	[dreg:$0xa] =	wrdreg s3;
	v47 =	vadd.s32 s21, v1;
	s21 =	simm.s32 $0x2;
	s3 =	simm.s32 $0x0;
	v59 =	vcombine.low v4, v3  }
.LBB2_37:
0x2a: {  	s0 =	rddreg [dreg:$0x8];
	s3 =	simm.s32 $0x1E80  }
0x2b: {  	[hbm4b:s0+s2] =	stream.linear.scatter [tilespmem:s3], [sflag:$0x3], $0x10000, $0x38;
	[tilespmem:$0x11E80] =	vst v63  }
0x2c: {  	_ =	swait.ge [sflag:s30], $0x10000  }
0x2d: {  	s17 =	rddreg [dreg:$0xb]  }
0x2e: {  	s26 =	rddreg [dreg:$0x9];
	s3 =	sadd.s32 $0x1, s17  }
0x2f: {  	p0 =	sne.s32 s3, s26  }
.Ltmp1:
0x30: {  	_ = 	snop;
	(pc) =	sbr.rel @!p0 .LBB2_38-.Ltmp1, $3  }
0x31: {  	_ =	sdelay $0x1  }
0x32: {  	[sflag:s30] =	ssyncset.done $0x0  }
0x33: {  	[sflag:s30] =	ssyncadd.s32 $0xFFFF0000  }
.LBB2_1:
0x34: {  	s0 =	rddreg [dreg:$0x6]  }
0x35: {  	[tilespmem:s2], [sflag:$0x1] =	stream.linear.gather [hbm4b:s0+s2], $0x400, $0x38;
	[tilespmem:$0x11E80] =	vst v63  }
0x36: {  	s17 =	rddreg [dreg:$0x7];
	s26 =	simm.s32 $0x1400  }
0x37: {  	[tilespmem:s26], [sflag:$0x1] =	stream.linear.gather [hbm4b:s17+s2], $0x200, $0x38;
	[tilespmem:$0x11E80] =	vst v63  }
0x38: {  	[tilespmem:$0x1C00] =	vst v63  }
0x39: {  	[tilespmem:$0x1C10] =	vst v63  }
0x3a: {  	[tilespmem:$0x1C20] =	vst v63  }
0x3b: {  	[tilespmem:$0x1C30] =	vst v63  }
0x3c: {  	[tilespmem:$0x1C40] =	vst v63  }
0x3d: {  	[tilespmem:$0x1C50] =	vst v63  }
0x3e: {  	[tilespmem:$0x1C60] =	vst v63  }
0x3f: {  	[dreg:$0xb] =	wrdreg s3;
	[tilespmem:$0x1C70] =	vst v63  }
0x40: {  	_ =	swait.ge [sflag:s14], $0x400  }
0x41: {  	[sflag:s14] =	ssyncset.done $0x0  }
0x42: {  	[sflag:s14] =	ssyncadd.s32 $0xFFFFFC00  }
0x43: {  	_ =	swait.ge [sflag:s14], $0x200  }
0x44: {  	[sflag:s14] =	ssyncset.done $0x0  }
0x45: {  	[sflag:s14] =	ssyncadd.s32 $0xFFFFFE00  }
0x46: {  	v3 =	vld [tilespmem:$0x1400]  }
0x47: {  	v4 =	vld [tilespmem:$0x1410]  }
0x48: {  	v5 =	vld [tilespmem:$0x1420]  }
0x49: {  	v6 =	vld [tilespmem:$0x1430]  }
0x4a: {  	v7 =	vld [tilespmem:$0x1440]  }
0x4b: {  	v8 =	vld [tilespmem:$0x1450];
	v3 =	vadd.s32 v0, v3  }
0x4c: {  	[tilespmem:$0x1600] =	vst v3;
	v3 =	vadd.s32 v0, v4;
	v4 =	vld [tilespmem:$0x1460]  }
0x4d: {  	[tilespmem:$0x1610] =	vst v3;
	v3 =	vadd.s32 v0, v5;
	v5 =	vld [tilespmem:$0x1470]  }
0x4e: {  	[tilespmem:$0x1620] =	vst v3;
	v3 =	vadd.s32 v0, v6;
	v6 =	vld [tilespmem:$0x1480]  }
0x4f: {  	[tilespmem:$0x1630] =	vst v3;
	v3 =	vadd.s32 v0, v7;
	v7 =	vld [tilespmem:$0x1490]  }
0x50: {  	[tilespmem:$0x1640] =	vst v3;
	v3 =	vadd.s32 v0, v8;
	v8 =	vld [tilespmem:$0x14A0]  }
0x51: {  	[tilespmem:$0x1650] =	vst v3;
	v3 =	vadd.s32 v0, v4;
	v4 =	vld [tilespmem:$0x14B0]  }
0x52: {  	[tilespmem:$0x1660] =	vst v3;
	v3 =	vadd.s32 v0, v5;
	v5 =	vld [tilespmem:$0x14C0]  }
0x53: {  	[tilespmem:$0x1670] =	vst v3;
	v3 =	vadd.s32 v0, v6;
	v6 =	vld [tilespmem:$0x14D0]  }
0x54: {  	[tilespmem:$0x1680] =	vst v3;
	v3 =	vadd.s32 v0, v7;
	v7 =	vld [tilespmem:$0x14E0]  }
0x55: {  	[tilespmem:$0x1690] =	vst v3;
	v3 =	vadd.s32 v0, v8;
	v8 =	vld [tilespmem:$0x14F0]  }
0x56: {  	[tilespmem:$0x16A0] =	vst v3;
	v3 =	vadd.s32 v0, v4;
	v4 =	vld [tilespmem:$0x1500]  }
0x57: {  	[tilespmem:$0x16B0] =	vst v3;
	v3 =	vadd.s32 v0, v5;
	v5 =	vld [tilespmem:$0x1510]  }
0x58: {  	[tilespmem:$0x16C0] =	vst v3;
	v3 =	vadd.s32 v0, v6;
	v6 =	vld [tilespmem:$0x1520]  }
0x59: {  	[tilespmem:$0x16D0] =	vst v3;
	v3 =	vadd.s32 v0, v7;
	v7 =	vld [tilespmem:$0x1530]  }
0x5a: {  	[tilespmem:$0x16E0] =	vst v3;
	v3 =	vadd.s32 v0, v8;
	v8 =	vld [tilespmem:$0x1540]  }
0x5b: {  	[tilespmem:$0x16F0] =	vst v3;
	v3 =	vadd.s32 v0, v4;
	v4 =	vld [tilespmem:$0x1550]  }
0x5c: {  	[tilespmem:$0x1700] =	vst v3;
	v3 =	vadd.s32 v0, v5;
	v5 =	vld [tilespmem:$0x1560]  }
0x5d: {  	[tilespmem:$0x1710] =	vst v3;
	v3 =	vadd.s32 v0, v6;
	v6 =	vld [tilespmem:$0x1570]  }
0x5e: {  	[tilespmem:$0x1720] =	vst v3;
	v3 =	vadd.s32 v0, v7;
	v7 =	vld [tilespmem:$0x1580]  }
0x5f: {  	[tilespmem:$0x1730] =	vst v3;
	v3 =	vadd.s32 v0, v8;
	v8 =	vld [tilespmem:$0x1590]  }
0x60: {  	[tilespmem:$0x1740] =	vst v3;
	v3 =	vadd.s32 v0, v4;
	v4 =	vld [tilespmem:$0x15A0]  }
0x61: {  	[tilespmem:$0x1750] =	vst v3;
	v3 =	vadd.s32 v0, v5;
	v5 =	vld [tilespmem:$0x15B0]  }
0x62: {  	[tilespmem:$0x1760] =	vst v3;
	v3 =	vadd.s32 v0, v6;
	v6 =	vld [tilespmem:$0x15C0]  }
0x63: {  	[tilespmem:$0x1770] =	vst v3;
	v3 =	vadd.s32 v0, v7;
	v7 =	vld [tilespmem:$0x15D0]  }
0x64: {  	[tilespmem:$0x1780] =	vst v3;
	v3 =	vadd.s32 v0, v8;
	v8 =	vld [tilespmem:$0x15E0]  }
0x65: {  	[tilespmem:$0x1790] =	vst v3;
	v3 =	vadd.s32 v0, v4;
	v4 =	vld [tilespmem:$0x15F0]  }
0x66: {  	[tilespmem:$0x17A0] =	vst v3;
	v3 =	vadd.s32 v0, v5  }
0x67: {  	[tilespmem:$0x17B0] =	vst v3;
	v3 =	vadd.s32 v0, v6  }
0x68: {  	[tilespmem:$0x17C0] =	vst v3;
	v3 =	vadd.s32 v0, v7  }
0x69: {  	[tilespmem:$0x17D0] =	vst v3;
	v3 =	vadd.s32 v0, v8  }
0x6a: {  	[tilespmem:$0x17E0] =	vst v3;
	v3 =	vadd.s32 v0, v4  }
0x6b: {  	s0 =	simm.s32 $0x0;
	[tilespmem:$0x17F0] =	vst v3  }
0x6c: {  	s6 =	rddreg [dreg:$0xa];
	v3 =	vld [tilespmem:s0+$0x0]  }
0x6d: {  	v4 =	vadd.s32 s6, v1  }
0x6e: {  	s3 =	simm.s32 $0x40;
	[tilespmem:s0+$0xC00] =	vst v4  }
.LBB2_2:
0x6f: {  	p0 =	sne.s32 s3, $0x1C0  }
.Ltmp2:
0x70: {  	_ = 	snop;
	(pc) =	sbr.rel @p0 .LBB2_2-.Ltmp2, $4  }
0x71: {  	s7 =	sshra.s32 s3, $0x2;
	v4 =	vadd.s32 v0, v3  }
0x72: {  	s6 =	sadd.s32 $0x10, s6;
	v3 =	vld [tilespmem:s7+$0x0];
	[tilespmem:s0+$0x800] =	vst v4  }
0x73: {  	v5 =	vadd.s32 s6, v1;
	[tilespmem:s0+$0x400] =	vst v4;
	s0 =	smov.u32 s7  }
0x74: {  	s3 =	sadd.s32 $0x40, s3;
	[tilespmem:s0+$0xC00] =	vst v5  }
0x75: {  	_ =	sdelay $0x1  }
0x76: {  	v3 =	vadd.s32 v0, v3  }
0x77: {  	[tilespmem:s0+$0x800] =	vst v3  }
0x78: {  	[tilespmem:s0+$0x400] =	vst v3  }
0x79: {  	v3 =	vld [tilespmem:$0x80];
	_ =	sdelay $0x1  }
0x7a: {  	v4 =	vld [tilespmem:$0x90];
	_ =	sdelay $0x1  }
0x7b: {  	v5 =	vld [tilespmem:$0xA0]  }
0x7c: {  	[tilespmem:$0xCF0] =	vst v10;
	v3 =	vadd.s32 v0, v3  }
0x7d: {  	v6 =	vld [tilespmem:$0xB0];
	[tilespmem:$0x480] =	vst v3  }
0x7e: {  	[tilespmem:$0x880] =	vst v3;
	v3 =	vadd.s32 v0, v4  }
0x7f: {  	v4 =	vld [tilespmem:$0xC0];
	[tilespmem:$0x490] =	vst v3  }
0x80: {  	[tilespmem:$0x890] =	vst v3;
	v3 =	vadd.s32 v0, v5  }
0x81: {  	v5 =	vld [tilespmem:$0xD0];
	[tilespmem:$0x4A0] =	vst v3  }
0x82: {  	[tilespmem:$0x8A0] =	vst v3;
	v3 =	vadd.s32 v0, v6  }
0x83: {  	v6 =	vld [tilespmem:$0xE0];
	[tilespmem:$0x4B0] =	vst v3  }
0x84: {  	[tilespmem:$0x8B0] =	vst v3;
	v3 =	vadd.s32 v0, v4  }
0x85: {  	v4 =	vld [tilespmem:$0xF0];
	[tilespmem:$0x4C0] =	vst v3  }
0x86: {  	[tilespmem:$0x8C0] =	vst v3;
	v3 =	vadd.s32 v0, v5  }
0x87: {  	v5 =	vld [tilespmem:$0x100];
	[tilespmem:$0x4D0] =	vst v3  }
0x88: {  	[tilespmem:$0x8D0] =	vst v3;
	v3 =	vadd.s32 v0, v6  }
0x89: {  	v6 =	vld [tilespmem:$0x110];
	[tilespmem:$0x4E0] =	vst v3  }
0x8a: {  	[tilespmem:$0x8E0] =	vst v3;
	v3 =	vadd.s32 v0, v4  }
0x8b: {  	v4 =	vld [tilespmem:$0x120];
	[tilespmem:$0x4F0] =	vst v3  }
0x8c: {  	[tilespmem:$0x8F0] =	vst v3;
	v3 =	vadd.s32 v0, v5  }
0x8d: {  	v5 =	vld [tilespmem:$0x130];
	[tilespmem:$0x500] =	vst v3  }
0x8e: {  	[tilespmem:$0x900] =	vst v3;
	v3 =	vadd.s32 v0, v6  }
0x8f: {  	v6 =	vld [tilespmem:$0x140];
	[tilespmem:$0x510] =	vst v3  }
0x90: {  	[tilespmem:$0x910] =	vst v3;
	v3 =	vadd.s32 v0, v4  }
0x91: {  	v4 =	vld [tilespmem:$0x150];
	[tilespmem:$0x520] =	vst v3  }
0x92: {  	[tilespmem:$0x920] =	vst v3;
	v3 =	vadd.s32 v0, v5  }
0x93: {  	v5 =	vld [tilespmem:$0x160];
	[tilespmem:$0x530] =	vst v3  }
0x94: {  	[tilespmem:$0x930] =	vst v3;
	v3 =	vadd.s32 v0, v6  }
0x95: {  	v6 =	vld [tilespmem:$0x170];
	[tilespmem:$0x540] =	vst v3  }
0x96: {  	[tilespmem:$0x940] =	vst v3;
	v3 =	vadd.s32 v0, v4  }
0x97: {  	v4 =	vld [tilespmem:$0x180];
	[tilespmem:$0x550] =	vst v3  }
0x98: {  	[tilespmem:$0x950] =	vst v3;
	v3 =	vadd.s32 v0, v5  }
0x99: {  	v5 =	vld [tilespmem:$0x190];
	[tilespmem:$0x560] =	vst v3  }
0x9a: {  	[tilespmem:$0x960] =	vst v3;
	v3 =	vadd.s32 v0, v6  }
0x9b: {  	v6 =	vld [tilespmem:$0x1A0];
	[tilespmem:$0x570] =	vst v3  }
0x9c: {  	[tilespmem:$0x970] =	vst v3;
	v3 =	vadd.s32 v0, v4  }
0x9d: {  	v4 =	vld [tilespmem:$0x1B0];
	[tilespmem:$0x580] =	vst v3  }
0x9e: {  	[tilespmem:$0x980] =	vst v3;
	v3 =	vadd.s32 v0, v5  }
0x9f: {  	v5 =	vld [tilespmem:$0x1C0];
	[tilespmem:$0x590] =	vst v3  }
0xa0: {  	[tilespmem:$0x990] =	vst v3;
	v3 =	vadd.s32 v0, v6  }
0xa1: {  	v6 =	vld [tilespmem:$0x1D0];
	[tilespmem:$0x5A0] =	vst v3  }
0xa2: {  	[tilespmem:$0x9A0] =	vst v3;
	v3 =	vadd.s32 v0, v4  }
0xa3: {  	v4 =	vld [tilespmem:$0x1E0];
	[tilespmem:$0x5B0] =	vst v3  }
0xa4: {  	[tilespmem:$0x9B0] =	vst v3;
	v3 =	vadd.s32 v0, v5  }
0xa5: {  	v5 =	vld [tilespmem:$0x1F0];
	[tilespmem:$0x5C0] =	vst v3  }
0xa6: {  	[tilespmem:$0x9C0] =	vst v3;
	v3 =	vadd.s32 v0, v6  }
0xa7: {  	v6 =	vld [tilespmem:$0x200];
	[tilespmem:$0x5D0] =	vst v3  }
0xa8: {  	[tilespmem:$0x9D0] =	vst v3;
	v3 =	vadd.s32 v0, v4  }
0xa9: {  	v4 =	vld [tilespmem:$0x210];
	[tilespmem:$0x5E0] =	vst v3  }
0xaa: {  	[tilespmem:$0x9E0] =	vst v3;
	v3 =	vadd.s32 v0, v5  }
0xab: {  	v5 =	vld [tilespmem:$0x220];
	[tilespmem:$0x5F0] =	vst v3  }
0xac: {  	[tilespmem:$0x9F0] =	vst v3;
	v3 =	vadd.s32 v0, v6  }
0xad: {  	v6 =	vld [tilespmem:$0x230];
	[tilespmem:$0x600] =	vst v3  }
0xae: {  	[tilespmem:$0xA00] =	vst v3;
	v3 =	vadd.s32 v0, v4  }
0xaf: {  	v4 =	vld [tilespmem:$0x240];
	[tilespmem:$0x610] =	vst v3  }
0xb0: {  	[tilespmem:$0xA10] =	vst v3;
	v3 =	vadd.s32 v0, v5  }
0xb1: {  	v5 =	vld [tilespmem:$0x250];
	[tilespmem:$0x620] =	vst v3  }
0xb2: {  	[tilespmem:$0xA20] =	vst v3;
	v3 =	vadd.s32 v0, v6  }
0xb3: {  	v6 =	vld [tilespmem:$0x260];
	[tilespmem:$0x630] =	vst v3  }
0xb4: {  	[tilespmem:$0xA30] =	vst v3;
	v3 =	vadd.s32 v0, v4  }
0xb5: {  	v4 =	vld [tilespmem:$0x270];
	[tilespmem:$0x640] =	vst v3  }
0xb6: {  	[tilespmem:$0xA40] =	vst v3;
	v3 =	vadd.s32 v0, v5  }
0xb7: {  	v5 =	vld [tilespmem:$0x280];
	[tilespmem:$0x650] =	vst v3  }
0xb8: {  	[tilespmem:$0xA50] =	vst v3;
	v3 =	vadd.s32 v0, v6  }
0xb9: {  	v6 =	vld [tilespmem:$0x290];
	[tilespmem:$0x660] =	vst v3  }
0xba: {  	[tilespmem:$0xA60] =	vst v3;
	v3 =	vadd.s32 v0, v4  }
0xbb: {  	v4 =	vld [tilespmem:$0x2A0];
	[tilespmem:$0x670] =	vst v3  }
0xbc: {  	[tilespmem:$0xA70] =	vst v3;
	v3 =	vadd.s32 v0, v5  }
0xbd: {  	v5 =	vld [tilespmem:$0x2B0];
	[tilespmem:$0x680] =	vst v3  }
0xbe: {  	[tilespmem:$0xA80] =	vst v3;
	v3 =	vadd.s32 v0, v6  }
0xbf: {  	v6 =	vld [tilespmem:$0x2C0];
	[tilespmem:$0x690] =	vst v3  }
0xc0: {  	[tilespmem:$0xA90] =	vst v3;
	v3 =	vadd.s32 v0, v4  }
0xc1: {  	v4 =	vld [tilespmem:$0x2D0];
	[tilespmem:$0x6A0] =	vst v3  }
0xc2: {  	[tilespmem:$0xAA0] =	vst v3;
	v3 =	vadd.s32 v0, v5  }
0xc3: {  	v5 =	vld [tilespmem:$0x2E0];
	[tilespmem:$0x6B0] =	vst v3  }
0xc4: {  	[tilespmem:$0xAB0] =	vst v3;
	v3 =	vadd.s32 v0, v6  }
0xc5: {  	v6 =	vld [tilespmem:$0x2F0];
	[tilespmem:$0x6C0] =	vst v3  }
0xc6: {  	[tilespmem:$0xAC0] =	vst v3;
	v3 =	vadd.s32 v0, v4  }
0xc7: {  	v4 =	vld [tilespmem:$0x300];
	[tilespmem:$0x6D0] =	vst v3  }
0xc8: {  	[tilespmem:$0xAD0] =	vst v3;
	v3 =	vadd.s32 v0, v5  }
0xc9: {  	v5 =	vld [tilespmem:$0x310];
	[tilespmem:$0x6E0] =	vst v3  }
0xca: {  	[tilespmem:$0xAE0] =	vst v3;
	v3 =	vadd.s32 v0, v6  }
0xcb: {  	v6 =	vld [tilespmem:$0x320];
	[tilespmem:$0x6F0] =	vst v3  }
0xcc: {  	[tilespmem:$0xAF0] =	vst v3;
	v3 =	vadd.s32 v0, v4  }
0xcd: {  	v4 =	vld [tilespmem:$0x330];
	[tilespmem:$0x700] =	vst v3  }
0xce: {  	[tilespmem:$0xB00] =	vst v3;
	v3 =	vadd.s32 v0, v5  }
0xcf: {  	v5 =	vld [tilespmem:$0x340];
	[tilespmem:$0x710] =	vst v3  }
0xd0: {  	[tilespmem:$0xB10] =	vst v3;
	v3 =	vadd.s32 v0, v6  }
0xd1: {  	[tilespmem:$0x720] =	vst v3  }
0xd2: {  	[tilespmem:$0xB20] =	vst v3;
	v3 =	vadd.s32 v0, v4  }
0xd3: {  	[tilespmem:$0x730] =	vst v3  }
0xd4: {  	[tilespmem:$0xB30] =	vst v3;
	v3 =	vadd.s32 v0, v5  }
0xd5: {  	[tilespmem:$0x740] =	vst v3  }
0xd6: {  	[tilespmem:$0xB40] =	vst v3;
	v3 =	vld [tilespmem:$0x350]  }
0xd7: {  	[tilespmem:$0xD00] =	vst v11  }
0xd8: {  	[tilespmem:$0xD10] =	vst v12  }
0xd9: {  	[tilespmem:$0xD20] =	vst v13  }
0xda: {  	[tilespmem:$0xD30] =	vst v14  }
0xdb: {  	[tilespmem:$0xD40] =	vst v15;
	v3 =	vadd.s32 v0, v3  }
0xdc: {  	[tilespmem:$0x750] =	vst v3  }
0xdd: {  	[tilespmem:$0xB50] =	vst v3;
	v3 =	vld [tilespmem:$0x360]  }
0xde: {  	[tilespmem:$0xD50] =	vst v16  }
0xdf: {  	[tilespmem:$0xD60] =	vst v17  }
0xe0: {  	[tilespmem:$0xD70] =	vst v18  }
0xe1: {  	[tilespmem:$0xD80] =	vst v19  }
0xe2: {  	[tilespmem:$0xD90] =	vst v20;
	v3 =	vadd.s32 v0, v3  }
0xe3: {  	[tilespmem:$0x760] =	vst v3  }
0xe4: {  	[tilespmem:$0xB60] =	vst v3;
	v3 =	vld [tilespmem:$0x370]  }
0xe5: {  	[tilespmem:$0xDA0] =	vst v21  }
0xe6: {  	[tilespmem:$0xDB0] =	vst v22  }
0xe7: {  	[tilespmem:$0xDC0] =	vst v23  }
0xe8: {  	[tilespmem:$0xDD0] =	vst v24  }
0xe9: {  	[tilespmem:$0xDE0] =	vst v25;
	v3 =	vadd.s32 v0, v3  }
0xea: {  	[tilespmem:$0x770] =	vst v3  }
0xeb: {  	[tilespmem:$0xB70] =	vst v3;
	v3 =	vld [tilespmem:$0x380]  }
0xec: {  	[tilespmem:$0xDF0] =	vst v26  }
0xed: {  	[tilespmem:$0xE00] =	vst v27  }
0xee: {  	[tilespmem:$0xE10] =	vst v28  }
0xef: {  	[tilespmem:$0xE20] =	vst v29  }
0xf0: {  	[tilespmem:$0xE30] =	vst v30;
	v3 =	vadd.s32 v0, v3  }
0xf1: {  	v4 =	vld [tilespmem:$0x1FF90];
	[tilespmem:$0x780] =	vst v3  }
0xf2: {  	[tilespmem:$0xB80] =	vst v3;
	v3 =	vld [tilespmem:$0x390]  }
0xf3: {  	[tilespmem:$0xE40] =	vst v31  }
0xf4: {  	[tilespmem:$0xE50] =	vst v32  }
0xf5: {  	[tilespmem:$0xE60] =	vst v33  }
0xf6: {  	[tilespmem:$0xE70] =	vst v34  }
0xf7: {  	[tilespmem:$0xC80] =	vst v4;
	v3 =	vadd.s32 v0, v3  }
0xf8: {  	v4 =	vld [tilespmem:$0x1FFA0];
	[tilespmem:$0x790] =	vst v3  }
0xf9: {  	[tilespmem:$0xB90] =	vst v3;
	v3 =	vld [tilespmem:$0x3A0]  }
0xfa: {  	[tilespmem:$0xE80] =	vst v35  }
0xfb: {  	[tilespmem:$0xE90] =	vst v36  }
0xfc: {  	[tilespmem:$0xEA0] =	vst v37  }
0xfd: {  	[tilespmem:$0xEB0] =	vst v38  }
0xfe: {  	[tilespmem:$0xC90] =	vst v4;
	v3 =	vadd.s32 v0, v3  }
0xff: {  	v4 =	vld [tilespmem:$0x1FFB0];
	[tilespmem:$0x7A0] =	vst v3  }
0x100: {  	[tilespmem:$0xBA0] =	vst v3;
	v3 =	vld [tilespmem:$0x3B0]  }
0x101: {  	[tilespmem:$0xEC0] =	vst v39  }
0x102: {  	[tilespmem:$0xED0] =	vst v40  }
0x103: {  	[tilespmem:$0xEE0] =	vst v41  }
0x104: {  	[tilespmem:$0xEF0] =	vst v42  }
0x105: {  	[tilespmem:$0xCA0] =	vst v4;
	v3 =	vadd.s32 v0, v3  }
0x106: {  	v4 =	vld [tilespmem:$0x1FFC0];
	[tilespmem:$0x7B0] =	vst v3  }
0x107: {  	[tilespmem:$0xBB0] =	vst v3;
	v3 =	vld [tilespmem:$0x3C0]  }
0x108: {  	[tilespmem:$0xF00] =	vst v43  }
0x109: {  	[tilespmem:$0xF10] =	vst v44  }
0x10a: {  	[tilespmem:$0xF20] =	vst v45  }
0x10b: {  	[tilespmem:$0xF30] =	vst v46  }
0x10c: {  	[tilespmem:$0xCB0] =	vst v4;
	v3 =	vadd.s32 v0, v3  }
0x10d: {  	v4 =	vld [tilespmem:$0x1FFD0];
	[tilespmem:$0x7C0] =	vst v3  }
0x10e: {  	[tilespmem:$0xBC0] =	vst v3;
	v3 =	vld [tilespmem:$0x3D0]  }
0x10f: {  	[tilespmem:$0xF40] =	vst v47  }
0x110: {  	[tilespmem:$0xF50] =	vst v48  }
0x111: {  	[tilespmem:$0xF60] =	vst v49  }
0x112: {  	[tilespmem:$0xF70] =	vst v50  }
0x113: {  	[tilespmem:$0xCC0] =	vst v4;
	v3 =	vadd.s32 v0, v3  }
0x114: {  	v4 =	vld [tilespmem:$0x1FFE0];
	[tilespmem:$0x7D0] =	vst v3  }
0x115: {  	[tilespmem:$0xBD0] =	vst v3;
	v3 =	vld [tilespmem:$0x3E0]  }
0x116: {  	[tilespmem:$0xF80] =	vst v51  }
0x117: {  	[tilespmem:$0xF90] =	vst v52  }
0x118: {  	[tilespmem:$0xFA0] =	vst v53  }
0x119: {  	[tilespmem:$0xFB0] =	vst v54  }
0x11a: {  	[tilespmem:$0xCD0] =	vst v4;
	v3 =	vadd.s32 v0, v3  }
0x11b: {  	v4 =	vld [tilespmem:$0x1FFF0];
	[tilespmem:$0x7E0] =	vst v3  }
0x11c: {  	[tilespmem:$0xBE0] =	vst v3;
	v3 =	vld [tilespmem:$0x3F0]  }
0x11d: {  	[tilespmem:$0xFC0] =	vst v55  }
0x11e: {  	[tilespmem:$0xFD0] =	vst v56  }
0x11f: {  	[tilespmem:$0xFE0] =	vst v57  }
0x120: {  	[tilespmem:$0xFF0] =	vst v58  }
0x121: {  	[tilespmem:$0xCE0] =	vst v4;
	v3 =	vadd.s32 v0, v3  }
0x122: {  	[tilespmem:$0x7F0] =	vst v3  }
0x123: {  	s26 =	simm.s32 $0x1C00;
	[tilespmem:$0xBF0] =	vst v3  }
0x124: {  	[hbm4b:s1+s15] =	stream.indirect.scatter [tilespmem:s26], [sflag:$0x2], $0x1, s18, s15, $0xb8;
	[tilespmem:$0x11E80] =	vst v63  }
0x125: {  	_ = 	snop  }
0x126: {  	[hbm4b:s1+s15] =	stream.indirect.scatter [tilespmem:s26], [sflag:$0x2], $0x1, s19, s15, $0xb8;
	[tilespmem:$0x11E80] =	vst v63  }
0x127: {  	_ = 	snop  }
0x128: {  	[hbm4b:s1+s15] =	stream.indirect.scatter [tilespmem:s26], [sflag:$0x2], $0x1, s20, s15, $0xb8;
	[tilespmem:$0x11E80] =	vst v63  }
0x129: {  	_ = 	snop  }
0x12a: {  	[hbm4b:s1+s15] =	stream.indirect.scatter [tilespmem:s26], [sflag:$0x2], $0x1, s28, s15, $0xb8;
	[tilespmem:$0x11E80] =	vst v63  }
0x12b: {  	_ =	swait.ge [sflag:s21], $0x80  }
0x12c: {  	[sflag:s21] =	ssyncset.done $0x0  }
0x12d: {  	[sflag:s21] =	ssyncadd.s32 $0xFFFFFF80  }
0x12e: {  	_ =	swait.ge [sflag:s21], $0x80  }
0x12f: {  	[sflag:s21] =	ssyncset.done $0x0  }
0x130: {  	[sflag:s21] =	ssyncadd.s32 $0xFFFFFF80  }
0x131: {  	_ =	swait.ge [sflag:s21], $0x80  }
0x132: {  	[sflag:s21] =	ssyncset.done $0x0  }
0x133: {  	[sflag:s21] =	ssyncadd.s32 $0xFFFFFF80  }
.Ltmp3:
0x134: {  	_ =	swait.ge [sflag:s21], $0x80;
	(pc) =	sbr.rel .LBB2_4-.Ltmp3, $4  }
0x135: {  	[sflag:s21] =	ssyncset.done $0x0  }
0x136: {  	[sflag:s21] =	ssyncadd.s32 $0xFFFFFF80  }
0x137: {  	s13 =	simm.s32 $0xA00;
	v3 =	vimm.s32 $0x0;
	[bflag:$0x0] =	sbarrier.arrive $0xFFFF  }
0x138: {  	s17 =	simm.s32 $0xE00;
	s0 =	simm.s32 $0x0;
	s26 =	simm.s32 $0xE80;
	[tilespmem:$0x1C80] =	vst v3  }
.LBB2_22:
0x139: {  	s0 =	sadd.s32 $0x1, s0  }
0x13a: {  	p0 =	sne.s32 s0, $0x18  }
.Ltmp4:
0x13b: {  	_ = 	snop;
	(pc) =	sbr.rel @!p0 .LBB2_23-.Ltmp4, $1  }
0x13c: {  	_ =	sdelay $0x3  }
.LBB2_4:
0x13d: {  	(v2sf) =	vpush v3, $0x0;
	_ =	sdelay $0xe  }
0x13e: {  	s3 =	spop (v2sf)  }
0x13f: {  	p0 =	sgt.s32 s3, $0x2  }
.Ltmp5:
0x140: {  	_ = 	snop;
	(pc) =	sbr.rel @p0 .LBB2_22-.Ltmp5, $1  }
0x141: {  	_ =	sdelay $0x3  }
0x142: {  	s8 =	simm.s32 $0x800;
	s3 =	simm.s32 $0xC00  }
0x143: {  	[hbm4b:s1+s15] =	stream.indirect.scatter [tilespmem:s3], [sflag:$0x2], $0x1, s8, s15, $0xb8;
	[tilespmem:$0x11E80] =	vst v63  }
0x144: {  	_ = 	snop  }
0x145: {  	[hbm4b:s1+s15] =	stream.indirect.scatter [tilespmem:s22], [sflag:$0x2], $0x1, s16, s15, $0xb8;
	[tilespmem:$0x11E80] =	vst v63  }
0x146: {  	_ = 	snop  }
0x147: {  	[hbm4b:s1+s15] =	stream.indirect.scatter [tilespmem:s29], [sflag:$0x2], $0x1, s23, s15, $0xb8;
	[tilespmem:$0x11E80] =	vst v63  }
0x148: {  	_ = 	snop  }
0x149: {  	[hbm4b:s1+s15] =	stream.indirect.scatter [tilespmem:s24], [sflag:$0x2], $0x1, s31, s15, $0xb8;
	[tilespmem:$0x11E80] =	vst v63  }
0x14a: {  	_ = 	snop  }
0x14b: {  	[hbm4b:s1+s15] =	stream.indirect.scatter [tilespmem:s17], [sflag:$0x2], $0x1, s13, s15, $0xb8;
	[tilespmem:$0x11E80] =	vst v63  }
0x14c: {  	_ = 	snop  }
0x14d: {  	[hbm4b:s1+s15] =	stream.indirect.scatter [tilespmem:s26], [sflag:$0x2], $0x1, s25, s15, $0xb8;
	[tilespmem:$0x11E80] =	vst v63  }
0x14e: {  	s6 =	simm.s32 $0xB00;
	s7 =	simm.s32 $0xF00  }
0x14f: {  	[hbm4b:s1+s15] =	stream.indirect.scatter [tilespmem:s7], [sflag:$0x2], $0x1, s6, s15, $0xb8;
	[tilespmem:$0x11E80] =	vst v63  }
0x150: {  	s9 =	simm.s32 $0xF80;
	s7 =	simm.s32 $0xB80  }
0x151: {  	[hbm4b:s1+s15] =	stream.indirect.scatter [tilespmem:s9], [sflag:$0x2], $0x1, s7, s15, $0xb8;
	[tilespmem:$0x11E80] =	vst v63  }
0x152: {  	_ =	swait.ge [sflag:s21], $0x80  }
0x153: {  	[sflag:s21] =	ssyncset.done $0x0  }
0x154: {  	[sflag:s21] =	ssyncadd.s32 $0xFFFFFF80  }
0x155: {  	_ =	swait.ge [sflag:s21], $0x80  }
0x156: {  	[sflag:s21] =	ssyncset.done $0x0  }
0x157: {  	[sflag:s21] =	ssyncadd.s32 $0xFFFFFF80  }
0x158: {  	_ =	swait.ge [sflag:s21], $0x80  }
0x159: {  	[sflag:s21] =	ssyncset.done $0x0  }
0x15a: {  	[sflag:s21] =	ssyncadd.s32 $0xFFFFFF80  }
0x15b: {  	_ =	swait.ge [sflag:s21], $0x80  }
0x15c: {  	[sflag:s21] =	ssyncset.done $0x0  }
0x15d: {  	[sflag:s21] =	ssyncadd.s32 $0xFFFFFF80  }
0x15e: {  	_ =	swait.ge [sflag:s21], $0x80  }
0x15f: {  	[sflag:s21] =	ssyncset.done $0x0  }
0x160: {  	[sflag:s21] =	ssyncadd.s32 $0xFFFFFF80  }
0x161: {  	_ =	swait.ge [sflag:s21], $0x80  }
0x162: {  	[sflag:s21] =	ssyncset.done $0x0  }
0x163: {  	[sflag:s21] =	ssyncadd.s32 $0xFFFFFF80  }
0x164: {  	_ =	swait.ge [sflag:s21], $0x80  }
0x165: {  	[sflag:s21] =	ssyncset.done $0x0  }
0x166: {  	[sflag:s21] =	ssyncadd.s32 $0xFFFFFF80  }
0x167: {  	_ =	swait.ge [sflag:s21], $0x80  }
0x168: {  	[sflag:s21] =	ssyncset.done $0x0  }
0x169: {  	[sflag:s21] =	ssyncadd.s32 $0xFFFFFF80  }
0x16a: {  	s6 =	simm.s32 $0x400;
	s7 =	simm.s32 $0x1000;
	[bflag:$0x0] =	sbarrier.arrive $0xFFFF  }
0x16b: {  	[tilespmem:s7], [sflag:$0x1] =	stream.indirect.gather [hbm4b:s1+s15], $0x1, s6, s15, $0xb8;
	[tilespmem:$0x11E80] =	vst v63  }
0x16c: {  	s12 =	simm.s32 $0x1080;
	s9 =	simm.s32 $0x480  }
0x16d: {  	[tilespmem:s12], [sflag:$0x1] =	stream.indirect.gather [hbm4b:s1+s15], $0x1, s9, s15, $0xb8;
	[tilespmem:$0x11E80] =	vst v63  }
0x16e: {  	s9 =	simm.s32 $0x500;
	s12 =	simm.s32 $0x1100  }
0x16f: {  	[tilespmem:s12], [sflag:$0x1] =	stream.indirect.gather [hbm4b:s1+s15], $0x1, s9, s15, $0xb8;
	[tilespmem:$0x11E80] =	vst v63  }
0x170: {  	s9 =	simm.s32 $0x580;
	s12 =	simm.s32 $0x1180  }
0x171: {  	[tilespmem:s12], [sflag:$0x1] =	stream.indirect.gather [hbm4b:s1+s15], $0x1, s9, s15, $0xb8;
	[tilespmem:$0x11E80] =	vst v63  }
0x172: {  	s9 =	simm.s32 $0x600;
	s12 =	simm.s32 $0x1200  }
0x173: {  	[tilespmem:s12], [sflag:$0x1] =	stream.indirect.gather [hbm4b:s1+s15], $0x1, s9, s15, $0xb8;
	[tilespmem:$0x11E80] =	vst v63  }
0x174: {  	s9 =	simm.s32 $0x680;
	s12 =	simm.s32 $0x1280  }
0x175: {  	[tilespmem:s12], [sflag:$0x1] =	stream.indirect.gather [hbm4b:s1+s15], $0x1, s9, s15, $0xb8;
	[tilespmem:$0x11E80] =	vst v63  }
0x176: {  	s9 =	simm.s32 $0x700;
	s12 =	simm.s32 $0x1300  }
0x177: {  	[tilespmem:s12], [sflag:$0x1] =	stream.indirect.gather [hbm4b:s1+s15], $0x1, s9, s15, $0xb8;
	[tilespmem:$0x11E80] =	vst v63  }
0x178: {  	s9 =	simm.s32 $0x780;
	s12 =	simm.s32 $0x1380  }
0x179: {  	[tilespmem:s12], [sflag:$0x1] =	stream.indirect.gather [hbm4b:s1+s15], $0x1, s9, s15, $0xb8;
	[tilespmem:$0x11E80] =	vst v63  }
0x17a: {  	_ =	swait.ge [sflag:s14], $0x80  }
0x17b: {  	[sflag:s14] =	ssyncset.done $0x0  }
0x17c: {  	[sflag:s14] =	ssyncadd.s32 $0xFFFFFF80  }
0x17d: {  	_ =	swait.ge [sflag:s14], $0x80  }
0x17e: {  	[sflag:s14] =	ssyncset.done $0x0  }
0x17f: {  	[sflag:s14] =	ssyncadd.s32 $0xFFFFFF80  }
0x180: {  	_ =	swait.ge [sflag:s14], $0x80  }
0x181: {  	[sflag:s14] =	ssyncset.done $0x0  }
0x182: {  	[sflag:s14] =	ssyncadd.s32 $0xFFFFFF80  }
0x183: {  	_ =	swait.ge [sflag:s14], $0x80  }
0x184: {  	[sflag:s14] =	ssyncset.done $0x0  }
0x185: {  	[sflag:s14] =	ssyncadd.s32 $0xFFFFFF80  }
0x186: {  	_ =	swait.ge [sflag:s14], $0x80  }
0x187: {  	[sflag:s14] =	ssyncset.done $0x0  }
0x188: {  	[sflag:s14] =	ssyncadd.s32 $0xFFFFFF80  }
0x189: {  	_ =	swait.ge [sflag:s14], $0x80  }
0x18a: {  	[sflag:s14] =	ssyncset.done $0x0  }
0x18b: {  	[sflag:s14] =	ssyncadd.s32 $0xFFFFFF80  }
0x18c: {  	_ =	swait.ge [sflag:s14], $0x80  }
0x18d: {  	[sflag:s14] =	ssyncset.done $0x0  }
0x18e: {  	[sflag:s14] =	ssyncadd.s32 $0xFFFFFF80  }
0x18f: {  	_ =	swait.ge [sflag:s14], $0x80  }
0x190: {  	[sflag:s14] =	ssyncset.done $0x0  }
0x191: {  	[sflag:s14] =	ssyncadd.s32 $0xFFFFFF80  }
0x192: {  	[tilespmem:$0x1D00] =	vst v63  }
0x193: {  	v4 =	vld [tilespmem:s7+$0x0]  }
0x194: {  	v5 =	vld [tilespmem:s3+$0x0]  }
0x195: {  	v6 =	vld [tilespmem:s6+$0x0];
	_ =	sdelay $0x2  }
0x196: {  	s12 =	simm.s32 $0x0  }
0x197: {  	v7 =	vadd.s32 s12, v2;
	vm0 =	vlt.s32 v4, v5  }
0x198: {  	v4 =	vsel vm0, v6, v7  }
0x199: {  	[tilespmem:s8+$0x0] =	vst v4  }
0x19a: {  	v4 =	vld [tilespmem:$0x1D00];
	_ =	sdelay $0x3  }
0x19b: {  	v5 =	vsel vm0, $0x1, v63  }
0x19c: {  	s9 =	simm.s32 $0x810;
	s8 =	simm.s32 $0x10;
	v4 =	vor.u32 v5, v4  }
.LBB2_6:
0x19d: {  	[tilespmem:$0x1D00] =	vst v4;
	s7 =	sadd.s32 $0x10, s7;
	s3 =	sadd.s32 $0x10, s3;
	s6 =	sadd.s32 $0x10, s6  }
0x19e: {  	p0 =	sne.s32 s8, $0x70;
	s12 =	smov.u32 s8;
	s8 =	sadd.s32 $0x10, s8;
	v4 =	vld [tilespmem:s7+$0x0]  }
0x19f: {  	v5 =	vld [tilespmem:s3+$0x0]  }
0x1a0: {  	v6 =	vld [tilespmem:s6+$0x0];
	_ =	sdelay $0x3  }
0x1a1: {  	v7 =	vadd.s32 s12, v2;
	vm0 =	vlt.s32 v4, v5  }
0x1a2: {  	v4 =	vsel vm0, v6, v7  }
0x1a3: {  	[tilespmem:s9+$0x0] =	vst v4  }
0x1a4: {  	v4 =	vld [tilespmem:$0x1D00]  }
.Ltmp6:
0x1a5: {  	(pc) =	sbr.rel @p0 .LBB2_6-.Ltmp6, $3  }
0x1a6: {  	_ =	sdelay $0x1  }
0x1a7: {  	v5 =	vsel vm0, $0x1, v63  }
0x1a8: {  	s9 =	sadd.s32 $0x10, s9;
	v4 =	vor.u32 v5, v4  }
0x1a9: {  	[tilespmem:$0x1D00] =	vst v4;
	s6 =	simm.s32 $0x1080  }
0x1aa: {  	s3 =	simm.s32 $0xC80;
	v4 =	vld [tilespmem:s6+$0x0]  }
0x1ab: {  	s6 =	simm.s32 $0x480;
	v5 =	vld [tilespmem:s3+$0x0]  }
0x1ac: {  	v6 =	vld [tilespmem:s6+$0x0];
	_ =	sdelay $0x2  }
0x1ad: {  	s7 =	simm.s32 $0x80  }
0x1ae: {  	v7 =	vadd.s32 s7, v2;
	vm0 =	vlt.s32 v4, v5  }
0x1af: {  	s7 =	simm.s32 $0x880;
	v4 =	vsel vm0, v6, v7  }
0x1b0: {  	[tilespmem:s7+$0x0] =	vst v4  }
0x1b1: {  	v4 =	vld [tilespmem:$0x1D00];
	_ =	sdelay $0x3  }
0x1b2: {  	v5 =	vsel vm0, $0x1, v63  }
0x1b3: {  	s8 =	simm.s32 $0x90;
	s9 =	simm.s32 $0x1090;
	v4 =	vor.u32 v5, v4  }
.LBB2_8:
0x1b4: {  	[tilespmem:$0x1D00] =	vst v4;
	s7 =	sadd.s32 $0x10, s7;
	s6 =	sadd.s32 $0x10, s6;
	s3 =	sadd.s32 $0x10, s3  }
0x1b5: {  	p0 =	sne.s32 s8, $0xF0;
	s12 =	smov.u32 s8;
	s8 =	sadd.s32 $0x10, s8;
	v4 =	vld [tilespmem:s9+$0x0]  }
0x1b6: {  	v5 =	vld [tilespmem:s3+$0x0]  }
0x1b7: {  	v6 =	vld [tilespmem:s6+$0x0];
	_ =	sdelay $0x3  }
0x1b8: {  	v7 =	vadd.s32 s12, v2;
	vm0 =	vlt.s32 v4, v5  }
0x1b9: {  	v4 =	vsel vm0, v6, v7  }
0x1ba: {  	[tilespmem:s7+$0x0] =	vst v4  }
0x1bb: {  	v4 =	vld [tilespmem:$0x1D00]  }
.Ltmp7:
0x1bc: {  	(pc) =	sbr.rel @p0 .LBB2_8-.Ltmp7, $3  }
0x1bd: {  	_ =	sdelay $0x1  }
0x1be: {  	v5 =	vsel vm0, $0x1, v63  }
0x1bf: {  	s9 =	sadd.s32 $0x10, s9;
	v4 =	vor.u32 v5, v4  }
0x1c0: {  	[tilespmem:$0x1D00] =	vst v4;
	s6 =	simm.s32 $0x1100  }
0x1c1: {  	s3 =	simm.s32 $0xD00;
	v4 =	vld [tilespmem:s6+$0x0]  }
0x1c2: {  	s6 =	simm.s32 $0x500;
	v5 =	vld [tilespmem:s3+$0x0]  }
0x1c3: {  	v6 =	vld [tilespmem:s6+$0x0];
	_ =	sdelay $0x2  }
0x1c4: {  	s7 =	simm.s32 $0x100  }
0x1c5: {  	v7 =	vadd.s32 s7, v2;
	vm0 =	vlt.s32 v4, v5  }
0x1c6: {  	s7 =	simm.s32 $0x900;
	v4 =	vsel vm0, v6, v7  }
0x1c7: {  	[tilespmem:s7+$0x0] =	vst v4  }
0x1c8: {  	v4 =	vld [tilespmem:$0x1D00];
	_ =	sdelay $0x3  }
0x1c9: {  	v5 =	vsel vm0, $0x1, v63  }
0x1ca: {  	s8 =	simm.s32 $0x110;
	s9 =	simm.s32 $0x1110;
	v4 =	vor.u32 v5, v4  }
.LBB2_10:
0x1cb: {  	[tilespmem:$0x1D00] =	vst v4;
	s7 =	sadd.s32 $0x10, s7;
	s6 =	sadd.s32 $0x10, s6;
	s3 =	sadd.s32 $0x10, s3  }
0x1cc: {  	p0 =	sne.s32 s8, $0x170;
	s12 =	smov.u32 s8;
	s8 =	sadd.s32 $0x10, s8;
	v4 =	vld [tilespmem:s9+$0x0]  }
0x1cd: {  	v5 =	vld [tilespmem:s3+$0x0]  }
0x1ce: {  	v6 =	vld [tilespmem:s6+$0x0];
	_ =	sdelay $0x3  }
0x1cf: {  	v7 =	vadd.s32 s12, v2;
	vm0 =	vlt.s32 v4, v5  }
0x1d0: {  	v4 =	vsel vm0, v6, v7  }
0x1d1: {  	[tilespmem:s7+$0x0] =	vst v4  }
0x1d2: {  	v4 =	vld [tilespmem:$0x1D00]  }
.Ltmp8:
0x1d3: {  	(pc) =	sbr.rel @p0 .LBB2_10-.Ltmp8, $3  }
0x1d4: {  	_ =	sdelay $0x1  }
0x1d5: {  	v5 =	vsel vm0, $0x1, v63  }
0x1d6: {  	s9 =	sadd.s32 $0x10, s9;
	v4 =	vor.u32 v5, v4  }
0x1d7: {  	[tilespmem:$0x1D00] =	vst v4;
	s6 =	simm.s32 $0x1180  }
0x1d8: {  	s3 =	simm.s32 $0xD80;
	v4 =	vld [tilespmem:s6+$0x0]  }
0x1d9: {  	s6 =	simm.s32 $0x580;
	v5 =	vld [tilespmem:s3+$0x0]  }
0x1da: {  	v6 =	vld [tilespmem:s6+$0x0];
	_ =	sdelay $0x2  }
0x1db: {  	s7 =	simm.s32 $0x180  }
0x1dc: {  	v7 =	vadd.s32 s7, v2;
	vm0 =	vlt.s32 v4, v5  }
0x1dd: {  	s7 =	simm.s32 $0x980;
	v4 =	vsel vm0, v6, v7  }
0x1de: {  	[tilespmem:s7+$0x0] =	vst v4  }
0x1df: {  	v4 =	vld [tilespmem:$0x1D00];
	_ =	sdelay $0x3  }
0x1e0: {  	v5 =	vsel vm0, $0x1, v63  }
0x1e1: {  	s8 =	simm.s32 $0x190;
	s9 =	simm.s32 $0x1190;
	v4 =	vor.u32 v5, v4  }
.LBB2_12:
0x1e2: {  	[tilespmem:$0x1D00] =	vst v4;
	s7 =	sadd.s32 $0x10, s7;
	s6 =	sadd.s32 $0x10, s6;
	s3 =	sadd.s32 $0x10, s3  }
0x1e3: {  	p0 =	sne.s32 s8, $0x1F0;
	s12 =	smov.u32 s8;
	s8 =	sadd.s32 $0x10, s8;
	v4 =	vld [tilespmem:s9+$0x0]  }
0x1e4: {  	v5 =	vld [tilespmem:s3+$0x0]  }
0x1e5: {  	v6 =	vld [tilespmem:s6+$0x0];
	_ =	sdelay $0x3  }
0x1e6: {  	v7 =	vadd.s32 s12, v2;
	vm0 =	vlt.s32 v4, v5  }
0x1e7: {  	v4 =	vsel vm0, v6, v7  }
0x1e8: {  	[tilespmem:s7+$0x0] =	vst v4  }
0x1e9: {  	v4 =	vld [tilespmem:$0x1D00]  }
.Ltmp9:
0x1ea: {  	(pc) =	sbr.rel @p0 .LBB2_12-.Ltmp9, $3  }
0x1eb: {  	_ =	sdelay $0x1  }
0x1ec: {  	v5 =	vsel vm0, $0x1, v63  }
0x1ed: {  	s9 =	sadd.s32 $0x10, s9;
	v4 =	vor.u32 v5, v4  }
0x1ee: {  	[tilespmem:$0x1D00] =	vst v4;
	s6 =	simm.s32 $0x1200  }
0x1ef: {  	s3 =	simm.s32 $0xE00;
	v4 =	vld [tilespmem:s6+$0x0]  }
0x1f0: {  	s6 =	simm.s32 $0x600;
	v5 =	vld [tilespmem:s3+$0x0]  }
0x1f1: {  	v6 =	vld [tilespmem:s6+$0x0];
	_ =	sdelay $0x2  }
0x1f2: {  	s7 =	simm.s32 $0x200  }
0x1f3: {  	v7 =	vadd.s32 s7, v2;
	vm0 =	vlt.s32 v4, v5  }
0x1f4: {  	s7 =	simm.s32 $0xA00;
	v4 =	vsel vm0, v6, v7  }
0x1f5: {  	[tilespmem:s7+$0x0] =	vst v4  }
0x1f6: {  	v4 =	vld [tilespmem:$0x1D00];
	_ =	sdelay $0x3  }
0x1f7: {  	v5 =	vsel vm0, $0x1, v63  }
0x1f8: {  	s8 =	simm.s32 $0x210;
	s9 =	simm.s32 $0x1210;
	v4 =	vor.u32 v5, v4  }
.LBB2_14:
0x1f9: {  	[tilespmem:$0x1D00] =	vst v4;
	s7 =	sadd.s32 $0x10, s7;
	s6 =	sadd.s32 $0x10, s6;
	s3 =	sadd.s32 $0x10, s3  }
0x1fa: {  	p0 =	sne.s32 s8, $0x270;
	s12 =	smov.u32 s8;
	s8 =	sadd.s32 $0x10, s8;
	v4 =	vld [tilespmem:s9+$0x0]  }
0x1fb: {  	v5 =	vld [tilespmem:s3+$0x0]  }
0x1fc: {  	v6 =	vld [tilespmem:s6+$0x0];
	_ =	sdelay $0x3  }
0x1fd: {  	v7 =	vadd.s32 s12, v2;
	vm0 =	vlt.s32 v4, v5  }
0x1fe: {  	v4 =	vsel vm0, v6, v7  }
0x1ff: {  	[tilespmem:s7+$0x0] =	vst v4  }
0x200: {  	v4 =	vld [tilespmem:$0x1D00]  }
.Ltmp10:
0x201: {  	(pc) =	sbr.rel @p0 .LBB2_14-.Ltmp10, $3  }
0x202: {  	_ =	sdelay $0x1  }
0x203: {  	v5 =	vsel vm0, $0x1, v63  }
0x204: {  	s9 =	sadd.s32 $0x10, s9;
	v4 =	vor.u32 v5, v4  }
0x205: {  	[tilespmem:$0x1D00] =	vst v4;
	s6 =	simm.s32 $0x1280  }
0x206: {  	s3 =	simm.s32 $0xE80;
	v4 =	vld [tilespmem:s6+$0x0]  }
0x207: {  	s6 =	simm.s32 $0x680;
	v5 =	vld [tilespmem:s3+$0x0]  }
0x208: {  	v6 =	vld [tilespmem:s6+$0x0];
	_ =	sdelay $0x2  }
0x209: {  	s7 =	simm.s32 $0x280  }
0x20a: {  	v7 =	vadd.s32 s7, v2;
	vm0 =	vlt.s32 v4, v5  }
0x20b: {  	s7 =	simm.s32 $0xA80;
	v4 =	vsel vm0, v6, v7  }
0x20c: {  	[tilespmem:s7+$0x0] =	vst v4  }
0x20d: {  	v4 =	vld [tilespmem:$0x1D00];
	_ =	sdelay $0x3  }
0x20e: {  	v5 =	vsel vm0, $0x1, v63  }
0x20f: {  	s8 =	simm.s32 $0x290;
	s9 =	simm.s32 $0x1290;
	v4 =	vor.u32 v5, v4  }
.LBB2_16:
0x210: {  	[tilespmem:$0x1D00] =	vst v4;
	s7 =	sadd.s32 $0x10, s7;
	s6 =	sadd.s32 $0x10, s6;
	s3 =	sadd.s32 $0x10, s3  }
0x211: {  	p0 =	sne.s32 s8, $0x2F0;
	s12 =	smov.u32 s8;
	s8 =	sadd.s32 $0x10, s8;
	v4 =	vld [tilespmem:s9+$0x0]  }
0x212: {  	v5 =	vld [tilespmem:s3+$0x0]  }
0x213: {  	v6 =	vld [tilespmem:s6+$0x0];
	_ =	sdelay $0x3  }
0x214: {  	v7 =	vadd.s32 s12, v2;
	vm0 =	vlt.s32 v4, v5  }
0x215: {  	v4 =	vsel vm0, v6, v7  }
0x216: {  	[tilespmem:s7+$0x0] =	vst v4  }
0x217: {  	v4 =	vld [tilespmem:$0x1D00]  }
.Ltmp11:
0x218: {  	(pc) =	sbr.rel @p0 .LBB2_16-.Ltmp11, $3  }
0x219: {  	_ =	sdelay $0x1  }
0x21a: {  	v5 =	vsel vm0, $0x1, v63  }
0x21b: {  	s9 =	sadd.s32 $0x10, s9;
	v4 =	vor.u32 v5, v4  }
0x21c: {  	[tilespmem:$0x1D00] =	vst v4;
	s6 =	simm.s32 $0x1300  }
0x21d: {  	s3 =	simm.s32 $0xF00;
	v4 =	vld [tilespmem:s6+$0x0]  }
0x21e: {  	s6 =	simm.s32 $0x700;
	v5 =	vld [tilespmem:s3+$0x0]  }
0x21f: {  	v6 =	vld [tilespmem:s6+$0x0];
	_ =	sdelay $0x2  }
0x220: {  	s7 =	simm.s32 $0x300  }
0x221: {  	v7 =	vadd.s32 s7, v2;
	vm0 =	vlt.s32 v4, v5  }
0x222: {  	s7 =	simm.s32 $0xB00;
	v4 =	vsel vm0, v6, v7  }
0x223: {  	[tilespmem:s7+$0x0] =	vst v4  }
0x224: {  	v4 =	vld [tilespmem:$0x1D00];
	_ =	sdelay $0x3  }
0x225: {  	v5 =	vsel vm0, $0x1, v63  }
0x226: {  	s8 =	simm.s32 $0x310;
	s9 =	simm.s32 $0x1310;
	v4 =	vor.u32 v5, v4  }
.LBB2_18:
0x227: {  	[tilespmem:$0x1D00] =	vst v4;
	s7 =	sadd.s32 $0x10, s7;
	s6 =	sadd.s32 $0x10, s6;
	s3 =	sadd.s32 $0x10, s3  }
0x228: {  	p0 =	sne.s32 s8, $0x370;
	s12 =	smov.u32 s8;
	s8 =	sadd.s32 $0x10, s8;
	v4 =	vld [tilespmem:s9+$0x0]  }
0x229: {  	v5 =	vld [tilespmem:s3+$0x0]  }
0x22a: {  	v6 =	vld [tilespmem:s6+$0x0];
	_ =	sdelay $0x3  }
0x22b: {  	v7 =	vadd.s32 s12, v2;
	vm0 =	vlt.s32 v4, v5  }
0x22c: {  	v4 =	vsel vm0, v6, v7  }
0x22d: {  	[tilespmem:s7+$0x0] =	vst v4  }
0x22e: {  	v4 =	vld [tilespmem:$0x1D00]  }
.Ltmp12:
0x22f: {  	(pc) =	sbr.rel @p0 .LBB2_18-.Ltmp12, $3  }
0x230: {  	_ =	sdelay $0x1  }
0x231: {  	v5 =	vsel vm0, $0x1, v63  }
0x232: {  	s9 =	sadd.s32 $0x10, s9;
	v4 =	vor.u32 v5, v4  }
0x233: {  	[tilespmem:$0x1D00] =	vst v4;
	s6 =	simm.s32 $0x1380  }
0x234: {  	s3 =	simm.s32 $0xF80;
	v4 =	vld [tilespmem:s6+$0x0]  }
0x235: {  	s6 =	simm.s32 $0x780;
	v5 =	vld [tilespmem:s3+$0x0]  }
0x236: {  	v6 =	vld [tilespmem:s6+$0x0];
	_ =	sdelay $0x2  }
0x237: {  	s7 =	simm.s32 $0x380  }
0x238: {  	v7 =	vadd.s32 s7, v2;
	vm0 =	vlt.s32 v4, v5  }
0x239: {  	s7 =	simm.s32 $0xB80;
	v4 =	vsel vm0, v6, v7  }
0x23a: {  	[tilespmem:s7+$0x0] =	vst v4  }
0x23b: {  	v4 =	vld [tilespmem:$0x1D00];
	_ =	sdelay $0x3  }
0x23c: {  	v5 =	vsel vm0, $0x1, v63  }
0x23d: {  	s8 =	simm.s32 $0x390;
	s9 =	simm.s32 $0x1390;
	v4 =	vor.u32 v5, v4  }
.LBB2_20:
0x23e: {  	[tilespmem:$0x1D00] =	vst v4;
	s7 =	sadd.s32 $0x10, s7;
	s6 =	sadd.s32 $0x10, s6;
	s3 =	sadd.s32 $0x10, s3  }
0x23f: {  	p0 =	sne.s32 s8, $0x3F0;
	s12 =	smov.u32 s8;
	s8 =	sadd.s32 $0x10, s8;
	v4 =	vld [tilespmem:s9+$0x0]  }
0x240: {  	v5 =	vld [tilespmem:s3+$0x0]  }
0x241: {  	v6 =	vld [tilespmem:s6+$0x0];
	_ =	sdelay $0x3  }
0x242: {  	v7 =	vadd.s32 s12, v2;
	vm0 =	vlt.s32 v4, v5  }
0x243: {  	v4 =	vsel vm0, v6, v7  }
0x244: {  	[tilespmem:s7+$0x0] =	vst v4  }
0x245: {  	v4 =	vld [tilespmem:$0x1D00]  }
.Ltmp13:
0x246: {  	(pc) =	sbr.rel @p0 .LBB2_20-.Ltmp13, $3  }
0x247: {  	_ =	sdelay $0x1  }
0x248: {  	v5 =	vsel vm0, $0x1, v63  }
0x249: {  	s9 =	sadd.s32 $0x10, s9;
	v4 =	vor.u32 v5, v4  }
0x24a: {  	[tilespmem:$0x1D00] =	vst v4;
	s3 =	simm.s32 $0x1D00  }
0x24b: {  	[hbm4b:s10+s2] =	stream.linear.scatter [tilespmem:s3], [sflag:$0x3], $0x10, $0x38;
	[tilespmem:$0x11E80] =	vst v63  }
0x24c: {  	_ =	swait.ge [sflag:s30], $0x10  }
0x24d: {  	[sflag:s30] =	ssyncset.done $0x0  }
0x24e: {  	[sflag:s30] =	ssyncadd.s32 $0xFFFFFFF0  }
0x24f: {  	s12 =	simm.s32 $0x1D80;
	[bflag:$0x0] =	sbarrier.arrive $0xFFFF  }
0x250: {  	[tilespmem:s12], [sflag:$0x3] =	stream.linear.gather [hbm4b:s11+s2], $0x100, $0x38;
	[tilespmem:$0x11E80] =	vst v63  }
0x251: {  	_ =	swait.ge [sflag:s30], $0x100  }
0x252: {  	[sflag:s30] =	ssyncset.done $0x0  }
0x253: {  	[sflag:s30] =	ssyncadd.s32 $0xFFFFFF00  }
0x254: {  	v4 =	vld [tilespmem:$0x1D80]  }
0x255: {  	v5 =	vld [tilespmem:$0x1D90]  }
0x256: {  	v6 =	vld [tilespmem:$0x1DA0]  }
0x257: {  	v7 =	vld [tilespmem:$0x1DB0]  }
0x258: {  	v8 =	vld [tilespmem:$0x1DC0]  }
0x259: {  	v9 =	vld [tilespmem:$0x1DD0]  }
0x25a: {  	v4 =	vor.u32 v4, v5;
	v5 =	vld [tilespmem:$0x1DE0]  }
0x25b: {  	v4 =	vor.u32 v4, v6;
	v6 =	vld [tilespmem:$0x1DF0]  }
0x25c: {  	v4 =	vor.u32 v4, v7;
	v7 =	vld [tilespmem:$0x1E00]  }
0x25d: {  	v4 =	vor.u32 v4, v8;
	v8 =	vld [tilespmem:$0x1E10]  }
0x25e: {  	v4 =	vor.u32 v4, v9;
	v9 =	vld [tilespmem:$0x1E20]  }
0x25f: {  	v4 =	vor.u32 v4, v5;
	v5 =	vld [tilespmem:$0x1E30]  }
0x260: {  	v4 =	vor.u32 v4, v6;
	v6 =	vld [tilespmem:$0x1E40]  }
0x261: {  	v4 =	vor.u32 v4, v7;
	v7 =	vld [tilespmem:$0x1E50]  }
0x262: {  	v4 =	vor.u32 v4, v8;
	v8 =	vld [tilespmem:$0x1E60]  }
0x263: {  	v4 =	vor.u32 v4, v9;
	v9 =	vld [tilespmem:$0x1E70]  }
0x264: {  	v4 =	vor.u32 v4, v5  }
0x265: {  	v4 =	vor.u32 v4, v6  }
0x266: {  	v4 =	vor.u32 v4, v7  }
0x267: {  	v4 =	vor.u32 v4, v8  }
0x268: {  	v4 =	vor.u32 v4, v9  }
0x269: {  	v5 =	vperm.xlane v4, v59;
	_ =	sdelay $0x1  }
0x26a: {  	v4 =	vor.u32 v4, v5  }
0x26b: {  	v5 =	vperm.xlane v4, v60;
	_ =	sdelay $0x1  }
0x26c: {  	v4 =	vor.u32 v5, v4  }
0x26d: {  	v5 =	vperm.xlane v4, v61;
	_ =	sdelay $0x1  }
0x26e: {  	v4 =	vor.u32 v5, v4  }
0x26f: {  	v5 =	vperm.xlane v4, v62  }
.Ltmp14:
0x270: {  	_ = 	snop;
	(pc) =	sbr.rel .LBB2_22-.Ltmp14, $4  }
0x271: {  	v4 =	vor.u32 v5, v4  }
0x272: {  	v3 =	vadd.s32 $0x1, v3;
	vm0 =	veq.s32 v4, $0x0  }
0x273: {  	v3 =	vnsel vm0, $0x0, v3  }
0x274: {  	[tilespmem:$0x1C80] =	vst v3  }
.LBB2_23:
0x275: {  	s0 =	simm.s32 $0x1800  }
0x276: {  	[tilespmem:s0], [sflag:$0x1] =	stream.indirect.gather [hbm4b:s1+s15], $0x1, s18, s15, $0xb8;
	[tilespmem:$0x11E80] =	vst v63  }
0x277: {  	s12 =	simm.s32 $0x1880  }
0x278: {  	[tilespmem:s12], [sflag:$0x1] =	stream.indirect.gather [hbm4b:s1+s15], $0x1, s19, s15, $0xb8;
	[tilespmem:$0x11E80] =	vst v63  }
0x279: {  	s13 =	simm.s32 $0x1900  }
0x27a: {  	[tilespmem:s13], [sflag:$0x1] =	stream.indirect.gather [hbm4b:s1+s15], $0x1, s20, s15, $0xb8;
	[tilespmem:$0x11E80] =	vst v63  }
0x27b: {  	s16 =	simm.s32 $0x1980  }
0x27c: {  	[tilespmem:s16], [sflag:$0x1] =	stream.indirect.gather [hbm4b:s1+s15], $0x1, s28, s15, $0xb8;
	[tilespmem:$0x11E80] =	vst v63  }
0x27d: {  	_ =	swait.ge [sflag:s14], $0x80  }
0x27e: {  	[sflag:s14] =	ssyncset.done $0x0  }
0x27f: {  	[sflag:s14] =	ssyncadd.s32 $0xFFFFFF80  }
0x280: {  	_ =	swait.ge [sflag:s14], $0x80  }
0x281: {  	[sflag:s14] =	ssyncset.done $0x0  }
0x282: {  	[sflag:s14] =	ssyncadd.s32 $0xFFFFFF80  }
0x283: {  	_ =	swait.ge [sflag:s14], $0x80  }
0x284: {  	[sflag:s14] =	ssyncset.done $0x0  }
0x285: {  	[sflag:s14] =	ssyncadd.s32 $0xFFFFFF80  }
0x286: {  	_ =	swait.ge [sflag:s14], $0x80  }
0x287: {  	[sflag:s14] =	ssyncset.done $0x0  }
0x288: {  	s0 =	simm.s32 $0x1400;
	[sflag:s14] =	ssyncadd.s32 $0xFFFFFF80  }
0x289: {  	v3 =	vld [tilespmem:s0+$0x0];
	_ =	sdelay $0x4  }
0x28a: {  	v3 =	vshll.u32 v3, $0x4  }
0x28b: {  	(v2sf) =	vpush v3, $0x0;
	_ =	sdelay $0x1  }
0x28c: {  	(v2sf) =	vpush v3, $0x1;
	_ =	sdelay $0x1  }
0x28d: {  	(v2sf) =	vpush v3, $0x2;
	_ =	sdelay $0x2  }
0x28e: {  	(v2sf) =	vpush v3, $0x3;
	_ =	sdelay $0x7  }
0x28f: {  	s3 =	spop (v2sf);
	(v2sf) =	vpush v3, $0x4;
	_ =	sdelay $0x1  }
0x290: {  	s17 =	spop (v2sf);
	(v2sf) =	vpush v3, $0x5;
	_ =	sdelay $0x1  }
0x291: {  	s19 =	spop (v2sf);
	(v2sf) =	vpush v3, $0x6;
	_ =	sdelay $0x1  }
0x292: {  	s3 =	sand.u32 $0x1FFFFFF0, s3  }
0x293: {  	s6 =	simm.s32 $0x1E80;
	s3 =	sadd.s32 s4, s3;
	s22 =	spop (v2sf);
	(v2sf) =	vpush v3, $0x7  }
0x294: {  	[tilespmem:s6], [sflag:$0x2] =	stream.linear.gather [hbm4b:s3+s2], $0x80, $0x38;
	[tilespmem:$0x11E80] =	vst v63  }
0x295: {  	s3 =	sand.u32 $0x1FFFFFF0, s17  }
0x296: {  	s18 =	simm.s32 $0x1F00;
	s3 =	sadd.s32 s4, s3  }
0x297: {  	[tilespmem:s18], [sflag:$0x2] =	stream.linear.gather [hbm4b:s3+s2], $0x80, $0x38;
	[tilespmem:$0x11E80] =	vst v63  }
0x298: {  	s3 =	sand.u32 $0x1FFFFFF0, s19  }
0x299: {  	s20 =	simm.s32 $0x1F80;
	s3 =	sadd.s32 s4, s3  }
0x29a: {  	[tilespmem:s20], [sflag:$0x2] =	stream.linear.gather [hbm4b:s3+s2], $0x80, $0x38;
	[tilespmem:$0x11E80] =	vst v63  }
0x29b: {  	s24 =	spop (v2sf);
	(v2sf) =	vpush v3, $0x8  }
0x29c: {  	s3 =	sand.u32 $0x1FFFFFF0, s22  }
0x29d: {  	s23 =	simm.s32 $0x2000;
	s3 =	sadd.s32 s4, s3;
	s26 =	spop (v2sf);
	(v2sf) =	vpush v3, $0x9  }
0x29e: {  	[tilespmem:s23], [sflag:$0x2] =	stream.linear.gather [hbm4b:s3+s2], $0x80, $0x38;
	[tilespmem:$0x11E80] =	vst v63  }
0x29f: {  	s3 =	sand.u32 $0x1FFFFFF0, s24;
	s29 =	spop (v2sf);
	(v2sf) =	vpush v3, $0xA  }
0x2a0: {  	s25 =	simm.s32 $0x2080;
	s3 =	sadd.s32 s4, s3  }
0x2a1: {  	[tilespmem:s25], [sflag:$0x2] =	stream.linear.gather [hbm4b:s3+s2], $0x80, $0x38;
	[tilespmem:$0x11E80] =	vst v63  }
0x2a2: {  	s7 =	spop (v2sf);
	(v2sf) =	vpush v3, $0xB  }
0x2a3: {  	s3 =	sand.u32 $0x1FFFFFF0, s26  }
0x2a4: {  	s28 =	simm.s32 $0x2100;
	s3 =	sadd.s32 s4, s3  }
0x2a5: {  	[tilespmem:s28], [sflag:$0x2] =	stream.linear.gather [hbm4b:s3+s2], $0x80, $0x38;
	[tilespmem:$0x11E80] =	vst v63  }
0x2a6: {  	s3 =	sand.u32 $0x1FFFFFF0, s29  }
0x2a7: {  	s31 =	simm.s32 $0x2180;
	s3 =	sadd.s32 s4, s3  }
0x2a8: {  	[tilespmem:s31], [sflag:$0x2] =	stream.linear.gather [hbm4b:s3+s2], $0x80, $0x38;
	[tilespmem:$0x11E80] =	vst v63  }
0x2a9: {  	s3 =	sand.u32 $0x1FFFFFF0, s7  }
0x2aa: {  	s8 =	simm.s32 $0x2200;
	s3 =	sadd.s32 s4, s3;
	s9 =	spop (v2sf);
	(v2sf) =	vpush v3, $0xC  }
0x2ab: {  	[tilespmem:s8], [sflag:$0x2] =	stream.linear.gather [hbm4b:s3+s2], $0x80, $0x38;
	[tilespmem:$0x11E80] =	vst v63  }
0x2ac: {  	s13 =	spop (v2sf);
	(v2sf) =	vpush v3, $0xD  }
0x2ad: {  	s3 =	sand.u32 $0x1FFFFFF0, s9  }
0x2ae: {  	s12 =	simm.s32 $0x2280;
	s3 =	sadd.s32 s4, s3;
	s17 =	spop (v2sf)  }
0x2af: {  	(v2sf) =	vpush v3, $0xE;
	[tilespmem:s12], [sflag:$0x2] =	stream.linear.gather [hbm4b:s3+s2], $0x80, $0x38;
	[tilespmem:$0x11E80] =	vst v63  }
0x2b0: {  	s3 =	sand.u32 $0x1FFFFFF0, s13  }
0x2b1: {  	s16 =	simm.s32 $0x2300;
	s19 =	spop (v2sf);
	s3 =	sadd.s32 s4, s3  }
0x2b2: {  	(v2sf) =	vpush v3, $0xF;
	[tilespmem:s16], [sflag:$0x2] =	stream.linear.gather [hbm4b:s3+s2], $0x80, $0x38;
	[tilespmem:$0x11E80] =	vst v63  }
0x2b3: {  	s3 =	sand.u32 $0x1FFFFFF0, s17  }
0x2b4: {  	s18 =	simm.s32 $0x2380;
	s3 =	sadd.s32 s4, s3  }
0x2b5: {  	[tilespmem:s18], [sflag:$0x2] =	stream.linear.gather [hbm4b:s3+s2], $0x80, $0x38;
	[tilespmem:$0x11E80] =	vst v63  }
0x2b6: {  	s3 =	sand.u32 $0x1FFFFFF0, s19  }
0x2b7: {  	s20 =	simm.s32 $0x2400;
	s3 =	sadd.s32 s4, s3  }
0x2b8: {  	[tilespmem:s20], [sflag:$0x2] =	stream.linear.gather [hbm4b:s3+s2], $0x80, $0x38;
	[tilespmem:$0x11E80] =	vst v63  }
0x2b9: {  	s22 =	spop (v2sf)  }
0x2ba: {  	s3 =	sand.u32 $0x1FFFFFF0, s22  }
0x2bb: {  	s23 =	simm.s32 $0x2480;
	s24 =	spop (v2sf);
	s3 =	sadd.s32 s4, s3  }
0x2bc: {  	[tilespmem:s23], [sflag:$0x2] =	stream.linear.gather [hbm4b:s3+s2], $0x80, $0x38;
	[tilespmem:$0x11E80] =	vst v63  }
0x2bd: {  	s3 =	sand.u32 $0x1FFFFFF0, s24  }
0x2be: {  	s25 =	simm.s32 $0x2500;
	s26 =	spop (v2sf);
	s3 =	sadd.s32 s4, s3  }
0x2bf: {  	[tilespmem:s25], [sflag:$0x2] =	stream.linear.gather [hbm4b:s3+s2], $0x80, $0x38;
	[tilespmem:$0x11E80] =	vst v63  }
0x2c0: {  	s3 =	sand.u32 $0x1FFFFFF0, s26  }
0x2c1: {  	s28 =	simm.s32 $0x2580;
	s29 =	spop (v2sf);
	s3 =	sadd.s32 s4, s3  }
0x2c2: {  	[tilespmem:s28], [sflag:$0x2] =	stream.linear.gather [hbm4b:s3+s2], $0x80, $0x38;
	[tilespmem:$0x11E80] =	vst v63  }
0x2c3: {  	s3 =	sand.u32 $0x1FFFFFF0, s29  }
0x2c4: {  	s31 =	simm.s32 $0x2600;
	s3 =	sadd.s32 s4, s3  }
0x2c5: {  	[tilespmem:s31], [sflag:$0x2] =	stream.linear.gather [hbm4b:s3+s2], $0x80, $0x38;
	[tilespmem:$0x11E80] =	vst v63  }
0x2c6: {  	_ =	swait.ge [sflag:s21], $0x80  }
0x2c7: {  	[sflag:s21] =	ssyncset.done $0x0  }
0x2c8: {  	[sflag:s21] =	ssyncadd.s32 $0xFFFFFF80  }
0x2c9: {  	_ =	swait.ge [sflag:s21], $0x80  }
0x2ca: {  	[sflag:s21] =	ssyncset.done $0x0  }
0x2cb: {  	[sflag:s21] =	ssyncadd.s32 $0xFFFFFF80  }
0x2cc: {  	_ =	swait.ge [sflag:s21], $0x80  }
0x2cd: {  	[sflag:s21] =	ssyncset.done $0x0  }
0x2ce: {  	[sflag:s21] =	ssyncadd.s32 $0xFFFFFF80  }
0x2cf: {  	_ =	swait.ge [sflag:s21], $0x80  }
0x2d0: {  	[sflag:s21] =	ssyncset.done $0x0  }
0x2d1: {  	[sflag:s21] =	ssyncadd.s32 $0xFFFFFF80  }
0x2d2: {  	_ =	swait.ge [sflag:s21], $0x80  }
0x2d3: {  	[sflag:s21] =	ssyncset.done $0x0  }
0x2d4: {  	[sflag:s21] =	ssyncadd.s32 $0xFFFFFF80  }
0x2d5: {  	_ =	swait.ge [sflag:s21], $0x80  }
0x2d6: {  	[sflag:s21] =	ssyncset.done $0x0  }
0x2d7: {  	[sflag:s21] =	ssyncadd.s32 $0xFFFFFF80  }
0x2d8: {  	_ =	swait.ge [sflag:s21], $0x80  }
0x2d9: {  	[sflag:s21] =	ssyncset.done $0x0  }
0x2da: {  	[sflag:s21] =	ssyncadd.s32 $0xFFFFFF80  }
0x2db: {  	_ =	swait.ge [sflag:s21], $0x80  }
0x2dc: {  	[sflag:s21] =	ssyncset.done $0x0  }
0x2dd: {  	[sflag:s21] =	ssyncadd.s32 $0xFFFFFF80  }
0x2de: {  	_ =	swait.ge [sflag:s21], $0x80  }
0x2df: {  	[sflag:s21] =	ssyncset.done $0x0  }
0x2e0: {  	[sflag:s21] =	ssyncadd.s32 $0xFFFFFF80  }
0x2e1: {  	_ =	swait.ge [sflag:s21], $0x80  }
0x2e2: {  	[sflag:s21] =	ssyncset.done $0x0  }
0x2e3: {  	[sflag:s21] =	ssyncadd.s32 $0xFFFFFF80  }
0x2e4: {  	_ =	swait.ge [sflag:s21], $0x80  }
0x2e5: {  	[sflag:s21] =	ssyncset.done $0x0  }
0x2e6: {  	[sflag:s21] =	ssyncadd.s32 $0xFFFFFF80  }
0x2e7: {  	_ =	swait.ge [sflag:s21], $0x80  }
0x2e8: {  	[sflag:s21] =	ssyncset.done $0x0  }
0x2e9: {  	[sflag:s21] =	ssyncadd.s32 $0xFFFFFF80  }
0x2ea: {  	_ =	swait.ge [sflag:s21], $0x80  }
0x2eb: {  	[sflag:s21] =	ssyncset.done $0x0  }
0x2ec: {  	[sflag:s21] =	ssyncadd.s32 $0xFFFFFF80  }
0x2ed: {  	s3 =	simm.s32 $0x2000;
	_ =	swait.ge [sflag:s21], $0x80  }
.LBB2_24:
0x2ee: {  	p0 =	sne.s32 s3, $0x3E000;
	[sflag:s21] =	ssyncset.done $0x0;
	s0 =	sadd.s32 $0x10, s0  }
0x2ef: {  	s6 =	smov.u32 s3;
	s3 =	sadd.s32 $0x2000, s3;
	[sflag:s21] =	ssyncadd.s32 $0xFFFFFF80  }
0x2f0: {  	_ =	swait.ge [sflag:s21], $0x80  }
0x2f1: {  	[sflag:s21] =	ssyncset.done $0x0  }
0x2f2: {  	[sflag:s21] =	ssyncadd.s32 $0xFFFFFF80  }
0x2f3: {  	_ =	swait.ge [sflag:s21], $0x80  }
0x2f4: {  	[sflag:s21] =	ssyncset.done $0x0  }
0x2f5: {  	[sflag:s21] =	ssyncadd.s32 $0xFFFFFF80  }
0x2f6: {  	v3 =	vld [tilespmem:s0+$0x0];
	_ =	sdelay $0x4  }
0x2f7: {  	v3 =	vshll.u32 v3, $0x4  }
0x2f8: {  	(v2sf) =	vpush v3, $0x0  }
0x2f9: {  	(v2sf) =	vpush v3, $0x1  }
0x2fa: {  	(v2sf) =	vpush v3, $0x2;
	_ =	sdelay $0x1  }
0x2fb: {  	(v2sf) =	vpush v3, $0x3;
	_ =	sdelay $0x1  }
0x2fc: {  	(v2sf) =	vpush v3, $0x4;
	_ =	sdelay $0x1  }
0x2fd: {  	(v2sf) =	vpush v3, $0x5  }
0x2fe: {  	s13 =	sshra.s32 s6, $0x2  }
0x2ff: {  	s18 =	sadd.s32 $0x1F00, s13;
	s19 =	sadd.s32 $0x2000, s13;
	s20 =	sadd.s32 $0x2080, s13;
	(v2sf) =	vpush v3, $0x6  }
0x300: {  	s22 =	sadd.s32 $0x1E80, s13;
	s23 =	sadd.s32 $0x1F80, s13  }
0x301: {  	s24 =	sadd.s32 $0x2100, s13;
	(v2sf) =	vpush v3, $0x7  }
0x302: {  	s8 =	sadd.s32 $0x2480, s13;
	s7 =	sadd.s32 $0x2500, s13;
	s6 =	sadd.s32 $0x2600, s13  }
0x303: {  	s25 =	sadd.s32 $0x2180, s13;
	s17 =	sadd.s32 $0x2380, s13;
	s9 =	sadd.s32 $0x2400, s13;
	(v2sf) =	vpush v3, $0x8  }
0x304: {  	s16 =	sadd.s32 $0x2280, s13;
	s12 =	sadd.s32 $0x2300, s13;
	s26 =	spop (v2sf)  }
0x305: {  	s28 =	sadd.s32 $0x2200, s13;
	s26 =	sand.u32 $0x1FFFFFF0, s26;
	s29 =	spop (v2sf);
	(v2sf) =	vpush v3, $0x9  }
0x306: {  	s26 =	sadd.s32 s4, s26;
	s29 =	sand.u32 $0x1FFFFFF0, s29;
	s31 =	spop (v2sf)  }
0x307: {  	[tilespmem:s22], [sflag:$0x2] =	stream.linear.gather [hbm4b:s26+s2], $0x80, $0x38;
	(v2sf) =	vpush v3, $0xA;
	[tilespmem:$0x11E80] =	vst v63  }
0x308: {  	s22 =	sadd.s32 s4, s29;
	s26 =	sand.u32 $0x1FFFFFF0, s31;
	s29 =	spop (v2sf)  }
0x309: {  	[tilespmem:s18], [sflag:$0x2] =	stream.linear.gather [hbm4b:s22+s2], $0x80, $0x38;
	(v2sf) =	vpush v3, $0xB;
	[tilespmem:$0x11E80] =	vst v63  }
0x30a: {  	s18 =	sadd.s32 s4, s26;
	s22 =	sand.u32 $0x1FFFFFF0, s29;
	s26 =	spop (v2sf)  }
0x30b: {  	[tilespmem:s23], [sflag:$0x2] =	stream.linear.gather [hbm4b:s18+s2], $0x80, $0x38;
	(v2sf) =	vpush v3, $0xC;
	[tilespmem:$0x11E80] =	vst v63  }
0x30c: {  	s18 =	sadd.s32 s4, s22;
	s22 =	sand.u32 $0x1FFFFFF0, s26;
	s23 =	spop (v2sf)  }
0x30d: {  	[tilespmem:s19], [sflag:$0x2] =	stream.linear.gather [hbm4b:s18+s2], $0x80, $0x38;
	(v2sf) =	vpush v3, $0xD;
	[tilespmem:$0x11E80] =	vst v63  }
0x30e: {  	s18 =	sadd.s32 s4, s22;
	s19 =	sand.u32 $0x1FFFFFF0, s23;
	s22 =	spop (v2sf)  }
0x30f: {  	[tilespmem:s20], [sflag:$0x2] =	stream.linear.gather [hbm4b:s18+s2], $0x80, $0x38;
	(v2sf) =	vpush v3, $0xE;
	[tilespmem:$0x11E80] =	vst v63  }
0x310: {  	s18 =	sadd.s32 s4, s19;
	s19 =	sand.u32 $0x1FFFFFF0, s22;
	s20 =	spop (v2sf)  }
0x311: {  	[tilespmem:s24], [sflag:$0x2] =	stream.linear.gather [hbm4b:s18+s2], $0x80, $0x38;
	(v2sf) =	vpush v3, $0xF;
	[tilespmem:$0x11E80] =	vst v63  }
0x312: {  	s18 =	sadd.s32 s4, s19;
	s19 =	sand.u32 $0x1FFFFFF0, s20;
	s20 =	spop (v2sf)  }
0x313: {  	[tilespmem:s25], [sflag:$0x2] =	stream.linear.gather [hbm4b:s18+s2], $0x80, $0x38;
	[tilespmem:$0x11E80] =	vst v63  }
0x314: {  	s18 =	sadd.s32 s4, s19;
	s19 =	sand.u32 $0x1FFFFFF0, s20;
	s20 =	spop (v2sf)  }
0x315: {  	[tilespmem:s28], [sflag:$0x2] =	stream.linear.gather [hbm4b:s18+s2], $0x80, $0x38;
	[tilespmem:$0x11E80] =	vst v63  }
0x316: {  	s18 =	sadd.s32 s4, s19;
	s19 =	sand.u32 $0x1FFFFFF0, s20;
	s20 =	spop (v2sf)  }
0x317: {  	[tilespmem:s16], [sflag:$0x2] =	stream.linear.gather [hbm4b:s18+s2], $0x80, $0x38;
	[tilespmem:$0x11E80] =	vst v63  }
0x318: {  	s16 =	sadd.s32 s4, s19;
	s18 =	sand.u32 $0x1FFFFFF0, s20;
	s19 =	spop (v2sf)  }
0x319: {  	[tilespmem:s12], [sflag:$0x2] =	stream.linear.gather [hbm4b:s16+s2], $0x80, $0x38;
	[tilespmem:$0x11E80] =	vst v63  }
0x31a: {  	s12 =	sadd.s32 s4, s18;
	s16 =	sand.u32 $0x1FFFFFF0, s19;
	s18 =	spop (v2sf)  }
0x31b: {  	[tilespmem:s17], [sflag:$0x2] =	stream.linear.gather [hbm4b:s12+s2], $0x80, $0x38;
	[tilespmem:$0x11E80] =	vst v63  }
0x31c: {  	s12 =	sadd.s32 s4, s16;
	s16 =	sand.u32 $0x1FFFFFF0, s18;
	s17 =	spop (v2sf)  }
0x31d: {  	[tilespmem:s9], [sflag:$0x2] =	stream.linear.gather [hbm4b:s12+s2], $0x80, $0x38;
	[tilespmem:$0x11E80] =	vst v63  }
0x31e: {  	s9 =	sadd.s32 s4, s16;
	s12 =	sand.u32 $0x1FFFFFF0, s17;
	s16 =	spop (v2sf)  }
0x31f: {  	[tilespmem:s8], [sflag:$0x2] =	stream.linear.gather [hbm4b:s9+s2], $0x80, $0x38;
	[tilespmem:$0x11E80] =	vst v63  }
0x320: {  	s8 =	sadd.s32 s4, s12;
	s9 =	sand.u32 $0x1FFFFFF0, s16;
	s12 =	spop (v2sf)  }
0x321: {  	[tilespmem:s7], [sflag:$0x2] =	stream.linear.gather [hbm4b:s8+s2], $0x80, $0x38;
	[tilespmem:$0x11E80] =	vst v63  }
0x322: {  	s7 =	sadd.s32 $0x2580, s13;
	s8 =	sadd.s32 s4, s9;
	s9 =	sand.u32 $0x1FFFFFF0, s12  }
0x323: {  	[tilespmem:s7], [sflag:$0x2] =	stream.linear.gather [hbm4b:s8+s2], $0x80, $0x38;
	[tilespmem:$0x11E80] =	vst v63  }
0x324: {  	s7 =	sadd.s32 s4, s9  }
0x325: {  	[tilespmem:s6], [sflag:$0x2] =	stream.linear.gather [hbm4b:s7+s2], $0x80, $0x38;
	[tilespmem:$0x11E80] =	vst v63  }
0x326: {  	_ =	swait.ge [sflag:s21], $0x80  }
0x327: {  	[sflag:s21] =	ssyncset.done $0x0  }
0x328: {  	[sflag:s21] =	ssyncadd.s32 $0xFFFFFF80  }
0x329: {  	_ =	swait.ge [sflag:s21], $0x80  }
0x32a: {  	[sflag:s21] =	ssyncset.done $0x0  }
0x32b: {  	[sflag:s21] =	ssyncadd.s32 $0xFFFFFF80  }
0x32c: {  	_ =	swait.ge [sflag:s21], $0x80  }
0x32d: {  	[sflag:s21] =	ssyncset.done $0x0  }
0x32e: {  	[sflag:s21] =	ssyncadd.s32 $0xFFFFFF80  }
0x32f: {  	_ =	swait.ge [sflag:s21], $0x80  }
0x330: {  	[sflag:s21] =	ssyncset.done $0x0  }
0x331: {  	[sflag:s21] =	ssyncadd.s32 $0xFFFFFF80  }
0x332: {  	_ =	swait.ge [sflag:s21], $0x80  }
0x333: {  	[sflag:s21] =	ssyncset.done $0x0  }
0x334: {  	[sflag:s21] =	ssyncadd.s32 $0xFFFFFF80  }
0x335: {  	_ =	swait.ge [sflag:s21], $0x80  }
0x336: {  	[sflag:s21] =	ssyncset.done $0x0  }
0x337: {  	[sflag:s21] =	ssyncadd.s32 $0xFFFFFF80  }
0x338: {  	_ =	swait.ge [sflag:s21], $0x80  }
0x339: {  	[sflag:s21] =	ssyncset.done $0x0  }
0x33a: {  	[sflag:s21] =	ssyncadd.s32 $0xFFFFFF80  }
0x33b: {  	_ =	swait.ge [sflag:s21], $0x80  }
0x33c: {  	[sflag:s21] =	ssyncset.done $0x0  }
0x33d: {  	[sflag:s21] =	ssyncadd.s32 $0xFFFFFF80  }
0x33e: {  	_ =	swait.ge [sflag:s21], $0x80  }
0x33f: {  	[sflag:s21] =	ssyncset.done $0x0  }
0x340: {  	[sflag:s21] =	ssyncadd.s32 $0xFFFFFF80  }
0x341: {  	_ =	swait.ge [sflag:s21], $0x80  }
0x342: {  	[sflag:s21] =	ssyncset.done $0x0  }
0x343: {  	[sflag:s21] =	ssyncadd.s32 $0xFFFFFF80  }
0x344: {  	_ =	swait.ge [sflag:s21], $0x80  }
0x345: {  	[sflag:s21] =	ssyncset.done $0x0  }
0x346: {  	[sflag:s21] =	ssyncadd.s32 $0xFFFFFF80  }
0x347: {  	_ =	swait.ge [sflag:s21], $0x80  }
0x348: {  	[sflag:s21] =	ssyncset.done $0x0  }
.Ltmp15:
0x349: {  	[sflag:s21] =	ssyncadd.s32 $0xFFFFFF80;
	(pc) =	sbr.rel @p0 .LBB2_24-.Ltmp15, $4  }
0x34a: {  	_ =	swait.ge [sflag:s21], $0x80  }
0x34b: {  	[sflag:s21] =	ssyncset.done $0x0  }
0x34c: {  	[sflag:s21] =	ssyncadd.s32 $0xFFFFFF80  }
0x34d: {  	_ =	swait.ge [sflag:s21], $0x80  }
0x34e: {  	[sflag:s21] =	ssyncset.done $0x0  }
0x34f: {  	s0 =	simm.s32 $0x0;
	s18 =	simm.s32 $0x1600;
	[sflag:s21] =	ssyncadd.s32 $0xFFFFFF80  }
0x350: {  	s19 =	simm.s32 $0x1680;
	s20 =	simm.s32 $0x1700;
	_ =	swait.ge [sflag:s21], $0x80  }
0x351: {  	s28 =	simm.s32 $0x1780;
	s16 =	simm.s32 $0x880;
	[sflag:s21] =	ssyncset.done $0x0  }
.Ltmp16:
0x352: {  	s22 =	simm.s32 $0xC80;
	[sflag:s21] =	ssyncadd.s32 $0xFFFFFF80;
	(pc) =	sbr.rel .LBB2_26-.Ltmp16, $4  }
0x353: {  	s23 =	simm.s32 $0x900;
	s29 =	simm.s32 $0xD00;
	_ =	swait.ge [sflag:s21], $0x80  }
0x354: {  	s31 =	simm.s32 $0x980;
	s24 =	simm.s32 $0xD80;
	[sflag:s21] =	ssyncset.done $0x0  }
0x355: {  	s25 =	simm.s32 $0xA80;
	s7 =	simm.s32 $0x1A00;
	[sflag:s21] =	ssyncadd.s32 $0xFFFFFF80  }
0x356: {  	s8 =	simm.s32 $0x1A80;
	s9 =	simm.s32 $0x1B00;
	s12 =	simm.s32 $0x1B80;
	[tilespmem:$0x1D00] =	vst v63  }
.LBB2_32:
0x357: {  	s0 =	sadd.s32 $0x1, s0  }
0x358: {  	p0 =	sne.s32 s0, $0x8  }
.Ltmp17:
0x359: {  	_ = 	snop;
	(pc) =	sbr.rel @!p0 .LBB2_33-.Ltmp17, $1  }
0x35a: {  	_ =	sdelay $0x3  }
.LBB2_26:
0x35b: {  	v3 =	vld [tilespmem:$0x1D00];
	_ =	sdelay $0x4  }
0x35c: {  	(v2sf) =	vpush v3, $0x0;
	_ =	sdelay $0xe  }
0x35d: {  	s3 =	spop (v2sf)  }
0x35e: {  	p0 =	sne.s32 s3, $0x0  }
.Ltmp18:
0x35f: {  	_ = 	snop;
	(pc) =	sbr.rel @p0 .LBB2_32-.Ltmp18, $1  }
0x360: {  	_ =	sdelay $0x3  }
0x361: {  	[tilespmem:s7], [sflag:$0x1] =	stream.indirect.gather [hbm4b:s1+s15], $0x1, s18, s15, $0xb8;
	[tilespmem:$0x11E80] =	vst v63  }
0x362: {  	_ = 	snop  }
0x363: {  	[tilespmem:s8], [sflag:$0x1] =	stream.indirect.gather [hbm4b:s1+s15], $0x1, s19, s15, $0xb8;
	[tilespmem:$0x11E80] =	vst v63  }
0x364: {  	_ = 	snop  }
0x365: {  	[tilespmem:s9], [sflag:$0x1] =	stream.indirect.gather [hbm4b:s1+s15], $0x1, s20, s15, $0xb8;
	[tilespmem:$0x11E80] =	vst v63  }
0x366: {  	_ = 	snop  }
0x367: {  	[tilespmem:s12], [sflag:$0x1] =	stream.indirect.gather [hbm4b:s1+s15], $0x1, s28, s15, $0xb8;
	[tilespmem:$0x11E80] =	vst v63  }
0x368: {  	_ =	swait.ge [sflag:s14], $0x80  }
0x369: {  	[sflag:s14] =	ssyncset.done $0x0  }
0x36a: {  	[sflag:s14] =	ssyncadd.s32 $0xFFFFFF80  }
0x36b: {  	_ =	swait.ge [sflag:s14], $0x80  }
0x36c: {  	[sflag:s14] =	ssyncset.done $0x0  }
0x36d: {  	[sflag:s14] =	ssyncadd.s32 $0xFFFFFF80  }
0x36e: {  	_ =	swait.ge [sflag:s14], $0x80  }
0x36f: {  	[sflag:s14] =	ssyncset.done $0x0  }
0x370: {  	[sflag:s14] =	ssyncadd.s32 $0xFFFFFF80  }
0x371: {  	_ =	swait.ge [sflag:s14], $0x80  }
0x372: {  	[sflag:s14] =	ssyncset.done $0x0  }
0x373: {  	s6 =	simm.s32 $0x0;
	[sflag:s14] =	ssyncadd.s32 $0xFFFFFF80  }
0x374: {  	v4 =	vld [tilespmem:s6+$0x1800]  }
0x375: {  	v3 =	vimm.s32 $0x0;
	s3 =	simm.s32 $0x40;
	v5 =	vld [tilespmem:s6+$0x1A00]  }
.LBB2_28:
0x376: {  	_ = 	snop  }
0x377: {  	p0 =	sne.s32 s3, $0x7C0  }
.Ltmp19:
0x378: {  	_ = 	snop;
	(pc) =	sbr.rel @p0 .LBB2_28-.Ltmp19, $4  }
0x379: {  	_ = 	snop  }
0x37a: {  	s6 =	sshra.s32 s3, $0x2;
	vm0 =	vne.s32 v4, v5  }
0x37b: {  	v4 =	vld [tilespmem:s6+$0x1800];
	v6 =	vsel vm0, $0x1, v63  }
0x37c: {  	s3 =	sadd.s32 $0x40, s3;
	v5 =	vld [tilespmem:s6+$0x1A00];
	v3 =	vor.u32 v6, v3  }
0x37d: {  	_ =	sdelay $0x3  }
0x37e: {  	vm0 =	vne.s32 v4, v5  }
0x37f: {  	v4 =	vsel vm0, $0x1, v63  }
0x380: {  	v3 =	vor.u32 v4, v3  }
0x381: {  	v4 =	vperm.xlane v3, v59;
	_ =	sdelay $0x1  }
0x382: {  	v3 =	vor.u32 v3, v4  }
0x383: {  	v4 =	vperm.xlane v3, v60;
	_ =	sdelay $0x1  }
0x384: {  	v3 =	vor.u32 v4, v3  }
0x385: {  	v4 =	vperm.xlane v3, v61;
	_ =	sdelay $0x1  }
0x386: {  	v3 =	vor.u32 v4, v3  }
0x387: {  	v4 =	vperm.xlane v3, v62;
	_ =	sdelay $0x1  }
0x388: {  	v3 =	vor.u32 v4, v3  }
0x389: {  	vm15 =	veq.s32 v3, $0x0  }
0x38a: {  	v3 =	vsel vm15, $0x1, v63  }
0x38b: {  	s3 =	simm.s32 $0x0;
	[tilespmem:$0x1D00] =	vst v3  }
0x38c: {  	s6 =	simm.s32 $0x40;
	v3 =	vld [tilespmem:s3+$0x1A00]  }
.LBB2_30:
0x38d: {  	p0 =	sne.s32 s6, $0x7C0  }
.Ltmp20:
0x38e: {  	_ = 	snop;
	(pc) =	sbr.rel @p0 .LBB2_30-.Ltmp20, $3  }
0x38f: {  	_ =	sdelay $0x1  }
0x390: {  	[tilespmem:s3+$0x1800] =	vst v3;
	s3 =	sshra.s32 s6, $0x2;
	s6 =	sadd.s32 $0x40, s6  }
0x391: {  	v3 =	vld [tilespmem:s3+$0x1A00]  }
.Ltmp21:
0x392: {  	_ = 	snop;
	(pc) =	sbr.rel .LBB2_32-.Ltmp21, $2  }
0x393: {  	_ =	sdelay $0x2  }
0x394: {  	[tilespmem:s3+$0x1800] =	vst v3  }
.LBB2_33:
.Ltmp22:
0x395: {  	(pc) =	sbr.rel .LBB2_34-.Ltmp22, $2  }
0x396: {  	_ =	sdelay $0x2  }
0x397: {  	s0 =	simm.s32 $0x0;
	s3 =	simm.s32 $0x1800  }
.LBB2_36:
0x398: {  	s0 =	sadd.s32 $0x2000, s0  }
0x399: {  	p0 =	sne.s32 s0, $0x40000  }
.Ltmp23:
0x39a: {  	_ = 	snop;
	(pc) =	sbr.rel @!p0 .LBB2_37-.Ltmp23, $2  }
0x39b: {  	_ =	sdelay $0x2  }
0x39c: {  	s3 =	sadd.s32 $0x10, s3  }
.LBB2_34:
0x39d: {  	v3 =	vld [tilespmem:s3+$0x0];
	_ =	sdelay $0x4  }
0x39e: {  	vm0 =	vgt.s32 v3, $0x0  }
0x39f: {  	v4 =	vsel vm0, $0x1, v63  }
0x3a0: {  	v5 =	vperm.xlane v4, v59;
	_ =	sdelay $0x1  }
0x3a1: {  	v4 =	vor.u32 v4, v5  }
0x3a2: {  	v5 =	vperm.xlane v4, v60;
	_ =	sdelay $0x1  }
0x3a3: {  	v4 =	vor.u32 v5, v4  }
0x3a4: {  	v5 =	vperm.xlane v4, v61;
	_ =	sdelay $0x1  }
0x3a5: {  	v4 =	vor.u32 v5, v4  }
0x3a6: {  	v5 =	vperm.xlane v4, v62;
	_ =	sdelay $0x1  }
0x3a7: {  	v4 =	vor.u32 v5, v4  }
0x3a8: {  	(v2sf) =	vpush v4, $0x0;
	_ =	sdelay $0xe  }
0x3a9: {  	s6 =	spop (v2sf)  }
0x3aa: {  	p0 =	seq.s32 s6, $0x0  }
.Ltmp24:
0x3ab: {  	_ = 	snop;
	(pc) =	sbr.rel @p0 .LBB2_36-.Ltmp24, $1  }
0x3ac: {  	_ =	sdelay $0x3  }
0x3ad: {  	(v2sf) =	vpush v3, $0x0;
	_ =	sdelay $0xe  }
0x3ae: {  	s6 =	spop (v2sf)  }
0x3af: {  	p1 =	slt.s32 s6, $0x1  }
0x3b0: {  	s6 =	sshll.u32 @!p1 s6, $0x7  }
0x3b1: {  	s6 =	sadd.s32 @!p1 $0xFFFFFF80, s6  }
0x3b2: {  	s7 =	sshra.s32 @!p1 s0, $0x2;
	s6 =	sshrl.u32 @!p1 s6, $0x3  }
0x3b3: {  	s8 =	simm.s32 @!p1 $0x0;
	s7 =	sadd.s32 @!p1 $0x1E80, s7;
	s6 =	sadd.s32 @!p1 s5, s6  }
0x3b4: {  	[tilespmem:s7], [sflag:$0x2] =	stream.linear.gather @!p1 [hbm4b:s6+s8], $0x80, $0x38;
	[tilespmem:$0x11E80] =	vst v63  }
0x3b5: {  	s6 =	simm.s32 @!p1 $0x2  }
0x3b6: {  	_ =	swait.ge @!p1 [sflag:s6], $0x80  }
0x3b7: {  	(v2sf) =	vpush v3, $0x1;
	_ =	sdelay $0xe  }
0x3b8: {  	s7 =	spop (v2sf)  }
0x3b9: {  	p0 =	slt.s32 s7, $0x1  }
0x3ba: {  	s7 =	sshll.u32 @!p0 s7, $0x7  }
0x3bb: {  	[sflag:s6] =	ssyncset.done @!p1 $0x0;
	s7 =	sadd.s32 @!p0 $0xFFFFFF80, s7  }
0x3bc: {  	[sflag:s6] =	ssyncadd.s32 @!p1 $0xFFFFFF80;
	s6 =	sshra.s32 @!p0 s0, $0x2;
	s7 =	sshrl.u32 @!p0 s7, $0x3  }
0x3bd: {  	s8 =	simm.s32 @!p0 $0x0;
	s6 =	sadd.s32 @!p0 $0x1F00, s6;
	s7 =	sadd.s32 @!p0 s5, s7  }
0x3be: {  	[tilespmem:s6], [sflag:$0x2] =	stream.linear.gather @!p0 [hbm4b:s7+s8], $0x80, $0x38;
	[tilespmem:$0x11E80] =	vst v63  }
0x3bf: {  	s6 =	simm.s32 @!p0 $0x2  }
0x3c0: {  	_ =	swait.ge @!p0 [sflag:s6], $0x80  }
0x3c1: {  	(v2sf) =	vpush v3, $0x2;
	_ =	sdelay $0xe  }
0x3c2: {  	s7 =	spop (v2sf)  }
0x3c3: {  	p1 =	slt.s32 s7, $0x1  }
0x3c4: {  	s7 =	sshll.u32 @!p1 s7, $0x7  }
0x3c5: {  	[sflag:s6] =	ssyncset.done @!p0 $0x0;
	s7 =	sadd.s32 @!p1 $0xFFFFFF80, s7  }
0x3c6: {  	[sflag:s6] =	ssyncadd.s32 @!p0 $0xFFFFFF80;
	s6 =	sshra.s32 @!p1 s0, $0x2;
	s7 =	sshrl.u32 @!p1 s7, $0x3  }
0x3c7: {  	s8 =	simm.s32 @!p1 $0x0;
	s6 =	sadd.s32 @!p1 $0x1F80, s6;
	s7 =	sadd.s32 @!p1 s5, s7  }
0x3c8: {  	[tilespmem:s6], [sflag:$0x2] =	stream.linear.gather @!p1 [hbm4b:s7+s8], $0x80, $0x38;
	[tilespmem:$0x11E80] =	vst v63  }
0x3c9: {  	s6 =	simm.s32 @!p1 $0x2  }
0x3ca: {  	_ =	swait.ge @!p1 [sflag:s6], $0x80  }
0x3cb: {  	(v2sf) =	vpush v3, $0x3;
	_ =	sdelay $0xe  }
0x3cc: {  	s7 =	spop (v2sf)  }
0x3cd: {  	p0 =	slt.s32 s7, $0x1  }
0x3ce: {  	s7 =	sshll.u32 @!p0 s7, $0x7  }
0x3cf: {  	[sflag:s6] =	ssyncset.done @!p1 $0x0;
	s7 =	sadd.s32 @!p0 $0xFFFFFF80, s7  }
0x3d0: {  	[sflag:s6] =	ssyncadd.s32 @!p1 $0xFFFFFF80;
	s6 =	sshra.s32 @!p0 s0, $0x2;
	s7 =	sshrl.u32 @!p0 s7, $0x3  }
0x3d1: {  	s8 =	simm.s32 @!p0 $0x0;
	s6 =	sadd.s32 @!p0 $0x2000, s6;
	s7 =	sadd.s32 @!p0 s5, s7  }
0x3d2: {  	[tilespmem:s6], [sflag:$0x2] =	stream.linear.gather @!p0 [hbm4b:s7+s8], $0x80, $0x38;
	[tilespmem:$0x11E80] =	vst v63  }
0x3d3: {  	s6 =	simm.s32 @!p0 $0x2  }
0x3d4: {  	_ =	swait.ge @!p0 [sflag:s6], $0x80  }
0x3d5: {  	(v2sf) =	vpush v3, $0x4;
	_ =	sdelay $0xe  }
0x3d6: {  	s7 =	spop (v2sf)  }
0x3d7: {  	p1 =	slt.s32 s7, $0x1  }
0x3d8: {  	s7 =	sshll.u32 @!p1 s7, $0x7  }
0x3d9: {  	[sflag:s6] =	ssyncset.done @!p0 $0x0;
	s7 =	sadd.s32 @!p1 $0xFFFFFF80, s7  }
0x3da: {  	[sflag:s6] =	ssyncadd.s32 @!p0 $0xFFFFFF80;
	s6 =	sshra.s32 @!p1 s0, $0x2;
	s7 =	sshrl.u32 @!p1 s7, $0x3  }
0x3db: {  	s8 =	simm.s32 @!p1 $0x0;
	s6 =	sadd.s32 @!p1 $0x2080, s6;
	s7 =	sadd.s32 @!p1 s5, s7  }
0x3dc: {  	[tilespmem:s6], [sflag:$0x2] =	stream.linear.gather @!p1 [hbm4b:s7+s8], $0x80, $0x38;
	[tilespmem:$0x11E80] =	vst v63  }
0x3dd: {  	s6 =	simm.s32 @!p1 $0x2  }
0x3de: {  	_ =	swait.ge @!p1 [sflag:s6], $0x80  }
0x3df: {  	(v2sf) =	vpush v3, $0x5;
	_ =	sdelay $0xe  }
0x3e0: {  	s7 =	spop (v2sf)  }
0x3e1: {  	p0 =	slt.s32 s7, $0x1  }
0x3e2: {  	s7 =	sshll.u32 @!p0 s7, $0x7  }
0x3e3: {  	[sflag:s6] =	ssyncset.done @!p1 $0x0;
	s7 =	sadd.s32 @!p0 $0xFFFFFF80, s7  }
0x3e4: {  	[sflag:s6] =	ssyncadd.s32 @!p1 $0xFFFFFF80;
	s6 =	sshra.s32 @!p0 s0, $0x2;
	s7 =	sshrl.u32 @!p0 s7, $0x3  }
0x3e5: {  	s8 =	simm.s32 @!p0 $0x0;
	s6 =	sadd.s32 @!p0 $0x2100, s6;
	s7 =	sadd.s32 @!p0 s5, s7  }
0x3e6: {  	[tilespmem:s6], [sflag:$0x2] =	stream.linear.gather @!p0 [hbm4b:s7+s8], $0x80, $0x38;
	[tilespmem:$0x11E80] =	vst v63  }
0x3e7: {  	s6 =	simm.s32 @!p0 $0x2  }
0x3e8: {  	_ =	swait.ge @!p0 [sflag:s6], $0x80  }
0x3e9: {  	(v2sf) =	vpush v3, $0x6;
	_ =	sdelay $0xe  }
0x3ea: {  	s7 =	spop (v2sf)  }
0x3eb: {  	p1 =	slt.s32 s7, $0x1  }
0x3ec: {  	s7 =	sshll.u32 @!p1 s7, $0x7  }
0x3ed: {  	[sflag:s6] =	ssyncset.done @!p0 $0x0;
	s7 =	sadd.s32 @!p1 $0xFFFFFF80, s7  }
0x3ee: {  	[sflag:s6] =	ssyncadd.s32 @!p0 $0xFFFFFF80;
	s6 =	sshra.s32 @!p1 s0, $0x2;
	s7 =	sshrl.u32 @!p1 s7, $0x3  }
0x3ef: {  	s8 =	simm.s32 @!p1 $0x0;
	s6 =	sadd.s32 @!p1 $0x2180, s6;
	s7 =	sadd.s32 @!p1 s5, s7  }
0x3f0: {  	[tilespmem:s6], [sflag:$0x2] =	stream.linear.gather @!p1 [hbm4b:s7+s8], $0x80, $0x38;
	[tilespmem:$0x11E80] =	vst v63  }
0x3f1: {  	s6 =	simm.s32 @!p1 $0x2  }
0x3f2: {  	_ =	swait.ge @!p1 [sflag:s6], $0x80  }
0x3f3: {  	(v2sf) =	vpush v3, $0x7;
	_ =	sdelay $0xe  }
0x3f4: {  	s7 =	spop (v2sf)  }
0x3f5: {  	p0 =	slt.s32 s7, $0x1  }
0x3f6: {  	s7 =	sshll.u32 @!p0 s7, $0x7  }
0x3f7: {  	[sflag:s6] =	ssyncset.done @!p1 $0x0;
	s7 =	sadd.s32 @!p0 $0xFFFFFF80, s7  }
0x3f8: {  	[sflag:s6] =	ssyncadd.s32 @!p1 $0xFFFFFF80;
	s6 =	sshra.s32 @!p0 s0, $0x2;
	s7 =	sshrl.u32 @!p0 s7, $0x3  }
0x3f9: {  	s8 =	simm.s32 @!p0 $0x0;
	s6 =	sadd.s32 @!p0 $0x2200, s6;
	s7 =	sadd.s32 @!p0 s5, s7  }
0x3fa: {  	[tilespmem:s6], [sflag:$0x2] =	stream.linear.gather @!p0 [hbm4b:s7+s8], $0x80, $0x38;
	[tilespmem:$0x11E80] =	vst v63  }
0x3fb: {  	s6 =	simm.s32 @!p0 $0x2  }
0x3fc: {  	_ =	swait.ge @!p0 [sflag:s6], $0x80  }
0x3fd: {  	(v2sf) =	vpush v3, $0x8;
	_ =	sdelay $0xe  }
0x3fe: {  	s7 =	spop (v2sf)  }
0x3ff: {  	p1 =	slt.s32 s7, $0x1  }
0x400: {  	s7 =	sshll.u32 @!p1 s7, $0x7  }
0x401: {  	[sflag:s6] =	ssyncset.done @!p0 $0x0;
	s7 =	sadd.s32 @!p1 $0xFFFFFF80, s7  }
0x402: {  	[sflag:s6] =	ssyncadd.s32 @!p0 $0xFFFFFF80;
	s6 =	sshra.s32 @!p1 s0, $0x2;
	s7 =	sshrl.u32 @!p1 s7, $0x3  }
0x403: {  	s8 =	simm.s32 @!p1 $0x0;
	s6 =	sadd.s32 @!p1 $0x2280, s6;
	s7 =	sadd.s32 @!p1 s5, s7  }
0x404: {  	[tilespmem:s6], [sflag:$0x2] =	stream.linear.gather @!p1 [hbm4b:s7+s8], $0x80, $0x38;
	[tilespmem:$0x11E80] =	vst v63  }
0x405: {  	s6 =	simm.s32 @!p1 $0x2  }
0x406: {  	_ =	swait.ge @!p1 [sflag:s6], $0x80  }
0x407: {  	(v2sf) =	vpush v3, $0x9;
	_ =	sdelay $0xe  }
0x408: {  	s7 =	spop (v2sf)  }
0x409: {  	p0 =	slt.s32 s7, $0x1  }
0x40a: {  	s7 =	sshll.u32 @!p0 s7, $0x7  }
0x40b: {  	[sflag:s6] =	ssyncset.done @!p1 $0x0;
	s7 =	sadd.s32 @!p0 $0xFFFFFF80, s7  }
0x40c: {  	[sflag:s6] =	ssyncadd.s32 @!p1 $0xFFFFFF80;
	s6 =	sshra.s32 @!p0 s0, $0x2;
	s7 =	sshrl.u32 @!p0 s7, $0x3  }
0x40d: {  	s8 =	simm.s32 @!p0 $0x0;
	s6 =	sadd.s32 @!p0 $0x2300, s6;
	s7 =	sadd.s32 @!p0 s5, s7  }
0x40e: {  	[tilespmem:s6], [sflag:$0x2] =	stream.linear.gather @!p0 [hbm4b:s7+s8], $0x80, $0x38;
	[tilespmem:$0x11E80] =	vst v63  }
0x40f: {  	s6 =	simm.s32 @!p0 $0x2  }
0x410: {  	_ =	swait.ge @!p0 [sflag:s6], $0x80  }
0x411: {  	(v2sf) =	vpush v3, $0xA;
	_ =	sdelay $0xe  }
0x412: {  	s7 =	spop (v2sf)  }
0x413: {  	p1 =	slt.s32 s7, $0x1  }
0x414: {  	s7 =	sshll.u32 @!p1 s7, $0x7  }
0x415: {  	[sflag:s6] =	ssyncset.done @!p0 $0x0;
	s7 =	sadd.s32 @!p1 $0xFFFFFF80, s7  }
0x416: {  	[sflag:s6] =	ssyncadd.s32 @!p0 $0xFFFFFF80;
	s6 =	sshra.s32 @!p1 s0, $0x2;
	s7 =	sshrl.u32 @!p1 s7, $0x3  }
0x417: {  	s8 =	simm.s32 @!p1 $0x0;
	s6 =	sadd.s32 @!p1 $0x2380, s6;
	s7 =	sadd.s32 @!p1 s5, s7  }
0x418: {  	[tilespmem:s6], [sflag:$0x2] =	stream.linear.gather @!p1 [hbm4b:s7+s8], $0x80, $0x38;
	[tilespmem:$0x11E80] =	vst v63  }
0x419: {  	s6 =	simm.s32 @!p1 $0x2  }
0x41a: {  	_ =	swait.ge @!p1 [sflag:s6], $0x80  }
0x41b: {  	(v2sf) =	vpush v3, $0xB;
	_ =	sdelay $0xe  }
0x41c: {  	s7 =	spop (v2sf)  }
0x41d: {  	p0 =	slt.s32 s7, $0x1  }
0x41e: {  	s7 =	sshll.u32 @!p0 s7, $0x7  }
0x41f: {  	[sflag:s6] =	ssyncset.done @!p1 $0x0;
	s7 =	sadd.s32 @!p0 $0xFFFFFF80, s7  }
0x420: {  	[sflag:s6] =	ssyncadd.s32 @!p1 $0xFFFFFF80;
	s6 =	sshra.s32 @!p0 s0, $0x2;
	s7 =	sshrl.u32 @!p0 s7, $0x3  }
0x421: {  	s8 =	simm.s32 @!p0 $0x0;
	s6 =	sadd.s32 @!p0 $0x2400, s6;
	s7 =	sadd.s32 @!p0 s5, s7  }
0x422: {  	[tilespmem:s6], [sflag:$0x2] =	stream.linear.gather @!p0 [hbm4b:s7+s8], $0x80, $0x38;
	[tilespmem:$0x11E80] =	vst v63  }
0x423: {  	s6 =	simm.s32 @!p0 $0x2  }
0x424: {  	_ =	swait.ge @!p0 [sflag:s6], $0x80  }
0x425: {  	(v2sf) =	vpush v3, $0xC;
	_ =	sdelay $0xe  }
0x426: {  	s7 =	spop (v2sf)  }
0x427: {  	p1 =	slt.s32 s7, $0x1  }
0x428: {  	s7 =	sshll.u32 @!p1 s7, $0x7  }
0x429: {  	[sflag:s6] =	ssyncset.done @!p0 $0x0;
	s7 =	sadd.s32 @!p1 $0xFFFFFF80, s7  }
0x42a: {  	[sflag:s6] =	ssyncadd.s32 @!p0 $0xFFFFFF80;
	s6 =	sshra.s32 @!p1 s0, $0x2;
	s7 =	sshrl.u32 @!p1 s7, $0x3  }
0x42b: {  	s8 =	simm.s32 @!p1 $0x0;
	s6 =	sadd.s32 @!p1 $0x2480, s6;
	s7 =	sadd.s32 @!p1 s5, s7  }
0x42c: {  	[tilespmem:s6], [sflag:$0x2] =	stream.linear.gather @!p1 [hbm4b:s7+s8], $0x80, $0x38;
	[tilespmem:$0x11E80] =	vst v63  }
0x42d: {  	s6 =	simm.s32 @!p1 $0x2  }
0x42e: {  	_ =	swait.ge @!p1 [sflag:s6], $0x80  }
0x42f: {  	(v2sf) =	vpush v3, $0xD;
	_ =	sdelay $0xe  }
0x430: {  	s7 =	spop (v2sf)  }
0x431: {  	p0 =	slt.s32 s7, $0x1  }
0x432: {  	s7 =	sshll.u32 @!p0 s7, $0x7  }
0x433: {  	[sflag:s6] =	ssyncset.done @!p1 $0x0;
	s7 =	sadd.s32 @!p0 $0xFFFFFF80, s7  }
0x434: {  	[sflag:s6] =	ssyncadd.s32 @!p1 $0xFFFFFF80;
	s6 =	sshra.s32 @!p0 s0, $0x2;
	s7 =	sshrl.u32 @!p0 s7, $0x3  }
0x435: {  	s8 =	simm.s32 @!p0 $0x0;
	s6 =	sadd.s32 @!p0 $0x2500, s6;
	s7 =	sadd.s32 @!p0 s5, s7  }
0x436: {  	[tilespmem:s6], [sflag:$0x2] =	stream.linear.gather @!p0 [hbm4b:s7+s8], $0x80, $0x38;
	[tilespmem:$0x11E80] =	vst v63  }
0x437: {  	s6 =	simm.s32 @!p0 $0x2  }
0x438: {  	_ =	swait.ge @!p0 [sflag:s6], $0x80  }
0x439: {  	(v2sf) =	vpush v3, $0xE;
	_ =	sdelay $0xe  }
0x43a: {  	s7 =	spop (v2sf)  }
0x43b: {  	p1 =	slt.s32 s7, $0x1  }
0x43c: {  	s7 =	sshll.u32 @!p1 s7, $0x7  }
0x43d: {  	[sflag:s6] =	ssyncset.done @!p0 $0x0;
	s7 =	sadd.s32 @!p1 $0xFFFFFF80, s7  }
0x43e: {  	[sflag:s6] =	ssyncadd.s32 @!p0 $0xFFFFFF80;
	s6 =	sshra.s32 @!p1 s0, $0x2;
	s7 =	sshrl.u32 @!p1 s7, $0x3  }
0x43f: {  	s8 =	simm.s32 @!p1 $0x0;
	s6 =	sadd.s32 @!p1 $0x2580, s6;
	s7 =	sadd.s32 @!p1 s5, s7  }
0x440: {  	[tilespmem:s6], [sflag:$0x2] =	stream.linear.gather @!p1 [hbm4b:s7+s8], $0x80, $0x38;
	[tilespmem:$0x11E80] =	vst v63  }
0x441: {  	s6 =	simm.s32 @!p1 $0x2  }
0x442: {  	_ =	swait.ge @!p1 [sflag:s6], $0x80  }
0x443: {  	(v2sf) =	vpush v3, $0xF;
	_ =	sdelay $0xe  }
0x444: {  	s7 =	spop (v2sf)  }
0x445: {  	p0 =	slt.s32 s7, $0x1  }
0x446: {  	s7 =	sshll.u32 @!p0 s7, $0x7  }
0x447: {  	[sflag:s6] =	ssyncset.done @!p1 $0x0;
	s7 =	sadd.s32 @!p0 $0xFFFFFF80, s7  }
0x448: {  	[sflag:s6] =	ssyncadd.s32 @!p1 $0xFFFFFF80;
	s6 =	sshra.s32 @!p0 s0, $0x2;
	s7 =	sshrl.u32 @!p0 s7, $0x3  }
0x449: {  	s8 =	simm.s32 @!p0 $0x0;
	s6 =	sadd.s32 @!p0 $0x2600, s6;
	s7 =	sadd.s32 @!p0 s5, s7  }
0x44a: {  	[tilespmem:s6], [sflag:$0x2] =	stream.linear.gather @!p0 [hbm4b:s7+s8], $0x80, $0x38;
	[tilespmem:$0x11E80] =	vst v63  }
.Ltmp25:
0x44b: {  	_ = 	snop;
	(pc) =	sbr.rel .LBB2_36-.Ltmp25, $4  }
0x44c: {  	s6 =	simm.s32 @!p0 $0x2  }
0x44d: {  	_ =	swait.ge @!p0 [sflag:s6], $0x80  }
0x44e: {  	[sflag:s6] =	ssyncset.done @!p0 $0x0  }
0x44f: {  	[sflag:s6] =	ssyncadd.s32 @!p0 $0xFFFFFF80  }
.LBB2_38:
0x450: {  	_ =	sfence.sel $0x180000  }
0x451: {  	[bflag:$0x0] =	sbarrier.arrive $0xFFFF  }
0x452: {  	_ =	strace $0x90000047  }
0x453: {  	s0 =	stileid.u32;
	[bflag:$0x2] =	sbarrier.arrive $0xFFFF  }
0x454: {  	p0 =	sne.s32 s0, $0x0;
	s0 =	rddreg [dreg:$0x5]  }
0x455: {  	s0 =	sadd.s32 @!p0 $0x100000, s0  }
0x456: {  	[sflag:s0] =	ssyncadd.tile.s32 @!p0 $0x1;
	_ =	shalt  }
.Lfunc_end2:
_tile_overlayer_lowered:
.L_overlay_start_2:
0x457: {  	(tag) =	ssettag $0x2  }
0x458: {  	s0 =	rddreg [dreg:$0x0];
	s2 =	stileid.u32  }
0x459: {  	s1 =	rddreg [dreg:$0x1];
	p0 =	sne.s32 s2, $0x0  }
0x45a: {  	s3 =	rddreg [dreg:$0x2];
	[bflag:$0x3] =	sbarrier.arrive $0xFFFF;
	s2 =	simm.s32 @!p0 $0x1C03  }
0x45b: {  	[timem:s3], [sflag:s2] =	dma.local @!p0 [hbm:s0], s1  }
0x45c: {  	s0 =	simm.s32 @!p0 $0x3  }
0x45d: {  	_ =	swait.ge @!p0 [sflag:s0], s1  }
0x45e: {  	s1 =	ssub.s32 @!p0 $0x0, s1;
	[sflag:s0] =	ssyncset.done @!p0 $0x0  }
0x45f: {  	[sflag:s0] =	ssyncadd.s32 @!p0 s1  }
0x460: {  	[bflag:$0x3] =	sbarrier.arrive $0xFFFF  }
0x461: {  	_ =	shalt  }

</sc_bundles>
